<compile_context>
chip_gen: v7x
topology: tpu7x:2x2x1
jax: 0.10.2.dev20260603
libtpu: 0.0.44.dev20260713+nightly
codegen_flags: <defaults>
</compile_context>

<pallas_src>
import functools

import jax
import jax.numpy as jnp
from jax import lax
from jax.experimental import pallas as pl
from jax.experimental.pallas import tpu as pltpu
from jax.experimental.pallas import tpu_sc as plsc

N = 10000
E = 320000
D = 128
NP = 10240
K = 128
NCH = 2560
EPAD = NCH * K
NSC = 2
NSUB = 16
CPW = NCH // (NSC * NSUB)
RPS = NP // NSUB

_mesh = plsc.VectorSubcoreMesh(core_axis_name="c", subcore_axis_name="s")
_sc_params = pltpu.CompilerParams(use_tc_tiling_on_sc=False)


G = 2
NBUF = 4
CPW0 = 88
CPW1 = 72
CPWMX = max(CPW0, CPW1)


def _make_agg(F):

    @functools.partial(
        pl.kernel,
        out_type=jax.ShapeDtypeStruct((NSC, NP, F), jnp.float32),
        mesh=_mesh,
        compiler_params=_sc_params,
        scratch_types=[
            pltpu.VMEM_SHARED((NP, F), jnp.float32),
            pltpu.VMEM_SHARED((NP, F), jnp.float32),
            pltpu.VMEM((CPWMX, K), jnp.int32),
            pltpu.VMEM((CPWMX, K), jnp.int32),
        ] + [pltpu.VMEM((G * K, F), jnp.float32)
             for _ in range(NBUF)] + [
            pltpu.SemaphoreType.DMA,
            pltpu.SemaphoreType.DMA,
        ],
    )
    def agg(g_hbm, src_hbm, dst_hbm, zero_hbm, out_hbm, acc, tbl,
            sidx, didx, *bufs_and_sems):
        bufs = bufs_and_sems[:NBUF]
        gsem, ssem = bufs_and_sems[NBUF:]
        cid = lax.axis_index("c")
        sid = lax.axis_index("s")

        pltpu.sync_copy(zero_hbm.at[pl.ds(sid * RPS, RPS)],
                        acc.at[pl.ds(sid * RPS, RPS)])
        pltpu.sync_copy(g_hbm.at[pl.ds(sid * RPS, RPS)],
                        tbl.at[pl.ds(sid * RPS, RPS)])

        def fire_gathers(t, rows):
            return [pltpu.async_copy(tbl.at[sidx.at[t * G + b]],
                                     rows.at[pl.ds(b * K, K)], gsem)
                    for b in range(G)]

        def fire_scatters(t, rows):
            return [pltpu.async_copy(rows.at[pl.ds(b * K, K)],
                                     acc.at[didx.at[t * G + b]], ssem,
                                     add=True)
                    for b in range(G)]

        def run(base, cpw):
            pltpu.sync_copy(src_hbm.at[pl.ds(base, cpw)],
                            sidx.at[pl.ds(0, cpw)])
            pltpu.sync_copy(dst_hbm.at[pl.ds(base, cpw)],
                            didx.at[pl.ds(0, cpw)])
            plsc.subcore_barrier()

            @pl.loop(0, cpw // (NBUF * G))
            def _(j):
                e = NBUF * j
                dg = [fire_gathers(e + i, bufs[i]) for i in range(NBUF)]
                ds = []
                for i in range(NBUF):
                    for d in dg[i]:
                        d.wait()
                    ds += fire_scatters(e + i, bufs[i])
                for d in ds:
                    d.wait()

        @pl.when(cid == 0)
        def _():
            run(sid * CPW0, CPW0)

        @pl.when(cid == 1)
        def _():
            run(16 * CPW0 + sid * CPW1, CPW1)

        plsc.subcore_barrier()
        pltpu.sync_copy(acc.at[pl.ds(sid * RPS, RPS)],
                        out_hbm.at[cid, pl.ds(sid * RPS, RPS)])

    return agg


_agg8 = _make_agg(8)


@functools.partial(
    pl.kernel,
    out_type=jax.ShapeDtypeStruct((NSC, NP, 8), jnp.float32),
    mesh=_mesh,
    compiler_params=_sc_params,
    scratch_types=[
        pltpu.VMEM_SHARED((NP, 8), jnp.float32),
        pltpu.VMEM((CPW, K), jnp.int32),
        pltpu.VMEM((K, 8), jnp.float32),
        pltpu.SemaphoreType.DMA,
    ],
)
def _deg(dst_hbm, zero_hbm, ones_hbm, out_hbm, acc, didx, ones_v, sem):
    cid = lax.axis_index("c")
    sid = lax.axis_index("s")
    w = cid * NSUB + sid
    pltpu.sync_copy(dst_hbm.at[pl.ds(w * CPW, CPW)], didx)
    pltpu.sync_copy(zero_hbm.at[pl.ds(sid * RPS, RPS)],
                    acc.at[pl.ds(sid * RPS, RPS)])
    pltpu.sync_copy(ones_hbm, ones_v)
    plsc.subcore_barrier()

    @pl.loop(0, CPW // G)
    def _(t):
        descs = [pltpu.async_copy(ones_v, acc.at[didx.at[t * G + b]], sem,
                                  add=True)
                 for b in range(G)]
        for d in descs:
            d.wait()

    plsc.subcore_barrier()
    pltpu.sync_copy(acc.at[pl.ds(sid * RPS, RPS)],
                    out_hbm.at[cid, pl.ds(sid * RPS, RPS)])


NF = NP * 8 // 128


def _mm_body(x_ref, w_ref, o_ref):
    o_ref[...] = jnp.dot(x_ref[...], w_ref[...],
                         preferred_element_type=jnp.float32)


def _disg_body(dp_ref, y_ref, dis_ref, g_ref):
    deg = dp_ref[0] + dp_ref[1] + 1.0
    dis = lax.rsqrt(deg)
    dis_ref[...] = dis
    g_ref[...] = y_ref[...] * dis


def _post_body(sp_ref, g_ref, dis_ref, w_ref, b_ref, gn_ref):
    s = sp_ref[0] + sp_ref[1] + g_ref[...]
    h = jnp.maximum(s * dis_ref[...] + b_ref[...], 0.0)
    gn_ref[...] = jnp.dot(h, w_ref[...],
                          preferred_element_type=jnp.float32) * dis_ref[...]


def _final_body(sp_ref, g_ref, dis_ref, wc_ref, b3_ref, bc_ref, h_ref, o_ref):
    s = sp_ref[0] + sp_ref[1] + g_ref[...]
    h = jnp.maximum(s * dis_ref[...] + b3_ref[...], 0.0)
    h_ref[...] = h
    o_ref[...] = jnp.dot(h, wc_ref[...],
                         preferred_element_type=jnp.float32) + bc_ref[...]


def kernel(x, edge, W1, b1, W2, b2, W3, b3, Wc, bc):
    f32 = jnp.float32
    eye16 = jnp.eye(16, dtype=f32)
    xp = jnp.pad(x, ((0, NP - N), (0, 0)))
    pad_idx = jnp.full((EPAD - E,), N, jnp.int32)
    src2 = jnp.concatenate([edge[0], pad_idx]).reshape(NCH, K)
    dst2 = jnp.concatenate([edge[1], pad_idx]).reshape(NCH, K)
    z8 = jnp.zeros((NP, 8), f32)
    ones_k = jnp.ones((K, 8), f32)
    W3p = jnp.pad(W3, ((0, 0), (0, 4)))
    Wcp = jnp.pad(Wc, ((0, 4), (0, 0)))
    W2big = jnp.kron(eye16, W2)
    W3big = jnp.kron(eye16, W3p)
    Wcbig = jnp.kron(eye16, Wcp)
    b1f = jnp.tile(b1, 16).reshape(1, 128)
    b2f = jnp.tile(b2, 16).reshape(1, 128)
    b3f = jnp.tile(jnp.pad(b3, (0, 4)), 16).reshape(1, 128)
    bcf = jnp.tile(bc, 16).reshape(1, 256)

    def flat(a):
        return a.reshape(NF, 128)

    degp = _deg(dst2, z8, ones_k)
    y1 = pl.pallas_call(
        _mm_body, out_shape=jax.ShapeDtypeStruct((NP, 8), f32))(xp, W1)
    disf, g1f = pl.pallas_call(
        _disg_body,
        out_shape=[jax.ShapeDtypeStruct((NF, 128), f32),
                   jax.ShapeDtypeStruct((NF, 128), f32)])(
            degp.reshape(NSC, NF, 128), flat(y1))

    s1 = _agg8(g1f.reshape(NP, 8), src2, dst2, z8)
    g2f = pl.pallas_call(
        _post_body, out_shape=jax.ShapeDtypeStruct((NF, 128), f32))(
            s1.reshape(NSC, NF, 128), g1f, disf, W2big, b1f)

    s2 = _agg8(g2f.reshape(NP, 8), src2, dst2, z8)
    g3f = pl.pallas_call(
        _post_body, out_shape=jax.ShapeDtypeStruct((NF, 128), f32))(
            s2.reshape(NSC, NF, 128), g2f, disf, W3big, b2f)

    s3 = _agg8(g3f.reshape(NP, 8), src2, dst2, z8)
    h3f, outf = pl.pallas_call(
        _final_body,
        out_shape=[jax.ShapeDtypeStruct((NF, 128), f32),
                   jax.ShapeDtypeStruct((NF, 256), f32)])(
            s3.reshape(NSC, NF, 128), g3f, disf, Wcbig, b3f, bcf)

    out = outf.reshape(NP, 16)[:N]
    h3 = h3f.reshape(NP, 8)[:N, :4]
    return out, h3

# --- scband reference (transcript-rebuilt; emitter-appended) ---
"""Pipeline reference for scband-gcn-42339787604294 (READ-ONLY COPY).

The authoritative reference and input builder live on the scoring server;
editing this copy changes nothing except your own understanding.
"""

import jax, jax.numpy as jnp
import numpy as np

N = 10000
E = 320000
D = 128
C = 16


def setup_inputs(seed: int = 0) -> dict:
    key = jax.random.key(seed)
    ks = jax.random.split(key, 8)
    x = jax.random.normal(ks[0], (N, D), dtype=jnp.float32)
    edge = jax.random.randint(ks[1], (2, E), 0, N, dtype=jnp.int32)
    W1 = jax.random.normal(ks[2], (D, 8), dtype=jnp.float32) * (1.0 / np.sqrt(D))
    b1 = jnp.zeros((8,), dtype=jnp.float32)
    W2 = jax.random.normal(ks[3], (8, 8), dtype=jnp.float32) * (1.0 / np.sqrt(8))
    b2 = jnp.zeros((8,), dtype=jnp.float32)
    W3 = jax.random.normal(ks[4], (8, 4), dtype=jnp.float32) * (1.0 / np.sqrt(8))
    b3 = jnp.zeros((4,), dtype=jnp.float32)
    Wc = jax.random.normal(ks[5], (4, C), dtype=jnp.float32) * (1.0 / np.sqrt(4))
    bc = jnp.zeros((C,), dtype=jnp.float32)
    return {"x": x, "edge": edge, "W1": W1, "b1": b1, "W2": W2, "b2": b2,
            "W3": W3, "b3": b3, "Wc": Wc, "bc": bc}


def gcn_conv(x, edge, W, b):
    # PyG-style GCNConv: D^{-1/2} (A + I) D^{-1/2} X W + b
    n = x.shape[0]
    loop = jnp.arange(n, dtype=edge.dtype)
    src = jnp.concatenate([edge[0], loop])
    dst = jnp.concatenate([edge[1], loop])
    deg = jnp.zeros((n,), dtype=jnp.float32).at[dst].add(1.0)
    dis = jnp.where(deg > 0, jax.lax.rsqrt(jnp.maximum(deg, 1e-12)), 0.0)
    norm = dis[src] * dis[dst]
    h = x @ W
    msg = h[src] * norm[:, None]
    out = jnp.zeros((n, W.shape[1]), dtype=jnp.float32).at[dst].add(msg)
    return out + b


def reference(x, edge, W1, b1, W2, b2, W3, b3, Wc, bc):
    # dropout is identity in eval mode
    h = jax.nn.relu(gcn_conv(x, edge, W1, b1))
    h = jax.nn.relu(gcn_conv(h, edge, W2, b2))
    h = jax.nn.relu(gcn_conv(h, edge, W3, b3))
    out = h @ Wc + bc
    return (out, h)

if __name__ == "__main__":
    import jax
    _d = setup_inputs()
    print(jax.jit(kernel)(*tuple(_d.values())))

</pallas_src>

<mosaic_0001>
#map = affine_map<(d0, d1) -> (0, 0)>
#map1 = affine_map<(d0, d1) -> (0, 0, 0)>
module attributes {stable_mosaic.version = 14 : i64} {
  func.func @_deg(%arg0: i32, %arg1: i32, %arg2: memref<2560x128xi32, #tpu.memory_space<hbm>>, %arg3: memref<10240x8xf32, #tpu.memory_space<hbm>>, %arg4: memref<128x8xf32, #tpu.memory_space<hbm>>, %arg5: memref<2x10240x8xf32, #tpu.memory_space<hbm>>, %arg6: memref<10240x8xf32, #tpu.memory_space<vmem_shared>>, %arg7: memref<80x128xi32, #tpu.memory_space<vmem>>, %arg8: memref<128x8xf32, #tpu.memory_space<vmem>>, %arg9: memref<!tpu.dma_semaphore, #tpu.memory_space<semaphore_mem>>) attributes {dimension_semantics = [#tpu.dimension_semantics<core_parallel>, #tpu.dimension_semantics<subcore_parallel>], iteration_bounds = array<i64: 2, 16>, scalar_prefetch = 0 : i64, scratch_operands = 4 : i64, tpu.core_type = #tpu.core_type<sc_vector_subcore>, window_params = [{transform_indices = #map}, {transform_indices = #map}, {transform_indices = #map}, {transform_indices = #map1}]} {
    %mul3A = arith.constant 16 : i32
    %mul3A_0 = arith.muli %arg0, %mul3A : i32
    %add3A = arith.addi %mul3A_0, %arg1 : i32
    %mul3A_1 = arith.constant 80 : i32
    %mul3A_2 = arith.muli %add3A, %mul3A_1 : i32
    "tpu.region"() ({
      %run_scoped3A = tpu.sem_alloc : memref<!tpu.dma_semaphore, #tpu.memory_space<semaphore_mem>>
      %dma_start3A = arith.constant 0 : i32
      %dma_start3A_16 = tpu.memref_slice %arg2[%mul3A_2, %dma_start3A] : memref<2560x128xi32, #tpu.memory_space<hbm>> -> memref<80x128xi32, #tpu.memory_space<hbm>>
      %dma_start3A_17 = arith.constant 0 : i32
      %dma_start3A_18 = tpu.memref_slice %arg2[%mul3A_2, %dma_start3A_17] : memref<2560x128xi32, #tpu.memory_space<hbm>> -> memref<80x128xi32, #tpu.memory_space<hbm>>
      tpu.enqueue_dma source(%dma_start3A_18 : memref<80x128xi32, #tpu.memory_space<hbm>>) target(%arg7 : memref<80x128xi32, #tpu.memory_space<vmem>>) target_semaphore(%run_scoped3A : memref<!tpu.dma_semaphore, #tpu.memory_space<semaphore_mem>>)
      %dma_wait3A = arith.constant 0 : i32
      %dma_wait3A_19 = tpu.memref_slice %arg2[%mul3A_2, %dma_wait3A] : memref<2560x128xi32, #tpu.memory_space<hbm>> -> memref<80x128xi32, #tpu.memory_space<hbm>>
      %dma_wait3A_20 = arith.constant 0 : i32
      %dma_wait3A_21 = tpu.memref_slice %arg2[%mul3A_2, %dma_wait3A_20] : memref<2560x128xi32, #tpu.memory_space<hbm>> -> memref<80x128xi32, #tpu.memory_space<hbm>>
      tpu.wait_dma2 semaphore(%run_scoped3A : memref<!tpu.dma_semaphore, #tpu.memory_space<semaphore_mem>>) src(%dma_wait3A_21 : memref<80x128xi32, #tpu.memory_space<hbm>>) dst(%arg7 : memref<80x128xi32, #tpu.memory_space<vmem>>)
      tpu.yield
    }) : () -> ()
    %mul3A_3 = arith.constant 640 : i32
    %mul3A_4 = arith.muli %arg1, %mul3A_3 : i32
    %mul3A_5 = arith.constant 640 : i32
    %mul3A_6 = arith.muli %arg1, %mul3A_5 : i32
    "tpu.region"() ({
      %run_scoped3A = tpu.sem_alloc : memref<!tpu.dma_semaphore, #tpu.memory_space<semaphore_mem>>
      %dma_start3A = arith.constant 0 : i32
      %dma_start3A_16 = tpu.memref_slice %arg6[%mul3A_6, %dma_start3A] : memref<10240x8xf32, #tpu.memory_space<vmem_shared>> -> memref<640x8xf32, #tpu.memory_space<vmem_shared>>
      %dma_start3A_17 = arith.constant 0 : i32
      %dma_start3A_18 = tpu.memref_slice %arg3[%mul3A_4, %dma_start3A_17] : memref<10240x8xf32, #tpu.memory_space<hbm>> -> memref<640x8xf32, #tpu.memory_space<hbm>>
      tpu.enqueue_dma source(%dma_start3A_18 : memref<640x8xf32, #tpu.memory_space<hbm>>) target(%dma_start3A_16 : memref<640x8xf32, #tpu.memory_space<vmem_shared>>) target_semaphore(%run_scoped3A : memref<!tpu.dma_semaphore, #tpu.memory_space<semaphore_mem>>)
      %dma_wait3A = arith.constant 0 : i32
      %dma_wait3A_19 = tpu.memref_slice %arg6[%mul3A_6, %dma_wait3A] : memref<10240x8xf32, #tpu.memory_space<vmem_shared>> -> memref<640x8xf32, #tpu.memory_space<vmem_shared>>
      %dma_wait3A_20 = arith.constant 0 : i32
      %dma_wait3A_21 = tpu.memref_slice %arg3[%mul3A_4, %dma_wait3A_20] : memref<10240x8xf32, #tpu.memory_space<hbm>> -> memref<640x8xf32, #tpu.memory_space<hbm>>
      tpu.wait_dma2 semaphore(%run_scoped3A : memref<!tpu.dma_semaphore, #tpu.memory_space<semaphore_mem>>) src(%dma_wait3A_21 : memref<640x8xf32, #tpu.memory_space<hbm>>) dst(%dma_wait3A_19 : memref<640x8xf32, #tpu.memory_space<vmem_shared>>)
      tpu.yield
    }) : () -> ()
    "tpu.region"() ({
      %run_scoped3A = tpu.sem_alloc : memref<!tpu.dma_semaphore, #tpu.memory_space<semaphore_mem>>
      tpu.enqueue_dma source(%arg4 : memref<128x8xf32, #tpu.memory_space<hbm>>) target(%arg8 : memref<128x8xf32, #tpu.memory_space<vmem>>) target_semaphore(%run_scoped3A : memref<!tpu.dma_semaphore, #tpu.memory_space<semaphore_mem>>)
      tpu.wait_dma2 semaphore(%run_scoped3A : memref<!tpu.dma_semaphore, #tpu.memory_space<semaphore_mem>>) src(%arg4 : memref<128x8xf32, #tpu.memory_space<hbm>>) dst(%arg8 : memref<128x8xf32, #tpu.memory_space<vmem>>)
      tpu.yield
    }) : () -> ()
    %barrier3A = arith.constant 0 : index
    tpu.barrier barrier_id(%barrier3A)
    %scan3A = arith.constant 0 : i32
    %scan3A_7 = arith.constant 40 : i32
    %scan3A_8 = arith.addi %scan3A, %scan3A_7 : i32
    %scan3A_9 = arith.constant 1 : i32
    scf.for %scan3A_16 = %scan3A to %scan3A_8 step %scan3A_9  : i32 {
      %mul3A_17 = arith.constant 1 : i32
      %mul3A_18 = arith.muli %scan3A_16, %mul3A_17 : i32
      %add3A_19 = arith.constant 0 : i32
      %add3A_20 = arith.addi %add3A_19, %mul3A_18 : i32
      %mul3A_21 = arith.constant 2 : i32
      %mul3A_22 = arith.muli %add3A_20, %mul3A_21 : i32
      %add3A_23 = arith.constant 0 : i32
      %add3A_24 = arith.addi %mul3A_22, %add3A_23 : i32
      %dma_start3A = arith.constant 0 : i32
      %dma_start3A_25 = tpu.memref_slice %arg7[%add3A_24, %dma_start3A] : memref<80x128xi32, #tpu.memory_space<vmem>> -> memref<1x128xi32, #tpu.memory_space<vmem>>
      %dma_start3A_26 = tpu.memref_squeeze %dma_start3A_25 : memref<1x128xi32, #tpu.memory_space<vmem>> -> memref<128xi32, #tpu.memory_space<vmem>>
      %dma_start3A_27 = arith.constant 0 : i32
      %dma_start3A_28 = arith.constant 0 : i32
      %dma_start3A_29 = tpu.memref_slice %arg6[%dma_start3A_27, %dma_start3A_28] : memref<10240x8xf32, #tpu.memory_space<vmem_shared>> -> memref<10240x8xf32, #tpu.memory_space<vmem_shared>>
      tpu.enqueue_indirect_dma source(%arg8 : memref<128x8xf32, #tpu.memory_space<vmem>>) target(%dma_start3A_29 : memref<10240x8xf32, #tpu.memory_space<vmem_shared>>) offsets(%dma_start3A_26 : memref<128xi32, #tpu.memory_space<vmem>>) semaphore(%arg9 : memref<!tpu.dma_semaphore, #tpu.memory_space<semaphore_mem>>) {add = true}
      %mul3A_30 = arith.constant 2 : i32
      %mul3A_31 = arith.muli %add3A_20, %mul3A_30 : i32
      %add3A_32 = arith.constant 1 : i32
      %add3A_33 = arith.addi %mul3A_31, %add3A_32 : i32
      %dma_start3A_34 = arith.constant 0 : i32
      %dma_start3A_35 = tpu.memref_slice %arg7[%add3A_33, %dma_start3A_34] : memref<80x128xi32, #tpu.memory_space<vmem>> -> memref<1x128xi32, #tpu.memory_space<vmem>>
      %dma_start3A_36 = tpu.memref_squeeze %dma_start3A_35 : memref<1x128xi32, #tpu.memory_space<vmem>> -> memref<128xi32, #tpu.memory_space<vmem>>
      %dma_start3A_37 = arith.constant 0 : i32
      %dma_start3A_38 = arith.constant 0 : i32
      %dma_start3A_39 = tpu.memref_slice %arg6[%dma_start3A_37, %dma_start3A_38] : memref<10240x8xf32, #tpu.memory_space<vmem_shared>> -> memref<10240x8xf32, #tpu.memory_space<vmem_shared>>
      tpu.enqueue_indirect_dma source(%arg8 : memref<128x8xf32, #tpu.memory_space<vmem>>) target(%dma_start3A_39 : memref<10240x8xf32, #tpu.memory_space<vmem_shared>>) offsets(%dma_start3A_36 : memref<128xi32, #tpu.memory_space<vmem>>) semaphore(%arg9 : memref<!tpu.dma_semaphore, #tpu.memory_space<semaphore_mem>>) {add = true}
      %dma_wait3A = arith.constant 0 : i32
      %dma_wait3A_40 = tpu.memref_slice %arg7[%add3A_24, %dma_wait3A] : memref<80x128xi32, #tpu.memory_space<vmem>> -> memref<1x128xi32, #tpu.memory_space<vmem>>
      %dma_wait3A_41 = tpu.memref_squeeze %dma_wait3A_40 : memref<1x128xi32, #tpu.memory_space<vmem>> -> memref<128xi32, #tpu.memory_space<vmem>>
      %dma_wait3A_42 = arith.constant 0 : i32
      %dma_wait3A_43 = arith.constant 0 : i32
      %dma_wait3A_44 = tpu.memref_slice %arg6[%dma_wait3A_42, %dma_wait3A_43] : memref<10240x8xf32, #tpu.memory_space<vmem_shared>> -> memref<10240x8xf32, #tpu.memory_space<vmem_shared>>
      tpu.wait_indirect_dma semaphore(%arg9 : memref<!tpu.dma_semaphore, #tpu.memory_space<semaphore_mem>>) src(%arg8 : memref<128x8xf32, #tpu.memory_space<vmem>>) dst(%dma_wait3A_44 : memref<10240x8xf32, #tpu.memory_space<vmem_shared>>)
      %dma_wait3A_45 = arith.constant 0 : i32
      %dma_wait3A_46 = tpu.memref_slice %arg7[%add3A_33, %dma_wait3A_45] : memref<80x128xi32, #tpu.memory_space<vmem>> -> memref<1x128xi32, #tpu.memory_space<vmem>>
      %dma_wait3A_47 = tpu.memref_squeeze %dma_wait3A_46 : memref<1x128xi32, #tpu.memory_space<vmem>> -> memref<128xi32, #tpu.memory_space<vmem>>
      %dma_wait3A_48 = arith.constant 0 : i32
      %dma_wait3A_49 = arith.constant 0 : i32
      %dma_wait3A_50 = tpu.memref_slice %arg6[%dma_wait3A_48, %dma_wait3A_49] : memref<10240x8xf32, #tpu.memory_space<vmem_shared>> -> memref<10240x8xf32, #tpu.memory_space<vmem_shared>>
      tpu.wait_indirect_dma semaphore(%arg9 : memref<!tpu.dma_semaphore, #tpu.memory_space<semaphore_mem>>) src(%arg8 : memref<128x8xf32, #tpu.memory_space<vmem>>) dst(%dma_wait3A_50 : memref<10240x8xf32, #tpu.memory_space<vmem_shared>>)
    }
    %scan3A_10 = arith.constant 40 : i32
    %barrier3A_11 = arith.constant 0 : index
    tpu.barrier barrier_id(%barrier3A_11)
    %mul3A_12 = arith.constant 640 : i32
    %mul3A_13 = arith.muli %arg1, %mul3A_12 : i32
    %mul3A_14 = arith.constant 640 : i32
    %mul3A_15 = arith.muli %arg1, %mul3A_14 : i32
    "tpu.region"() ({
      %run_scoped3A = tpu.sem_alloc : memref<!tpu.dma_semaphore, #tpu.memory_space<semaphore_mem>>
      %dma_start3A = arith.constant 0 : i32
      %dma_start3A_16 = tpu.memref_slice %arg5[%arg0, %mul3A_15, %dma_start3A] : memref<2x10240x8xf32, #tpu.memory_space<hbm>> -> memref<1x640x8xf32, #tpu.memory_space<hbm>>
      %dma_start3A_17 = tpu.memref_squeeze %dma_start3A_16 : memref<1x640x8xf32, #tpu.memory_space<hbm>> -> memref<640x8xf32, #tpu.memory_space<hbm>>
      %dma_start3A_18 = arith.constant 0 : i32
      %dma_start3A_19 = tpu.memref_slice %arg6[%mul3A_13, %dma_start3A_18] : memref<10240x8xf32, #tpu.memory_space<vmem_shared>> -> memref<640x8xf32, #tpu.memory_space<vmem_shared>>
      tpu.enqueue_dma source(%dma_start3A_19 : memref<640x8xf32, #tpu.memory_space<vmem_shared>>) target(%dma_start3A_17 : memref<640x8xf32, #tpu.memory_space<hbm>>) target_semaphore(%run_scoped3A : memref<!tpu.dma_semaphore, #tpu.memory_space<semaphore_mem>>)
      %dma_wait3A = arith.constant 0 : i32
      %dma_wait3A_20 = tpu.memref_slice %arg5[%arg0, %mul3A_15, %dma_wait3A] : memref<2x10240x8xf32, #tpu.memory_space<hbm>> -> memref<1x640x8xf32, #tpu.memory_space<hbm>>
      %dma_wait3A_21 = tpu.memref_squeeze %dma_wait3A_20 : memref<1x640x8xf32, #tpu.memory_space<hbm>> -> memref<640x8xf32, #tpu.memory_space<hbm>>
      %dma_wait3A_22 = arith.constant 0 : i32
      %dma_wait3A_23 = tpu.memref_slice %arg6[%mul3A_13, %dma_wait3A_22] : memref<10240x8xf32, #tpu.memory_space<vmem_shared>> -> memref<640x8xf32, #tpu.memory_space<vmem_shared>>
      tpu.wait_dma2 semaphore(%run_scoped3A : memref<!tpu.dma_semaphore, #tpu.memory_space<semaphore_mem>>) src(%dma_wait3A_23 : memref<640x8xf32, #tpu.memory_space<vmem_shared>>) dst(%dma_wait3A_21 : memref<640x8xf32, #tpu.memory_space<hbm>>)
      tpu.yield
    }) : () -> ()
    return
  }
}

#map = affine_map<(d0, d1) -> (0, 0)>
#map1 = affine_map<(d0, d1) -> (0, 0, 0)>
module attributes {stable_mosaic.version = 14 : i64} {
  func.func @agg(%arg0: i32, %arg1: i32, %arg2: memref<10240x8xf32, #tpu.memory_space<hbm>>, %arg3: memref<2560x128xi32, #tpu.memory_space<hbm>>, %arg4: memref<2560x128xi32, #tpu.memory_space<hbm>>, %arg5: memref<10240x8xf32, #tpu.memory_space<hbm>>, %arg6: memref<2x10240x8xf32, #tpu.memory_space<hbm>>, %arg7: memref<10240x8xf32, #tpu.memory_space<vmem_shared>>, %arg8: memref<10240x8xf32, #tpu.memory_space<vmem_shared>>, %arg9: memref<88x128xi32, #tpu.memory_space<vmem>>, %arg10: memref<88x128xi32, #tpu.memory_space<vmem>>, %arg11: memref<256x8xf32, #tpu.memory_space<vmem>>, %arg12: memref<256x8xf32, #tpu.memory_space<vmem>>, %arg13: memref<256x8xf32, #tpu.memory_space<vmem>>, %arg14: memref<256x8xf32, #tpu.memory_space<vmem>>, %arg15: memref<!tpu.dma_semaphore, #tpu.memory_space<semaphore_mem>>, %arg16: memref<!tpu.dma_semaphore, #tpu.memory_space<semaphore_mem>>) attributes {dimension_semantics = [#tpu.dimension_semantics<core_parallel>, #tpu.dimension_semantics<subcore_parallel>], iteration_bounds = array<i64: 2, 16>, scalar_prefetch = 0 : i64, scratch_operands = 10 : i64, tpu.core_type = #tpu.core_type<sc_vector_subcore>, window_params = [{transform_indices = #map}, {transform_indices = #map}, {transform_indices = #map}, {transform_indices = #map}, {transform_indices = #map1}]} {
    %mul3A = arith.constant 640 : i32
    %mul3A_0 = arith.muli %arg1, %mul3A : i32
    %mul3A_1 = arith.constant 640 : i32
    %mul3A_2 = arith.muli %arg1, %mul3A_1 : i32
    "tpu.region"() ({
      %run_scoped3A = tpu.sem_alloc : memref<!tpu.dma_semaphore, #tpu.memory_space<semaphore_mem>>
      %dma_start3A = arith.constant 0 : i32
      %dma_start3A_18 = tpu.memref_slice %arg7[%mul3A_2, %dma_start3A] : memref<10240x8xf32, #tpu.memory_space<vmem_shared>> -> memref<640x8xf32, #tpu.memory_space<vmem_shared>>
      %dma_start3A_19 = arith.constant 0 : i32
      %dma_start3A_20 = tpu.memref_slice %arg5[%mul3A_0, %dma_start3A_19] : memref<10240x8xf32, #tpu.memory_space<hbm>> -> memref<640x8xf32, #tpu.memory_space<hbm>>
      tpu.enqueue_dma source(%dma_start3A_20 : memref<640x8xf32, #tpu.memory_space<hbm>>) target(%dma_start3A_18 : memref<640x8xf32, #tpu.memory_space<vmem_shared>>) target_semaphore(%run_scoped3A : memref<!tpu.dma_semaphore, #tpu.memory_space<semaphore_mem>>)
      %dma_wait3A = arith.constant 0 : i32
      %dma_wait3A_21 = tpu.memref_slice %arg7[%mul3A_2, %dma_wait3A] : memref<10240x8xf32, #tpu.memory_space<vmem_shared>> -> memref<640x8xf32, #tpu.memory_space<vmem_shared>>
      %dma_wait3A_22 = arith.constant 0 : i32
      %dma_wait3A_23 = tpu.memref_slice %arg5[%mul3A_0, %dma_wait3A_22] : memref<10240x8xf32, #tpu.memory_space<hbm>> -> memref<640x8xf32, #tpu.memory_space<hbm>>
      tpu.wait_dma2 semaphore(%run_scoped3A : memref<!tpu.dma_semaphore, #tpu.memory_space<semaphore_mem>>) src(%dma_wait3A_23 : memref<640x8xf32, #tpu.memory_space<hbm>>) dst(%dma_wait3A_21 : memref<640x8xf32, #tpu.memory_space<vmem_shared>>)
      tpu.yield
    }) : () -> ()
    %mul3A_3 = arith.constant 640 : i32
    %mul3A_4 = arith.muli %arg1, %mul3A_3 : i32
    %mul3A_5 = arith.constant 640 : i32
    %mul3A_6 = arith.muli %arg1, %mul3A_5 : i32
    "tpu.region"() ({
      %run_scoped3A = tpu.sem_alloc : memref<!tpu.dma_semaphore, #tpu.memory_space<semaphore_mem>>
      %dma_start3A = arith.constant 0 : i32
      %dma_start3A_18 = tpu.memref_slice %arg8[%mul3A_6, %dma_start3A] : memref<10240x8xf32, #tpu.memory_space<vmem_shared>> -> memref<640x8xf32, #tpu.memory_space<vmem_shared>>
      %dma_start3A_19 = arith.constant 0 : i32
      %dma_start3A_20 = tpu.memref_slice %arg2[%mul3A_4, %dma_start3A_19] : memref<10240x8xf32, #tpu.memory_space<hbm>> -> memref<640x8xf32, #tpu.memory_space<hbm>>
      tpu.enqueue_dma source(%dma_start3A_20 : memref<640x8xf32, #tpu.memory_space<hbm>>) target(%dma_start3A_18 : memref<640x8xf32, #tpu.memory_space<vmem_shared>>) target_semaphore(%run_scoped3A : memref<!tpu.dma_semaphore, #tpu.memory_space<semaphore_mem>>)
      %dma_wait3A = arith.constant 0 : i32
      %dma_wait3A_21 = tpu.memref_slice %arg8[%mul3A_6, %dma_wait3A] : memref<10240x8xf32, #tpu.memory_space<vmem_shared>> -> memref<640x8xf32, #tpu.memory_space<vmem_shared>>
      %dma_wait3A_22 = arith.constant 0 : i32
      %dma_wait3A_23 = tpu.memref_slice %arg2[%mul3A_4, %dma_wait3A_22] : memref<10240x8xf32, #tpu.memory_space<hbm>> -> memref<640x8xf32, #tpu.memory_space<hbm>>
      tpu.wait_dma2 semaphore(%run_scoped3A : memref<!tpu.dma_semaphore, #tpu.memory_space<semaphore_mem>>) src(%dma_wait3A_23 : memref<640x8xf32, #tpu.memory_space<hbm>>) dst(%dma_wait3A_21 : memref<640x8xf32, #tpu.memory_space<vmem_shared>>)
      tpu.yield
    }) : () -> ()
    %eq3A = arith.constant 0 : i32
    %eq3A_7 = arith.cmpi eq, %arg0, %eq3A : i32
    %convert_element_type3A = arith.extui %eq3A_7 : i1 to i32
    %cond3A = arith.constant 0 : i32
    %cond3A_8 = arith.cmpi ne, %convert_element_type3A, %cond3A : i32
    scf.if %cond3A_8 {
      %mul3A_18 = arith.constant 88 : i32
      %mul3A_19 = arith.muli %arg1, %mul3A_18 : i32
      "tpu.region"() ({
        %run_scoped3A = tpu.sem_alloc : memref<!tpu.dma_semaphore, #tpu.memory_space<semaphore_mem>>
        %dma_start3A = arith.constant 0 : i32
        %dma_start3A_25 = arith.constant 0 : i32
        %dma_start3A_26 = tpu.memref_slice %arg9[%dma_start3A, %dma_start3A_25] : memref<88x128xi32, #tpu.memory_space<vmem>> -> memref<88x128xi32, #tpu.memory_space<vmem>>
        %dma_start3A_27 = arith.constant 0 : i32
        %dma_start3A_28 = tpu.memref_slice %arg3[%mul3A_19, %dma_start3A_27] : memref<2560x128xi32, #tpu.memory_space<hbm>> -> memref<88x128xi32, #tpu.memory_space<hbm>>
        %dma_start3A_29 = arith.constant 0 : i32
        %dma_start3A_30 = arith.constant 0 : i32
        %dma_start3A_31 = tpu.memref_slice %arg9[%dma_start3A_29, %dma_start3A_30] : memref<88x128xi32, #tpu.memory_space<vmem>> -> memref<88x128xi32, #tpu.memory_space<vmem>>
        %dma_start3A_32 = arith.constant 0 : i32
        %dma_start3A_33 = tpu.memref_slice %arg3[%mul3A_19, %dma_start3A_32] : memref<2560x128xi32, #tpu.memory_space<hbm>> -> memref<88x128xi32, #tpu.memory_space<hbm>>
        tpu.enqueue_dma source(%dma_start3A_33 : memref<88x128xi32, #tpu.memory_space<hbm>>) target(%dma_start3A_31 : memref<88x128xi32, #tpu.memory_space<vmem>>) target_semaphore(%run_scoped3A : memref<!tpu.dma_semaphore, #tpu.memory_space<semaphore_mem>>)
        %dma_wait3A = arith.constant 0 : i32
        %dma_wait3A_34 = arith.constant 0 : i32
        %dma_wait3A_35 = tpu.memref_slice %arg9[%dma_wait3A, %dma_wait3A_34] : memref<88x128xi32, #tpu.memory_space<vmem>> -> memref<88x128xi32, #tpu.memory_space<vmem>>
        %dma_wait3A_36 = arith.constant 0 : i32
        %dma_wait3A_37 = tpu.memref_slice %arg3[%mul3A_19, %dma_wait3A_36] : memref<2560x128xi32, #tpu.memory_space<hbm>> -> memref<88x128xi32, #tpu.memory_space<hbm>>
        %dma_wait3A_38 = arith.constant 0 : i32
        %dma_wait3A_39 = arith.constant 0 : i32
        %dma_wait3A_40 = tpu.memref_slice %arg9[%dma_wait3A_38, %dma_wait3A_39] : memref<88x128xi32, #tpu.memory_space<vmem>> -> memref<88x128xi32, #tpu.memory_space<vmem>>
        %dma_wait3A_41 = arith.constant 0 : i32
        %dma_wait3A_42 = tpu.memref_slice %arg3[%mul3A_19, %dma_wait3A_41] : memref<2560x128xi32, #tpu.memory_space<hbm>> -> memref<88x128xi32, #tpu.memory_space<hbm>>
        tpu.wait_dma2 semaphore(%run_scoped3A : memref<!tpu.dma_semaphore, #tpu.memory_space<semaphore_mem>>) src(%dma_wait3A_42 : memref<88x128xi32, #tpu.memory_space<hbm>>) dst(%dma_wait3A_40 : memref<88x128xi32, #tpu.memory_space<vmem>>)
        tpu.yield
      }) : () -> ()
      "tpu.region"() ({
        %run_scoped3A = tpu.sem_alloc : memref<!tpu.dma_semaphore, #tpu.memory_space<semaphore_mem>>
        %dma_start3A = arith.constant 0 : i32
        %dma_start3A_25 = arith.constant 0 : i32
        %dma_start3A_26 = tpu.memref_slice %arg10[%dma_start3A, %dma_start3A_25] : memref<88x128xi32, #tpu.memory_space<vmem>> -> memref<88x128xi32, #tpu.memory_space<vmem>>
        %dma_start3A_27 = arith.constant 0 : i32
        %dma_start3A_28 = tpu.memref_slice %arg4[%mul3A_19, %dma_start3A_27] : memref<2560x128xi32, #tpu.memory_space<hbm>> -> memref<88x128xi32, #tpu.memory_space<hbm>>
        %dma_start3A_29 = arith.constant 0 : i32
        %dma_start3A_30 = arith.constant 0 : i32
        %dma_start3A_31 = tpu.memref_slice %arg10[%dma_start3A_29, %dma_start3A_30] : memref<88x128xi32, #tpu.memory_space<vmem>> -> memref<88x128xi32, #tpu.memory_space<vmem>>
        %dma_start3A_32 = arith.constant 0 : i32
        %dma_start3A_33 = tpu.memref_slice %arg4[%mul3A_19, %dma_start3A_32] : memref<2560x128xi32, #tpu.memory_space<hbm>> -> memref<88x128xi32, #tpu.memory_space<hbm>>
        tpu.enqueue_dma source(%dma_start3A_33 : memref<88x128xi32, #tpu.memory_space<hbm>>) target(%dma_start3A_31 : memref<88x128xi32, #tpu.memory_space<vmem>>) target_semaphore(%run_scoped3A : memref<!tpu.dma_semaphore, #tpu.memory_space<semaphore_mem>>)
        %dma_wait3A = arith.constant 0 : i32
        %dma_wait3A_34 = arith.constant 0 : i32
        %dma_wait3A_35 = tpu.memref_slice %arg10[%dma_wait3A, %dma_wait3A_34] : memref<88x128xi32, #tpu.memory_space<vmem>> -> memref<88x128xi32, #tpu.memory_space<vmem>>
        %dma_wait3A_36 = arith.constant 0 : i32
        %dma_wait3A_37 = tpu.memref_slice %arg4[%mul3A_19, %dma_wait3A_36] : memref<2560x128xi32, #tpu.memory_space<hbm>> -> memref<88x128xi32, #tpu.memory_space<hbm>>
        %dma_wait3A_38 = arith.constant 0 : i32
        %dma_wait3A_39 = arith.constant 0 : i32
        %dma_wait3A_40 = tpu.memref_slice %arg10[%dma_wait3A_38, %dma_wait3A_39] : memref<88x128xi32, #tpu.memory_space<vmem>> -> memref<88x128xi32, #tpu.memory_space<vmem>>
        %dma_wait3A_41 = arith.constant 0 : i32
        %dma_wait3A_42 = tpu.memref_slice %arg4[%mul3A_19, %dma_wait3A_41] : memref<2560x128xi32, #tpu.memory_space<hbm>> -> memref<88x128xi32, #tpu.memory_space<hbm>>
        tpu.wait_dma2 semaphore(%run_scoped3A : memref<!tpu.dma_semaphore, #tpu.memory_space<semaphore_mem>>) src(%dma_wait3A_42 : memref<88x128xi32, #tpu.memory_space<hbm>>) dst(%dma_wait3A_40 : memref<88x128xi32, #tpu.memory_space<vmem>>)
        tpu.yield
      }) : () -> ()
      %barrier3A_20 = arith.constant 0 : index
      tpu.barrier barrier_id(%barrier3A_20)
      %scan3A = arith.constant 0 : i32
      %scan3A_21 = arith.constant 11 : i32
      %scan3A_22 = arith.addi %scan3A, %scan3A_21 : i32
      %scan3A_23 = arith.constant 1 : i32
      scf.for %scan3A_25 = %scan3A to %scan3A_22 step %scan3A_23  : i32 {
        %mul3A_26 = arith.constant 1 : i32
        %mul3A_27 = arith.muli %scan3A_25, %mul3A_26 : i32
        %add3A = arith.constant 0 : i32
        %add3A_28 = arith.addi %add3A, %mul3A_27 : i32
        %mul3A_29 = arith.constant 4 : i32
        %mul3A_30 = arith.muli %mul3A_29, %add3A_28 : i32
        %add3A_31 = arith.constant 0 : i32
        %add3A_32 = arith.addi %mul3A_30, %add3A_31 : i32
        %mul3A_33 = arith.constant 2 : i32
        %mul3A_34 = arith.muli %add3A_32, %mul3A_33 : i32
        %add3A_35 = arith.constant 0 : i32
        %add3A_36 = arith.addi %mul3A_34, %add3A_35 : i32
        %dma_start3A = arith.constant 0 : i32
        %dma_start3A_37 = arith.constant 0 : i32
        %dma_start3A_38 = tpu.memref_slice %arg11[%dma_start3A, %dma_start3A_37] : memref<256x8xf32, #tpu.memory_space<vmem>> -> memref<128x8xf32, #tpu.memory_space<vmem>>
        %dma_start3A_39 = arith.constant 0 : i32
        %dma_start3A_40 = tpu.memref_slice %arg9[%add3A_36, %dma_start3A_39] : memref<88x128xi32, #tpu.memory_space<vmem>> -> memref<1x128xi32, #tpu.memory_space<vmem>>
        %dma_start3A_41 = tpu.memref_squeeze %dma_start3A_40 : memref<1x128xi32, #tpu.memory_space<vmem>> -> memref<128xi32, #tpu.memory_space<vmem>>
        %dma_start3A_42 = arith.constant 0 : i32
        %dma_start3A_43 = arith.constant 0 : i32
        %dma_start3A_44 = tpu.memref_slice %arg8[%dma_start3A_42, %dma_start3A_43] : memref<10240x8xf32, #tpu.memory_space<vmem_shared>> -> memref<10240x8xf32, #tpu.memory_space<vmem_shared>>
        tpu.enqueue_indirect_dma source(%dma_start3A_44 : memref<10240x8xf32, #tpu.memory_space<vmem_shared>>) target(%dma_start3A_38 : memref<128x8xf32, #tpu.memory_space<vmem>>) offsets(%dma_start3A_41 : memref<128xi32, #tpu.memory_space<vmem>>) semaphore(%arg15 : memref<!tpu.dma_semaphore, #tpu.memory_space<semaphore_mem>>)
        %mul3A_45 = arith.constant 2 : i32
        %mul3A_46 = arith.muli %add3A_32, %mul3A_45 : i32
        %add3A_47 = arith.constant 1 : i32
        %add3A_48 = arith.addi %mul3A_46, %add3A_47 : i32
        %dma_start3A_49 = arith.constant 128 : i32
        %dma_start3A_50 = arith.constant 0 : i32
        %dma_start3A_51 = tpu.memref_slice %arg11[%dma_start3A_49, %dma_start3A_50] : memref<256x8xf32, #tpu.memory_space<vmem>> -> memref<128x8xf32, #tpu.memory_space<vmem>>
        %dma_start3A_52 = arith.constant 0 : i32
        %dma_start3A_53 = tpu.memref_slice %arg9[%add3A_48, %dma_start3A_52] : memref<88x128xi32, #tpu.memory_space<vmem>> -> memref<1x128xi32, #tpu.memory_space<vmem>>
        %dma_start3A_54 = tpu.memref_squeeze %dma_start3A_53 : memref<1x128xi32, #tpu.memory_space<vmem>> -> memref<128xi32, #tpu.memory_space<vmem>>
        %dma_start3A_55 = arith.constant 0 : i32
        %dma_start3A_56 = arith.constant 0 : i32
        %dma_start3A_57 = tpu.memref_slice %arg8[%dma_start3A_55, %dma_start3A_56] : memref<10240x8xf32, #tpu.memory_space<vmem_shared>> -> memref<10240x8xf32, #tpu.memory_space<vmem_shared>>
        tpu.enqueue_indirect_dma source(%dma_start3A_57 : memref<10240x8xf32, #tpu.memory_space<vmem_shared>>) target(%dma_start3A_51 : memref<128x8xf32, #tpu.memory_space<vmem>>) offsets(%dma_start3A_54 : memref<128xi32, #tpu.memory_space<vmem>>) semaphore(%arg15 : memref<!tpu.dma_semaphore, #tpu.memory_space<semaphore_mem>>)
        %add3A_58 = arith.constant 1 : i32
        %add3A_59 = arith.addi %mul3A_30, %add3A_58 : i32
        %mul3A_60 = arith.constant 2 : i32
        %mul3A_61 = arith.muli %add3A_59, %mul3A_60 : i32
        %add3A_62 = arith.constant 0 : i32
        %add3A_63 = arith.addi %mul3A_61, %add3A_62 : i32
        %dma_start3A_64 = arith.constant 0 : i32
        %dma_start3A_65 = arith.constant 0 : i32
        %dma_start3A_66 = tpu.memref_slice %arg12[%dma_start3A_64, %dma_start3A_65] : memref<256x8xf32, #tpu.memory_space<vmem>> -> memref<128x8xf32, #tpu.memory_space<vmem>>
        %dma_start3A_67 = arith.constant 0 : i32
        %dma_start3A_68 = tpu.memref_slice %arg9[%add3A_63, %dma_start3A_67] : memref<88x128xi32, #tpu.memory_space<vmem>> -> memref<1x128xi32, #tpu.memory_space<vmem>>
        %dma_start3A_69 = tpu.memref_squeeze %dma_start3A_68 : memref<1x128xi32, #tpu.memory_space<vmem>> -> memref<128xi32, #tpu.memory_space<vmem>>
        %dma_start3A_70 = arith.constant 0 : i32
        %dma_start3A_71 = arith.constant 0 : i32
        %dma_start3A_72 = tpu.memref_slice %arg8[%dma_start3A_70, %dma_start3A_71] : memref<10240x8xf32, #tpu.memory_space<vmem_shared>> -> memref<10240x8xf32, #tpu.memory_space<vmem_shared>>
        tpu.enqueue_indirect_dma source(%dma_start3A_72 : memref<10240x8xf32, #tpu.memory_space<vmem_shared>>) target(%dma_start3A_66 : memref<128x8xf32, #tpu.memory_space<vmem>>) offsets(%dma_start3A_69 : memref<128xi32, #tpu.memory_space<vmem>>) semaphore(%arg15 : memref<!tpu.dma_semaphore, #tpu.memory_space<semaphore_mem>>)
        %mul3A_73 = arith.constant 2 : i32
        %mul3A_74 = arith.muli %add3A_59, %mul3A_73 : i32
        %add3A_75 = arith.constant 1 : i32
        %add3A_76 = arith.addi %mul3A_74, %add3A_75 : i32
        %dma_start3A_77 = arith.constant 128 : i32
        %dma_start3A_78 = arith.constant 0 : i32
        %dma_start3A_79 = tpu.memref_slice %arg12[%dma_start3A_77, %dma_start3A_78] : memref<256x8xf32, #tpu.memory_space<vmem>> -> memref<128x8xf32, #tpu.memory_space<vmem>>
        %dma_start3A_80 = arith.constant 0 : i32
        %dma_start3A_81 = tpu.memref_slice %arg9[%add3A_76, %dma_start3A_80] : memref<88x128xi32, #tpu.memory_space<vmem>> -> memref<1x128xi32, #tpu.memory_space<vmem>>
        %dma_start3A_82 = tpu.memref_squeeze %dma_start3A_81 : memref<1x128xi32, #tpu.memory_space<vmem>> -> memref<128xi32, #tpu.memory_space<vmem>>
        %dma_start3A_83 = arith.constant 0 : i32
        %dma_start3A_84 = arith.constant 0 : i32
        %dma_start3A_85 = tpu.memref_slice %arg8[%dma_start3A_83, %dma_start3A_84] : memref<10240x8xf32, #tpu.memory_space<vmem_shared>> -> memref<10240x8xf32, #tpu.memory_space<vmem_shared>>
        tpu.enqueue_indirect_dma source(%dma_start3A_85 : memref<10240x8xf32, #tpu.memory_space<vmem_shared>>) target(%dma_start3A_79 : memref<128x8xf32, #tpu.memory_space<vmem>>) offsets(%dma_start3A_82 : memref<128xi32, #tpu.memory_space<vmem>>) semaphore(%arg15 : memref<!tpu.dma_semaphore, #tpu.memory_space<semaphore_mem>>)
        %add3A_86 = arith.constant 2 : i32
        %add3A_87 = arith.addi %mul3A_30, %add3A_86 : i32
        %mul3A_88 = arith.constant 2 : i32
        %mul3A_89 = arith.muli %add3A_87, %mul3A_88 : i32
        %add3A_90 = arith.constant 0 : i32
        %add3A_91 = arith.addi %mul3A_89, %add3A_90 : i32
        %dma_start3A_92 = arith.constant 0 : i32
        %dma_start3A_93 = arith.constant 0 : i32
        %dma_start3A_94 = tpu.memref_slice %arg13[%dma_start3A_92, %dma_start3A_93] : memref<256x8xf32, #tpu.memory_space<vmem>> -> memref<128x8xf32, #tpu.memory_space<vmem>>
        %dma_start3A_95 = arith.constant 0 : i32
        %dma_start3A_96 = tpu.memref_slice %arg9[%add3A_91, %dma_start3A_95] : memref<88x128xi32, #tpu.memory_space<vmem>> -> memref<1x128xi32, #tpu.memory_space<vmem>>
        %dma_start3A_97 = tpu.memref_squeeze %dma_start3A_96 : memref<1x128xi32, #tpu.memory_space<vmem>> -> memref<128xi32, #tpu.memory_space<vmem>>
        %dma_start3A_98 = arith.constant 0 : i32
        %dma_start3A_99 = arith.constant 0 : i32
        %dma_start3A_100 = tpu.memref_slice %arg8[%dma_start3A_98, %dma_start3A_99] : memref<10240x8xf32, #tpu.memory_space<vmem_shared>> -> memref<10240x8xf32, #tpu.memory_space<vmem_shared>>
        tpu.enqueue_indirect_dma source(%dma_start3A_100 : memref<10240x8xf32, #tpu.memory_space<vmem_shared>>) target(%dma_start3A_94 : memref<128x8xf32, #tpu.memory_space<vmem>>) offsets(%dma_start3A_97 : memref<128xi32, #tpu.memory_space<vmem>>) semaphore(%arg15 : memref<!tpu.dma_semaphore, #tpu.memory_space<semaphore_mem>>)
        %mul3A_101 = arith.constant 2 : i32
        %mul3A_102 = arith.muli %add3A_87, %mul3A_101 : i32
        %add3A_103 = arith.constant 1 : i32
        %add3A_104 = arith.addi %mul3A_102, %add3A_103 : i32
        %dma_start3A_105 = arith.constant 128 : i32
        %dma_start3A_106 = arith.constant 0 : i32
        %dma_start3A_107 = tpu.memref_slice %arg13[%dma_start3A_105, %dma_start3A_106] : memref<256x8xf32, #tpu.memory_space<vmem>> -> memref<128x8xf32, #tpu.memory_space<vmem>>
        %dma_start3A_108 = arith.constant 0 : i32
        %dma_start3A_109 = tpu.memref_slice %arg9[%add3A_104, %dma_start3A_108] : memref<88x128xi32, #tpu.memory_space<vmem>> -> memref<1x128xi32, #tpu.memory_space<vmem>>
        %dma_start3A_110 = tpu.memref_squeeze %dma_start3A_109 : memref<1x128xi32, #tpu.memory_space<vmem>> -> memref<128xi32, #tpu.memory_space<vmem>>
        %dma_start3A_111 = arith.constant 0 : i32
        %dma_start3A_112 = arith.constant 0 : i32
        %dma_start3A_113 = tpu.memref_slice %arg8[%dma_start3A_111, %dma_start3A_112] : memref<10240x8xf32, #tpu.memory_space<vmem_shared>> -> memref<10240x8xf32, #tpu.memory_space<vmem_shared>>
        tpu.enqueue_indirect_dma source(%dma_start3A_113 : memref<10240x8xf32, #tpu.memory_space<vmem_shared>>) target(%dma_start3A_107 : memref<128x8xf32, #tpu.memory_space<vmem>>) offsets(%dma_start3A_110 : memref<128xi32, #tpu.memory_space<vmem>>) semaphore(%arg15 : memref<!tpu.dma_semaphore, #tpu.memory_space<semaphore_mem>>)
        %add3A_114 = arith.constant 3 : i32
        %add3A_115 = arith.addi %mul3A_30, %add3A_114 : i32
        %mul3A_116 = arith.constant 2 : i32
        %mul3A_117 = arith.muli %add3A_115, %mul3A_116 : i32
        %add3A_118 = arith.constant 0 : i32
        %add3A_119 = arith.addi %mul3A_117, %add3A_118 : i32
        %dma_start3A_120 = arith.constant 0 : i32
        %dma_start3A_121 = arith.constant 0 : i32
        %dma_start3A_122 = tpu.memref_slice %arg14[%dma_start3A_120, %dma_start3A_121] : memref<256x8xf32, #tpu.memory_space<vmem>> -> memref<128x8xf32, #tpu.memory_space<vmem>>
        %dma_start3A_123 = arith.constant 0 : i32
        %dma_start3A_124 = tpu.memref_slice %arg9[%add3A_119, %dma_start3A_123] : memref<88x128xi32, #tpu.memory_space<vmem>> -> memref<1x128xi32, #tpu.memory_space<vmem>>
        %dma_start3A_125 = tpu.memref_squeeze %dma_start3A_124 : memref<1x128xi32, #tpu.memory_space<vmem>> -> memref<128xi32, #tpu.memory_space<vmem>>
        %dma_start3A_126 = arith.constant 0 : i32
        %dma_start3A_127 = arith.constant 0 : i32
        %dma_start3A_128 = tpu.memref_slice %arg8[%dma_start3A_126, %dma_start3A_127] : memref<10240x8xf32, #tpu.memory_space<vmem_shared>> -> memref<10240x8xf32, #tpu.memory_space<vmem_shared>>
        tpu.enqueue_indirect_dma source(%dma_start3A_128 : memref<10240x8xf32, #tpu.memory_space<vmem_shared>>) target(%dma_start3A_122 : memref<128x8xf32, #tpu.memory_space<vmem>>) offsets(%dma_start3A_125 : memref<128xi32, #tpu.memory_space<vmem>>) semaphore(%arg15 : memref<!tpu.dma_semaphore, #tpu.memory_space<semaphore_mem>>)
        %mul3A_129 = arith.constant 2 : i32
        %mul3A_130 = arith.muli %add3A_115, %mul3A_129 : i32
        %add3A_131 = arith.constant 1 : i32
        %add3A_132 = arith.addi %mul3A_130, %add3A_131 : i32
        %dma_start3A_133 = arith.constant 128 : i32
        %dma_start3A_134 = arith.constant 0 : i32
        %dma_start3A_135 = tpu.memref_slice %arg14[%dma_start3A_133, %dma_start3A_134] : memref<256x8xf32, #tpu.memory_space<vmem>> -> memref<128x8xf32, #tpu.memory_space<vmem>>
        %dma_start3A_136 = arith.constant 0 : i32
        %dma_start3A_137 = tpu.memref_slice %arg9[%add3A_132, %dma_start3A_136] : memref<88x128xi32, #tpu.memory_space<vmem>> -> memref<1x128xi32, #tpu.memory_space<vmem>>
        %dma_start3A_138 = tpu.memref_squeeze %dma_start3A_137 : memref<1x128xi32, #tpu.memory_space<vmem>> -> memref<128xi32, #tpu.memory_space<vmem>>
        %dma_start3A_139 = arith.constant 0 : i32
        %dma_start3A_140 = arith.constant 0 : i32
        %dma_start3A_141 = tpu.memref_slice %arg8[%dma_start3A_139, %dma_start3A_140] : memref<10240x8xf32, #tpu.memory_space<vmem_shared>> -> memref<10240x8xf32, #tpu.memory_space<vmem_shared>>
        tpu.enqueue_indirect_dma source(%dma_start3A_141 : memref<10240x8xf32, #tpu.memory_space<vmem_shared>>) target(%dma_start3A_135 : memref<128x8xf32, #tpu.memory_space<vmem>>) offsets(%dma_start3A_138 : memref<128xi32, #tpu.memory_space<vmem>>) semaphore(%arg15 : memref<!tpu.dma_semaphore, #tpu.memory_space<semaphore_mem>>)
        %dma_wait3A = arith.constant 0 : i32
        %dma_wait3A_142 = arith.constant 0 : i32
        %dma_wait3A_143 = tpu.memref_slice %arg11[%dma_wait3A, %dma_wait3A_142] : memref<256x8xf32, #tpu.memory_space<vmem>> -> memref<128x8xf32, #tpu.memory_space<vmem>>
        %dma_wait3A_144 = arith.constant 0 : i32
        %dma_wait3A_145 = tpu.memref_slice %arg9[%add3A_36, %dma_wait3A_144] : memref<88x128xi32, #tpu.memory_space<vmem>> -> memref<1x128xi32, #tpu.memory_space<vmem>>
        %dma_wait3A_146 = tpu.memref_squeeze %dma_wait3A_145 : memref<1x128xi32, #tpu.memory_space<vmem>> -> memref<128xi32, #tpu.memory_space<vmem>>
        %dma_wait3A_147 = arith.constant 0 : i32
        %dma_wait3A_148 = arith.constant 0 : i32
        %dma_wait3A_149 = tpu.memref_slice %arg8[%dma_wait3A_147, %dma_wait3A_148] : memref<10240x8xf32, #tpu.memory_space<vmem_shared>> -> memref<10240x8xf32, #tpu.memory_space<vmem_shared>>
        tpu.wait_indirect_dma semaphore(%arg15 : memref<!tpu.dma_semaphore, #tpu.memory_space<semaphore_mem>>) src(%dma_wait3A_149 : memref<10240x8xf32, #tpu.memory_space<vmem_shared>>) dst(%dma_wait3A_143 : memref<128x8xf32, #tpu.memory_space<vmem>>)
        %dma_wait3A_150 = arith.constant 128 : i32
        %dma_wait3A_151 = arith.constant 0 : i32
        %dma_wait3A_152 = tpu.memref_slice %arg11[%dma_wait3A_150, %dma_wait3A_151] : memref<256x8xf32, #tpu.memory_space<vmem>> -> memref<128x8xf32, #tpu.memory_space<vmem>>
        %dma_wait3A_153 = arith.constant 0 : i32
        %dma_wait3A_154 = tpu.memref_slice %arg9[%add3A_48, %dma_wait3A_153] : memref<88x128xi32, #tpu.memory_space<vmem>> -> memref<1x128xi32, #tpu.memory_space<vmem>>
        %dma_wait3A_155 = tpu.memref_squeeze %dma_wait3A_154 : memref<1x128xi32, #tpu.memory_space<vmem>> -> memref<128xi32, #tpu.memory_space<vmem>>
        %dma_wait3A_156 = arith.constant 0 : i32
        %dma_wait3A_157 = arith.constant 0 : i32
        %dma_wait3A_158 = tpu.memref_slice %arg8[%dma_wait3A_156, %dma_wait3A_157] : memref<10240x8xf32, #tpu.memory_space<vmem_shared>> -> memref<10240x8xf32, #tpu.memory_space<vmem_shared>>
        tpu.wait_indirect_dma semaphore(%arg15 : memref<!tpu.dma_semaphore, #tpu.memory_space<semaphore_mem>>) src(%dma_wait3A_158 : memref<10240x8xf32, #tpu.memory_space<vmem_shared>>) dst(%dma_wait3A_152 : memref<128x8xf32, #tpu.memory_space<vmem>>)
        %add3A_159 = arith.constant 0 : i32
        %add3A_160 = arith.addi %mul3A_30, %add3A_159 : i32
        %mul3A_161 = arith.constant 2 : i32
        %mul3A_162 = arith.muli %add3A_160, %mul3A_161 : i32
        %add3A_163 = arith.constant 0 : i32
        %add3A_164 = arith.addi %mul3A_162, %add3A_163 : i32
        %dma_start3A_165 = arith.constant 0 : i32
        %dma_start3A_166 = arith.constant 0 : i32
        %dma_start3A_167 = tpu.memref_slice %arg11[%dma_start3A_165, %dma_start3A_166] : memref<256x8xf32, #tpu.memory_space<vmem>> -> memref<128x8xf32, #tpu.memory_space<vmem>>
        %dma_start3A_168 = arith.constant 0 : i32
        %dma_start3A_169 = tpu.memref_slice %arg10[%add3A_164, %dma_start3A_168] : memref<88x128xi32, #tpu.memory_space<vmem>> -> memref<1x128xi32, #tpu.memory_space<vmem>>
        %dma_start3A_170 = tpu.memref_squeeze %dma_start3A_169 : memref<1x128xi32, #tpu.memory_space<vmem>> -> memref<128xi32, #tpu.memory_space<vmem>>
        %dma_start3A_171 = arith.constant 0 : i32
        %dma_start3A_172 = arith.constant 0 : i32
        %dma_start3A_173 = tpu.memref_slice %arg7[%dma_start3A_171, %dma_start3A_172] : memref<10240x8xf32, #tpu.memory_space<vmem_shared>> -> memref<10240x8xf32, #tpu.memory_space<vmem_shared>>
        tpu.enqueue_indirect_dma source(%dma_start3A_167 : memref<128x8xf32, #tpu.memory_space<vmem>>) target(%dma_start3A_173 : memref<10240x8xf32, #tpu.memory_space<vmem_shared>>) offsets(%dma_start3A_170 : memref<128xi32, #tpu.memory_space<vmem>>) semaphore(%arg16 : memref<!tpu.dma_semaphore, #tpu.memory_space<semaphore_mem>>) {add = true}
        %mul3A_174 = arith.constant 2 : i32
        %mul3A_175 = arith.muli %add3A_160, %mul3A_174 : i32
        %add3A_176 = arith.constant 1 : i32
        %add3A_177 = arith.addi %mul3A_175, %add3A_176 : i32
        %dma_start3A_178 = arith.constant 128 : i32
        %dma_start3A_179 = arith.constant 0 : i32
        %dma_start3A_180 = tpu.memref_slice %arg11[%dma_start3A_178, %dma_start3A_179] : memref<256x8xf32, #tpu.memory_space<vmem>> -> memref<128x8xf32, #tpu.memory_space<vmem>>
        %dma_start3A_181 = arith.constant 0 : i32
        %dma_start3A_182 = tpu.memref_slice %arg10[%add3A_177, %dma_start3A_181] : memref<88x128xi32, #tpu.memory_space<vmem>> -> memref<1x128xi32, #tpu.memory_space<vmem>>
        %dma_start3A_183 = tpu.memref_squeeze %dma_start3A_182 : memref<1x128xi32, #tpu.memory_space<vmem>> -> memref<128xi32, #tpu.memory_space<vmem>>
        %dma_start3A_184 = arith.constant 0 : i32
        %dma_start3A_185 = arith.constant 0 : i32
        %dma_start3A_186 = tpu.memref_slice %arg7[%dma_start3A_184, %dma_start3A_185] : memref<10240x8xf32, #tpu.memory_space<vmem_shared>> -> memref<10240x8xf32, #tpu.memory_space<vmem_shared>>
        tpu.enqueue_indirect_dma source(%dma_start3A_180 : memref<128x8xf32, #tpu.memory_space<vmem>>) target(%dma_start3A_186 : memref<10240x8xf32, #tpu.memory_space<vmem_shared>>) offsets(%dma_start3A_183 : memref<128xi32, #tpu.memory_space<vmem>>) semaphore(%arg16 : memref<!tpu.dma_semaphore, #tpu.memory_space<semaphore_mem>>) {add = true}
        %dma_wait3A_187 = arith.constant 0 : i32
        %dma_wait3A_188 = arith.constant 0 : i32
        %dma_wait3A_189 = tpu.memref_slice %arg12[%dma_wait3A_187, %dma_wait3A_188] : memref<256x8xf32, #tpu.memory_space<vmem>> -> memref<128x8xf32, #tpu.memory_space<vmem>>
        %dma_wait3A_190 = arith.constant 0 : i32
        %dma_wait3A_191 = tpu.memref_slice %arg9[%add3A_63, %dma_wait3A_190] : memref<88x128xi32, #tpu.memory_space<vmem>> -> memref<1x128xi32, #tpu.memory_space<vmem>>
        %dma_wait3A_192 = tpu.memref_squeeze %dma_wait3A_191 : memref<1x128xi32, #tpu.memory_space<vmem>> -> memref<128xi32, #tpu.memory_space<vmem>>
        %dma_wait3A_193 = arith.constant 0 : i32
        %dma_wait3A_194 = arith.constant 0 : i32
        %dma_wait3A_195 = tpu.memref_slice %arg8[%dma_wait3A_193, %dma_wait3A_194] : memref<10240x8xf32, #tpu.memory_space<vmem_shared>> -> memref<10240x8xf32, #tpu.memory_space<vmem_shared>>
        tpu.wait_indirect_dma semaphore(%arg15 : memref<!tpu.dma_semaphore, #tpu.memory_space<semaphore_mem>>) src(%dma_wait3A_195 : memref<10240x8xf32, #tpu.memory_space<vmem_shared>>) dst(%dma_wait3A_189 : memref<128x8xf32, #tpu.memory_space<vmem>>)
        %dma_wait3A_196 = arith.constant 128 : i32
        %dma_wait3A_197 = arith.constant 0 : i32
        %dma_wait3A_198 = tpu.memref_slice %arg12[%dma_wait3A_196, %dma_wait3A_197] : memref<256x8xf32, #tpu.memory_space<vmem>> -> memref<128x8xf32, #tpu.memory_space<vmem>>
        %dma_wait3A_199 = arith.constant 0 : i32
        %dma_wait3A_200 = tpu.memref_slice %arg9[%add3A_76, %dma_wait3A_199] : memref<88x128xi32, #tpu.memory_space<vmem>> -> memref<1x128xi32, #tpu.memory_space<vmem>>
        %dma_wait3A_201 = tpu.memref_squeeze %dma_wait3A_200 : memref<1x128xi32, #tpu.memory_space<vmem>> -> memref<128xi32, #tpu.memory_space<vmem>>
        %dma_wait3A_202 = arith.constant 0 : i32
        %dma_wait3A_203 = arith.constant 0 : i32
        %dma_wait3A_204 = tpu.memref_slice %arg8[%dma_wait3A_202, %dma_wait3A_203] : memref<10240x8xf32, #tpu.memory_space<vmem_shared>> -> memref<10240x8xf32, #tpu.memory_space<vmem_shared>>
        tpu.wait_indirect_dma semaphore(%arg15 : memref<!tpu.dma_semaphore, #tpu.memory_space<semaphore_mem>>) src(%dma_wait3A_204 : memref<10240x8xf32, #tpu.memory_space<vmem_shared>>) dst(%dma_wait3A_198 : memref<128x8xf32, #tpu.memory_space<vmem>>)
        %add3A_205 = arith.constant 1 : i32
        %add3A_206 = arith.addi %mul3A_30, %add3A_205 : i32
        %mul3A_207 = arith.constant 2 : i32
        %mul3A_208 = arith.muli %add3A_206, %mul3A_207 : i32
        %add3A_209 = arith.constant 0 : i32
        %add3A_210 = arith.addi %mul3A_208, %add3A_209 : i32
        %dma_start3A_211 = arith.constant 0 : i32
        %dma_start3A_212 = arith.constant 0 : i32
        %dma_start3A_213 = tpu.memref_slice %arg12[%dma_start3A_211, %dma_start3A_212] : memref<256x8xf32, #tpu.memory_space<vmem>> -> memref<128x8xf32, #tpu.memory_space<vmem>>
        %dma_start3A_214 = arith.constant 0 : i32
        %dma_start3A_215 = tpu.memref_slice %arg10[%add3A_210, %dma_start3A_214] : memref<88x128xi32, #tpu.memory_space<vmem>> -> memref<1x128xi32, #tpu.memory_space<vmem>>
        %dma_start3A_216 = tpu.memref_squeeze %dma_start3A_215 : memref<1x128xi32, #tpu.memory_space<vmem>> -> memref<128xi32, #tpu.memory_space<vmem>>
        %dma_start3A_217 = arith.constant 0 : i32
        %dma_start3A_218 = arith.constant 0 : i32
        %dma_start3A_219 = tpu.memref_slice %arg7[%dma_start3A_217, %dma_start3A_218] : memref<10240x8xf32, #tpu.memory_space<vmem_shared>> -> memref<10240x8xf32, #tpu.memory_space<vmem_shared>>
        tpu.enqueue_indirect_dma source(%dma_start3A_213 : memref<128x8xf32, #tpu.memory_space<vmem>>) target(%dma_start3A_219 : memref<10240x8xf32, #tpu.memory_space<vmem_shared>>) offsets(%dma_start3A_216 : memref<128xi32, #tpu.memory_space<vmem>>) semaphore(%arg16 : memref<!tpu.dma_semaphore, #tpu.memory_space<semaphore_mem>>) {add = true}
        %mul3A_220 = arith.constant 2 : i32
        %mul3A_221 = arith.muli %add3A_206, %mul3A_220 : i32
        %add3A_222 = arith.constant 1 : i32
        %add3A_223 = arith.addi %mul3A_221, %add3A_222 : i32
        %dma_start3A_224 = arith.constant 128 : i32
        %dma_start3A_225 = arith.constant 0 : i32
        %dma_start3A_226 = tpu.memref_slice %arg12[%dma_start3A_224, %dma_start3A_225] : memref<256x8xf32, #tpu.memory_space<vmem>> -> memref<128x8xf32, #tpu.memory_space<vmem>>
        %dma_start3A_227 = arith.constant 0 : i32
        %dma_start3A_228 = tpu.memref_slice %arg10[%add3A_223, %dma_start3A_227] : memref<88x128xi32, #tpu.memory_space<vmem>> -> memref<1x128xi32, #tpu.memory_space<vmem>>
        %dma_start3A_229 = tpu.memref_squeeze %dma_start3A_228 : memref<1x128xi32, #tpu.memory_space<vmem>> -> memref<128xi32, #tpu.memory_space<vmem>>
        %dma_start3A_230 = arith.constant 0 : i32
        %dma_start3A_231 = arith.constant 0 : i32
        %dma_start3A_232 = tpu.memref_slice %arg7[%dma_start3A_230, %dma_start3A_231] : memref<10240x8xf32, #tpu.memory_space<vmem_shared>> -> memref<10240x8xf32, #tpu.memory_space<vmem_shared>>
        tpu.enqueue_indirect_dma source(%dma_start3A_226 : memref<128x8xf32, #tpu.memory_space<vmem>>) target(%dma_start3A_232 : memref<10240x8xf32, #tpu.memory_space<vmem_shared>>) offsets(%dma_start3A_229 : memref<128xi32, #tpu.memory_space<vmem>>) semaphore(%arg16 : memref<!tpu.dma_semaphore, #tpu.memory_space<semaphore_mem>>) {add = true}
        %dma_wait3A_233 = arith.constant 0 : i32
        %dma_wait3A_234 = arith.constant 0 : i32
        %dma_wait3A_235 = tpu.memref_slice %arg13[%dma_wait3A_233, %dma_wait3A_234] : memref<256x8xf32, #tpu.memory_space<vmem>> -> memref<128x8xf32, #tpu.memory_space<vmem>>
        %dma_wait3A_236 = arith.constant 0 : i32
        %dma_wait3A_237 = tpu.memref_slice %arg9[%add3A_91, %dma_wait3A_236] : memref<88x128xi32, #tpu.memory_space<vmem>> -> memref<1x128xi32, #tpu.memory_space<vmem>>
        %dma_wait3A_238 = tpu.memref_squeeze %dma_wait3A_237 : memref<1x128xi32, #tpu.memory_space<vmem>> -> memref<128xi32, #tpu.memory_space<vmem>>
        %dma_wait3A_239 = arith.constant 0 : i32
        %dma_wait3A_240 = arith.constant 0 : i32
        %dma_wait3A_241 = tpu.memref_slice %arg8[%dma_wait3A_239, %dma_wait3A_240] : memref<10240x8xf32, #tpu.memory_space<vmem_shared>> -> memref<10240x8xf32, #tpu.memory_space<vmem_shared>>
        tpu.wait_indirect_dma semaphore(%arg15 : memref<!tpu.dma_semaphore, #tpu.memory_space<semaphore_mem>>) src(%dma_wait3A_241 : memref<10240x8xf32, #tpu.memory_space<vmem_shared>>) dst(%dma_wait3A_235 : memref<128x8xf32, #tpu.memory_space<vmem>>)
        %dma_wait3A_242 = arith.constant 128 : i32
        %dma_wait3A_243 = arith.constant 0 : i32
        %dma_wait3A_244 = tpu.memref_slice %arg13[%dma_wait3A_242, %dma_wait3A_243] : memref<256x8xf32, #tpu.memory_space<vmem>> -> memref<128x8xf32, #tpu.memory_space<vmem>>
        %dma_wait3A_245 = arith.constant 0 : i32
        %dma_wait3A_246 = tpu.memref_slice %arg9[%add3A_104, %dma_wait3A_245] : memref<88x128xi32, #tpu.memory_space<vmem>> -> memref<1x128xi32, #tpu.memory_space<vmem>>
        %dma_wait3A_247 = tpu.memref_squeeze %dma_wait3A_246 : memref<1x128xi32, #tpu.memory_space<vmem>> -> memref<128xi32, #tpu.memory_space<vmem>>
        %dma_wait3A_248 = arith.constant 0 : i32
        %dma_wait3A_249 = arith.constant 0 : i32
        %dma_wait3A_250 = tpu.memref_slice %arg8[%dma_wait3A_248, %dma_wait3A_249] : memref<10240x8xf32, #tpu.memory_space<vmem_shared>> -> memref<10240x8xf32, #tpu.memory_space<vmem_shared>>
        tpu.wait_indirect_dma semaphore(%arg15 : memref<!tpu.dma_semaphore, #tpu.memory_space<semaphore_mem>>) src(%dma_wait3A_250 : memref<10240x8xf32, #tpu.memory_space<vmem_shared>>) dst(%dma_wait3A_244 : memref<128x8xf32, #tpu.memory_space<vmem>>)
        %add3A_251 = arith.constant 2 : i32
        %add3A_252 = arith.addi %mul3A_30, %add3A_251 : i32
        %mul3A_253 = arith.constant 2 : i32
        %mul3A_254 = arith.muli %add3A_252, %mul3A_253 : i32
        %add3A_255 = arith.constant 0 : i32
        %add3A_256 = arith.addi %mul3A_254, %add3A_255 : i32
        %dma_start3A_257 = arith.constant 0 : i32
        %dma_start3A_258 = arith.constant 0 : i32
        %dma_start3A_259 = tpu.memref_slice %arg13[%dma_start3A_257, %dma_start3A_258] : memref<256x8xf32, #tpu.memory_space<vmem>> -> memref<128x8xf32, #tpu.memory_space<vmem>>
        %dma_start3A_260 = arith.constant 0 : i32
        %dma_start3A_261 = tpu.memref_slice %arg10[%add3A_256, %dma_start3A_260] : memref<88x128xi32, #tpu.memory_space<vmem>> -> memref<1x128xi32, #tpu.memory_space<vmem>>
        %dma_start3A_262 = tpu.memref_squeeze %dma_start3A_261 : memref<1x128xi32, #tpu.memory_space<vmem>> -> memref<128xi32, #tpu.memory_space<vmem>>
        %dma_start3A_263 = arith.constant 0 : i32
        %dma_start3A_264 = arith.constant 0 : i32
        %dma_start3A_265 = tpu.memref_slice %arg7[%dma_start3A_263, %dma_start3A_264] : memref<10240x8xf32, #tpu.memory_space<vmem_shared>> -> memref<10240x8xf32, #tpu.memory_space<vmem_shared>>
        tpu.enqueue_indirect_dma source(%dma_start3A_259 : memref<128x8xf32, #tpu.memory_space<vmem>>) target(%dma_start3A_265 : memref<10240x8xf32, #tpu.memory_space<vmem_shared>>) offsets(%dma_start3A_262 : memref<128xi32, #tpu.memory_space<vmem>>) semaphore(%arg16 : memref<!tpu.dma_semaphore, #tpu.memory_space<semaphore_mem>>) {add = true}
        %mul3A_266 = arith.constant 2 : i32
        %mul3A_267 = arith.muli %add3A_252, %mul3A_266 : i32
        %add3A_268 = arith.constant 1 : i32
        %add3A_269 = arith.addi %mul3A_267, %add3A_268 : i32
        %dma_start3A_270 = arith.constant 128 : i32
        %dma_start3A_271 = arith.constant 0 : i32
        %dma_start3A_272 = tpu.memref_slice %arg13[%dma_start3A_270, %dma_start3A_271] : memref<256x8xf32, #tpu.memory_space<vmem>> -> memref<128x8xf32, #tpu.memory_space<vmem>>
        %dma_start3A_273 = arith.constant 0 : i32
        %dma_start3A_274 = tpu.memref_slice %arg10[%add3A_269, %dma_start3A_273] : memref<88x128xi32, #tpu.memory_space<vmem>> -> memref<1x128xi32, #tpu.memory_space<vmem>>
        %dma_start3A_275 = tpu.memref_squeeze %dma_start3A_274 : memref<1x128xi32, #tpu.memory_space<vmem>> -> memref<128xi32, #tpu.memory_space<vmem>>
        %dma_start3A_276 = arith.constant 0 : i32
        %dma_start3A_277 = arith.constant 0 : i32
        %dma_start3A_278 = tpu.memref_slice %arg7[%dma_start3A_276, %dma_start3A_277] : memref<10240x8xf32, #tpu.memory_space<vmem_shared>> -> memref<10240x8xf32, #tpu.memory_space<vmem_shared>>
        tpu.enqueue_indirect_dma source(%dma_start3A_272 : memref<128x8xf32, #tpu.memory_space<vmem>>) target(%dma_start3A_278 : memref<10240x8xf32, #tpu.memory_space<vmem_shared>>) offsets(%dma_start3A_275 : memref<128xi32, #tpu.memory_space<vmem>>) semaphore(%arg16 : memref<!tpu.dma_semaphore, #tpu.memory_space<semaphore_mem>>) {add = true}
        %dma_wait3A_279 = arith.constant 0 : i32
        %dma_wait3A_280 = arith.constant 0 : i32
        %dma_wait3A_281 = tpu.memref_slice %arg14[%dma_wait3A_279, %dma_wait3A_280] : memref<256x8xf32, #tpu.memory_space<vmem>> -> memref<128x8xf32, #tpu.memory_space<vmem>>
        %dma_wait3A_282 = arith.constant 0 : i32
        %dma_wait3A_283 = tpu.memref_slice %arg9[%add3A_119, %dma_wait3A_282] : memref<88x128xi32, #tpu.memory_space<vmem>> -> memref<1x128xi32, #tpu.memory_space<vmem>>
        %dma_wait3A_284 = tpu.memref_squeeze %dma_wait3A_283 : memref<1x128xi32, #tpu.memory_space<vmem>> -> memref<128xi32, #tpu.memory_space<vmem>>
        %dma_wait3A_285 = arith.constant 0 : i32
        %dma_wait3A_286 = arith.constant 0 : i32
        %dma_wait3A_287 = tpu.memref_slice %arg8[%dma_wait3A_285, %dma_wait3A_286] : memref<10240x8xf32, #tpu.memory_space<vmem_shared>> -> memref<10240x8xf32, #tpu.memory_space<vmem_shared>>
        tpu.wait_indirect_dma semaphore(%arg15 : memref<!tpu.dma_semaphore, #tpu.memory_space<semaphore_mem>>) src(%dma_wait3A_287 : memref<10240x8xf32, #tpu.memory_space<vmem_shared>>) dst(%dma_wait3A_281 : memref<128x8xf32, #tpu.memory_space<vmem>>)
        %dma_wait3A_288 = arith.constant 128 : i32
        %dma_wait3A_289 = arith.constant 0 : i32
        %dma_wait3A_290 = tpu.memref_slice %arg14[%dma_wait3A_288, %dma_wait3A_289] : memref<256x8xf32, #tpu.memory_space<vmem>> -> memref<128x8xf32, #tpu.memory_space<vmem>>
        %dma_wait3A_291 = arith.constant 0 : i32
        %dma_wait3A_292 = tpu.memref_slice %arg9[%add3A_132, %dma_wait3A_291] : memref<88x128xi32, #tpu.memory_space<vmem>> -> memref<1x128xi32, #tpu.memory_space<vmem>>
        %dma_wait3A_293 = tpu.memref_squeeze %dma_wait3A_292 : memref<1x128xi32, #tpu.memory_space<vmem>> -> memref<128xi32, #tpu.memory_space<vmem>>
        %dma_wait3A_294 = arith.constant 0 : i32
        %dma_wait3A_295 = arith.constant 0 : i32
        %dma_wait3A_296 = tpu.memref_slice %arg8[%dma_wait3A_294, %dma_wait3A_295] : memref<10240x8xf32, #tpu.memory_space<vmem_shared>> -> memref<10240x8xf32, #tpu.memory_space<vmem_shared>>
        tpu.wait_indirect_dma semaphore(%arg15 : memref<!tpu.dma_semaphore, #tpu.memory_space<semaphore_mem>>) src(%dma_wait3A_296 : memref<10240x8xf32, #tpu.memory_space<vmem_shared>>) dst(%dma_wait3A_290 : memref<128x8xf32, #tpu.memory_space<vmem>>)
        %add3A_297 = arith.constant 3 : i32
        %add3A_298 = arith.addi %mul3A_30, %add3A_297 : i32
        %mul3A_299 = arith.constant 2 : i32
        %mul3A_300 = arith.muli %add3A_298, %mul3A_299 : i32
        %add3A_301 = arith.constant 0 : i32
        %add3A_302 = arith.addi %mul3A_300, %add3A_301 : i32
        %dma_start3A_303 = arith.constant 0 : i32
        %dma_start3A_304 = arith.constant 0 : i32
        %dma_start3A_305 = tpu.memref_slice %arg14[%dma_start3A_303, %dma_start3A_304] : memref<256x8xf32, #tpu.memory_space<vmem>> -> memref<128x8xf32, #tpu.memory_space<vmem>>
        %dma_start3A_306 = arith.constant 0 : i32
        %dma_start3A_307 = tpu.memref_slice %arg10[%add3A_302, %dma_start3A_306] : memref<88x128xi32, #tpu.memory_space<vmem>> -> memref<1x128xi32, #tpu.memory_space<vmem>>
        %dma_start3A_308 = tpu.memref_squeeze %dma_start3A_307 : memref<1x128xi32, #tpu.memory_space<vmem>> -> memref<128xi32, #tpu.memory_space<vmem>>
        %dma_start3A_309 = arith.constant 0 : i32
        %dma_start3A_310 = arith.constant 0 : i32
        %dma_start3A_311 = tpu.memref_slice %arg7[%dma_start3A_309, %dma_start3A_310] : memref<10240x8xf32, #tpu.memory_space<vmem_shared>> -> memref<10240x8xf32, #tpu.memory_space<vmem_shared>>
        tpu.enqueue_indirect_dma source(%dma_start3A_305 : memref<128x8xf32, #tpu.memory_space<vmem>>) target(%dma_start3A_311 : memref<10240x8xf32, #tpu.memory_space<vmem_shared>>) offsets(%dma_start3A_308 : memref<128xi32, #tpu.memory_space<vmem>>) semaphore(%arg16 : memref<!tpu.dma_semaphore, #tpu.memory_space<semaphore_mem>>) {add = true}
        %mul3A_312 = arith.constant 2 : i32
        %mul3A_313 = arith.muli %add3A_298, %mul3A_312 : i32
        %add3A_314 = arith.constant 1 : i32
        %add3A_315 = arith.addi %mul3A_313, %add3A_314 : i32
        %dma_start3A_316 = arith.constant 128 : i32
        %dma_start3A_317 = arith.constant 0 : i32
        %dma_start3A_318 = tpu.memref_slice %arg14[%dma_start3A_316, %dma_start3A_317] : memref<256x8xf32, #tpu.memory_space<vmem>> -> memref<128x8xf32, #tpu.memory_space<vmem>>
        %dma_start3A_319 = arith.constant 0 : i32
        %dma_start3A_320 = tpu.memref_slice %arg10[%add3A_315, %dma_start3A_319] : memref<88x128xi32, #tpu.memory_space<vmem>> -> memref<1x128xi32, #tpu.memory_space<vmem>>
        %dma_start3A_321 = tpu.memref_squeeze %dma_start3A_320 : memref<1x128xi32, #tpu.memory_space<vmem>> -> memref<128xi32, #tpu.memory_space<vmem>>
        %dma_start3A_322 = arith.constant 0 : i32
        %dma_start3A_323 = arith.constant 0 : i32
        %dma_start3A_324 = tpu.memref_slice %arg7[%dma_start3A_322, %dma_start3A_323] : memref<10240x8xf32, #tpu.memory_space<vmem_shared>> -> memref<10240x8xf32, #tpu.memory_space<vmem_shared>>
        tpu.enqueue_indirect_dma source(%dma_start3A_318 : memref<128x8xf32, #tpu.memory_space<vmem>>) target(%dma_start3A_324 : memref<10240x8xf32, #tpu.memory_space<vmem_shared>>) offsets(%dma_start3A_321 : memref<128xi32, #tpu.memory_space<vmem>>) semaphore(%arg16 : memref<!tpu.dma_semaphore, #tpu.memory_space<semaphore_mem>>) {add = true}
        %dma_wait3A_325 = arith.constant 0 : i32
        %dma_wait3A_326 = arith.constant 0 : i32
        %dma_wait3A_327 = tpu.memref_slice %arg11[%dma_wait3A_325, %dma_wait3A_326] : memref<256x8xf32, #tpu.memory_space<vmem>> -> memref<128x8xf32, #tpu.memory_space<vmem>>
        %dma_wait3A_328 = arith.constant 0 : i32
        %dma_wait3A_329 = tpu.memref_slice %arg10[%add3A_164, %dma_wait3A_328] : memref<88x128xi32, #tpu.memory_space<vmem>> -> memref<1x128xi32, #tpu.memory_space<vmem>>
        %dma_wait3A_330 = tpu.memref_squeeze %dma_wait3A_329 : memref<1x128xi32, #tpu.memory_space<vmem>> -> memref<128xi32, #tpu.memory_space<vmem>>
        %dma_wait3A_331 = arith.constant 0 : i32
        %dma_wait3A_332 = arith.constant 0 : i32
        %dma_wait3A_333 = tpu.memref_slice %arg7[%dma_wait3A_331, %dma_wait3A_332] : memref<10240x8xf32, #tpu.memory_space<vmem_shared>> -> memref<10240x8xf32, #tpu.memory_space<vmem_shared>>
        tpu.wait_indirect_dma semaphore(%arg16 : memref<!tpu.dma_semaphore, #tpu.memory_space<semaphore_mem>>) src(%dma_wait3A_327 : memref<128x8xf32, #tpu.memory_space<vmem>>) dst(%dma_wait3A_333 : memref<10240x8xf32, #tpu.memory_space<vmem_shared>>)
        %dma_wait3A_334 = arith.constant 128 : i32
        %dma_wait3A_335 = arith.constant 0 : i32
        %dma_wait3A_336 = tpu.memref_slice %arg11[%dma_wait3A_334, %dma_wait3A_335] : memref<256x8xf32, #tpu.memory_space<vmem>> -> memref<128x8xf32, #tpu.memory_space<vmem>>
        %dma_wait3A_337 = arith.constant 0 : i32
        %dma_wait3A_338 = tpu.memref_slice %arg10[%add3A_177, %dma_wait3A_337] : memref<88x128xi32, #tpu.memory_space<vmem>> -> memref<1x128xi32, #tpu.memory_space<vmem>>
        %dma_wait3A_339 = tpu.memref_squeeze %dma_wait3A_338 : memref<1x128xi32, #tpu.memory_space<vmem>> -> memref<128xi32, #tpu.memory_space<vmem>>
        %dma_wait3A_340 = arith.constant 0 : i32
        %dma_wait3A_341 = arith.constant 0 : i32
        %dma_wait3A_342 = tpu.memref_slice %arg7[%dma_wait3A_340, %dma_wait3A_341] : memref<10240x8xf32, #tpu.memory_space<vmem_shared>> -> memref<10240x8xf32, #tpu.memory_space<vmem_shared>>
        tpu.wait_indirect_dma semaphore(%arg16 : memref<!tpu.dma_semaphore, #tpu.memory_space<semaphore_mem>>) src(%dma_wait3A_336 : memref<128x8xf32, #tpu.memory_space<vmem>>) dst(%dma_wait3A_342 : memref<10240x8xf32, #tpu.memory_space<vmem_shared>>)
        %dma_wait3A_343 = arith.constant 0 : i32
        %dma_wait3A_344 = arith.constant 0 : i32
        %dma_wait3A_345 = tpu.memref_slice %arg12[%dma_wait3A_343, %dma_wait3A_344] : memref<256x8xf32, #tpu.memory_space<vmem>> -> memref<128x8xf32, #tpu.memory_space<vmem>>
        %dma_wait3A_346 = arith.constant 0 : i32
        %dma_wait3A_347 = tpu.memref_slice %arg10[%add3A_210, %dma_wait3A_346] : memref<88x128xi32, #tpu.memory_space<vmem>> -> memref<1x128xi32, #tpu.memory_space<vmem>>
        %dma_wait3A_348 = tpu.memref_squeeze %dma_wait3A_347 : memref<1x128xi32, #tpu.memory_space<vmem>> -> memref<128xi32, #tpu.memory_space<vmem>>
        %dma_wait3A_349 = arith.constant 0 : i32
        %dma_wait3A_350 = arith.constant 0 : i32
        %dma_wait3A_351 = tpu.memref_slice %arg7[%dma_wait3A_349, %dma_wait3A_350] : memref<10240x8xf32, #tpu.memory_space<vmem_shared>> -> memref<10240x8xf32, #tpu.memory_space<vmem_shared>>
        tpu.wait_indirect_dma semaphore(%arg16 : memref<!tpu.dma_semaphore, #tpu.memory_space<semaphore_mem>>) src(%dma_wait3A_345 : memref<128x8xf32, #tpu.memory_space<vmem>>) dst(%dma_wait3A_351 : memref<10240x8xf32, #tpu.memory_space<vmem_shared>>)
        %dma_wait3A_352 = arith.constant 128 : i32
        %dma_wait3A_353 = arith.constant 0 : i32
        %dma_wait3A_354 = tpu.memref_slice %arg12[%dma_wait3A_352, %dma_wait3A_353] : memref<256x8xf32, #tpu.memory_space<vmem>> -> memref<128x8xf32, #tpu.memory_space<vmem>>
        %dma_wait3A_355 = arith.constant 0 : i32
        %dma_wait3A_356 = tpu.memref_slice %arg10[%add3A_223, %dma_wait3A_355] : memref<88x128xi32, #tpu.memory_space<vmem>> -> memref<1x128xi32, #tpu.memory_space<vmem>>
        %dma_wait3A_357 = tpu.memref_squeeze %dma_wait3A_356 : memref<1x128xi32, #tpu.memory_space<vmem>> -> memref<128xi32, #tpu.memory_space<vmem>>
        %dma_wait3A_358 = arith.constant 0 : i32
        %dma_wait3A_359 = arith.constant 0 : i32
        %dma_wait3A_360 = tpu.memref_slice %arg7[%dma_wait3A_358, %dma_wait3A_359] : memref<10240x8xf32, #tpu.memory_space<vmem_shared>> -> memref<10240x8xf32, #tpu.memory_space<vmem_shared>>
        tpu.wait_indirect_dma semaphore(%arg16 : memref<!tpu.dma_semaphore, #tpu.memory_space<semaphore_mem>>) src(%dma_wait3A_354 : memref<128x8xf32, #tpu.memory_space<vmem>>) dst(%dma_wait3A_360 : memref<10240x8xf32, #tpu.memory_space<vmem_shared>>)
        %dma_wait3A_361 = arith.constant 0 : i32
        %dma_wait3A_362 = arith.constant 0 : i32
        %dma_wait3A_363 = tpu.memref_slice %arg13[%dma_wait3A_361, %dma_wait3A_362] : memref<256x8xf32, #tpu.memory_space<vmem>> -> memref<128x8xf32, #tpu.memory_space<vmem>>
        %dma_wait3A_364 = arith.constant 0 : i32
        %dma_wait3A_365 = tpu.memref_slice %arg10[%add3A_256, %dma_wait3A_364] : memref<88x128xi32, #tpu.memory_space<vmem>> -> memref<1x128xi32, #tpu.memory_space<vmem>>
        %dma_wait3A_366 = tpu.memref_squeeze %dma_wait3A_365 : memref<1x128xi32, #tpu.memory_space<vmem>> -> memref<128xi32, #tpu.memory_space<vmem>>
        %dma_wait3A_367 = arith.constant 0 : i32
        %dma_wait3A_368 = arith.constant 0 : i32
        %dma_wait3A_369 = tpu.memref_slice %arg7[%dma_wait3A_367, %dma_wait3A_368] : memref<10240x8xf32, #tpu.memory_space<vmem_shared>> -> memref<10240x8xf32, #tpu.memory_space<vmem_shared>>
        tpu.wait_indirect_dma semaphore(%arg16 : memref<!tpu.dma_semaphore, #tpu.memory_space<semaphore_mem>>) src(%dma_wait3A_363 : memref<128x8xf32, #tpu.memory_space<vmem>>) dst(%dma_wait3A_369 : memref<10240x8xf32, #tpu.memory_space<vmem_shared>>)
        %dma_wait3A_370 = arith.constant 128 : i32
        %dma_wait3A_371 = arith.constant 0 : i32
        %dma_wait3A_372 = tpu.memref_slice %arg13[%dma_wait3A_370, %dma_wait3A_371] : memref<256x8xf32, #tpu.memory_space<vmem>> -> memref<128x8xf32, #tpu.memory_space<vmem>>
        %dma_wait3A_373 = arith.constant 0 : i32
        %dma_wait3A_374 = tpu.memref_slice %arg10[%add3A_269, %dma_wait3A_373] : memref<88x128xi32, #tpu.memory_space<vmem>> -> memref<1x128xi32, #tpu.memory_space<vmem>>
        %dma_wait3A_375 = tpu.memref_squeeze %dma_wait3A_374 : memref<1x128xi32, #tpu.memory_space<vmem>> -> memref<128xi32, #tpu.memory_space<vmem>>
        %dma_wait3A_376 = arith.constant 0 : i32
        %dma_wait3A_377 = arith.constant 0 : i32
        %dma_wait3A_378 = tpu.memref_slice %arg7[%dma_wait3A_376, %dma_wait3A_377] : memref<10240x8xf32, #tpu.memory_space<vmem_shared>> -> memref<10240x8xf32, #tpu.memory_space<vmem_shared>>
        tpu.wait_indirect_dma semaphore(%arg16 : memref<!tpu.dma_semaphore, #tpu.memory_space<semaphore_mem>>) src(%dma_wait3A_372 : memref<128x8xf32, #tpu.memory_space<vmem>>) dst(%dma_wait3A_378 : memref<10240x8xf32, #tpu.memory_space<vmem_shared>>)
        %dma_wait3A_379 = arith.constant 0 : i32
        %dma_wait3A_380 = arith.constant 0 : i32
        %dma_wait3A_381 = tpu.memref_slice %arg14[%dma_wait3A_379, %dma_wait3A_380] : memref<256x8xf32, #tpu.memory_space<vmem>> -> memref<128x8xf32, #tpu.memory_space<vmem>>
        %dma_wait3A_382 = arith.constant 0 : i32
        %dma_wait3A_383 = tpu.memref_slice %arg10[%add3A_302, %dma_wait3A_382] : memref<88x128xi32, #tpu.memory_space<vmem>> -> memref<1x128xi32, #tpu.memory_space<vmem>>
        %dma_wait3A_384 = tpu.memref_squeeze %dma_wait3A_383 : memref<1x128xi32, #tpu.memory_space<vmem>> -> memref<128xi32, #tpu.memory_space<vmem>>
        %dma_wait3A_385 = arith.constant 0 : i32
        %dma_wait3A_386 = arith.constant 0 : i32
        %dma_wait3A_387 = tpu.memref_slice %arg7[%dma_wait3A_385, %dma_wait3A_386] : memref<10240x8xf32, #tpu.memory_space<vmem_shared>> -> memref<10240x8xf32, #tpu.memory_space<vmem_shared>>
        tpu.wait_indirect_dma semaphore(%arg16 : memref<!tpu.dma_semaphore, #tpu.memory_space<semaphore_mem>>) src(%dma_wait3A_381 : memref<128x8xf32, #tpu.memory_space<vmem>>) dst(%dma_wait3A_387 : memref<10240x8xf32, #tpu.memory_space<vmem_shared>>)
        %dma_wait3A_388 = arith.constant 128 : i32
        %dma_wait3A_389 = arith.constant 0 : i32
        %dma_wait3A_390 = tpu.memref_slice %arg14[%dma_wait3A_388, %dma_wait3A_389] : memref<256x8xf32, #tpu.memory_space<vmem>> -> memref<128x8xf32, #tpu.memory_space<vmem>>
        %dma_wait3A_391 = arith.constant 0 : i32
        %dma_wait3A_392 = tpu.memref_slice %arg10[%add3A_315, %dma_wait3A_391] : memref<88x128xi32, #tpu.memory_space<vmem>> -> memref<1x128xi32, #tpu.memory_space<vmem>>
        %dma_wait3A_393 = tpu.memref_squeeze %dma_wait3A_392 : memref<1x128xi32, #tpu.memory_space<vmem>> -> memref<128xi32, #tpu.memory_space<vmem>>
        %dma_wait3A_394 = arith.constant 0 : i32
        %dma_wait3A_395 = arith.constant 0 : i32
        %dma_wait3A_396 = tpu.memref_slice %arg7[%dma_wait3A_394, %dma_wait3A_395] : memref<10240x8xf32, #tpu.memory_space<vmem_shared>> -> memref<10240x8xf32, #tpu.memory_space<vmem_shared>>
        tpu.wait_indirect_dma semaphore(%arg16 : memref<!tpu.dma_semaphore, #tpu.memory_space<semaphore_mem>>) src(%dma_wait3A_390 : memref<128x8xf32, #tpu.memory_space<vmem>>) dst(%dma_wait3A_396 : memref<10240x8xf32, #tpu.memory_space<vmem_shared>>)
      }
      %scan3A_24 = arith.constant 11 : i32
    } else {
    }
    %eq3A_9 = arith.constant 1 : i32
    %eq3A_10 = arith.cmpi eq, %arg0, %eq3A_9 : i32
    %convert_element_type3A_11 = arith.extui %eq3A_10 : i1 to i32
    %cond3A_12 = arith.constant 0 : i32
    %cond3A_13 = arith.cmpi ne, %convert_element_type3A_11, %cond3A_12 : i32
    scf.if %cond3A_13 {
      %mul3A_18 = arith.constant 72 : i32
      %mul3A_19 = arith.muli %arg1, %mul3A_18 : i32
      %add3A = arith.constant 1408 : i32
      %add3A_20 = arith.addi %add3A, %mul3A_19 : i32
      "tpu.region"() ({
        %run_scoped3A = tpu.sem_alloc : memref<!tpu.dma_semaphore, #tpu.memory_space<semaphore_mem>>
        %dma_start3A = arith.constant 0 : i32
        %dma_start3A_26 = arith.constant 0 : i32
        %dma_start3A_27 = tpu.memref_slice %arg9[%dma_start3A, %dma_start3A_26] : memref<88x128xi32, #tpu.memory_space<vmem>> -> memref<72x128xi32, #tpu.memory_space<vmem>>
        %dma_start3A_28 = arith.constant 0 : i32
        %dma_start3A_29 = tpu.memref_slice %arg3[%add3A_20, %dma_start3A_28] : memref<2560x128xi32, #tpu.memory_space<hbm>> -> memref<72x128xi32, #tpu.memory_space<hbm>>
        %dma_start3A_30 = arith.constant 0 : i32
        %dma_start3A_31 = arith.constant 0 : i32
        %dma_start3A_32 = tpu.memref_slice %arg9[%dma_start3A_30, %dma_start3A_31] : memref<88x128xi32, #tpu.memory_space<vmem>> -> memref<72x128xi32, #tpu.memory_space<vmem>>
        %dma_start3A_33 = arith.constant 0 : i32
        %dma_start3A_34 = tpu.memref_slice %arg3[%add3A_20, %dma_start3A_33] : memref<2560x128xi32, #tpu.memory_space<hbm>> -> memref<72x128xi32, #tpu.memory_space<hbm>>
        tpu.enqueue_dma source(%dma_start3A_34 : memref<72x128xi32, #tpu.memory_space<hbm>>) target(%dma_start3A_32 : memref<72x128xi32, #tpu.memory_space<vmem>>) target_semaphore(%run_scoped3A : memref<!tpu.dma_semaphore, #tpu.memory_space<semaphore_mem>>)
        %dma_wait3A = arith.constant 0 : i32
        %dma_wait3A_35 = arith.constant 0 : i32
        %dma_wait3A_36 = tpu.memref_slice %arg9[%dma_wait3A, %dma_wait3A_35] : memref<88x128xi32, #tpu.memory_space<vmem>> -> memref<72x128xi32, #tpu.memory_space<vmem>>
        %dma_wait3A_37 = arith.constant 0 : i32
        %dma_wait3A_38 = tpu.memref_slice %arg3[%add3A_20, %dma_wait3A_37] : memref<2560x128xi32, #tpu.memory_space<hbm>> -> memref<72x128xi32, #tpu.memory_space<hbm>>
        %dma_wait3A_39 = arith.constant 0 : i32
        %dma_wait3A_40 = arith.constant 0 : i32
        %dma_wait3A_41 = tpu.memref_slice %arg9[%dma_wait3A_39, %dma_wait3A_40] : memref<88x128xi32, #tpu.memory_space<vmem>> -> memref<72x128xi32, #tpu.memory_space<vmem>>
        %dma_wait3A_42 = arith.constant 0 : i32
        %dma_wait3A_43 = tpu.memref_slice %arg3[%add3A_20, %dma_wait3A_42] : memref<2560x128xi32, #tpu.memory_space<hbm>> -> memref<72x128xi32, #tpu.memory_space<hbm>>
        tpu.wait_dma2 semaphore(%run_scoped3A : memref<!tpu.dma_semaphore, #tpu.memory_space<semaphore_mem>>) src(%dma_wait3A_43 : memref<72x128xi32, #tpu.memory_space<hbm>>) dst(%dma_wait3A_41 : memref<72x128xi32, #tpu.memory_space<vmem>>)
        tpu.yield
      }) : () -> ()
      "tpu.region"() ({
        %run_scoped3A = tpu.sem_alloc : memref<!tpu.dma_semaphore, #tpu.memory_space<semaphore_mem>>
        %dma_start3A = arith.constant 0 : i32
        %dma_start3A_26 = arith.constant 0 : i32
        %dma_start3A_27 = tpu.memref_slice %arg10[%dma_start3A, %dma_start3A_26] : memref<88x128xi32, #tpu.memory_space<vmem>> -> memref<72x128xi32, #tpu.memory_space<vmem>>
        %dma_start3A_28 = arith.constant 0 : i32
        %dma_start3A_29 = tpu.memref_slice %arg4[%add3A_20, %dma_start3A_28] : memref<2560x128xi32, #tpu.memory_space<hbm>> -> memref<72x128xi32, #tpu.memory_space<hbm>>
        %dma_start3A_30 = arith.constant 0 : i32
        %dma_start3A_31 = arith.constant 0 : i32
        %dma_start3A_32 = tpu.memref_slice %arg10[%dma_start3A_30, %dma_start3A_31] : memref<88x128xi32, #tpu.memory_space<vmem>> -> memref<72x128xi32, #tpu.memory_space<vmem>>
        %dma_start3A_33 = arith.constant 0 : i32
        %dma_start3A_34 = tpu.memref_slice %arg4[%add3A_20, %dma_start3A_33] : memref<2560x128xi32, #tpu.memory_space<hbm>> -> memref<72x128xi32, #tpu.memory_space<hbm>>
        tpu.enqueue_dma source(%dma_start3A_34 : memref<72x128xi32, #tpu.memory_space<hbm>>) target(%dma_start3A_32 : memref<72x128xi32, #tpu.memory_space<vmem>>) target_semaphore(%run_scoped3A : memref<!tpu.dma_semaphore, #tpu.memory_space<semaphore_mem>>)
        %dma_wait3A = arith.constant 0 : i32
        %dma_wait3A_35 = arith.constant 0 : i32
        %dma_wait3A_36 = tpu.memref_slice %arg10[%dma_wait3A, %dma_wait3A_35] : memref<88x128xi32, #tpu.memory_space<vmem>> -> memref<72x128xi32, #tpu.memory_space<vmem>>
        %dma_wait3A_37 = arith.constant 0 : i32
        %dma_wait3A_38 = tpu.memref_slice %arg4[%add3A_20, %dma_wait3A_37] : memref<2560x128xi32, #tpu.memory_space<hbm>> -> memref<72x128xi32, #tpu.memory_space<hbm>>
        %dma_wait3A_39 = arith.constant 0 : i32
        %dma_wait3A_40 = arith.constant 0 : i32
        %dma_wait3A_41 = tpu.memref_slice %arg10[%dma_wait3A_39, %dma_wait3A_40] : memref<88x128xi32, #tpu.memory_space<vmem>> -> memref<72x128xi32, #tpu.memory_space<vmem>>
        %dma_wait3A_42 = arith.constant 0 : i32
        %dma_wait3A_43 = tpu.memref_slice %arg4[%add3A_20, %dma_wait3A_42] : memref<2560x128xi32, #tpu.memory_space<hbm>> -> memref<72x128xi32, #tpu.memory_space<hbm>>
        tpu.wait_dma2 semaphore(%run_scoped3A : memref<!tpu.dma_semaphore, #tpu.memory_space<semaphore_mem>>) src(%dma_wait3A_43 : memref<72x128xi32, #tpu.memory_space<hbm>>) dst(%dma_wait3A_41 : memref<72x128xi32, #tpu.memory_space<vmem>>)
        tpu.yield
      }) : () -> ()
      %barrier3A_21 = arith.constant 0 : index
      tpu.barrier barrier_id(%barrier3A_21)
      %scan3A = arith.constant 0 : i32
      %scan3A_22 = arith.constant 9 : i32
      %scan3A_23 = arith.addi %scan3A, %scan3A_22 : i32
      %scan3A_24 = arith.constant 1 : i32
      scf.for %scan3A_26 = %scan3A to %scan3A_23 step %scan3A_24  : i32 {
        %mul3A_27 = arith.constant 1 : i32
        %mul3A_28 = arith.muli %scan3A_26, %mul3A_27 : i32
        %add3A_29 = arith.constant 0 : i32
        %add3A_30 = arith.addi %add3A_29, %mul3A_28 : i32
        %mul3A_31 = arith.constant 4 : i32
        %mul3A_32 = arith.muli %mul3A_31, %add3A_30 : i32
        %add3A_33 = arith.constant 0 : i32
        %add3A_34 = arith.addi %mul3A_32, %add3A_33 : i32
        %mul3A_35 = arith.constant 2 : i32
        %mul3A_36 = arith.muli %add3A_34, %mul3A_35 : i32
        %add3A_37 = arith.constant 0 : i32
        %add3A_38 = arith.addi %mul3A_36, %add3A_37 : i32
        %dma_start3A = arith.constant 0 : i32
        %dma_start3A_39 = arith.constant 0 : i32
        %dma_start3A_40 = tpu.memref_slice %arg11[%dma_start3A, %dma_start3A_39] : memref<256x8xf32, #tpu.memory_space<vmem>> -> memref<128x8xf32, #tpu.memory_space<vmem>>
        %dma_start3A_41 = arith.constant 0 : i32
        %dma_start3A_42 = tpu.memref_slice %arg9[%add3A_38, %dma_start3A_41] : memref<88x128xi32, #tpu.memory_space<vmem>> -> memref<1x128xi32, #tpu.memory_space<vmem>>
        %dma_start3A_43 = tpu.memref_squeeze %dma_start3A_42 : memref<1x128xi32, #tpu.memory_space<vmem>> -> memref<128xi32, #tpu.memory_space<vmem>>
        %dma_start3A_44 = arith.constant 0 : i32
        %dma_start3A_45 = arith.constant 0 : i32
        %dma_start3A_46 = tpu.memref_slice %arg8[%dma_start3A_44, %dma_start3A_45] : memref<10240x8xf32, #tpu.memory_space<vmem_shared>> -> memref<10240x8xf32, #tpu.memory_space<vmem_shared>>
        tpu.enqueue_indirect_dma source(%dma_start3A_46 : memref<10240x8xf32, #tpu.memory_space<vmem_shared>>) target(%dma_start3A_40 : memref<128x8xf32, #tpu.memory_space<vmem>>) offsets(%dma_start3A_43 : memref<128xi32, #tpu.memory_space<vmem>>) semaphore(%arg15 : memref<!tpu.dma_semaphore, #tpu.memory_space<semaphore_mem>>)
        %mul3A_47 = arith.constant 2 : i32
        %mul3A_48 = arith.muli %add3A_34, %mul3A_47 : i32
        %add3A_49 = arith.constant 1 : i32
        %add3A_50 = arith.addi %mul3A_48, %add3A_49 : i32
        %dma_start3A_51 = arith.constant 128 : i32
        %dma_start3A_52 = arith.constant 0 : i32
        %dma_start3A_53 = tpu.memref_slice %arg11[%dma_start3A_51, %dma_start3A_52] : memref<256x8xf32, #tpu.memory_space<vmem>> -> memref<128x8xf32, #tpu.memory_space<vmem>>
        %dma_start3A_54 = arith.constant 0 : i32
        %dma_start3A_55 = tpu.memref_slice %arg9[%add3A_50, %dma_start3A_54] : memref<88x128xi32, #tpu.memory_space<vmem>> -> memref<1x128xi32, #tpu.memory_space<vmem>>
        %dma_start3A_56 = tpu.memref_squeeze %dma_start3A_55 : memref<1x128xi32, #tpu.memory_space<vmem>> -> memref<128xi32, #tpu.memory_space<vmem>>
        %dma_start3A_57 = arith.constant 0 : i32
        %dma_start3A_58 = arith.constant 0 : i32
        %dma_start3A_59 = tpu.memref_slice %arg8[%dma_start3A_57, %dma_start3A_58] : memref<10240x8xf32, #tpu.memory_space<vmem_shared>> -> memref<10240x8xf32, #tpu.memory_space<vmem_shared>>
        tpu.enqueue_indirect_dma source(%dma_start3A_59 : memref<10240x8xf32, #tpu.memory_space<vmem_shared>>) target(%dma_start3A_53 : memref<128x8xf32, #tpu.memory_space<vmem>>) offsets(%dma_start3A_56 : memref<128xi32, #tpu.memory_space<vmem>>) semaphore(%arg15 : memref<!tpu.dma_semaphore, #tpu.memory_space<semaphore_mem>>)
        %add3A_60 = arith.constant 1 : i32
        %add3A_61 = arith.addi %mul3A_32, %add3A_60 : i32
        %mul3A_62 = arith.constant 2 : i32
        %mul3A_63 = arith.muli %add3A_61, %mul3A_62 : i32
        %add3A_64 = arith.constant 0 : i32
        %add3A_65 = arith.addi %mul3A_63, %add3A_64 : i32
        %dma_start3A_66 = arith.constant 0 : i32
        %dma_start3A_67 = arith.constant 0 : i32
        %dma_start3A_68 = tpu.memref_slice %arg12[%dma_start3A_66, %dma_start3A_67] : memref<256x8xf32, #tpu.memory_space<vmem>> -> memref<128x8xf32, #tpu.memory_space<vmem>>
        %dma_start3A_69 = arith.constant 0 : i32
        %dma_start3A_70 = tpu.memref_slice %arg9[%add3A_65, %dma_start3A_69] : memref<88x128xi32, #tpu.memory_space<vmem>> -> memref<1x128xi32, #tpu.memory_space<vmem>>
        %dma_start3A_71 = tpu.memref_squeeze %dma_start3A_70 : memref<1x128xi32, #tpu.memory_space<vmem>> -> memref<128xi32, #tpu.memory_space<vmem>>
        %dma_start3A_72 = arith.constant 0 : i32
        %dma_start3A_73 = arith.constant 0 : i32
        %dma_start3A_74 = tpu.memref_slice %arg8[%dma_start3A_72, %dma_start3A_73] : memref<10240x8xf32, #tpu.memory_space<vmem_shared>> -> memref<10240x8xf32, #tpu.memory_space<vmem_shared>>
        tpu.enqueue_indirect_dma source(%dma_start3A_74 : memref<10240x8xf32, #tpu.memory_space<vmem_shared>>) target(%dma_start3A_68 : memref<128x8xf32, #tpu.memory_space<vmem>>) offsets(%dma_start3A_71 : memref<128xi32, #tpu.memory_space<vmem>>) semaphore(%arg15 : memref<!tpu.dma_semaphore, #tpu.memory_space<semaphore_mem>>)
        %mul3A_75 = arith.constant 2 : i32
        %mul3A_76 = arith.muli %add3A_61, %mul3A_75 : i32
        %add3A_77 = arith.constant 1 : i32
        %add3A_78 = arith.addi %mul3A_76, %add3A_77 : i32
        %dma_start3A_79 = arith.constant 128 : i32
        %dma_start3A_80 = arith.constant 0 : i32
        %dma_start3A_81 = tpu.memref_slice %arg12[%dma_start3A_79, %dma_start3A_80] : memref<256x8xf32, #tpu.memory_space<vmem>> -> memref<128x8xf32, #tpu.memory_space<vmem>>
        %dma_start3A_82 = arith.constant 0 : i32
        %dma_start3A_83 = tpu.memref_slice %arg9[%add3A_78, %dma_start3A_82] : memref<88x128xi32, #tpu.memory_space<vmem>> -> memref<1x128xi32, #tpu.memory_space<vmem>>
        %dma_start3A_84 = tpu.memref_squeeze %dma_start3A_83 : memref<1x128xi32, #tpu.memory_space<vmem>> -> memref<128xi32, #tpu.memory_space<vmem>>
        %dma_start3A_85 = arith.constant 0 : i32
        %dma_start3A_86 = arith.constant 0 : i32
        %dma_start3A_87 = tpu.memref_slice %arg8[%dma_start3A_85, %dma_start3A_86] : memref<10240x8xf32, #tpu.memory_space<vmem_shared>> -> memref<10240x8xf32, #tpu.memory_space<vmem_shared>>
        tpu.enqueue_indirect_dma source(%dma_start3A_87 : memref<10240x8xf32, #tpu.memory_space<vmem_shared>>) target(%dma_start3A_81 : memref<128x8xf32, #tpu.memory_space<vmem>>) offsets(%dma_start3A_84 : memref<128xi32, #tpu.memory_space<vmem>>) semaphore(%arg15 : memref<!tpu.dma_semaphore, #tpu.memory_space<semaphore_mem>>)
        %add3A_88 = arith.constant 2 : i32
        %add3A_89 = arith.addi %mul3A_32, %add3A_88 : i32
        %mul3A_90 = arith.constant 2 : i32
        %mul3A_91 = arith.muli %add3A_89, %mul3A_90 : i32
        %add3A_92 = arith.constant 0 : i32
        %add3A_93 = arith.addi %mul3A_91, %add3A_92 : i32
        %dma_start3A_94 = arith.constant 0 : i32
        %dma_start3A_95 = arith.constant 0 : i32
        %dma_start3A_96 = tpu.memref_slice %arg13[%dma_start3A_94, %dma_start3A_95] : memref<256x8xf32, #tpu.memory_space<vmem>> -> memref<128x8xf32, #tpu.memory_space<vmem>>
        %dma_start3A_97 = arith.constant 0 : i32
        %dma_start3A_98 = tpu.memref_slice %arg9[%add3A_93, %dma_start3A_97] : memref<88x128xi32, #tpu.memory_space<vmem>> -> memref<1x128xi32, #tpu.memory_space<vmem>>
        %dma_start3A_99 = tpu.memref_squeeze %dma_start3A_98 : memref<1x128xi32, #tpu.memory_space<vmem>> -> memref<128xi32, #tpu.memory_space<vmem>>
        %dma_start3A_100 = arith.constant 0 : i32
        %dma_start3A_101 = arith.constant 0 : i32
        %dma_start3A_102 = tpu.memref_slice %arg8[%dma_start3A_100, %dma_start3A_101] : memref<10240x8xf32, #tpu.memory_space<vmem_shared>> -> memref<10240x8xf32, #tpu.memory_space<vmem_shared>>
        tpu.enqueue_indirect_dma source(%dma_start3A_102 : memref<10240x8xf32, #tpu.memory_space<vmem_shared>>) target(%dma_start3A_96 : memref<128x8xf32, #tpu.memory_space<vmem>>) offsets(%dma_start3A_99 : memref<128xi32, #tpu.memory_space<vmem>>) semaphore(%arg15 : memref<!tpu.dma_semaphore, #tpu.memory_space<semaphore_mem>>)
        %mul3A_103 = arith.constant 2 : i32
        %mul3A_104 = arith.muli %add3A_89, %mul3A_103 : i32
        %add3A_105 = arith.constant 1 : i32
        %add3A_106 = arith.addi %mul3A_104, %add3A_105 : i32
        %dma_start3A_107 = arith.constant 128 : i32
        %dma_start3A_108 = arith.constant 0 : i32
        %dma_start3A_109 = tpu.memref_slice %arg13[%dma_start3A_107, %dma_start3A_108] : memref<256x8xf32, #tpu.memory_space<vmem>> -> memref<128x8xf32, #tpu.memory_space<vmem>>
        %dma_start3A_110 = arith.constant 0 : i32
        %dma_start3A_111 = tpu.memref_slice %arg9[%add3A_106, %dma_start3A_110] : memref<88x128xi32, #tpu.memory_space<vmem>> -> memref<1x128xi32, #tpu.memory_space<vmem>>
        %dma_start3A_112 = tpu.memref_squeeze %dma_start3A_111 : memref<1x128xi32, #tpu.memory_space<vmem>> -> memref<128xi32, #tpu.memory_space<vmem>>
        %dma_start3A_113 = arith.constant 0 : i32
        %dma_start3A_114 = arith.constant 0 : i32
        %dma_start3A_115 = tpu.memref_slice %arg8[%dma_start3A_113, %dma_start3A_114] : memref<10240x8xf32, #tpu.memory_space<vmem_shared>> -> memref<10240x8xf32, #tpu.memory_space<vmem_shared>>
        tpu.enqueue_indirect_dma source(%dma_start3A_115 : memref<10240x8xf32, #tpu.memory_space<vmem_shared>>) target(%dma_start3A_109 : memref<128x8xf32, #tpu.memory_space<vmem>>) offsets(%dma_start3A_112 : memref<128xi32, #tpu.memory_space<vmem>>) semaphore(%arg15 : memref<!tpu.dma_semaphore, #tpu.memory_space<semaphore_mem>>)
        %add3A_116 = arith.constant 3 : i32
        %add3A_117 = arith.addi %mul3A_32, %add3A_116 : i32
        %mul3A_118 = arith.constant 2 : i32
        %mul3A_119 = arith.muli %add3A_117, %mul3A_118 : i32
        %add3A_120 = arith.constant 0 : i32
        %add3A_121 = arith.addi %mul3A_119, %add3A_120 : i32
        %dma_start3A_122 = arith.constant 0 : i32
        %dma_start3A_123 = arith.constant 0 : i32
        %dma_start3A_124 = tpu.memref_slice %arg14[%dma_start3A_122, %dma_start3A_123] : memref<256x8xf32, #tpu.memory_space<vmem>> -> memref<128x8xf32, #tpu.memory_space<vmem>>
        %dma_start3A_125 = arith.constant 0 : i32
        %dma_start3A_126 = tpu.memref_slice %arg9[%add3A_121, %dma_start3A_125] : memref<88x128xi32, #tpu.memory_space<vmem>> -> memref<1x128xi32, #tpu.memory_space<vmem>>
        %dma_start3A_127 = tpu.memref_squeeze %dma_start3A_126 : memref<1x128xi32, #tpu.memory_space<vmem>> -> memref<128xi32, #tpu.memory_space<vmem>>
        %dma_start3A_128 = arith.constant 0 : i32
        %dma_start3A_129 = arith.constant 0 : i32
        %dma_start3A_130 = tpu.memref_slice %arg8[%dma_start3A_128, %dma_start3A_129] : memref<10240x8xf32, #tpu.memory_space<vmem_shared>> -> memref<10240x8xf32, #tpu.memory_space<vmem_shared>>
        tpu.enqueue_indirect_dma source(%dma_start3A_130 : memref<10240x8xf32, #tpu.memory_space<vmem_shared>>) target(%dma_start3A_124 : memref<128x8xf32, #tpu.memory_space<vmem>>) offsets(%dma_start3A_127 : memref<128xi32, #tpu.memory_space<vmem>>) semaphore(%arg15 : memref<!tpu.dma_semaphore, #tpu.memory_space<semaphore_mem>>)
        %mul3A_131 = arith.constant 2 : i32
        %mul3A_132 = arith.muli %add3A_117, %mul3A_131 : i32
        %add3A_133 = arith.constant 1 : i32
        %add3A_134 = arith.addi %mul3A_132, %add3A_133 : i32
        %dma_start3A_135 = arith.constant 128 : i32
        %dma_start3A_136 = arith.constant 0 : i32
        %dma_start3A_137 = tpu.memref_slice %arg14[%dma_start3A_135, %dma_start3A_136] : memref<256x8xf32, #tpu.memory_space<vmem>> -> memref<128x8xf32, #tpu.memory_space<vmem>>
        %dma_start3A_138 = arith.constant 0 : i32
        %dma_start3A_139 = tpu.memref_slice %arg9[%add3A_134, %dma_start3A_138] : memref<88x128xi32, #tpu.memory_space<vmem>> -> memref<1x128xi32, #tpu.memory_space<vmem>>
        %dma_start3A_140 = tpu.memref_squeeze %dma_start3A_139 : memref<1x128xi32, #tpu.memory_space<vmem>> -> memref<128xi32, #tpu.memory_space<vmem>>
        %dma_start3A_141 = arith.constant 0 : i32
        %dma_start3A_142 = arith.constant 0 : i32
        %dma_start3A_143 = tpu.memref_slice %arg8[%dma_start3A_141, %dma_start3A_142] : memref<10240x8xf32, #tpu.memory_space<vmem_shared>> -> memref<10240x8xf32, #tpu.memory_space<vmem_shared>>
        tpu.enqueue_indirect_dma source(%dma_start3A_143 : memref<10240x8xf32, #tpu.memory_space<vmem_shared>>) target(%dma_start3A_137 : memref<128x8xf32, #tpu.memory_space<vmem>>) offsets(%dma_start3A_140 : memref<128xi32, #tpu.memory_space<vmem>>) semaphore(%arg15 : memref<!tpu.dma_semaphore, #tpu.memory_space<semaphore_mem>>)
        %dma_wait3A = arith.constant 0 : i32
        %dma_wait3A_144 = arith.constant 0 : i32
        %dma_wait3A_145 = tpu.memref_slice %arg11[%dma_wait3A, %dma_wait3A_144] : memref<256x8xf32, #tpu.memory_space<vmem>> -> memref<128x8xf32, #tpu.memory_space<vmem>>
        %dma_wait3A_146 = arith.constant 0 : i32
        %dma_wait3A_147 = tpu.memref_slice %arg9[%add3A_38, %dma_wait3A_146] : memref<88x128xi32, #tpu.memory_space<vmem>> -> memref<1x128xi32, #tpu.memory_space<vmem>>
        %dma_wait3A_148 = tpu.memref_squeeze %dma_wait3A_147 : memref<1x128xi32, #tpu.memory_space<vmem>> -> memref<128xi32, #tpu.memory_space<vmem>>
        %dma_wait3A_149 = arith.constant 0 : i32
        %dma_wait3A_150 = arith.constant 0 : i32
        %dma_wait3A_151 = tpu.memref_slice %arg8[%dma_wait3A_149, %dma_wait3A_150] : memref<10240x8xf32, #tpu.memory_space<vmem_shared>> -> memref<10240x8xf32, #tpu.memory_space<vmem_shared>>
        tpu.wait_indirect_dma semaphore(%arg15 : memref<!tpu.dma_semaphore, #tpu.memory_space<semaphore_mem>>) src(%dma_wait3A_151 : memref<10240x8xf32, #tpu.memory_space<vmem_shared>>) dst(%dma_wait3A_145 : memref<128x8xf32, #tpu.memory_space<vmem>>)
        %dma_wait3A_152 = arith.constant 128 : i32
        %dma_wait3A_153 = arith.constant 0 : i32
        %dma_wait3A_154 = tpu.memref_slice %arg11[%dma_wait3A_152, %dma_wait3A_153] : memref<256x8xf32, #tpu.memory_space<vmem>> -> memref<128x8xf32, #tpu.memory_space<vmem>>
        %dma_wait3A_155 = arith.constant 0 : i32
        %dma_wait3A_156 = tpu.memref_slice %arg9[%add3A_50, %dma_wait3A_155] : memref<88x128xi32, #tpu.memory_space<vmem>> -> memref<1x128xi32, #tpu.memory_space<vmem>>
        %dma_wait3A_157 = tpu.memref_squeeze %dma_wait3A_156 : memref<1x128xi32, #tpu.memory_space<vmem>> -> memref<128xi32, #tpu.memory_space<vmem>>
        %dma_wait3A_158 = arith.constant 0 : i32
        %dma_wait3A_159 = arith.constant 0 : i32
        %dma_wait3A_160 = tpu.memref_slice %arg8[%dma_wait3A_158, %dma_wait3A_159] : memref<10240x8xf32, #tpu.memory_space<vmem_shared>> -> memref<10240x8xf32, #tpu.memory_space<vmem_shared>>
        tpu.wait_indirect_dma semaphore(%arg15 : memref<!tpu.dma_semaphore, #tpu.memory_space<semaphore_mem>>) src(%dma_wait3A_160 : memref<10240x8xf32, #tpu.memory_space<vmem_shared>>) dst(%dma_wait3A_154 : memref<128x8xf32, #tpu.memory_space<vmem>>)
        %add3A_161 = arith.constant 0 : i32
        %add3A_162 = arith.addi %mul3A_32, %add3A_161 : i32
        %mul3A_163 = arith.constant 2 : i32
        %mul3A_164 = arith.muli %add3A_162, %mul3A_163 : i32
        %add3A_165 = arith.constant 0 : i32
        %add3A_166 = arith.addi %mul3A_164, %add3A_165 : i32
        %dma_start3A_167 = arith.constant 0 : i32
        %dma_start3A_168 = arith.constant 0 : i32
        %dma_start3A_169 = tpu.memref_slice %arg11[%dma_start3A_167, %dma_start3A_168] : memref<256x8xf32, #tpu.memory_space<vmem>> -> memref<128x8xf32, #tpu.memory_space<vmem>>
        %dma_start3A_170 = arith.constant 0 : i32
        %dma_start3A_171 = tpu.memref_slice %arg10[%add3A_166, %dma_start3A_170] : memref<88x128xi32, #tpu.memory_space<vmem>> -> memref<1x128xi32, #tpu.memory_space<vmem>>
        %dma_start3A_172 = tpu.memref_squeeze %dma_start3A_171 : memref<1x128xi32, #tpu.memory_space<vmem>> -> memref<128xi32, #tpu.memory_space<vmem>>
        %dma_start3A_173 = arith.constant 0 : i32
        %dma_start3A_174 = arith.constant 0 : i32
        %dma_start3A_175 = tpu.memref_slice %arg7[%dma_start3A_173, %dma_start3A_174] : memref<10240x8xf32, #tpu.memory_space<vmem_shared>> -> memref<10240x8xf32, #tpu.memory_space<vmem_shared>>
        tpu.enqueue_indirect_dma source(%dma_start3A_169 : memref<128x8xf32, #tpu.memory_space<vmem>>) target(%dma_start3A_175 : memref<10240x8xf32, #tpu.memory_space<vmem_shared>>) offsets(%dma_start3A_172 : memref<128xi32, #tpu.memory_space<vmem>>) semaphore(%arg16 : memref<!tpu.dma_semaphore, #tpu.memory_space<semaphore_mem>>) {add = true}
        %mul3A_176 = arith.constant 2 : i32
        %mul3A_177 = arith.muli %add3A_162, %mul3A_176 : i32
        %add3A_178 = arith.constant 1 : i32
        %add3A_179 = arith.addi %mul3A_177, %add3A_178 : i32
        %dma_start3A_180 = arith.constant 128 : i32
        %dma_start3A_181 = arith.constant 0 : i32
        %dma_start3A_182 = tpu.memref_slice %arg11[%dma_start3A_180, %dma_start3A_181] : memref<256x8xf32, #tpu.memory_space<vmem>> -> memref<128x8xf32, #tpu.memory_space<vmem>>
        %dma_start3A_183 = arith.constant 0 : i32
        %dma_start3A_184 = tpu.memref_slice %arg10[%add3A_179, %dma_start3A_183] : memref<88x128xi32, #tpu.memory_space<vmem>> -> memref<1x128xi32, #tpu.memory_space<vmem>>
        %dma_start3A_185 = tpu.memref_squeeze %dma_start3A_184 : memref<1x128xi32, #tpu.memory_space<vmem>> -> memref<128xi32, #tpu.memory_space<vmem>>
        %dma_start3A_186 = arith.constant 0 : i32
        %dma_start3A_187 = arith.constant 0 : i32
        %dma_start3A_188 = tpu.memref_slice %arg7[%dma_start3A_186, %dma_start3A_187] : memref<10240x8xf32, #tpu.memory_space<vmem_shared>> -> memref<10240x8xf32, #tpu.memory_space<vmem_shared>>
        tpu.enqueue_indirect_dma source(%dma_start3A_182 : memref<128x8xf32, #tpu.memory_space<vmem>>) target(%dma_start3A_188 : memref<10240x8xf32, #tpu.memory_space<vmem_shared>>) offsets(%dma_start3A_185 : memref<128xi32, #tpu.memory_space<vmem>>) semaphore(%arg16 : memref<!tpu.dma_semaphore, #tpu.memory_space<semaphore_mem>>) {add = true}
        %dma_wait3A_189 = arith.constant 0 : i32
        %dma_wait3A_190 = arith.constant 0 : i32
        %dma_wait3A_191 = tpu.memref_slice %arg12[%dma_wait3A_189, %dma_wait3A_190] : memref<256x8xf32, #tpu.memory_space<vmem>> -> memref<128x8xf32, #tpu.memory_space<vmem>>
        %dma_wait3A_192 = arith.constant 0 : i32
        %dma_wait3A_193 = tpu.memref_slice %arg9[%add3A_65, %dma_wait3A_192] : memref<88x128xi32, #tpu.memory_space<vmem>> -> memref<1x128xi32, #tpu.memory_space<vmem>>
        %dma_wait3A_194 = tpu.memref_squeeze %dma_wait3A_193 : memref<1x128xi32, #tpu.memory_space<vmem>> -> memref<128xi32, #tpu.memory_space<vmem>>
        %dma_wait3A_195 = arith.constant 0 : i32
        %dma_wait3A_196 = arith.constant 0 : i32
        %dma_wait3A_197 = tpu.memref_slice %arg8[%dma_wait3A_195, %dma_wait3A_196] : memref<10240x8xf32, #tpu.memory_space<vmem_shared>> -> memref<10240x8xf32, #tpu.memory_space<vmem_shared>>
        tpu.wait_indirect_dma semaphore(%arg15 : memref<!tpu.dma_semaphore, #tpu.memory_space<semaphore_mem>>) src(%dma_wait3A_197 : memref<10240x8xf32, #tpu.memory_space<vmem_shared>>) dst(%dma_wait3A_191 : memref<128x8xf32, #tpu.memory_space<vmem>>)
        %dma_wait3A_198 = arith.constant 128 : i32
        %dma_wait3A_199 = arith.constant 0 : i32
        %dma_wait3A_200 = tpu.memref_slice %arg12[%dma_wait3A_198, %dma_wait3A_199] : memref<256x8xf32, #tpu.memory_space<vmem>> -> memref<128x8xf32, #tpu.memory_space<vmem>>
        %dma_wait3A_201 = arith.constant 0 : i32
        %dma_wait3A_202 = tpu.memref_slice %arg9[%add3A_78, %dma_wait3A_201] : memref<88x128xi32, #tpu.memory_space<vmem>> -> memref<1x128xi32, #tpu.memory_space<vmem>>
        %dma_wait3A_203 = tpu.memref_squeeze %dma_wait3A_202 : memref<1x128xi32, #tpu.memory_space<vmem>> -> memref<128xi32, #tpu.memory_space<vmem>>
        %dma_wait3A_204 = arith.constant 0 : i32
        %dma_wait3A_205 = arith.constant 0 : i32
        %dma_wait3A_206 = tpu.memref_slice %arg8[%dma_wait3A_204, %dma_wait3A_205] : memref<10240x8xf32, #tpu.memory_space<vmem_shared>> -> memref<10240x8xf32, #tpu.memory_space<vmem_shared>>
        tpu.wait_indirect_dma semaphore(%arg15 : memref<!tpu.dma_semaphore, #tpu.memory_space<semaphore_mem>>) src(%dma_wait3A_206 : memref<10240x8xf32, #tpu.memory_space<vmem_shared>>) dst(%dma_wait3A_200 : memref<128x8xf32, #tpu.memory_space<vmem>>)
        %add3A_207 = arith.constant 1 : i32
        %add3A_208 = arith.addi %mul3A_32, %add3A_207 : i32
        %mul3A_209 = arith.constant 2 : i32
        %mul3A_210 = arith.muli %add3A_208, %mul3A_209 : i32
        %add3A_211 = arith.constant 0 : i32
        %add3A_212 = arith.addi %mul3A_210, %add3A_211 : i32
        %dma_start3A_213 = arith.constant 0 : i32
        %dma_start3A_214 = arith.constant 0 : i32
        %dma_start3A_215 = tpu.memref_slice %arg12[%dma_start3A_213, %dma_start3A_214] : memref<256x8xf32, #tpu.memory_space<vmem>> -> memref<128x8xf32, #tpu.memory_space<vmem>>
        %dma_start3A_216 = arith.constant 0 : i32
        %dma_start3A_217 = tpu.memref_slice %arg10[%add3A_212, %dma_start3A_216] : memref<88x128xi32, #tpu.memory_space<vmem>> -> memref<1x128xi32, #tpu.memory_space<vmem>>
        %dma_start3A_218 = tpu.memref_squeeze %dma_start3A_217 : memref<1x128xi32, #tpu.memory_space<vmem>> -> memref<128xi32, #tpu.memory_space<vmem>>
        %dma_start3A_219 = arith.constant 0 : i32
        %dma_start3A_220 = arith.constant 0 : i32
        %dma_start3A_221 = tpu.memref_slice %arg7[%dma_start3A_219, %dma_start3A_220] : memref<10240x8xf32, #tpu.memory_space<vmem_shared>> -> memref<10240x8xf32, #tpu.memory_space<vmem_shared>>
        tpu.enqueue_indirect_dma source(%dma_start3A_215 : memref<128x8xf32, #tpu.memory_space<vmem>>) target(%dma_start3A_221 : memref<10240x8xf32, #tpu.memory_space<vmem_shared>>) offsets(%dma_start3A_218 : memref<128xi32, #tpu.memory_space<vmem>>) semaphore(%arg16 : memref<!tpu.dma_semaphore, #tpu.memory_space<semaphore_mem>>) {add = true}
        %mul3A_222 = arith.constant 2 : i32
        %mul3A_223 = arith.muli %add3A_208, %mul3A_222 : i32
        %add3A_224 = arith.constant 1 : i32
        %add3A_225 = arith.addi %mul3A_223, %add3A_224 : i32
        %dma_start3A_226 = arith.constant 128 : i32
        %dma_start3A_227 = arith.constant 0 : i32
        %dma_start3A_228 = tpu.memref_slice %arg12[%dma_start3A_226, %dma_start3A_227] : memref<256x8xf32, #tpu.memory_space<vmem>> -> memref<128x8xf32, #tpu.memory_space<vmem>>
        %dma_start3A_229 = arith.constant 0 : i32
        %dma_start3A_230 = tpu.memref_slice %arg10[%add3A_225, %dma_start3A_229] : memref<88x128xi32, #tpu.memory_space<vmem>> -> memref<1x128xi32, #tpu.memory_space<vmem>>
        %dma_start3A_231 = tpu.memref_squeeze %dma_start3A_230 : memref<1x128xi32, #tpu.memory_space<vmem>> -> memref<128xi32, #tpu.memory_space<vmem>>
        %dma_start3A_232 = arith.constant 0 : i32
        %dma_start3A_233 = arith.constant 0 : i32
        %dma_start3A_234 = tpu.memref_slice %arg7[%dma_start3A_232, %dma_start3A_233] : memref<10240x8xf32, #tpu.memory_space<vmem_shared>> -> memref<10240x8xf32, #tpu.memory_space<vmem_shared>>
        tpu.enqueue_indirect_dma source(%dma_start3A_228 : memref<128x8xf32, #tpu.memory_space<vmem>>) target(%dma_start3A_234 : memref<10240x8xf32, #tpu.memory_space<vmem_shared>>) offsets(%dma_start3A_231 : memref<128xi32, #tpu.memory_space<vmem>>) semaphore(%arg16 : memref<!tpu.dma_semaphore, #tpu.memory_space<semaphore_mem>>) {add = true}
        %dma_wait3A_235 = arith.constant 0 : i32
        %dma_wait3A_236 = arith.constant 0 : i32
        %dma_wait3A_237 = tpu.memref_slice %arg13[%dma_wait3A_235, %dma_wait3A_236] : memref<256x8xf32, #tpu.memory_space<vmem>> -> memref<128x8xf32, #tpu.memory_space<vmem>>
        %dma_wait3A_238 = arith.constant 0 : i32
        %dma_wait3A_239 = tpu.memref_slice %arg9[%add3A_93, %dma_wait3A_238] : memref<88x128xi32, #tpu.memory_space<vmem>> -> memref<1x128xi32, #tpu.memory_space<vmem>>
        %dma_wait3A_240 = tpu.memref_squeeze %dma_wait3A_239 : memref<1x128xi32, #tpu.memory_space<vmem>> -> memref<128xi32, #tpu.memory_space<vmem>>
        %dma_wait3A_241 = arith.constant 0 : i32
        %dma_wait3A_242 = arith.constant 0 : i32
        %dma_wait3A_243 = tpu.memref_slice %arg8[%dma_wait3A_241, %dma_wait3A_242] : memref<10240x8xf32, #tpu.memory_space<vmem_shared>> -> memref<10240x8xf32, #tpu.memory_space<vmem_shared>>
        tpu.wait_indirect_dma semaphore(%arg15 : memref<!tpu.dma_semaphore, #tpu.memory_space<semaphore_mem>>) src(%dma_wait3A_243 : memref<10240x8xf32, #tpu.memory_space<vmem_shared>>) dst(%dma_wait3A_237 : memref<128x8xf32, #tpu.memory_space<vmem>>)
        %dma_wait3A_244 = arith.constant 128 : i32
        %dma_wait3A_245 = arith.constant 0 : i32
        %dma_wait3A_246 = tpu.memref_slice %arg13[%dma_wait3A_244, %dma_wait3A_245] : memref<256x8xf32, #tpu.memory_space<vmem>> -> memref<128x8xf32, #tpu.memory_space<vmem>>
        %dma_wait3A_247 = arith.constant 0 : i32
        %dma_wait3A_248 = tpu.memref_slice %arg9[%add3A_106, %dma_wait3A_247] : memref<88x128xi32, #tpu.memory_space<vmem>> -> memref<1x128xi32, #tpu.memory_space<vmem>>
        %dma_wait3A_249 = tpu.memref_squeeze %dma_wait3A_248 : memref<1x128xi32, #tpu.memory_space<vmem>> -> memref<128xi32, #tpu.memory_space<vmem>>
        %dma_wait3A_250 = arith.constant 0 : i32
        %dma_wait3A_251 = arith.constant 0 : i32
        %dma_wait3A_252 = tpu.memref_slice %arg8[%dma_wait3A_250, %dma_wait3A_251] : memref<10240x8xf32, #tpu.memory_space<vmem_shared>> -> memref<10240x8xf32, #tpu.memory_space<vmem_shared>>
        tpu.wait_indirect_dma semaphore(%arg15 : memref<!tpu.dma_semaphore, #tpu.memory_space<semaphore_mem>>) src(%dma_wait3A_252 : memref<10240x8xf32, #tpu.memory_space<vmem_shared>>) dst(%dma_wait3A_246 : memref<128x8xf32, #tpu.memory_space<vmem>>)
        %add3A_253 = arith.constant 2 : i32
        %add3A_254 = arith.addi %mul3A_32, %add3A_253 : i32
        %mul3A_255 = arith.constant 2 : i32
        %mul3A_256 = arith.muli %add3A_254, %mul3A_255 : i32
        %add3A_257 = arith.constant 0 : i32
        %add3A_258 = arith.addi %mul3A_256, %add3A_257 : i32
        %dma_start3A_259 = arith.constant 0 : i32
        %dma_start3A_260 = arith.constant 0 : i32
        %dma_start3A_261 = tpu.memref_slice %arg13[%dma_start3A_259, %dma_start3A_260] : memref<256x8xf32, #tpu.memory_space<vmem>> -> memref<128x8xf32, #tpu.memory_space<vmem>>
        %dma_start3A_262 = arith.constant 0 : i32
        %dma_start3A_263 = tpu.memref_slice %arg10[%add3A_258, %dma_start3A_262] : memref<88x128xi32, #tpu.memory_space<vmem>> -> memref<1x128xi32, #tpu.memory_space<vmem>>
        %dma_start3A_264 = tpu.memref_squeeze %dma_start3A_263 : memref<1x128xi32, #tpu.memory_space<vmem>> -> memref<128xi32, #tpu.memory_space<vmem>>
        %dma_start3A_265 = arith.constant 0 : i32
        %dma_start3A_266 = arith.constant 0 : i32
        %dma_start3A_267 = tpu.memref_slice %arg7[%dma_start3A_265, %dma_start3A_266] : memref<10240x8xf32, #tpu.memory_space<vmem_shared>> -> memref<10240x8xf32, #tpu.memory_space<vmem_shared>>
        tpu.enqueue_indirect_dma source(%dma_start3A_261 : memref<128x8xf32, #tpu.memory_space<vmem>>) target(%dma_start3A_267 : memref<10240x8xf32, #tpu.memory_space<vmem_shared>>) offsets(%dma_start3A_264 : memref<128xi32, #tpu.memory_space<vmem>>) semaphore(%arg16 : memref<!tpu.dma_semaphore, #tpu.memory_space<semaphore_mem>>) {add = true}
        %mul3A_268 = arith.constant 2 : i32
        %mul3A_269 = arith.muli %add3A_254, %mul3A_268 : i32
        %add3A_270 = arith.constant 1 : i32
        %add3A_271 = arith.addi %mul3A_269, %add3A_270 : i32
        %dma_start3A_272 = arith.constant 128 : i32
        %dma_start3A_273 = arith.constant 0 : i32
        %dma_start3A_274 = tpu.memref_slice %arg13[%dma_start3A_272, %dma_start3A_273] : memref<256x8xf32, #tpu.memory_space<vmem>> -> memref<128x8xf32, #tpu.memory_space<vmem>>
        %dma_start3A_275 = arith.constant 0 : i32
        %dma_start3A_276 = tpu.memref_slice %arg10[%add3A_271, %dma_start3A_275] : memref<88x128xi32, #tpu.memory_space<vmem>> -> memref<1x128xi32, #tpu.memory_space<vmem>>
        %dma_start3A_277 = tpu.memref_squeeze %dma_start3A_276 : memref<1x128xi32, #tpu.memory_space<vmem>> -> memref<128xi32, #tpu.memory_space<vmem>>
        %dma_start3A_278 = arith.constant 0 : i32
        %dma_start3A_279 = arith.constant 0 : i32
        %dma_start3A_280 = tpu.memref_slice %arg7[%dma_start3A_278, %dma_start3A_279] : memref<10240x8xf32, #tpu.memory_space<vmem_shared>> -> memref<10240x8xf32, #tpu.memory_space<vmem_shared>>
        tpu.enqueue_indirect_dma source(%dma_start3A_274 : memref<128x8xf32, #tpu.memory_space<vmem>>) target(%dma_start3A_280 : memref<10240x8xf32, #tpu.memory_space<vmem_shared>>) offsets(%dma_start3A_277 : memref<128xi32, #tpu.memory_space<vmem>>) semaphore(%arg16 : memref<!tpu.dma_semaphore, #tpu.memory_space<semaphore_mem>>) {add = true}
        %dma_wait3A_281 = arith.constant 0 : i32
        %dma_wait3A_282 = arith.constant 0 : i32
        %dma_wait3A_283 = tpu.memref_slice %arg14[%dma_wait3A_281, %dma_wait3A_282] : memref<256x8xf32, #tpu.memory_space<vmem>> -> memref<128x8xf32, #tpu.memory_space<vmem>>
        %dma_wait3A_284 = arith.constant 0 : i32
        %dma_wait3A_285 = tpu.memref_slice %arg9[%add3A_121, %dma_wait3A_284] : memref<88x128xi32, #tpu.memory_space<vmem>> -> memref<1x128xi32, #tpu.memory_space<vmem>>
        %dma_wait3A_286 = tpu.memref_squeeze %dma_wait3A_285 : memref<1x128xi32, #tpu.memory_space<vmem>> -> memref<128xi32, #tpu.memory_space<vmem>>
        %dma_wait3A_287 = arith.constant 0 : i32
        %dma_wait3A_288 = arith.constant 0 : i32
        %dma_wait3A_289 = tpu.memref_slice %arg8[%dma_wait3A_287, %dma_wait3A_288] : memref<10240x8xf32, #tpu.memory_space<vmem_shared>> -> memref<10240x8xf32, #tpu.memory_space<vmem_shared>>
        tpu.wait_indirect_dma semaphore(%arg15 : memref<!tpu.dma_semaphore, #tpu.memory_space<semaphore_mem>>) src(%dma_wait3A_289 : memref<10240x8xf32, #tpu.memory_space<vmem_shared>>) dst(%dma_wait3A_283 : memref<128x8xf32, #tpu.memory_space<vmem>>)
        %dma_wait3A_290 = arith.constant 128 : i32
        %dma_wait3A_291 = arith.constant 0 : i32
        %dma_wait3A_292 = tpu.memref_slice %arg14[%dma_wait3A_290, %dma_wait3A_291] : memref<256x8xf32, #tpu.memory_space<vmem>> -> memref<128x8xf32, #tpu.memory_space<vmem>>
        %dma_wait3A_293 = arith.constant 0 : i32
        %dma_wait3A_294 = tpu.memref_slice %arg9[%add3A_134, %dma_wait3A_293] : memref<88x128xi32, #tpu.memory_space<vmem>> -> memref<1x128xi32, #tpu.memory_space<vmem>>
        %dma_wait3A_295 = tpu.memref_squeeze %dma_wait3A_294 : memref<1x128xi32, #tpu.memory_space<vmem>> -> memref<128xi32, #tpu.memory_space<vmem>>
        %dma_wait3A_296 = arith.constant 0 : i32
        %dma_wait3A_297 = arith.constant 0 : i32
        %dma_wait3A_298 = tpu.memref_slice %arg8[%dma_wait3A_296, %dma_wait3A_297] : memref<10240x8xf32, #tpu.memory_space<vmem_shared>> -> memref<10240x8xf32, #tpu.memory_space<vmem_shared>>
        tpu.wait_indirect_dma semaphore(%arg15 : memref<!tpu.dma_semaphore, #tpu.memory_space<semaphore_mem>>) src(%dma_wait3A_298 : memref<10240x8xf32, #tpu.memory_space<vmem_shared>>) dst(%dma_wait3A_292 : memref<128x8xf32, #tpu.memory_space<vmem>>)
        %add3A_299 = arith.constant 3 : i32
        %add3A_300 = arith.addi %mul3A_32, %add3A_299 : i32
        %mul3A_301 = arith.constant 2 : i32
        %mul3A_302 = arith.muli %add3A_300, %mul3A_301 : i32
        %add3A_303 = arith.constant 0 : i32
        %add3A_304 = arith.addi %mul3A_302, %add3A_303 : i32
        %dma_start3A_305 = arith.constant 0 : i32
        %dma_start3A_306 = arith.constant 0 : i32
        %dma_start3A_307 = tpu.memref_slice %arg14[%dma_start3A_305, %dma_start3A_306] : memref<256x8xf32, #tpu.memory_space<vmem>> -> memref<128x8xf32, #tpu.memory_space<vmem>>
        %dma_start3A_308 = arith.constant 0 : i32
        %dma_start3A_309 = tpu.memref_slice %arg10[%add3A_304, %dma_start3A_308] : memref<88x128xi32, #tpu.memory_space<vmem>> -> memref<1x128xi32, #tpu.memory_space<vmem>>
        %dma_start3A_310 = tpu.memref_squeeze %dma_start3A_309 : memref<1x128xi32, #tpu.memory_space<vmem>> -> memref<128xi32, #tpu.memory_space<vmem>>
        %dma_start3A_311 = arith.constant 0 : i32
        %dma_start3A_312 = arith.constant 0 : i32
        %dma_start3A_313 = tpu.memref_slice %arg7[%dma_start3A_311, %dma_start3A_312] : memref<10240x8xf32, #tpu.memory_space<vmem_shared>> -> memref<10240x8xf32, #tpu.memory_space<vmem_shared>>
        tpu.enqueue_indirect_dma source(%dma_start3A_307 : memref<128x8xf32, #tpu.memory_space<vmem>>) target(%dma_start3A_313 : memref<10240x8xf32, #tpu.memory_space<vmem_shared>>) offsets(%dma_start3A_310 : memref<128xi32, #tpu.memory_space<vmem>>) semaphore(%arg16 : memref<!tpu.dma_semaphore, #tpu.memory_space<semaphore_mem>>) {add = true}
        %mul3A_314 = arith.constant 2 : i32
        %mul3A_315 = arith.muli %add3A_300, %mul3A_314 : i32
        %add3A_316 = arith.constant 1 : i32
        %add3A_317 = arith.addi %mul3A_315, %add3A_316 : i32
        %dma_start3A_318 = arith.constant 128 : i32
        %dma_start3A_319 = arith.constant 0 : i32
        %dma_start3A_320 = tpu.memref_slice %arg14[%dma_start3A_318, %dma_start3A_319] : memref<256x8xf32, #tpu.memory_space<vmem>> -> memref<128x8xf32, #tpu.memory_space<vmem>>
        %dma_start3A_321 = arith.constant 0 : i32
        %dma_start3A_322 = tpu.memref_slice %arg10[%add3A_317, %dma_start3A_321] : memref<88x128xi32, #tpu.memory_space<vmem>> -> memref<1x128xi32, #tpu.memory_space<vmem>>
        %dma_start3A_323 = tpu.memref_squeeze %dma_start3A_322 : memref<1x128xi32, #tpu.memory_space<vmem>> -> memref<128xi32, #tpu.memory_space<vmem>>
        %dma_start3A_324 = arith.constant 0 : i32
        %dma_start3A_325 = arith.constant 0 : i32
        %dma_start3A_326 = tpu.memref_slice %arg7[%dma_start3A_324, %dma_start3A_325] : memref<10240x8xf32, #tpu.memory_space<vmem_shared>> -> memref<10240x8xf32, #tpu.memory_space<vmem_shared>>
        tpu.enqueue_indirect_dma source(%dma_start3A_320 : memref<128x8xf32, #tpu.memory_space<vmem>>) target(%dma_start3A_326 : memref<10240x8xf32, #tpu.memory_space<vmem_shared>>) offsets(%dma_start3A_323 : memref<128xi32, #tpu.memory_space<vmem>>) semaphore(%arg16 : memref<!tpu.dma_semaphore, #tpu.memory_space<semaphore_mem>>) {add = true}
        %dma_wait3A_327 = arith.constant 0 : i32
        %dma_wait3A_328 = arith.constant 0 : i32
        %dma_wait3A_329 = tpu.memref_slice %arg11[%dma_wait3A_327, %dma_wait3A_328] : memref<256x8xf32, #tpu.memory_space<vmem>> -> memref<128x8xf32, #tpu.memory_space<vmem>>
        %dma_wait3A_330 = arith.constant 0 : i32
        %dma_wait3A_331 = tpu.memref_slice %arg10[%add3A_166, %dma_wait3A_330] : memref<88x128xi32, #tpu.memory_space<vmem>> -> memref<1x128xi32, #tpu.memory_space<vmem>>
        %dma_wait3A_332 = tpu.memref_squeeze %dma_wait3A_331 : memref<1x128xi32, #tpu.memory_space<vmem>> -> memref<128xi32, #tpu.memory_space<vmem>>
        %dma_wait3A_333 = arith.constant 0 : i32
        %dma_wait3A_334 = arith.constant 0 : i32
        %dma_wait3A_335 = tpu.memref_slice %arg7[%dma_wait3A_333, %dma_wait3A_334] : memref<10240x8xf32, #tpu.memory_space<vmem_shared>> -> memref<10240x8xf32, #tpu.memory_space<vmem_shared>>
        tpu.wait_indirect_dma semaphore(%arg16 : memref<!tpu.dma_semaphore, #tpu.memory_space<semaphore_mem>>) src(%dma_wait3A_329 : memref<128x8xf32, #tpu.memory_space<vmem>>) dst(%dma_wait3A_335 : memref<10240x8xf32, #tpu.memory_space<vmem_shared>>)
        %dma_wait3A_336 = arith.constant 128 : i32
        %dma_wait3A_337 = arith.constant 0 : i32
        %dma_wait3A_338 = tpu.memref_slice %arg11[%dma_wait3A_336, %dma_wait3A_337] : memref<256x8xf32, #tpu.memory_space<vmem>> -> memref<128x8xf32, #tpu.memory_space<vmem>>
        %dma_wait3A_339 = arith.constant 0 : i32
        %dma_wait3A_340 = tpu.memref_slice %arg10[%add3A_179, %dma_wait3A_339] : memref<88x128xi32, #tpu.memory_space<vmem>> -> memref<1x128xi32, #tpu.memory_space<vmem>>
        %dma_wait3A_341 = tpu.memref_squeeze %dma_wait3A_340 : memref<1x128xi32, #tpu.memory_space<vmem>> -> memref<128xi32, #tpu.memory_space<vmem>>
        %dma_wait3A_342 = arith.constant 0 : i32
        %dma_wait3A_343 = arith.constant 0 : i32
        %dma_wait3A_344 = tpu.memref_slice %arg7[%dma_wait3A_342, %dma_wait3A_343] : memref<10240x8xf32, #tpu.memory_space<vmem_shared>> -> memref<10240x8xf32, #tpu.memory_space<vmem_shared>>
        tpu.wait_indirect_dma semaphore(%arg16 : memref<!tpu.dma_semaphore, #tpu.memory_space<semaphore_mem>>) src(%dma_wait3A_338 : memref<128x8xf32, #tpu.memory_space<vmem>>) dst(%dma_wait3A_344 : memref<10240x8xf32, #tpu.memory_space<vmem_shared>>)
        %dma_wait3A_345 = arith.constant 0 : i32
        %dma_wait3A_346 = arith.constant 0 : i32
        %dma_wait3A_347 = tpu.memref_slice %arg12[%dma_wait3A_345, %dma_wait3A_346] : memref<256x8xf32, #tpu.memory_space<vmem>> -> memref<128x8xf32, #tpu.memory_space<vmem>>
        %dma_wait3A_348 = arith.constant 0 : i32
        %dma_wait3A_349 = tpu.memref_slice %arg10[%add3A_212, %dma_wait3A_348] : memref<88x128xi32, #tpu.memory_space<vmem>> -> memref<1x128xi32, #tpu.memory_space<vmem>>
        %dma_wait3A_350 = tpu.memref_squeeze %dma_wait3A_349 : memref<1x128xi32, #tpu.memory_space<vmem>> -> memref<128xi32, #tpu.memory_space<vmem>>
        %dma_wait3A_351 = arith.constant 0 : i32
        %dma_wait3A_352 = arith.constant 0 : i32
        %dma_wait3A_353 = tpu.memref_slice %arg7[%dma_wait3A_351, %dma_wait3A_352] : memref<10240x8xf32, #tpu.memory_space<vmem_shared>> -> memref<10240x8xf32, #tpu.memory_space<vmem_shared>>
        tpu.wait_indirect_dma semaphore(%arg16 : memref<!tpu.dma_semaphore, #tpu.memory_space<semaphore_mem>>) src(%dma_wait3A_347 : memref<128x8xf32, #tpu.memory_space<vmem>>) dst(%dma_wait3A_353 : memref<10240x8xf32, #tpu.memory_space<vmem_shared>>)
        %dma_wait3A_354 = arith.constant 128 : i32
        %dma_wait3A_355 = arith.constant 0 : i32
        %dma_wait3A_356 = tpu.memref_slice %arg12[%dma_wait3A_354, %dma_wait3A_355] : memref<256x8xf32, #tpu.memory_space<vmem>> -> memref<128x8xf32, #tpu.memory_space<vmem>>
        %dma_wait3A_357 = arith.constant 0 : i32
        %dma_wait3A_358 = tpu.memref_slice %arg10[%add3A_225, %dma_wait3A_357] : memref<88x128xi32, #tpu.memory_space<vmem>> -> memref<1x128xi32, #tpu.memory_space<vmem>>
        %dma_wait3A_359 = tpu.memref_squeeze %dma_wait3A_358 : memref<1x128xi32, #tpu.memory_space<vmem>> -> memref<128xi32, #tpu.memory_space<vmem>>
        %dma_wait3A_360 = arith.constant 0 : i32
        %dma_wait3A_361 = arith.constant 0 : i32
        %dma_wait3A_362 = tpu.memref_slice %arg7[%dma_wait3A_360, %dma_wait3A_361] : memref<10240x8xf32, #tpu.memory_space<vmem_shared>> -> memref<10240x8xf32, #tpu.memory_space<vmem_shared>>
        tpu.wait_indirect_dma semaphore(%arg16 : memref<!tpu.dma_semaphore, #tpu.memory_space<semaphore_mem>>) src(%dma_wait3A_356 : memref<128x8xf32, #tpu.memory_space<vmem>>) dst(%dma_wait3A_362 : memref<10240x8xf32, #tpu.memory_space<vmem_shared>>)
        %dma_wait3A_363 = arith.constant 0 : i32
        %dma_wait3A_364 = arith.constant 0 : i32
        %dma_wait3A_365 = tpu.memref_slice %arg13[%dma_wait3A_363, %dma_wait3A_364] : memref<256x8xf32, #tpu.memory_space<vmem>> -> memref<128x8xf32, #tpu.memory_space<vmem>>
        %dma_wait3A_366 = arith.constant 0 : i32
        %dma_wait3A_367 = tpu.memref_slice %arg10[%add3A_258, %dma_wait3A_366] : memref<88x128xi32, #tpu.memory_space<vmem>> -> memref<1x128xi32, #tpu.memory_space<vmem>>
        %dma_wait3A_368 = tpu.memref_squeeze %dma_wait3A_367 : memref<1x128xi32, #tpu.memory_space<vmem>> -> memref<128xi32, #tpu.memory_space<vmem>>
        %dma_wait3A_369 = arith.constant 0 : i32
        %dma_wait3A_370 = arith.constant 0 : i32
        %dma_wait3A_371 = tpu.memref_slice %arg7[%dma_wait3A_369, %dma_wait3A_370] : memref<10240x8xf32, #tpu.memory_space<vmem_shared>> -> memref<10240x8xf32, #tpu.memory_space<vmem_shared>>
        tpu.wait_indirect_dma semaphore(%arg16 : memref<!tpu.dma_semaphore, #tpu.memory_space<semaphore_mem>>) src(%dma_wait3A_365 : memref<128x8xf32, #tpu.memory_space<vmem>>) dst(%dma_wait3A_371 : memref<10240x8xf32, #tpu.memory_space<vmem_shared>>)
        %dma_wait3A_372 = arith.constant 128 : i32
        %dma_wait3A_373 = arith.constant 0 : i32
        %dma_wait3A_374 = tpu.memref_slice %arg13[%dma_wait3A_372, %dma_wait3A_373] : memref<256x8xf32, #tpu.memory_space<vmem>> -> memref<128x8xf32, #tpu.memory_space<vmem>>
        %dma_wait3A_375 = arith.constant 0 : i32
        %dma_wait3A_376 = tpu.memref_slice %arg10[%add3A_271, %dma_wait3A_375] : memref<88x128xi32, #tpu.memory_space<vmem>> -> memref<1x128xi32, #tpu.memory_space<vmem>>
        %dma_wait3A_377 = tpu.memref_squeeze %dma_wait3A_376 : memref<1x128xi32, #tpu.memory_space<vmem>> -> memref<128xi32, #tpu.memory_space<vmem>>
        %dma_wait3A_378 = arith.constant 0 : i32
        %dma_wait3A_379 = arith.constant 0 : i32
        %dma_wait3A_380 = tpu.memref_slice %arg7[%dma_wait3A_378, %dma_wait3A_379] : memref<10240x8xf32, #tpu.memory_space<vmem_shared>> -> memref<10240x8xf32, #tpu.memory_space<vmem_shared>>
        tpu.wait_indirect_dma semaphore(%arg16 : memref<!tpu.dma_semaphore, #tpu.memory_space<semaphore_mem>>) src(%dma_wait3A_374 : memref<128x8xf32, #tpu.memory_space<vmem>>) dst(%dma_wait3A_380 : memref<10240x8xf32, #tpu.memory_space<vmem_shared>>)
        %dma_wait3A_381 = arith.constant 0 : i32
        %dma_wait3A_382 = arith.constant 0 : i32
        %dma_wait3A_383 = tpu.memref_slice %arg14[%dma_wait3A_381, %dma_wait3A_382] : memref<256x8xf32, #tpu.memory_space<vmem>> -> memref<128x8xf32, #tpu.memory_space<vmem>>
        %dma_wait3A_384 = arith.constant 0 : i32
        %dma_wait3A_385 = tpu.memref_slice %arg10[%add3A_304, %dma_wait3A_384] : memref<88x128xi32, #tpu.memory_space<vmem>> -> memref<1x128xi32, #tpu.memory_space<vmem>>
        %dma_wait3A_386 = tpu.memref_squeeze %dma_wait3A_385 : memref<1x128xi32, #tpu.memory_space<vmem>> -> memref<128xi32, #tpu.memory_space<vmem>>
        %dma_wait3A_387 = arith.constant 0 : i32
        %dma_wait3A_388 = arith.constant 0 : i32
        %dma_wait3A_389 = tpu.memref_slice %arg7[%dma_wait3A_387, %dma_wait3A_388] : memref<10240x8xf32, #tpu.memory_space<vmem_shared>> -> memref<10240x8xf32, #tpu.memory_space<vmem_shared>>
        tpu.wait_indirect_dma semaphore(%arg16 : memref<!tpu.dma_semaphore, #tpu.memory_space<semaphore_mem>>) src(%dma_wait3A_383 : memref<128x8xf32, #tpu.memory_space<vmem>>) dst(%dma_wait3A_389 : memref<10240x8xf32, #tpu.memory_space<vmem_shared>>)
        %dma_wait3A_390 = arith.constant 128 : i32
        %dma_wait3A_391 = arith.constant 0 : i32
        %dma_wait3A_392 = tpu.memref_slice %arg14[%dma_wait3A_390, %dma_wait3A_391] : memref<256x8xf32, #tpu.memory_space<vmem>> -> memref<128x8xf32, #tpu.memory_space<vmem>>
        %dma_wait3A_393 = arith.constant 0 : i32
        %dma_wait3A_394 = tpu.memref_slice %arg10[%add3A_317, %dma_wait3A_393] : memref<88x128xi32, #tpu.memory_space<vmem>> -> memref<1x128xi32, #tpu.memory_space<vmem>>
        %dma_wait3A_395 = tpu.memref_squeeze %dma_wait3A_394 : memref<1x128xi32, #tpu.memory_space<vmem>> -> memref<128xi32, #tpu.memory_space<vmem>>
        %dma_wait3A_396 = arith.constant 0 : i32
        %dma_wait3A_397 = arith.constant 0 : i32
        %dma_wait3A_398 = tpu.memref_slice %arg7[%dma_wait3A_396, %dma_wait3A_397] : memref<10240x8xf32, #tpu.memory_space<vmem_shared>> -> memref<10240x8xf32, #tpu.memory_space<vmem_shared>>
        tpu.wait_indirect_dma semaphore(%arg16 : memref<!tpu.dma_semaphore, #tpu.memory_space<semaphore_mem>>) src(%dma_wait3A_392 : memref<128x8xf32, #tpu.memory_space<vmem>>) dst(%dma_wait3A_398 : memref<10240x8xf32, #tpu.memory_space<vmem_shared>>)
      }
      %scan3A_25 = arith.constant 9 : i32
    } else {
    }
    %barrier3A = arith.constant 0 : index
    tpu.barrier barrier_id(%barrier3A)
    %mul3A_14 = arith.constant 640 : i32
    %mul3A_15 = arith.muli %arg1, %mul3A_14 : i32
    %mul3A_16 = arith.constant 640 : i32
    %mul3A_17 = arith.muli %arg1, %mul3A_16 : i32
    "tpu.region"() ({
      %run_scoped3A = tpu.sem_alloc : memref<!tpu.dma_semaphore, #tpu.memory_space<semaphore_mem>>
      %dma_start3A = arith.constant 0 : i32
      %dma_start3A_18 = tpu.memref_slice %arg6[%arg0, %mul3A_17, %dma_start3A] : memref<2x10240x8xf32, #tpu.memory_space<hbm>> -> memref<1x640x8xf32, #tpu.memory_space<hbm>>
      %dma_start3A_19 = tpu.memref_squeeze %dma_start3A_18 : memref<1x640x8xf32, #tpu.memory_space<hbm>> -> memref<640x8xf32, #tpu.memory_space<hbm>>
      %dma_start3A_20 = arith.constant 0 : i32
      %dma_start3A_21 = tpu.memref_slice %arg7[%mul3A_15, %dma_start3A_20] : memref<10240x8xf32, #tpu.memory_space<vmem_shared>> -> memref<640x8xf32, #tpu.memory_space<vmem_shared>>
      tpu.enqueue_dma source(%dma_start3A_21 : memref<640x8xf32, #tpu.memory_space<vmem_shared>>) target(%dma_start3A_19 : memref<640x8xf32, #tpu.memory_space<hbm>>) target_semaphore(%run_scoped3A : memref<!tpu.dma_semaphore, #tpu.memory_space<semaphore_mem>>)
      %dma_wait3A = arith.constant 0 : i32
      %dma_wait3A_22 = tpu.memref_slice %arg6[%arg0, %mul3A_17, %dma_wait3A] : memref<2x10240x8xf32, #tpu.memory_space<hbm>> -> memref<1x640x8xf32, #tpu.memory_space<hbm>>
      %dma_wait3A_23 = tpu.memref_squeeze %dma_wait3A_22 : memref<1x640x8xf32, #tpu.memory_space<hbm>> -> memref<640x8xf32, #tpu.memory_space<hbm>>
      %dma_wait3A_24 = arith.constant 0 : i32
      %dma_wait3A_25 = tpu.memref_slice %arg7[%mul3A_15, %dma_wait3A_24] : memref<10240x8xf32, #tpu.memory_space<vmem_shared>> -> memref<640x8xf32, #tpu.memory_space<vmem_shared>>
      tpu.wait_dma2 semaphore(%run_scoped3A : memref<!tpu.dma_semaphore, #tpu.memory_space<semaphore_mem>>) src(%dma_wait3A_25 : memref<640x8xf32, #tpu.memory_space<vmem_shared>>) dst(%dma_wait3A_23 : memref<640x8xf32, #tpu.memory_space<hbm>>)
      tpu.yield
    }) : () -> ()
    return
  }
}

#map = affine_map<(d0, d1) -> (0, 0)>
#map1 = affine_map<(d0, d1) -> (0, 0, 0)>
module attributes {stable_mosaic.version = 14 : i64} {
  func.func @agg(%arg0: i32, %arg1: i32, %arg2: memref<10240x8xf32, #tpu.memory_space<hbm>>, %arg3: memref<2560x128xi32, #tpu.memory_space<hbm>>, %arg4: memref<2560x128xi32, #tpu.memory_space<hbm>>, %arg5: memref<10240x8xf32, #tpu.memory_space<hbm>>, %arg6: memref<2x10240x8xf32, #tpu.memory_space<hbm>>, %arg7: memref<10240x8xf32, #tpu.memory_space<vmem_shared>>, %arg8: memref<10240x8xf32, #tpu.memory_space<vmem_shared>>, %arg9: memref<88x128xi32, #tpu.memory_space<vmem>>, %arg10: memref<88x128xi32, #tpu.memory_space<vmem>>, %arg11: memref<256x8xf32, #tpu.memory_space<vmem>>, %arg12: memref<256x8xf32, #tpu.memory_space<vmem>>, %arg13: memref<256x8xf32, #tpu.memory_space<vmem>>, %arg14: memref<256x8xf32, #tpu.memory_space<vmem>>, %arg15: memref<!tpu.dma_semaphore, #tpu.memory_space<semaphore_mem>>, %arg16: memref<!tpu.dma_semaphore, #tpu.memory_space<semaphore_mem>>) attributes {dimension_semantics = [#tpu.dimension_semantics<core_parallel>, #tpu.dimension_semantics<subcore_parallel>], iteration_bounds = array<i64: 2, 16>, scalar_prefetch = 0 : i64, scratch_operands = 10 : i64, tpu.core_type = #tpu.core_type<sc_vector_subcore>, window_params = [{transform_indices = #map}, {transform_indices = #map}, {transform_indices = #map}, {transform_indices = #map}, {transform_indices = #map1}]} {
    %mul3A = arith.constant 640 : i32
    %mul3A_0 = arith.muli %arg1, %mul3A : i32
    %mul3A_1 = arith.constant 640 : i32
    %mul3A_2 = arith.muli %arg1, %mul3A_1 : i32
    "tpu.region"() ({
      %run_scoped3A = tpu.sem_alloc : memref<!tpu.dma_semaphore, #tpu.memory_space<semaphore_mem>>
      %dma_start3A = arith.constant 0 : i32
      %dma_start3A_18 = tpu.memref_slice %arg7[%mul3A_2, %dma_start3A] : memref<10240x8xf32, #tpu.memory_space<vmem_shared>> -> memref<640x8xf32, #tpu.memory_space<vmem_shared>>
      %dma_start3A_19 = arith.constant 0 : i32
      %dma_start3A_20 = tpu.memref_slice %arg5[%mul3A_0, %dma_start3A_19] : memref<10240x8xf32, #tpu.memory_space<hbm>> -> memref<640x8xf32, #tpu.memory_space<hbm>>
      tpu.enqueue_dma source(%dma_start3A_20 : memref<640x8xf32, #tpu.memory_space<hbm>>) target(%dma_start3A_18 : memref<640x8xf32, #tpu.memory_space<vmem_shared>>) target_semaphore(%run_scoped3A : memref<!tpu.dma_semaphore, #tpu.memory_space<semaphore_mem>>)
      %dma_wait3A = arith.constant 0 : i32
      %dma_wait3A_21 = tpu.memref_slice %arg7[%mul3A_2, %dma_wait3A] : memref<10240x8xf32, #tpu.memory_space<vmem_shared>> -> memref<640x8xf32, #tpu.memory_space<vmem_shared>>
      %dma_wait3A_22 = arith.constant 0 : i32
      %dma_wait3A_23 = tpu.memref_slice %arg5[%mul3A_0, %dma_wait3A_22] : memref<10240x8xf32, #tpu.memory_space<hbm>> -> memref<640x8xf32, #tpu.memory_space<hbm>>
      tpu.wait_dma2 semaphore(%run_scoped3A : memref<!tpu.dma_semaphore, #tpu.memory_space<semaphore_mem>>) src(%dma_wait3A_23 : memref<640x8xf32, #tpu.memory_space<hbm>>) dst(%dma_wait3A_21 : memref<640x8xf32, #tpu.memory_space<vmem_shared>>)
      tpu.yield
    }) : () -> ()
    %mul3A_3 = arith.constant 640 : i32
    %mul3A_4 = arith.muli %arg1, %mul3A_3 : i32
    %mul3A_5 = arith.constant 640 : i32
    %mul3A_6 = arith.muli %arg1, %mul3A_5 : i32
    "tpu.region"() ({
      %run_scoped3A = tpu.sem_alloc : memref<!tpu.dma_semaphore, #tpu.memory_space<semaphore_mem>>
      %dma_start3A = arith.constant 0 : i32
      %dma_start3A_18 = tpu.memref_slice %arg8[%mul3A_6, %dma_start3A] : memref<10240x8xf32, #tpu.memory_space<vmem_shared>> -> memref<640x8xf32, #tpu.memory_space<vmem_shared>>
      %dma_start3A_19 = arith.constant 0 : i32
      %dma_start3A_20 = tpu.memref_slice %arg2[%mul3A_4, %dma_start3A_19] : memref<10240x8xf32, #tpu.memory_space<hbm>> -> memref<640x8xf32, #tpu.memory_space<hbm>>
      tpu.enqueue_dma source(%dma_start3A_20 : memref<640x8xf32, #tpu.memory_space<hbm>>) target(%dma_start3A_18 : memref<640x8xf32, #tpu.memory_space<vmem_shared>>) target_semaphore(%run_scoped3A : memref<!tpu.dma_semaphore, #tpu.memory_space<semaphore_mem>>)
      %dma_wait3A = arith.constant 0 : i32
      %dma_wait3A_21 = tpu.memref_slice %arg8[%mul3A_6, %dma_wait3A] : memref<10240x8xf32, #tpu.memory_space<vmem_shared>> -> memref<640x8xf32, #tpu.memory_space<vmem_shared>>
      %dma_wait3A_22 = arith.constant 0 : i32
      %dma_wait3A_23 = tpu.memref_slice %arg2[%mul3A_4, %dma_wait3A_22] : memref<10240x8xf32, #tpu.memory_space<hbm>> -> memref<640x8xf32, #tpu.memory_space<hbm>>
      tpu.wait_dma2 semaphore(%run_scoped3A : memref<!tpu.dma_semaphore, #tpu.memory_space<semaphore_mem>>) src(%dma_wait3A_23 : memref<640x8xf32, #tpu.memory_space<hbm>>) dst(%dma_wait3A_21 : memref<640x8xf32, #tpu.memory_space<vmem_shared>>)
      tpu.yield
    }) : () -> ()
    %eq3A = arith.constant 0 : i32
    %eq3A_7 = arith.cmpi eq, %arg0, %eq3A : i32
    %convert_element_type3A = arith.extui %eq3A_7 : i1 to i32
    %cond3A = arith.constant 0 : i32
    %cond3A_8 = arith.cmpi ne, %convert_element_type3A, %cond3A : i32
    scf.if %cond3A_8 {
      %mul3A_18 = arith.constant 88 : i32
      %mul3A_19 = arith.muli %arg1, %mul3A_18 : i32
      "tpu.region"() ({
        %run_scoped3A = tpu.sem_alloc : memref<!tpu.dma_semaphore, #tpu.memory_space<semaphore_mem>>
        %dma_start3A = arith.constant 0 : i32
        %dma_start3A_25 = arith.constant 0 : i32
        %dma_start3A_26 = tpu.memref_slice %arg9[%dma_start3A, %dma_start3A_25] : memref<88x128xi32, #tpu.memory_space<vmem>> -> memref<88x128xi32, #tpu.memory_space<vmem>>
        %dma_start3A_27 = arith.constant 0 : i32
        %dma_start3A_28 = tpu.memref_slice %arg3[%mul3A_19, %dma_start3A_27] : memref<2560x128xi32, #tpu.memory_space<hbm>> -> memref<88x128xi32, #tpu.memory_space<hbm>>
        %dma_start3A_29 = arith.constant 0 : i32
        %dma_start3A_30 = arith.constant 0 : i32
        %dma_start3A_31 = tpu.memref_slice %arg9[%dma_start3A_29, %dma_start3A_30] : memref<88x128xi32, #tpu.memory_space<vmem>> -> memref<88x128xi32, #tpu.memory_space<vmem>>
        %dma_start3A_32 = arith.constant 0 : i32
        %dma_start3A_33 = tpu.memref_slice %arg3[%mul3A_19, %dma_start3A_32] : memref<2560x128xi32, #tpu.memory_space<hbm>> -> memref<88x128xi32, #tpu.memory_space<hbm>>
        tpu.enqueue_dma source(%dma_start3A_33 : memref<88x128xi32, #tpu.memory_space<hbm>>) target(%dma_start3A_31 : memref<88x128xi32, #tpu.memory_space<vmem>>) target_semaphore(%run_scoped3A : memref<!tpu.dma_semaphore, #tpu.memory_space<semaphore_mem>>)
        %dma_wait3A = arith.constant 0 : i32
        %dma_wait3A_34 = arith.constant 0 : i32
        %dma_wait3A_35 = tpu.memref_slice %arg9[%dma_wait3A, %dma_wait3A_34] : memref<88x128xi32, #tpu.memory_space<vmem>> -> memref<88x128xi32, #tpu.memory_space<vmem>>
        %dma_wait3A_36 = arith.constant 0 : i32
        %dma_wait3A_37 = tpu.memref_slice %arg3[%mul3A_19, %dma_wait3A_36] : memref<2560x128xi32, #tpu.memory_space<hbm>> -> memref<88x128xi32, #tpu.memory_space<hbm>>
        %dma_wait3A_38 = arith.constant 0 : i32
        %dma_wait3A_39 = arith.constant 0 : i32
        %dma_wait3A_40 = tpu.memref_slice %arg9[%dma_wait3A_38, %dma_wait3A_39] : memref<88x128xi32, #tpu.memory_space<vmem>> -> memref<88x128xi32, #tpu.memory_space<vmem>>
        %dma_wait3A_41 = arith.constant 0 : i32
        %dma_wait3A_42 = tpu.memref_slice %arg3[%mul3A_19, %dma_wait3A_41] : memref<2560x128xi32, #tpu.memory_space<hbm>> -> memref<88x128xi32, #tpu.memory_space<hbm>>
        tpu.wait_dma2 semaphore(%run_scoped3A : memref<!tpu.dma_semaphore, #tpu.memory_space<semaphore_mem>>) src(%dma_wait3A_42 : memref<88x128xi32, #tpu.memory_space<hbm>>) dst(%dma_wait3A_40 : memref<88x128xi32, #tpu.memory_space<vmem>>)
        tpu.yield
      }) : () -> ()
      "tpu.region"() ({
        %run_scoped3A = tpu.sem_alloc : memref<!tpu.dma_semaphore, #tpu.memory_space<semaphore_mem>>
        %dma_start3A = arith.constant 0 : i32
        %dma_start3A_25 = arith.constant 0 : i32
        %dma_start3A_26 = tpu.memref_slice %arg10[%dma_start3A, %dma_start3A_25] : memref<88x128xi32, #tpu.memory_space<vmem>> -> memref<88x128xi32, #tpu.memory_space<vmem>>
        %dma_start3A_27 = arith.constant 0 : i32
        %dma_start3A_28 = tpu.memref_slice %arg4[%mul3A_19, %dma_start3A_27] : memref<2560x128xi32, #tpu.memory_space<hbm>> -> memref<88x128xi32, #tpu.memory_space<hbm>>
        %dma_start3A_29 = arith.constant 0 : i32
        %dma_start3A_30 = arith.constant 0 : i32
        %dma_start3A_31 = tpu.memref_slice %arg10[%dma_start3A_29, %dma_start3A_30] : memref<88x128xi32, #tpu.memory_space<vmem>> -> memref<88x128xi32, #tpu.memory_space<vmem>>
        %dma_start3A_32 = arith.constant 0 : i32
        %dma_start3A_33 = tpu.memref_slice %arg4[%mul3A_19, %dma_start3A_32] : memref<2560x128xi32, #tpu.memory_space<hbm>> -> memref<88x128xi32, #tpu.memory_space<hbm>>
        tpu.enqueue_dma source(%dma_start3A_33 : memref<88x128xi32, #tpu.memory_space<hbm>>) target(%dma_start3A_31 : memref<88x128xi32, #tpu.memory_space<vmem>>) target_semaphore(%run_scoped3A : memref<!tpu.dma_semaphore, #tpu.memory_space<semaphore_mem>>)
        %dma_wait3A = arith.constant 0 : i32
        %dma_wait3A_34 = arith.constant 0 : i32
        %dma_wait3A_35 = tpu.memref_slice %arg10[%dma_wait3A, %dma_wait3A_34] : memref<88x128xi32, #tpu.memory_space<vmem>> -> memref<88x128xi32, #tpu.memory_space<vmem>>
        %dma_wait3A_36 = arith.constant 0 : i32
        %dma_wait3A_37 = tpu.memref_slice %arg4[%mul3A_19, %dma_wait3A_36] : memref<2560x128xi32, #tpu.memory_space<hbm>> -> memref<88x128xi32, #tpu.memory_space<hbm>>
        %dma_wait3A_38 = arith.constant 0 : i32
        %dma_wait3A_39 = arith.constant 0 : i32
        %dma_wait3A_40 = tpu.memref_slice %arg10[%dma_wait3A_38, %dma_wait3A_39] : memref<88x128xi32, #tpu.memory_space<vmem>> -> memref<88x128xi32, #tpu.memory_space<vmem>>
        %dma_wait3A_41 = arith.constant 0 : i32
        %dma_wait3A_42 = tpu.memref_slice %arg4[%mul3A_19, %dma_wait3A_41] : memref<2560x128xi32, #tpu.memory_space<hbm>> -> memref<88x128xi32, #tpu.memory_space<hbm>>
        tpu.wait_dma2 semaphore(%run_scoped3A : memref<!tpu.dma_semaphore, #tpu.memory_space<semaphore_mem>>) src(%dma_wait3A_42 : memref<88x128xi32, #tpu.memory_space<hbm>>) dst(%dma_wait3A_40 : memref<88x128xi32, #tpu.memory_space<vmem>>)
        tpu.yield
      }) : () -> ()
      %barrier3A_20 = arith.constant 0 : index
      tpu.barrier barrier_id(%barrier3A_20)
      %scan3A = arith.constant 0 : i32
      %scan3A_21 = arith.constant 11 : i32
      %scan3A_22 = arith.addi %scan3A, %scan3A_21 : i32
      %scan3A_23 = arith.constant 1 : i32
      scf.for %scan3A_25 = %scan3A to %scan3A_22 step %scan3A_23  : i32 {
        %mul3A_26 = arith.constant 1 : i32
        %mul3A_27 = arith.muli %scan3A_25, %mul3A_26 : i32
        %add3A = arith.constant 0 : i32
        %add3A_28 = arith.addi %add3A, %mul3A_27 : i32
        %mul3A_29 = arith.constant 4 : i32
        %mul3A_30 = arith.muli %mul3A_29, %add3A_28 : i32
        %add3A_31 = arith.constant 0 : i32
        %add3A_32 = arith.addi %mul3A_30, %add3A_31 : i32
        %mul3A_33 = arith.constant 2 : i32
        %mul3A_34 = arith.muli %add3A_32, %mul3A_33 : i32
        %add3A_35 = arith.constant 0 : i32
        %add3A_36 = arith.addi %mul3A_34, %add3A_35 : i32
        %dma_start3A = arith.constant 0 : i32
        %dma_start3A_37 = arith.constant 0 : i32
        %dma_start3A_38 = tpu.memref_slice %arg11[%dma_start3A, %dma_start3A_37] : memref<256x8xf32, #tpu.memory_space<vmem>> -> memref<128x8xf32, #tpu.memory_space<vmem>>
        %dma_start3A_39 = arith.constant 0 : i32
        %dma_start3A_40 = tpu.memref_slice %arg9[%add3A_36, %dma_start3A_39] : memref<88x128xi32, #tpu.memory_space<vmem>> -> memref<1x128xi32, #tpu.memory_space<vmem>>
        %dma_start3A_41 = tpu.memref_squeeze %dma_start3A_40 : memref<1x128xi32, #tpu.memory_space<vmem>> -> memref<128xi32, #tpu.memory_space<vmem>>
        %dma_start3A_42 = arith.constant 0 : i32
        %dma_start3A_43 = arith.constant 0 : i32
        %dma_start3A_44 = tpu.memref_slice %arg8[%dma_start3A_42, %dma_start3A_43] : memref<10240x8xf32, #tpu.memory_space<vmem_shared>> -> memref<10240x8xf32, #tpu.memory_space<vmem_shared>>
        tpu.enqueue_indirect_dma source(%dma_start3A_44 : memref<10240x8xf32, #tpu.memory_space<vmem_shared>>) target(%dma_start3A_38 : memref<128x8xf32, #tpu.memory_space<vmem>>) offsets(%dma_start3A_41 : memref<128xi32, #tpu.memory_space<vmem>>) semaphore(%arg15 : memref<!tpu.dma_semaphore, #tpu.memory_space<semaphore_mem>>)
        %mul3A_45 = arith.constant 2 : i32
        %mul3A_46 = arith.muli %add3A_32, %mul3A_45 : i32
        %add3A_47 = arith.constant 1 : i32
        %add3A_48 = arith.addi %mul3A_46, %add3A_47 : i32
        %dma_start3A_49 = arith.constant 128 : i32
        %dma_start3A_50 = arith.constant 0 : i32
        %dma_start3A_51 = tpu.memref_slice %arg11[%dma_start3A_49, %dma_start3A_50] : memref<256x8xf32, #tpu.memory_space<vmem>> -> memref<128x8xf32, #tpu.memory_space<vmem>>
        %dma_start3A_52 = arith.constant 0 : i32
        %dma_start3A_53 = tpu.memref_slice %arg9[%add3A_48, %dma_start3A_52] : memref<88x128xi32, #tpu.memory_space<vmem>> -> memref<1x128xi32, #tpu.memory_space<vmem>>
        %dma_start3A_54 = tpu.memref_squeeze %dma_start3A_53 : memref<1x128xi32, #tpu.memory_space<vmem>> -> memref<128xi32, #tpu.memory_space<vmem>>
        %dma_start3A_55 = arith.constant 0 : i32
        %dma_start3A_56 = arith.constant 0 : i32
        %dma_start3A_57 = tpu.memref_slice %arg8[%dma_start3A_55, %dma_start3A_56] : memref<10240x8xf32, #tpu.memory_space<vmem_shared>> -> memref<10240x8xf32, #tpu.memory_space<vmem_shared>>
        tpu.enqueue_indirect_dma source(%dma_start3A_57 : memref<10240x8xf32, #tpu.memory_space<vmem_shared>>) target(%dma_start3A_51 : memref<128x8xf32, #tpu.memory_space<vmem>>) offsets(%dma_start3A_54 : memref<128xi32, #tpu.memory_space<vmem>>) semaphore(%arg15 : memref<!tpu.dma_semaphore, #tpu.memory_space<semaphore_mem>>)
        %add3A_58 = arith.constant 1 : i32
        %add3A_59 = arith.addi %mul3A_30, %add3A_58 : i32
        %mul3A_60 = arith.constant 2 : i32
        %mul3A_61 = arith.muli %add3A_59, %mul3A_60 : i32
        %add3A_62 = arith.constant 0 : i32
        %add3A_63 = arith.addi %mul3A_61, %add3A_62 : i32
        %dma_start3A_64 = arith.constant 0 : i32
        %dma_start3A_65 = arith.constant 0 : i32
        %dma_start3A_66 = tpu.memref_slice %arg12[%dma_start3A_64, %dma_start3A_65] : memref<256x8xf32, #tpu.memory_space<vmem>> -> memref<128x8xf32, #tpu.memory_space<vmem>>
        %dma_start3A_67 = arith.constant 0 : i32
        %dma_start3A_68 = tpu.memref_slice %arg9[%add3A_63, %dma_start3A_67] : memref<88x128xi32, #tpu.memory_space<vmem>> -> memref<1x128xi32, #tpu.memory_space<vmem>>
        %dma_start3A_69 = tpu.memref_squeeze %dma_start3A_68 : memref<1x128xi32, #tpu.memory_space<vmem>> -> memref<128xi32, #tpu.memory_space<vmem>>
        %dma_start3A_70 = arith.constant 0 : i32
        %dma_start3A_71 = arith.constant 0 : i32
        %dma_start3A_72 = tpu.memref_slice %arg8[%dma_start3A_70, %dma_start3A_71] : memref<10240x8xf32, #tpu.memory_space<vmem_shared>> -> memref<10240x8xf32, #tpu.memory_space<vmem_shared>>
        tpu.enqueue_indirect_dma source(%dma_start3A_72 : memref<10240x8xf32, #tpu.memory_space<vmem_shared>>) target(%dma_start3A_66 : memref<128x8xf32, #tpu.memory_space<vmem>>) offsets(%dma_start3A_69 : memref<128xi32, #tpu.memory_space<vmem>>) semaphore(%arg15 : memref<!tpu.dma_semaphore, #tpu.memory_space<semaphore_mem>>)
        %mul3A_73 = arith.constant 2 : i32
        %mul3A_74 = arith.muli %add3A_59, %mul3A_73 : i32
        %add3A_75 = arith.constant 1 : i32
        %add3A_76 = arith.addi %mul3A_74, %add3A_75 : i32
        %dma_start3A_77 = arith.constant 128 : i32
        %dma_start3A_78 = arith.constant 0 : i32
        %dma_start3A_79 = tpu.memref_slice %arg12[%dma_start3A_77, %dma_start3A_78] : memref<256x8xf32, #tpu.memory_space<vmem>> -> memref<128x8xf32, #tpu.memory_space<vmem>>
        %dma_start3A_80 = arith.constant 0 : i32
        %dma_start3A_81 = tpu.memref_slice %arg9[%add3A_76, %dma_start3A_80] : memref<88x128xi32, #tpu.memory_space<vmem>> -> memref<1x128xi32, #tpu.memory_space<vmem>>
        %dma_start3A_82 = tpu.memref_squeeze %dma_start3A_81 : memref<1x128xi32, #tpu.memory_space<vmem>> -> memref<128xi32, #tpu.memory_space<vmem>>
        %dma_start3A_83 = arith.constant 0 : i32
        %dma_start3A_84 = arith.constant 0 : i32
        %dma_start3A_85 = tpu.memref_slice %arg8[%dma_start3A_83, %dma_start3A_84] : memref<10240x8xf32, #tpu.memory_space<vmem_shared>> -> memref<10240x8xf32, #tpu.memory_space<vmem_shared>>
        tpu.enqueue_indirect_dma source(%dma_start3A_85 : memref<10240x8xf32, #tpu.memory_space<vmem_shared>>) target(%dma_start3A_79 : memref<128x8xf32, #tpu.memory_space<vmem>>) offsets(%dma_start3A_82 : memref<128xi32, #tpu.memory_space<vmem>>) semaphore(%arg15 : memref<!tpu.dma_semaphore, #tpu.memory_space<semaphore_mem>>)
        %add3A_86 = arith.constant 2 : i32
        %add3A_87 = arith.addi %mul3A_30, %add3A_86 : i32
        %mul3A_88 = arith.constant 2 : i32
        %mul3A_89 = arith.muli %add3A_87, %mul3A_88 : i32
        %add3A_90 = arith.constant 0 : i32
        %add3A_91 = arith.addi %mul3A_89, %add3A_90 : i32
        %dma_start3A_92 = arith.constant 0 : i32
        %dma_start3A_93 = arith.constant 0 : i32
        %dma_start3A_94 = tpu.memref_slice %arg13[%dma_start3A_92, %dma_start3A_93] : memref<256x8xf32, #tpu.memory_space<vmem>> -> memref<128x8xf32, #tpu.memory_space<vmem>>
        %dma_start3A_95 = arith.constant 0 : i32
        %dma_start3A_96 = tpu.memref_slice %arg9[%add3A_91, %dma_start3A_95] : memref<88x128xi32, #tpu.memory_space<vmem>> -> memref<1x128xi32, #tpu.memory_space<vmem>>
        %dma_start3A_97 = tpu.memref_squeeze %dma_start3A_96 : memref<1x128xi32, #tpu.memory_space<vmem>> -> memref<128xi32, #tpu.memory_space<vmem>>
        %dma_start3A_98 = arith.constant 0 : i32
        %dma_start3A_99 = arith.constant 0 : i32
        %dma_start3A_100 = tpu.memref_slice %arg8[%dma_start3A_98, %dma_start3A_99] : memref<10240x8xf32, #tpu.memory_space<vmem_shared>> -> memref<10240x8xf32, #tpu.memory_space<vmem_shared>>
        tpu.enqueue_indirect_dma source(%dma_start3A_100 : memref<10240x8xf32, #tpu.memory_space<vmem_shared>>) target(%dma_start3A_94 : memref<128x8xf32, #tpu.memory_space<vmem>>) offsets(%dma_start3A_97 : memref<128xi32, #tpu.memory_space<vmem>>) semaphore(%arg15 : memref<!tpu.dma_semaphore, #tpu.memory_space<semaphore_mem>>)
        %mul3A_101 = arith.constant 2 : i32
        %mul3A_102 = arith.muli %add3A_87, %mul3A_101 : i32
        %add3A_103 = arith.constant 1 : i32
        %add3A_104 = arith.addi %mul3A_102, %add3A_103 : i32
        %dma_start3A_105 = arith.constant 128 : i32
        %dma_start3A_106 = arith.constant 0 : i32
        %dma_start3A_107 = tpu.memref_slice %arg13[%dma_start3A_105, %dma_start3A_106] : memref<256x8xf32, #tpu.memory_space<vmem>> -> memref<128x8xf32, #tpu.memory_space<vmem>>
        %dma_start3A_108 = arith.constant 0 : i32
        %dma_start3A_109 = tpu.memref_slice %arg9[%add3A_104, %dma_start3A_108] : memref<88x128xi32, #tpu.memory_space<vmem>> -> memref<1x128xi32, #tpu.memory_space<vmem>>
        %dma_start3A_110 = tpu.memref_squeeze %dma_start3A_109 : memref<1x128xi32, #tpu.memory_space<vmem>> -> memref<128xi32, #tpu.memory_space<vmem>>
        %dma_start3A_111 = arith.constant 0 : i32
        %dma_start3A_112 = arith.constant 0 : i32
        %dma_start3A_113 = tpu.memref_slice %arg8[%dma_start3A_111, %dma_start3A_112] : memref<10240x8xf32, #tpu.memory_space<vmem_shared>> -> memref<10240x8xf32, #tpu.memory_space<vmem_shared>>
        tpu.enqueue_indirect_dma source(%dma_start3A_113 : memref<10240x8xf32, #tpu.memory_space<vmem_shared>>) target(%dma_start3A_107 : memref<128x8xf32, #tpu.memory_space<vmem>>) offsets(%dma_start3A_110 : memref<128xi32, #tpu.memory_space<vmem>>) semaphore(%arg15 : memref<!tpu.dma_semaphore, #tpu.memory_space<semaphore_mem>>)
        %add3A_114 = arith.constant 3 : i32
        %add3A_115 = arith.addi %mul3A_30, %add3A_114 : i32
        %mul3A_116 = arith.constant 2 : i32
        %mul3A_117 = arith.muli %add3A_115, %mul3A_116 : i32
        %add3A_118 = arith.constant 0 : i32
        %add3A_119 = arith.addi %mul3A_117, %add3A_118 : i32
        %dma_start3A_120 = arith.constant 0 : i32
        %dma_start3A_121 = arith.constant 0 : i32
        %dma_start3A_122 = tpu.memref_slice %arg14[%dma_start3A_120, %dma_start3A_121] : memref<256x8xf32, #tpu.memory_space<vmem>> -> memref<128x8xf32, #tpu.memory_space<vmem>>
        %dma_start3A_123 = arith.constant 0 : i32
        %dma_start3A_124 = tpu.memref_slice %arg9[%add3A_119, %dma_start3A_123] : memref<88x128xi32, #tpu.memory_space<vmem>> -> memref<1x128xi32, #tpu.memory_space<vmem>>
        %dma_start3A_125 = tpu.memref_squeeze %dma_start3A_124 : memref<1x128xi32, #tpu.memory_space<vmem>> -> memref<128xi32, #tpu.memory_space<vmem>>
        %dma_start3A_126 = arith.constant 0 : i32
        %dma_start3A_127 = arith.constant 0 : i32
        %dma_start3A_128 = tpu.memref_slice %arg8[%dma_start3A_126, %dma_start3A_127] : memref<10240x8xf32, #tpu.memory_space<vmem_shared>> -> memref<10240x8xf32, #tpu.memory_space<vmem_shared>>
        tpu.enqueue_indirect_dma source(%dma_start3A_128 : memref<10240x8xf32, #tpu.memory_space<vmem_shared>>) target(%dma_start3A_122 : memref<128x8xf32, #tpu.memory_space<vmem>>) offsets(%dma_start3A_125 : memref<128xi32, #tpu.memory_space<vmem>>) semaphore(%arg15 : memref<!tpu.dma_semaphore, #tpu.memory_space<semaphore_mem>>)
        %mul3A_129 = arith.constant 2 : i32
        %mul3A_130 = arith.muli %add3A_115, %mul3A_129 : i32
        %add3A_131 = arith.constant 1 : i32
        %add3A_132 = arith.addi %mul3A_130, %add3A_131 : i32
        %dma_start3A_133 = arith.constant 128 : i32
        %dma_start3A_134 = arith.constant 0 : i32
        %dma_start3A_135 = tpu.memref_slice %arg14[%dma_start3A_133, %dma_start3A_134] : memref<256x8xf32, #tpu.memory_space<vmem>> -> memref<128x8xf32, #tpu.memory_space<vmem>>
        %dma_start3A_136 = arith.constant 0 : i32
        %dma_start3A_137 = tpu.memref_slice %arg9[%add3A_132, %dma_start3A_136] : memref<88x128xi32, #tpu.memory_space<vmem>> -> memref<1x128xi32, #tpu.memory_space<vmem>>
        %dma_start3A_138 = tpu.memref_squeeze %dma_start3A_137 : memref<1x128xi32, #tpu.memory_space<vmem>> -> memref<128xi32, #tpu.memory_space<vmem>>
        %dma_start3A_139 = arith.constant 0 : i32
        %dma_start3A_140 = arith.constant 0 : i32
        %dma_start3A_141 = tpu.memref_slice %arg8[%dma_start3A_139, %dma_start3A_140] : memref<10240x8xf32, #tpu.memory_space<vmem_shared>> -> memref<10240x8xf32, #tpu.memory_space<vmem_shared>>
        tpu.enqueue_indirect_dma source(%dma_start3A_141 : memref<10240x8xf32, #tpu.memory_space<vmem_shared>>) target(%dma_start3A_135 : memref<128x8xf32, #tpu.memory_space<vmem>>) offsets(%dma_start3A_138 : memref<128xi32, #tpu.memory_space<vmem>>) semaphore(%arg15 : memref<!tpu.dma_semaphore, #tpu.memory_space<semaphore_mem>>)
        %dma_wait3A = arith.constant 0 : i32
        %dma_wait3A_142 = arith.constant 0 : i32
        %dma_wait3A_143 = tpu.memref_slice %arg11[%dma_wait3A, %dma_wait3A_142] : memref<256x8xf32, #tpu.memory_space<vmem>> -> memref<128x8xf32, #tpu.memory_space<vmem>>
        %dma_wait3A_144 = arith.constant 0 : i32
        %dma_wait3A_145 = tpu.memref_slice %arg9[%add3A_36, %dma_wait3A_144] : memref<88x128xi32, #tpu.memory_space<vmem>> -> memref<1x128xi32, #tpu.memory_space<vmem>>
        %dma_wait3A_146 = tpu.memref_squeeze %dma_wait3A_145 : memref<1x128xi32, #tpu.memory_space<vmem>> -> memref<128xi32, #tpu.memory_space<vmem>>
        %dma_wait3A_147 = arith.constant 0 : i32
        %dma_wait3A_148 = arith.constant 0 : i32
        %dma_wait3A_149 = tpu.memref_slice %arg8[%dma_wait3A_147, %dma_wait3A_148] : memref<10240x8xf32, #tpu.memory_space<vmem_shared>> -> memref<10240x8xf32, #tpu.memory_space<vmem_shared>>
        tpu.wait_indirect_dma semaphore(%arg15 : memref<!tpu.dma_semaphore, #tpu.memory_space<semaphore_mem>>) src(%dma_wait3A_149 : memref<10240x8xf32, #tpu.memory_space<vmem_shared>>) dst(%dma_wait3A_143 : memref<128x8xf32, #tpu.memory_space<vmem>>)
        %dma_wait3A_150 = arith.constant 128 : i32
        %dma_wait3A_151 = arith.constant 0 : i32
        %dma_wait3A_152 = tpu.memref_slice %arg11[%dma_wait3A_150, %dma_wait3A_151] : memref<256x8xf32, #tpu.memory_space<vmem>> -> memref<128x8xf32, #tpu.memory_space<vmem>>
        %dma_wait3A_153 = arith.constant 0 : i32
        %dma_wait3A_154 = tpu.memref_slice %arg9[%add3A_48, %dma_wait3A_153] : memref<88x128xi32, #tpu.memory_space<vmem>> -> memref<1x128xi32, #tpu.memory_space<vmem>>
        %dma_wait3A_155 = tpu.memref_squeeze %dma_wait3A_154 : memref<1x128xi32, #tpu.memory_space<vmem>> -> memref<128xi32, #tpu.memory_space<vmem>>
        %dma_wait3A_156 = arith.constant 0 : i32
        %dma_wait3A_157 = arith.constant 0 : i32
        %dma_wait3A_158 = tpu.memref_slice %arg8[%dma_wait3A_156, %dma_wait3A_157] : memref<10240x8xf32, #tpu.memory_space<vmem_shared>> -> memref<10240x8xf32, #tpu.memory_space<vmem_shared>>
        tpu.wait_indirect_dma semaphore(%arg15 : memref<!tpu.dma_semaphore, #tpu.memory_space<semaphore_mem>>) src(%dma_wait3A_158 : memref<10240x8xf32, #tpu.memory_space<vmem_shared>>) dst(%dma_wait3A_152 : memref<128x8xf32, #tpu.memory_space<vmem>>)
        %add3A_159 = arith.constant 0 : i32
        %add3A_160 = arith.addi %mul3A_30, %add3A_159 : i32
        %mul3A_161 = arith.constant 2 : i32
        %mul3A_162 = arith.muli %add3A_160, %mul3A_161 : i32
        %add3A_163 = arith.constant 0 : i32
        %add3A_164 = arith.addi %mul3A_162, %add3A_163 : i32
        %dma_start3A_165 = arith.constant 0 : i32
        %dma_start3A_166 = arith.constant 0 : i32
        %dma_start3A_167 = tpu.memref_slice %arg11[%dma_start3A_165, %dma_start3A_166] : memref<256x8xf32, #tpu.memory_space<vmem>> -> memref<128x8xf32, #tpu.memory_space<vmem>>
        %dma_start3A_168 = arith.constant 0 : i32
        %dma_start3A_169 = tpu.memref_slice %arg10[%add3A_164, %dma_start3A_168] : memref<88x128xi32, #tpu.memory_space<vmem>> -> memref<1x128xi32, #tpu.memory_space<vmem>>
        %dma_start3A_170 = tpu.memref_squeeze %dma_start3A_169 : memref<1x128xi32, #tpu.memory_space<vmem>> -> memref<128xi32, #tpu.memory_space<vmem>>
        %dma_start3A_171 = arith.constant 0 : i32
        %dma_start3A_172 = arith.constant 0 : i32
        %dma_start3A_173 = tpu.memref_slice %arg7[%dma_start3A_171, %dma_start3A_172] : memref<10240x8xf32, #tpu.memory_space<vmem_shared>> -> memref<10240x8xf32, #tpu.memory_space<vmem_shared>>
        tpu.enqueue_indirect_dma source(%dma_start3A_167 : memref<128x8xf32, #tpu.memory_space<vmem>>) target(%dma_start3A_173 : memref<10240x8xf32, #tpu.memory_space<vmem_shared>>) offsets(%dma_start3A_170 : memref<128xi32, #tpu.memory_space<vmem>>) semaphore(%arg16 : memref<!tpu.dma_semaphore, #tpu.memory_space<semaphore_mem>>) {add = true}
        %mul3A_174 = arith.constant 2 : i32
        %mul3A_175 = arith.muli %add3A_160, %mul3A_174 : i32
        %add3A_176 = arith.constant 1 : i32
        %add3A_177 = arith.addi %mul3A_175, %add3A_176 : i32
        %dma_start3A_178 = arith.constant 128 : i32
        %dma_start3A_179 = arith.constant 0 : i32
        %dma_start3A_180 = tpu.memref_slice %arg11[%dma_start3A_178, %dma_start3A_179] : memref<256x8xf32, #tpu.memory_space<vmem>> -> memref<128x8xf32, #tpu.memory_space<vmem>>
        %dma_start3A_181 = arith.constant 0 : i32
        %dma_start3A_182 = tpu.memref_slice %arg10[%add3A_177, %dma_start3A_181] : memref<88x128xi32, #tpu.memory_space<vmem>> -> memref<1x128xi32, #tpu.memory_space<vmem>>
        %dma_start3A_183 = tpu.memref_squeeze %dma_start3A_182 : memref<1x128xi32, #tpu.memory_space<vmem>> -> memref<128xi32, #tpu.memory_space<vmem>>
        %dma_start3A_184 = arith.constant 0 : i32
        %dma_start3A_185 = arith.constant 0 : i32
        %dma_start3A_186 = tpu.memref_slice %arg7[%dma_start3A_184, %dma_start3A_185] : memref<10240x8xf32, #tpu.memory_space<vmem_shared>> -> memref<10240x8xf32, #tpu.memory_space<vmem_shared>>
        tpu.enqueue_indirect_dma source(%dma_start3A_180 : memref<128x8xf32, #tpu.memory_space<vmem>>) target(%dma_start3A_186 : memref<10240x8xf32, #tpu.memory_space<vmem_shared>>) offsets(%dma_start3A_183 : memref<128xi32, #tpu.memory_space<vmem>>) semaphore(%arg16 : memref<!tpu.dma_semaphore, #tpu.memory_space<semaphore_mem>>) {add = true}
        %dma_wait3A_187 = arith.constant 0 : i32
        %dma_wait3A_188 = arith.constant 0 : i32
        %dma_wait3A_189 = tpu.memref_slice %arg12[%dma_wait3A_187, %dma_wait3A_188] : memref<256x8xf32, #tpu.memory_space<vmem>> -> memref<128x8xf32, #tpu.memory_space<vmem>>
        %dma_wait3A_190 = arith.constant 0 : i32
        %dma_wait3A_191 = tpu.memref_slice %arg9[%add3A_63, %dma_wait3A_190] : memref<88x128xi32, #tpu.memory_space<vmem>> -> memref<1x128xi32, #tpu.memory_space<vmem>>
        %dma_wait3A_192 = tpu.memref_squeeze %dma_wait3A_191 : memref<1x128xi32, #tpu.memory_space<vmem>> -> memref<128xi32, #tpu.memory_space<vmem>>
        %dma_wait3A_193 = arith.constant 0 : i32
        %dma_wait3A_194 = arith.constant 0 : i32
        %dma_wait3A_195 = tpu.memref_slice %arg8[%dma_wait3A_193, %dma_wait3A_194] : memref<10240x8xf32, #tpu.memory_space<vmem_shared>> -> memref<10240x8xf32, #tpu.memory_space<vmem_shared>>
        tpu.wait_indirect_dma semaphore(%arg15 : memref<!tpu.dma_semaphore, #tpu.memory_space<semaphore_mem>>) src(%dma_wait3A_195 : memref<10240x8xf32, #tpu.memory_space<vmem_shared>>) dst(%dma_wait3A_189 : memref<128x8xf32, #tpu.memory_space<vmem>>)
        %dma_wait3A_196 = arith.constant 128 : i32
        %dma_wait3A_197 = arith.constant 0 : i32
        %dma_wait3A_198 = tpu.memref_slice %arg12[%dma_wait3A_196, %dma_wait3A_197] : memref<256x8xf32, #tpu.memory_space<vmem>> -> memref<128x8xf32, #tpu.memory_space<vmem>>
        %dma_wait3A_199 = arith.constant 0 : i32
        %dma_wait3A_200 = tpu.memref_slice %arg9[%add3A_76, %dma_wait3A_199] : memref<88x128xi32, #tpu.memory_space<vmem>> -> memref<1x128xi32, #tpu.memory_space<vmem>>
        %dma_wait3A_201 = tpu.memref_squeeze %dma_wait3A_200 : memref<1x128xi32, #tpu.memory_space<vmem>> -> memref<128xi32, #tpu.memory_space<vmem>>
        %dma_wait3A_202 = arith.constant 0 : i32
        %dma_wait3A_203 = arith.constant 0 : i32
        %dma_wait3A_204 = tpu.memref_slice %arg8[%dma_wait3A_202, %dma_wait3A_203] : memref<10240x8xf32, #tpu.memory_space<vmem_shared>> -> memref<10240x8xf32, #tpu.memory_space<vmem_shared>>
        tpu.wait_indirect_dma semaphore(%arg15 : memref<!tpu.dma_semaphore, #tpu.memory_space<semaphore_mem>>) src(%dma_wait3A_204 : memref<10240x8xf32, #tpu.memory_space<vmem_shared>>) dst(%dma_wait3A_198 : memref<128x8xf32, #tpu.memory_space<vmem>>)
        %add3A_205 = arith.constant 1 : i32
        %add3A_206 = arith.addi %mul3A_30, %add3A_205 : i32
        %mul3A_207 = arith.constant 2 : i32
        %mul3A_208 = arith.muli %add3A_206, %mul3A_207 : i32
        %add3A_209 = arith.constant 0 : i32
        %add3A_210 = arith.addi %mul3A_208, %add3A_209 : i32
        %dma_start3A_211 = arith.constant 0 : i32
        %dma_start3A_212 = arith.constant 0 : i32
        %dma_start3A_213 = tpu.memref_slice %arg12[%dma_start3A_211, %dma_start3A_212] : memref<256x8xf32, #tpu.memory_space<vmem>> -> memref<128x8xf32, #tpu.memory_space<vmem>>
        %dma_start3A_214 = arith.constant 0 : i32
        %dma_start3A_215 = tpu.memref_slice %arg10[%add3A_210, %dma_start3A_214] : memref<88x128xi32, #tpu.memory_space<vmem>> -> memref<1x128xi32, #tpu.memory_space<vmem>>
        %dma_start3A_216 = tpu.memref_squeeze %dma_start3A_215 : memref<1x128xi32, #tpu.memory_space<vmem>> -> memref<128xi32, #tpu.memory_space<vmem>>
        %dma_start3A_217 = arith.constant 0 : i32
        %dma_start3A_218 = arith.constant 0 : i32
        %dma_start3A_219 = tpu.memref_slice %arg7[%dma_start3A_217, %dma_start3A_218] : memref<10240x8xf32, #tpu.memory_space<vmem_shared>> -> memref<10240x8xf32, #tpu.memory_space<vmem_shared>>
        tpu.enqueue_indirect_dma source(%dma_start3A_213 : memref<128x8xf32, #tpu.memory_space<vmem>>) target(%dma_start3A_219 : memref<10240x8xf32, #tpu.memory_space<vmem_shared>>) offsets(%dma_start3A_216 : memref<128xi32, #tpu.memory_space<vmem>>) semaphore(%arg16 : memref<!tpu.dma_semaphore, #tpu.memory_space<semaphore_mem>>) {add = true}
        %mul3A_220 = arith.constant 2 : i32
        %mul3A_221 = arith.muli %add3A_206, %mul3A_220 : i32
        %add3A_222 = arith.constant 1 : i32
        %add3A_223 = arith.addi %mul3A_221, %add3A_222 : i32
        %dma_start3A_224 = arith.constant 128 : i32
        %dma_start3A_225 = arith.constant 0 : i32
        %dma_start3A_226 = tpu.memref_slice %arg12[%dma_start3A_224, %dma_start3A_225] : memref<256x8xf32, #tpu.memory_space<vmem>> -> memref<128x8xf32, #tpu.memory_space<vmem>>
        %dma_start3A_227 = arith.constant 0 : i32
        %dma_start3A_228 = tpu.memref_slice %arg10[%add3A_223, %dma_start3A_227] : memref<88x128xi32, #tpu.memory_space<vmem>> -> memref<1x128xi32, #tpu.memory_space<vmem>>
        %dma_start3A_229 = tpu.memref_squeeze %dma_start3A_228 : memref<1x128xi32, #tpu.memory_space<vmem>> -> memref<128xi32, #tpu.memory_space<vmem>>
        %dma_start3A_230 = arith.constant 0 : i32
        %dma_start3A_231 = arith.constant 0 : i32
        %dma_start3A_232 = tpu.memref_slice %arg7[%dma_start3A_230, %dma_start3A_231] : memref<10240x8xf32, #tpu.memory_space<vmem_shared>> -> memref<10240x8xf32, #tpu.memory_space<vmem_shared>>
        tpu.enqueue_indirect_dma source(%dma_start3A_226 : memref<128x8xf32, #tpu.memory_space<vmem>>) target(%dma_start3A_232 : memref<10240x8xf32, #tpu.memory_space<vmem_shared>>) offsets(%dma_start3A_229 : memref<128xi32, #tpu.memory_space<vmem>>) semaphore(%arg16 : memref<!tpu.dma_semaphore, #tpu.memory_space<semaphore_mem>>) {add = true}
        %dma_wait3A_233 = arith.constant 0 : i32
        %dma_wait3A_234 = arith.constant 0 : i32
        %dma_wait3A_235 = tpu.memref_slice %arg13[%dma_wait3A_233, %dma_wait3A_234] : memref<256x8xf32, #tpu.memory_space<vmem>> -> memref<128x8xf32, #tpu.memory_space<vmem>>
        %dma_wait3A_236 = arith.constant 0 : i32
        %dma_wait3A_237 = tpu.memref_slice %arg9[%add3A_91, %dma_wait3A_236] : memref<88x128xi32, #tpu.memory_space<vmem>> -> memref<1x128xi32, #tpu.memory_space<vmem>>
        %dma_wait3A_238 = tpu.memref_squeeze %dma_wait3A_237 : memref<1x128xi32, #tpu.memory_space<vmem>> -> memref<128xi32, #tpu.memory_space<vmem>>
        %dma_wait3A_239 = arith.constant 0 : i32
        %dma_wait3A_240 = arith.constant 0 : i32
        %dma_wait3A_241 = tpu.memref_slice %arg8[%dma_wait3A_239, %dma_wait3A_240] : memref<10240x8xf32, #tpu.memory_space<vmem_shared>> -> memref<10240x8xf32, #tpu.memory_space<vmem_shared>>
        tpu.wait_indirect_dma semaphore(%arg15 : memref<!tpu.dma_semaphore, #tpu.memory_space<semaphore_mem>>) src(%dma_wait3A_241 : memref<10240x8xf32, #tpu.memory_space<vmem_shared>>) dst(%dma_wait3A_235 : memref<128x8xf32, #tpu.memory_space<vmem>>)
        %dma_wait3A_242 = arith.constant 128 : i32
        %dma_wait3A_243 = arith.constant 0 : i32
        %dma_wait3A_244 = tpu.memref_slice %arg13[%dma_wait3A_242, %dma_wait3A_243] : memref<256x8xf32, #tpu.memory_space<vmem>> -> memref<128x8xf32, #tpu.memory_space<vmem>>
        %dma_wait3A_245 = arith.constant 0 : i32
        %dma_wait3A_246 = tpu.memref_slice %arg9[%add3A_104, %dma_wait3A_245] : memref<88x128xi32, #tpu.memory_space<vmem>> -> memref<1x128xi32, #tpu.memory_space<vmem>>
        %dma_wait3A_247 = tpu.memref_squeeze %dma_wait3A_246 : memref<1x128xi32, #tpu.memory_space<vmem>> -> memref<128xi32, #tpu.memory_space<vmem>>
        %dma_wait3A_248 = arith.constant 0 : i32
        %dma_wait3A_249 = arith.constant 0 : i32
        %dma_wait3A_250 = tpu.memref_slice %arg8[%dma_wait3A_248, %dma_wait3A_249] : memref<10240x8xf32, #tpu.memory_space<vmem_shared>> -> memref<10240x8xf32, #tpu.memory_space<vmem_shared>>
        tpu.wait_indirect_dma semaphore(%arg15 : memref<!tpu.dma_semaphore, #tpu.memory_space<semaphore_mem>>) src(%dma_wait3A_250 : memref<10240x8xf32, #tpu.memory_space<vmem_shared>>) dst(%dma_wait3A_244 : memref<128x8xf32, #tpu.memory_space<vmem>>)
        %add3A_251 = arith.constant 2 : i32
        %add3A_252 = arith.addi %mul3A_30, %add3A_251 : i32
        %mul3A_253 = arith.constant 2 : i32
        %mul3A_254 = arith.muli %add3A_252, %mul3A_253 : i32
        %add3A_255 = arith.constant 0 : i32
        %add3A_256 = arith.addi %mul3A_254, %add3A_255 : i32
        %dma_start3A_257 = arith.constant 0 : i32
        %dma_start3A_258 = arith.constant 0 : i32
        %dma_start3A_259 = tpu.memref_slice %arg13[%dma_start3A_257, %dma_start3A_258] : memref<256x8xf32, #tpu.memory_space<vmem>> -> memref<128x8xf32, #tpu.memory_space<vmem>>
        %dma_start3A_260 = arith.constant 0 : i32
        %dma_start3A_261 = tpu.memref_slice %arg10[%add3A_256, %dma_start3A_260] : memref<88x128xi32, #tpu.memory_space<vmem>> -> memref<1x128xi32, #tpu.memory_space<vmem>>
        %dma_start3A_262 = tpu.memref_squeeze %dma_start3A_261 : memref<1x128xi32, #tpu.memory_space<vmem>> -> memref<128xi32, #tpu.memory_space<vmem>>
        %dma_start3A_263 = arith.constant 0 : i32
        %dma_start3A_264 = arith.constant 0 : i32
        %dma_start3A_265 = tpu.memref_slice %arg7[%dma_start3A_263, %dma_start3A_264] : memref<10240x8xf32, #tpu.memory_space<vmem_shared>> -> memref<10240x8xf32, #tpu.memory_space<vmem_shared>>
        tpu.enqueue_indirect_dma source(%dma_start3A_259 : memref<128x8xf32, #tpu.memory_space<vmem>>) target(%dma_start3A_265 : memref<10240x8xf32, #tpu.memory_space<vmem_shared>>) offsets(%dma_start3A_262 : memref<128xi32, #tpu.memory_space<vmem>>) semaphore(%arg16 : memref<!tpu.dma_semaphore, #tpu.memory_space<semaphore_mem>>) {add = true}
        %mul3A_266 = arith.constant 2 : i32
        %mul3A_267 = arith.muli %add3A_252, %mul3A_266 : i32
        %add3A_268 = arith.constant 1 : i32
        %add3A_269 = arith.addi %mul3A_267, %add3A_268 : i32
        %dma_start3A_270 = arith.constant 128 : i32
        %dma_start3A_271 = arith.constant 0 : i32
        %dma_start3A_272 = tpu.memref_slice %arg13[%dma_start3A_270, %dma_start3A_271] : memref<256x8xf32, #tpu.memory_space<vmem>> -> memref<128x8xf32, #tpu.memory_space<vmem>>
        %dma_start3A_273 = arith.constant 0 : i32
        %dma_start3A_274 = tpu.memref_slice %arg10[%add3A_269, %dma_start3A_273] : memref<88x128xi32, #tpu.memory_space<vmem>> -> memref<1x128xi32, #tpu.memory_space<vmem>>
        %dma_start3A_275 = tpu.memref_squeeze %dma_start3A_274 : memref<1x128xi32, #tpu.memory_space<vmem>> -> memref<128xi32, #tpu.memory_space<vmem>>
        %dma_start3A_276 = arith.constant 0 : i32
        %dma_start3A_277 = arith.constant 0 : i32
        %dma_start3A_278 = tpu.memref_slice %arg7[%dma_start3A_276, %dma_start3A_277] : memref<10240x8xf32, #tpu.memory_space<vmem_shared>> -> memref<10240x8xf32, #tpu.memory_space<vmem_shared>>
        tpu.enqueue_indirect_dma source(%dma_start3A_272 : memref<128x8xf32, #tpu.memory_space<vmem>>) target(%dma_start3A_278 : memref<10240x8xf32, #tpu.memory_space<vmem_shared>>) offsets(%dma_start3A_275 : memref<128xi32, #tpu.memory_space<vmem>>) semaphore(%arg16 : memref<!tpu.dma_semaphore, #tpu.memory_space<semaphore_mem>>) {add = true}
        %dma_wait3A_279 = arith.constant 0 : i32
        %dma_wait3A_280 = arith.constant 0 : i32
        %dma_wait3A_281 = tpu.memref_slice %arg14[%dma_wait3A_279, %dma_wait3A_280] : memref<256x8xf32, #tpu.memory_space<vmem>> -> memref<128x8xf32, #tpu.memory_space<vmem>>
        %dma_wait3A_282 = arith.constant 0 : i32
        %dma_wait3A_283 = tpu.memref_slice %arg9[%add3A_119, %dma_wait3A_282] : memref<88x128xi32, #tpu.memory_space<vmem>> -> memref<1x128xi32, #tpu.memory_space<vmem>>
        %dma_wait3A_284 = tpu.memref_squeeze %dma_wait3A_283 : memref<1x128xi32, #tpu.memory_space<vmem>> -> memref<128xi32, #tpu.memory_space<vmem>>
        %dma_wait3A_285 = arith.constant 0 : i32
        %dma_wait3A_286 = arith.constant 0 : i32
        %dma_wait3A_287 = tpu.memref_slice %arg8[%dma_wait3A_285, %dma_wait3A_286] : memref<10240x8xf32, #tpu.memory_space<vmem_shared>> -> memref<10240x8xf32, #tpu.memory_space<vmem_shared>>
        tpu.wait_indirect_dma semaphore(%arg15 : memref<!tpu.dma_semaphore, #tpu.memory_space<semaphore_mem>>) src(%dma_wait3A_287 : memref<10240x8xf32, #tpu.memory_space<vmem_shared>>) dst(%dma_wait3A_281 : memref<128x8xf32, #tpu.memory_space<vmem>>)
        %dma_wait3A_288 = arith.constant 128 : i32
        %dma_wait3A_289 = arith.constant 0 : i32
        %dma_wait3A_290 = tpu.memref_slice %arg14[%dma_wait3A_288, %dma_wait3A_289] : memref<256x8xf32, #tpu.memory_space<vmem>> -> memref<128x8xf32, #tpu.memory_space<vmem>>
        %dma_wait3A_291 = arith.constant 0 : i32
        %dma_wait3A_292 = tpu.memref_slice %arg9[%add3A_132, %dma_wait3A_291] : memref<88x128xi32, #tpu.memory_space<vmem>> -> memref<1x128xi32, #tpu.memory_space<vmem>>
        %dma_wait3A_293 = tpu.memref_squeeze %dma_wait3A_292 : memref<1x128xi32, #tpu.memory_space<vmem>> -> memref<128xi32, #tpu.memory_space<vmem>>
        %dma_wait3A_294 = arith.constant 0 : i32
        %dma_wait3A_295 = arith.constant 0 : i32
        %dma_wait3A_296 = tpu.memref_slice %arg8[%dma_wait3A_294, %dma_wait3A_295] : memref<10240x8xf32, #tpu.memory_space<vmem_shared>> -> memref<10240x8xf32, #tpu.memory_space<vmem_shared>>
        tpu.wait_indirect_dma semaphore(%arg15 : memref<!tpu.dma_semaphore, #tpu.memory_space<semaphore_mem>>) src(%dma_wait3A_296 : memref<10240x8xf32, #tpu.memory_space<vmem_shared>>) dst(%dma_wait3A_290 : memref<128x8xf32, #tpu.memory_space<vmem>>)
        %add3A_297 = arith.constant 3 : i32
        %add3A_298 = arith.addi %mul3A_30, %add3A_297 : i32
        %mul3A_299 = arith.constant 2 : i32
        %mul3A_300 = arith.muli %add3A_298, %mul3A_299 : i32
        %add3A_301 = arith.constant 0 : i32
        %add3A_302 = arith.addi %mul3A_300, %add3A_301 : i32
        %dma_start3A_303 = arith.constant 0 : i32
        %dma_start3A_304 = arith.constant 0 : i32
        %dma_start3A_305 = tpu.memref_slice %arg14[%dma_start3A_303, %dma_start3A_304] : memref<256x8xf32, #tpu.memory_space<vmem>> -> memref<128x8xf32, #tpu.memory_space<vmem>>
        %dma_start3A_306 = arith.constant 0 : i32
        %dma_start3A_307 = tpu.memref_slice %arg10[%add3A_302, %dma_start3A_306] : memref<88x128xi32, #tpu.memory_space<vmem>> -> memref<1x128xi32, #tpu.memory_space<vmem>>
        %dma_start3A_308 = tpu.memref_squeeze %dma_start3A_307 : memref<1x128xi32, #tpu.memory_space<vmem>> -> memref<128xi32, #tpu.memory_space<vmem>>
        %dma_start3A_309 = arith.constant 0 : i32
        %dma_start3A_310 = arith.constant 0 : i32
        %dma_start3A_311 = tpu.memref_slice %arg7[%dma_start3A_309, %dma_start3A_310] : memref<10240x8xf32, #tpu.memory_space<vmem_shared>> -> memref<10240x8xf32, #tpu.memory_space<vmem_shared>>
        tpu.enqueue_indirect_dma source(%dma_start3A_305 : memref<128x8xf32, #tpu.memory_space<vmem>>) target(%dma_start3A_311 : memref<10240x8xf32, #tpu.memory_space<vmem_shared>>) offsets(%dma_start3A_308 : memref<128xi32, #tpu.memory_space<vmem>>) semaphore(%arg16 : memref<!tpu.dma_semaphore, #tpu.memory_space<semaphore_mem>>) {add = true}
        %mul3A_312 = arith.constant 2 : i32
        %mul3A_313 = arith.muli %add3A_298, %mul3A_312 : i32
        %add3A_314 = arith.constant 1 : i32
        %add3A_315 = arith.addi %mul3A_313, %add3A_314 : i32
        %dma_start3A_316 = arith.constant 128 : i32
        %dma_start3A_317 = arith.constant 0 : i32
        %dma_start3A_318 = tpu.memref_slice %arg14[%dma_start3A_316, %dma_start3A_317] : memref<256x8xf32, #tpu.memory_space<vmem>> -> memref<128x8xf32, #tpu.memory_space<vmem>>
        %dma_start3A_319 = arith.constant 0 : i32
        %dma_start3A_320 = tpu.memref_slice %arg10[%add3A_315, %dma_start3A_319] : memref<88x128xi32, #tpu.memory_space<vmem>> -> memref<1x128xi32, #tpu.memory_space<vmem>>
        %dma_start3A_321 = tpu.memref_squeeze %dma_start3A_320 : memref<1x128xi32, #tpu.memory_space<vmem>> -> memref<128xi32, #tpu.memory_space<vmem>>
        %dma_start3A_322 = arith.constant 0 : i32
        %dma_start3A_323 = arith.constant 0 : i32
        %dma_start3A_324 = tpu.memref_slice %arg7[%dma_start3A_322, %dma_start3A_323] : memref<10240x8xf32, #tpu.memory_space<vmem_shared>> -> memref<10240x8xf32, #tpu.memory_space<vmem_shared>>
        tpu.enqueue_indirect_dma source(%dma_start3A_318 : memref<128x8xf32, #tpu.memory_space<vmem>>) target(%dma_start3A_324 : memref<10240x8xf32, #tpu.memory_space<vmem_shared>>) offsets(%dma_start3A_321 : memref<128xi32, #tpu.memory_space<vmem>>) semaphore(%arg16 : memref<!tpu.dma_semaphore, #tpu.memory_space<semaphore_mem>>) {add = true}
        %dma_wait3A_325 = arith.constant 0 : i32
        %dma_wait3A_326 = arith.constant 0 : i32
        %dma_wait3A_327 = tpu.memref_slice %arg11[%dma_wait3A_325, %dma_wait3A_326] : memref<256x8xf32, #tpu.memory_space<vmem>> -> memref<128x8xf32, #tpu.memory_space<vmem>>
        %dma_wait3A_328 = arith.constant 0 : i32
        %dma_wait3A_329 = tpu.memref_slice %arg10[%add3A_164, %dma_wait3A_328] : memref<88x128xi32, #tpu.memory_space<vmem>> -> memref<1x128xi32, #tpu.memory_space<vmem>>
        %dma_wait3A_330 = tpu.memref_squeeze %dma_wait3A_329 : memref<1x128xi32, #tpu.memory_space<vmem>> -> memref<128xi32, #tpu.memory_space<vmem>>
        %dma_wait3A_331 = arith.constant 0 : i32
        %dma_wait3A_332 = arith.constant 0 : i32
        %dma_wait3A_333 = tpu.memref_slice %arg7[%dma_wait3A_331, %dma_wait3A_332] : memref<10240x8xf32, #tpu.memory_space<vmem_shared>> -> memref<10240x8xf32, #tpu.memory_space<vmem_shared>>
        tpu.wait_indirect_dma semaphore(%arg16 : memref<!tpu.dma_semaphore, #tpu.memory_space<semaphore_mem>>) src(%dma_wait3A_327 : memref<128x8xf32, #tpu.memory_space<vmem>>) dst(%dma_wait3A_333 : memref<10240x8xf32, #tpu.memory_space<vmem_shared>>)
        %dma_wait3A_334 = arith.constant 128 : i32
        %dma_wait3A_335 = arith.constant 0 : i32
        %dma_wait3A_336 = tpu.memref_slice %arg11[%dma_wait3A_334, %dma_wait3A_335] : memref<256x8xf32, #tpu.memory_space<vmem>> -> memref<128x8xf32, #tpu.memory_space<vmem>>
        %dma_wait3A_337 = arith.constant 0 : i32
        %dma_wait3A_338 = tpu.memref_slice %arg10[%add3A_177, %dma_wait3A_337] : memref<88x128xi32, #tpu.memory_space<vmem>> -> memref<1x128xi32, #tpu.memory_space<vmem>>
        %dma_wait3A_339 = tpu.memref_squeeze %dma_wait3A_338 : memref<1x128xi32, #tpu.memory_space<vmem>> -> memref<128xi32, #tpu.memory_space<vmem>>
        %dma_wait3A_340 = arith.constant 0 : i32
        %dma_wait3A_341 = arith.constant 0 : i32
        %dma_wait3A_342 = tpu.memref_slice %arg7[%dma_wait3A_340, %dma_wait3A_341] : memref<10240x8xf32, #tpu.memory_space<vmem_shared>> -> memref<10240x8xf32, #tpu.memory_space<vmem_shared>>
        tpu.wait_indirect_dma semaphore(%arg16 : memref<!tpu.dma_semaphore, #tpu.memory_space<semaphore_mem>>) src(%dma_wait3A_336 : memref<128x8xf32, #tpu.memory_space<vmem>>) dst(%dma_wait3A_342 : memref<10240x8xf32, #tpu.memory_space<vmem_shared>>)
        %dma_wait3A_343 = arith.constant 0 : i32
        %dma_wait3A_344 = arith.constant 0 : i32
        %dma_wait3A_345 = tpu.memref_slice %arg12[%dma_wait3A_343, %dma_wait3A_344] : memref<256x8xf32, #tpu.memory_space<vmem>> -> memref<128x8xf32, #tpu.memory_space<vmem>>
        %dma_wait3A_346 = arith.constant 0 : i32
        %dma_wait3A_347 = tpu.memref_slice %arg10[%add3A_210, %dma_wait3A_346] : memref<88x128xi32, #tpu.memory_space<vmem>> -> memref<1x128xi32, #tpu.memory_space<vmem>>
        %dma_wait3A_348 = tpu.memref_squeeze %dma_wait3A_347 : memref<1x128xi32, #tpu.memory_space<vmem>> -> memref<128xi32, #tpu.memory_space<vmem>>
        %dma_wait3A_349 = arith.constant 0 : i32
        %dma_wait3A_350 = arith.constant 0 : i32
        %dma_wait3A_351 = tpu.memref_slice %arg7[%dma_wait3A_349, %dma_wait3A_350] : memref<10240x8xf32, #tpu.memory_space<vmem_shared>> -> memref<10240x8xf32, #tpu.memory_space<vmem_shared>>
        tpu.wait_indirect_dma semaphore(%arg16 : memref<!tpu.dma_semaphore, #tpu.memory_space<semaphore_mem>>) src(%dma_wait3A_345 : memref<128x8xf32, #tpu.memory_space<vmem>>) dst(%dma_wait3A_351 : memref<10240x8xf32, #tpu.memory_space<vmem_shared>>)
        %dma_wait3A_352 = arith.constant 128 : i32
        %dma_wait3A_353 = arith.constant 0 : i32
        %dma_wait3A_354 = tpu.memref_slice %arg12[%dma_wait3A_352, %dma_wait3A_353] : memref<256x8xf32, #tpu.memory_space<vmem>> -> memref<128x8xf32, #tpu.memory_space<vmem>>
        %dma_wait3A_355 = arith.constant 0 : i32
        %dma_wait3A_356 = tpu.memref_slice %arg10[%add3A_223, %dma_wait3A_355] : memref<88x128xi32, #tpu.memory_space<vmem>> -> memref<1x128xi32, #tpu.memory_space<vmem>>
        %dma_wait3A_357 = tpu.memref_squeeze %dma_wait3A_356 : memref<1x128xi32, #tpu.memory_space<vmem>> -> memref<128xi32, #tpu.memory_space<vmem>>
        %dma_wait3A_358 = arith.constant 0 : i32
        %dma_wait3A_359 = arith.constant 0 : i32
        %dma_wait3A_360 = tpu.memref_slice %arg7[%dma_wait3A_358, %dma_wait3A_359] : memref<10240x8xf32, #tpu.memory_space<vmem_shared>> -> memref<10240x8xf32, #tpu.memory_space<vmem_shared>>
        tpu.wait_indirect_dma semaphore(%arg16 : memref<!tpu.dma_semaphore, #tpu.memory_space<semaphore_mem>>) src(%dma_wait3A_354 : memref<128x8xf32, #tpu.memory_space<vmem>>) dst(%dma_wait3A_360 : memref<10240x8xf32, #tpu.memory_space<vmem_shared>>)
        %dma_wait3A_361 = arith.constant 0 : i32
        %dma_wait3A_362 = arith.constant 0 : i32
        %dma_wait3A_363 = tpu.memref_slice %arg13[%dma_wait3A_361, %dma_wait3A_362] : memref<256x8xf32, #tpu.memory_space<vmem>> -> memref<128x8xf32, #tpu.memory_space<vmem>>
        %dma_wait3A_364 = arith.constant 0 : i32
        %dma_wait3A_365 = tpu.memref_slice %arg10[%add3A_256, %dma_wait3A_364] : memref<88x128xi32, #tpu.memory_space<vmem>> -> memref<1x128xi32, #tpu.memory_space<vmem>>
        %dma_wait3A_366 = tpu.memref_squeeze %dma_wait3A_365 : memref<1x128xi32, #tpu.memory_space<vmem>> -> memref<128xi32, #tpu.memory_space<vmem>>
        %dma_wait3A_367 = arith.constant 0 : i32
        %dma_wait3A_368 = arith.constant 0 : i32
        %dma_wait3A_369 = tpu.memref_slice %arg7[%dma_wait3A_367, %dma_wait3A_368] : memref<10240x8xf32, #tpu.memory_space<vmem_shared>> -> memref<10240x8xf32, #tpu.memory_space<vmem_shared>>
        tpu.wait_indirect_dma semaphore(%arg16 : memref<!tpu.dma_semaphore, #tpu.memory_space<semaphore_mem>>) src(%dma_wait3A_363 : memref<128x8xf32, #tpu.memory_space<vmem>>) dst(%dma_wait3A_369 : memref<10240x8xf32, #tpu.memory_space<vmem_shared>>)
        %dma_wait3A_370 = arith.constant 128 : i32
        %dma_wait3A_371 = arith.constant 0 : i32
        %dma_wait3A_372 = tpu.memref_slice %arg13[%dma_wait3A_370, %dma_wait3A_371] : memref<256x8xf32, #tpu.memory_space<vmem>> -> memref<128x8xf32, #tpu.memory_space<vmem>>
        %dma_wait3A_373 = arith.constant 0 : i32
        %dma_wait3A_374 = tpu.memref_slice %arg10[%add3A_269, %dma_wait3A_373] : memref<88x128xi32, #tpu.memory_space<vmem>> -> memref<1x128xi32, #tpu.memory_space<vmem>>
        %dma_wait3A_375 = tpu.memref_squeeze %dma_wait3A_374 : memref<1x128xi32, #tpu.memory_space<vmem>> -> memref<128xi32, #tpu.memory_space<vmem>>
        %dma_wait3A_376 = arith.constant 0 : i32
        %dma_wait3A_377 = arith.constant 0 : i32
        %dma_wait3A_378 = tpu.memref_slice %arg7[%dma_wait3A_376, %dma_wait3A_377] : memref<10240x8xf32, #tpu.memory_space<vmem_shared>> -> memref<10240x8xf32, #tpu.memory_space<vmem_shared>>
        tpu.wait_indirect_dma semaphore(%arg16 : memref<!tpu.dma_semaphore, #tpu.memory_space<semaphore_mem>>) src(%dma_wait3A_372 : memref<128x8xf32, #tpu.memory_space<vmem>>) dst(%dma_wait3A_378 : memref<10240x8xf32, #tpu.memory_space<vmem_shared>>)
        %dma_wait3A_379 = arith.constant 0 : i32
        %dma_wait3A_380 = arith.constant 0 : i32
        %dma_wait3A_381 = tpu.memref_slice %arg14[%dma_wait3A_379, %dma_wait3A_380] : memref<256x8xf32, #tpu.memory_space<vmem>> -> memref<128x8xf32, #tpu.memory_space<vmem>>
        %dma_wait3A_382 = arith.constant 0 : i32
        %dma_wait3A_383 = tpu.memref_slice %arg10[%add3A_302, %dma_wait3A_382] : memref<88x128xi32, #tpu.memory_space<vmem>> -> memref<1x128xi32, #tpu.memory_space<vmem>>
        %dma_wait3A_384 = tpu.memref_squeeze %dma_wait3A_383 : memref<1x128xi32, #tpu.memory_space<vmem>> -> memref<128xi32, #tpu.memory_space<vmem>>
        %dma_wait3A_385 = arith.constant 0 : i32
        %dma_wait3A_386 = arith.constant 0 : i32
        %dma_wait3A_387 = tpu.memref_slice %arg7[%dma_wait3A_385, %dma_wait3A_386] : memref<10240x8xf32, #tpu.memory_space<vmem_shared>> -> memref<10240x8xf32, #tpu.memory_space<vmem_shared>>
        tpu.wait_indirect_dma semaphore(%arg16 : memref<!tpu.dma_semaphore, #tpu.memory_space<semaphore_mem>>) src(%dma_wait3A_381 : memref<128x8xf32, #tpu.memory_space<vmem>>) dst(%dma_wait3A_387 : memref<10240x8xf32, #tpu.memory_space<vmem_shared>>)
        %dma_wait3A_388 = arith.constant 128 : i32
        %dma_wait3A_389 = arith.constant 0 : i32
        %dma_wait3A_390 = tpu.memref_slice %arg14[%dma_wait3A_388, %dma_wait3A_389] : memref<256x8xf32, #tpu.memory_space<vmem>> -> memref<128x8xf32, #tpu.memory_space<vmem>>
        %dma_wait3A_391 = arith.constant 0 : i32
        %dma_wait3A_392 = tpu.memref_slice %arg10[%add3A_315, %dma_wait3A_391] : memref<88x128xi32, #tpu.memory_space<vmem>> -> memref<1x128xi32, #tpu.memory_space<vmem>>
        %dma_wait3A_393 = tpu.memref_squeeze %dma_wait3A_392 : memref<1x128xi32, #tpu.memory_space<vmem>> -> memref<128xi32, #tpu.memory_space<vmem>>
        %dma_wait3A_394 = arith.constant 0 : i32
        %dma_wait3A_395 = arith.constant 0 : i32
        %dma_wait3A_396 = tpu.memref_slice %arg7[%dma_wait3A_394, %dma_wait3A_395] : memref<10240x8xf32, #tpu.memory_space<vmem_shared>> -> memref<10240x8xf32, #tpu.memory_space<vmem_shared>>
        tpu.wait_indirect_dma semaphore(%arg16 : memref<!tpu.dma_semaphore, #tpu.memory_space<semaphore_mem>>) src(%dma_wait3A_390 : memref<128x8xf32, #tpu.memory_space<vmem>>) dst(%dma_wait3A_396 : memref<10240x8xf32, #tpu.memory_space<vmem_shared>>)
      }
      %scan3A_24 = arith.constant 11 : i32
    } else {
    }
    %eq3A_9 = arith.constant 1 : i32
    %eq3A_10 = arith.cmpi eq, %arg0, %eq3A_9 : i32
    %convert_element_type3A_11 = arith.extui %eq3A_10 : i1 to i32
    %cond3A_12 = arith.constant 0 : i32
    %cond3A_13 = arith.cmpi ne, %convert_element_type3A_11, %cond3A_12 : i32
    scf.if %cond3A_13 {
      %mul3A_18 = arith.constant 72 : i32
      %mul3A_19 = arith.muli %arg1, %mul3A_18 : i32
      %add3A = arith.constant 1408 : i32
      %add3A_20 = arith.addi %add3A, %mul3A_19 : i32
      "tpu.region"() ({
        %run_scoped3A = tpu.sem_alloc : memref<!tpu.dma_semaphore, #tpu.memory_space<semaphore_mem>>
        %dma_start3A = arith.constant 0 : i32
        %dma_start3A_26 = arith.constant 0 : i32
        %dma_start3A_27 = tpu.memref_slice %arg9[%dma_start3A, %dma_start3A_26] : memref<88x128xi32, #tpu.memory_space<vmem>> -> memref<72x128xi32, #tpu.memory_space<vmem>>
        %dma_start3A_28 = arith.constant 0 : i32
        %dma_start3A_29 = tpu.memref_slice %arg3[%add3A_20, %dma_start3A_28] : memref<2560x128xi32, #tpu.memory_space<hbm>> -> memref<72x128xi32, #tpu.memory_space<hbm>>
        %dma_start3A_30 = arith.constant 0 : i32
        %dma_start3A_31 = arith.constant 0 : i32
        %dma_start3A_32 = tpu.memref_slice %arg9[%dma_start3A_30, %dma_start3A_31] : memref<88x128xi32, #tpu.memory_space<vmem>> -> memref<72x128xi32, #tpu.memory_space<vmem>>
        %dma_start3A_33 = arith.constant 0 : i32
        %dma_start3A_34 = tpu.memref_slice %arg3[%add3A_20, %dma_start3A_33] : memref<2560x128xi32, #tpu.memory_space<hbm>> -> memref<72x128xi32, #tpu.memory_space<hbm>>
        tpu.enqueue_dma source(%dma_start3A_34 : memref<72x128xi32, #tpu.memory_space<hbm>>) target(%dma_start3A_32 : memref<72x128xi32, #tpu.memory_space<vmem>>) target_semaphore(%run_scoped3A : memref<!tpu.dma_semaphore, #tpu.memory_space<semaphore_mem>>)
        %dma_wait3A = arith.constant 0 : i32
        %dma_wait3A_35 = arith.constant 0 : i32
        %dma_wait3A_36 = tpu.memref_slice %arg9[%dma_wait3A, %dma_wait3A_35] : memref<88x128xi32, #tpu.memory_space<vmem>> -> memref<72x128xi32, #tpu.memory_space<vmem>>
        %dma_wait3A_37 = arith.constant 0 : i32
        %dma_wait3A_38 = tpu.memref_slice %arg3[%add3A_20, %dma_wait3A_37] : memref<2560x128xi32, #tpu.memory_space<hbm>> -> memref<72x128xi32, #tpu.memory_space<hbm>>
        %dma_wait3A_39 = arith.constant 0 : i32
        %dma_wait3A_40 = arith.constant 0 : i32
        %dma_wait3A_41 = tpu.memref_slice %arg9[%dma_wait3A_39, %dma_wait3A_40] : memref<88x128xi32, #tpu.memory_space<vmem>> -> memref<72x128xi32, #tpu.memory_space<vmem>>
        %dma_wait3A_42 = arith.constant 0 : i32
        %dma_wait3A_43 = tpu.memref_slice %arg3[%add3A_20, %dma_wait3A_42] : memref<2560x128xi32, #tpu.memory_space<hbm>> -> memref<72x128xi32, #tpu.memory_space<hbm>>
        tpu.wait_dma2 semaphore(%run_scoped3A : memref<!tpu.dma_semaphore, #tpu.memory_space<semaphore_mem>>) src(%dma_wait3A_43 : memref<72x128xi32, #tpu.memory_space<hbm>>) dst(%dma_wait3A_41 : memref<72x128xi32, #tpu.memory_space<vmem>>)
        tpu.yield
      }) : () -> ()
      "tpu.region"() ({
        %run_scoped3A = tpu.sem_alloc : memref<!tpu.dma_semaphore, #tpu.memory_space<semaphore_mem>>
        %dma_start3A = arith.constant 0 : i32
        %dma_start3A_26 = arith.constant 0 : i32
        %dma_start3A_27 = tpu.memref_slice %arg10[%dma_start3A, %dma_start3A_26] : memref<88x128xi32, #tpu.memory_space<vmem>> -> memref<72x128xi32, #tpu.memory_space<vmem>>
        %dma_start3A_28 = arith.constant 0 : i32
        %dma_start3A_29 = tpu.memref_slice %arg4[%add3A_20, %dma_start3A_28] : memref<2560x128xi32, #tpu.memory_space<hbm>> -> memref<72x128xi32, #tpu.memory_space<hbm>>
        %dma_start3A_30 = arith.constant 0 : i32
        %dma_start3A_31 = arith.constant 0 : i32
        %dma_start3A_32 = tpu.memref_slice %arg10[%dma_start3A_30, %dma_start3A_31] : memref<88x128xi32, #tpu.memory_space<vmem>> -> memref<72x128xi32, #tpu.memory_space<vmem>>
        %dma_start3A_33 = arith.constant 0 : i32
        %dma_start3A_34 = tpu.memref_slice %arg4[%add3A_20, %dma_start3A_33] : memref<2560x128xi32, #tpu.memory_space<hbm>> -> memref<72x128xi32, #tpu.memory_space<hbm>>
        tpu.enqueue_dma source(%dma_start3A_34 : memref<72x128xi32, #tpu.memory_space<hbm>>) target(%dma_start3A_32 : memref<72x128xi32, #tpu.memory_space<vmem>>) target_semaphore(%run_scoped3A : memref<!tpu.dma_semaphore, #tpu.memory_space<semaphore_mem>>)
        %dma_wait3A = arith.constant 0 : i32
        %dma_wait3A_35 = arith.constant 0 : i32
        %dma_wait3A_36 = tpu.memref_slice %arg10[%dma_wait3A, %dma_wait3A_35] : memref<88x128xi32, #tpu.memory_space<vmem>> -> memref<72x128xi32, #tpu.memory_space<vmem>>
        %dma_wait3A_37 = arith.constant 0 : i32
        %dma_wait3A_38 = tpu.memref_slice %arg4[%add3A_20, %dma_wait3A_37] : memref<2560x128xi32, #tpu.memory_space<hbm>> -> memref<72x128xi32, #tpu.memory_space<hbm>>
        %dma_wait3A_39 = arith.constant 0 : i32
        %dma_wait3A_40 = arith.constant 0 : i32
        %dma_wait3A_41 = tpu.memref_slice %arg10[%dma_wait3A_39, %dma_wait3A_40] : memref<88x128xi32, #tpu.memory_space<vmem>> -> memref<72x128xi32, #tpu.memory_space<vmem>>
        %dma_wait3A_42 = arith.constant 0 : i32
        %dma_wait3A_43 = tpu.memref_slice %arg4[%add3A_20, %dma_wait3A_42] : memref<2560x128xi32, #tpu.memory_space<hbm>> -> memref<72x128xi32, #tpu.memory_space<hbm>>
        tpu.wait_dma2 semaphore(%run_scoped3A : memref<!tpu.dma_semaphore, #tpu.memory_space<semaphore_mem>>) src(%dma_wait3A_43 : memref<72x128xi32, #tpu.memory_space<hbm>>) dst(%dma_wait3A_41 : memref<72x128xi32, #tpu.memory_space<vmem>>)
        tpu.yield
      }) : () -> ()
      %barrier3A_21 = arith.constant 0 : index
      tpu.barrier barrier_id(%barrier3A_21)
      %scan3A = arith.constant 0 : i32
      %scan3A_22 = arith.constant 9 : i32
      %scan3A_23 = arith.addi %scan3A, %scan3A_22 : i32
      %scan3A_24 = arith.constant 1 : i32
      scf.for %scan3A_26 = %scan3A to %scan3A_23 step %scan3A_24  : i32 {
        %mul3A_27 = arith.constant 1 : i32
        %mul3A_28 = arith.muli %scan3A_26, %mul3A_27 : i32
        %add3A_29 = arith.constant 0 : i32
        %add3A_30 = arith.addi %add3A_29, %mul3A_28 : i32
        %mul3A_31 = arith.constant 4 : i32
        %mul3A_32 = arith.muli %mul3A_31, %add3A_30 : i32
        %add3A_33 = arith.constant 0 : i32
        %add3A_34 = arith.addi %mul3A_32, %add3A_33 : i32
        %mul3A_35 = arith.constant 2 : i32
        %mul3A_36 = arith.muli %add3A_34, %mul3A_35 : i32
        %add3A_37 = arith.constant 0 : i32
        %add3A_38 = arith.addi %mul3A_36, %add3A_37 : i32
        %dma_start3A = arith.constant 0 : i32
        %dma_start3A_39 = arith.constant 0 : i32
        %dma_start3A_40 = tpu.memref_slice %arg11[%dma_start3A, %dma_start3A_39] : memref<256x8xf32, #tpu.memory_space<vmem>> -> memref<128x8xf32, #tpu.memory_space<vmem>>
        %dma_start3A_41 = arith.constant 0 : i32
        %dma_start3A_42 = tpu.memref_slice %arg9[%add3A_38, %dma_start3A_41] : memref<88x128xi32, #tpu.memory_space<vmem>> -> memref<1x128xi32, #tpu.memory_space<vmem>>
        %dma_start3A_43 = tpu.memref_squeeze %dma_start3A_42 : memref<1x128xi32, #tpu.memory_space<vmem>> -> memref<128xi32, #tpu.memory_space<vmem>>
        %dma_start3A_44 = arith.constant 0 : i32
        %dma_start3A_45 = arith.constant 0 : i32
        %dma_start3A_46 = tpu.memref_slice %arg8[%dma_start3A_44, %dma_start3A_45] : memref<10240x8xf32, #tpu.memory_space<vmem_shared>> -> memref<10240x8xf32, #tpu.memory_space<vmem_shared>>
        tpu.enqueue_indirect_dma source(%dma_start3A_46 : memref<10240x8xf32, #tpu.memory_space<vmem_shared>>) target(%dma_start3A_40 : memref<128x8xf32, #tpu.memory_space<vmem>>) offsets(%dma_start3A_43 : memref<128xi32, #tpu.memory_space<vmem>>) semaphore(%arg15 : memref<!tpu.dma_semaphore, #tpu.memory_space<semaphore_mem>>)
        %mul3A_47 = arith.constant 2 : i32
        %mul3A_48 = arith.muli %add3A_34, %mul3A_47 : i32
        %add3A_49 = arith.constant 1 : i32
        %add3A_50 = arith.addi %mul3A_48, %add3A_49 : i32
        %dma_start3A_51 = arith.constant 128 : i32
        %dma_start3A_52 = arith.constant 0 : i32
        %dma_start3A_53 = tpu.memref_slice %arg11[%dma_start3A_51, %dma_start3A_52] : memref<256x8xf32, #tpu.memory_space<vmem>> -> memref<128x8xf32, #tpu.memory_space<vmem>>
        %dma_start3A_54 = arith.constant 0 : i32
        %dma_start3A_55 = tpu.memref_slice %arg9[%add3A_50, %dma_start3A_54] : memref<88x128xi32, #tpu.memory_space<vmem>> -> memref<1x128xi32, #tpu.memory_space<vmem>>
        %dma_start3A_56 = tpu.memref_squeeze %dma_start3A_55 : memref<1x128xi32, #tpu.memory_space<vmem>> -> memref<128xi32, #tpu.memory_space<vmem>>
        %dma_start3A_57 = arith.constant 0 : i32
        %dma_start3A_58 = arith.constant 0 : i32
        %dma_start3A_59 = tpu.memref_slice %arg8[%dma_start3A_57, %dma_start3A_58] : memref<10240x8xf32, #tpu.memory_space<vmem_shared>> -> memref<10240x8xf32, #tpu.memory_space<vmem_shared>>
        tpu.enqueue_indirect_dma source(%dma_start3A_59 : memref<10240x8xf32, #tpu.memory_space<vmem_shared>>) target(%dma_start3A_53 : memref<128x8xf32, #tpu.memory_space<vmem>>) offsets(%dma_start3A_56 : memref<128xi32, #tpu.memory_space<vmem>>) semaphore(%arg15 : memref<!tpu.dma_semaphore, #tpu.memory_space<semaphore_mem>>)
        %add3A_60 = arith.constant 1 : i32
        %add3A_61 = arith.addi %mul3A_32, %add3A_60 : i32
        %mul3A_62 = arith.constant 2 : i32
        %mul3A_63 = arith.muli %add3A_61, %mul3A_62 : i32
        %add3A_64 = arith.constant 0 : i32
        %add3A_65 = arith.addi %mul3A_63, %add3A_64 : i32
        %dma_start3A_66 = arith.constant 0 : i32
        %dma_start3A_67 = arith.constant 0 : i32
        %dma_start3A_68 = tpu.memref_slice %arg12[%dma_start3A_66, %dma_start3A_67] : memref<256x8xf32, #tpu.memory_space<vmem>> -> memref<128x8xf32, #tpu.memory_space<vmem>>
        %dma_start3A_69 = arith.constant 0 : i32
        %dma_start3A_70 = tpu.memref_slice %arg9[%add3A_65, %dma_start3A_69] : memref<88x128xi32, #tpu.memory_space<vmem>> -> memref<1x128xi32, #tpu.memory_space<vmem>>
        %dma_start3A_71 = tpu.memref_squeeze %dma_start3A_70 : memref<1x128xi32, #tpu.memory_space<vmem>> -> memref<128xi32, #tpu.memory_space<vmem>>
        %dma_start3A_72 = arith.constant 0 : i32
        %dma_start3A_73 = arith.constant 0 : i32
        %dma_start3A_74 = tpu.memref_slice %arg8[%dma_start3A_72, %dma_start3A_73] : memref<10240x8xf32, #tpu.memory_space<vmem_shared>> -> memref<10240x8xf32, #tpu.memory_space<vmem_shared>>
        tpu.enqueue_indirect_dma source(%dma_start3A_74 : memref<10240x8xf32, #tpu.memory_space<vmem_shared>>) target(%dma_start3A_68 : memref<128x8xf32, #tpu.memory_space<vmem>>) offsets(%dma_start3A_71 : memref<128xi32, #tpu.memory_space<vmem>>) semaphore(%arg15 : memref<!tpu.dma_semaphore, #tpu.memory_space<semaphore_mem>>)
        %mul3A_75 = arith.constant 2 : i32
        %mul3A_76 = arith.muli %add3A_61, %mul3A_75 : i32
        %add3A_77 = arith.constant 1 : i32
        %add3A_78 = arith.addi %mul3A_76, %add3A_77 : i32
        %dma_start3A_79 = arith.constant 128 : i32
        %dma_start3A_80 = arith.constant 0 : i32
        %dma_start3A_81 = tpu.memref_slice %arg12[%dma_start3A_79, %dma_start3A_80] : memref<256x8xf32, #tpu.memory_space<vmem>> -> memref<128x8xf32, #tpu.memory_space<vmem>>
        %dma_start3A_82 = arith.constant 0 : i32
        %dma_start3A_83 = tpu.memref_slice %arg9[%add3A_78, %dma_start3A_82] : memref<88x128xi32, #tpu.memory_space<vmem>> -> memref<1x128xi32, #tpu.memory_space<vmem>>
        %dma_start3A_84 = tpu.memref_squeeze %dma_start3A_83 : memref<1x128xi32, #tpu.memory_space<vmem>> -> memref<128xi32, #tpu.memory_space<vmem>>
        %dma_start3A_85 = arith.constant 0 : i32
        %dma_start3A_86 = arith.constant 0 : i32
        %dma_start3A_87 = tpu.memref_slice %arg8[%dma_start3A_85, %dma_start3A_86] : memref<10240x8xf32, #tpu.memory_space<vmem_shared>> -> memref<10240x8xf32, #tpu.memory_space<vmem_shared>>
        tpu.enqueue_indirect_dma source(%dma_start3A_87 : memref<10240x8xf32, #tpu.memory_space<vmem_shared>>) target(%dma_start3A_81 : memref<128x8xf32, #tpu.memory_space<vmem>>) offsets(%dma_start3A_84 : memref<128xi32, #tpu.memory_space<vmem>>) semaphore(%arg15 : memref<!tpu.dma_semaphore, #tpu.memory_space<semaphore_mem>>)
        %add3A_88 = arith.constant 2 : i32
        %add3A_89 = arith.addi %mul3A_32, %add3A_88 : i32
        %mul3A_90 = arith.constant 2 : i32
        %mul3A_91 = arith.muli %add3A_89, %mul3A_90 : i32
        %add3A_92 = arith.constant 0 : i32
        %add3A_93 = arith.addi %mul3A_91, %add3A_92 : i32
        %dma_start3A_94 = arith.constant 0 : i32
        %dma_start3A_95 = arith.constant 0 : i32
        %dma_start3A_96 = tpu.memref_slice %arg13[%dma_start3A_94, %dma_start3A_95] : memref<256x8xf32, #tpu.memory_space<vmem>> -> memref<128x8xf32, #tpu.memory_space<vmem>>
        %dma_start3A_97 = arith.constant 0 : i32
        %dma_start3A_98 = tpu.memref_slice %arg9[%add3A_93, %dma_start3A_97] : memref<88x128xi32, #tpu.memory_space<vmem>> -> memref<1x128xi32, #tpu.memory_space<vmem>>
        %dma_start3A_99 = tpu.memref_squeeze %dma_start3A_98 : memref<1x128xi32, #tpu.memory_space<vmem>> -> memref<128xi32, #tpu.memory_space<vmem>>
        %dma_start3A_100 = arith.constant 0 : i32
        %dma_start3A_101 = arith.constant 0 : i32
        %dma_start3A_102 = tpu.memref_slice %arg8[%dma_start3A_100, %dma_start3A_101] : memref<10240x8xf32, #tpu.memory_space<vmem_shared>> -> memref<10240x8xf32, #tpu.memory_space<vmem_shared>>
        tpu.enqueue_indirect_dma source(%dma_start3A_102 : memref<10240x8xf32, #tpu.memory_space<vmem_shared>>) target(%dma_start3A_96 : memref<128x8xf32, #tpu.memory_space<vmem>>) offsets(%dma_start3A_99 : memref<128xi32, #tpu.memory_space<vmem>>) semaphore(%arg15 : memref<!tpu.dma_semaphore, #tpu.memory_space<semaphore_mem>>)
        %mul3A_103 = arith.constant 2 : i32
        %mul3A_104 = arith.muli %add3A_89, %mul3A_103 : i32
        %add3A_105 = arith.constant 1 : i32
        %add3A_106 = arith.addi %mul3A_104, %add3A_105 : i32
        %dma_start3A_107 = arith.constant 128 : i32
        %dma_start3A_108 = arith.constant 0 : i32
        %dma_start3A_109 = tpu.memref_slice %arg13[%dma_start3A_107, %dma_start3A_108] : memref<256x8xf32, #tpu.memory_space<vmem>> -> memref<128x8xf32, #tpu.memory_space<vmem>>
        %dma_start3A_110 = arith.constant 0 : i32
        %dma_start3A_111 = tpu.memref_slice %arg9[%add3A_106, %dma_start3A_110] : memref<88x128xi32, #tpu.memory_space<vmem>> -> memref<1x128xi32, #tpu.memory_space<vmem>>
        %dma_start3A_112 = tpu.memref_squeeze %dma_start3A_111 : memref<1x128xi32, #tpu.memory_space<vmem>> -> memref<128xi32, #tpu.memory_space<vmem>>
        %dma_start3A_113 = arith.constant 0 : i32
        %dma_start3A_114 = arith.constant 0 : i32
        %dma_start3A_115 = tpu.memref_slice %arg8[%dma_start3A_113, %dma_start3A_114] : memref<10240x8xf32, #tpu.memory_space<vmem_shared>> -> memref<10240x8xf32, #tpu.memory_space<vmem_shared>>
        tpu.enqueue_indirect_dma source(%dma_start3A_115 : memref<10240x8xf32, #tpu.memory_space<vmem_shared>>) target(%dma_start3A_109 : memref<128x8xf32, #tpu.memory_space<vmem>>) offsets(%dma_start3A_112 : memref<128xi32, #tpu.memory_space<vmem>>) semaphore(%arg15 : memref<!tpu.dma_semaphore, #tpu.memory_space<semaphore_mem>>)
        %add3A_116 = arith.constant 3 : i32
        %add3A_117 = arith.addi %mul3A_32, %add3A_116 : i32
        %mul3A_118 = arith.constant 2 : i32
        %mul3A_119 = arith.muli %add3A_117, %mul3A_118 : i32
        %add3A_120 = arith.constant 0 : i32
        %add3A_121 = arith.addi %mul3A_119, %add3A_120 : i32
        %dma_start3A_122 = arith.constant 0 : i32
        %dma_start3A_123 = arith.constant 0 : i32
        %dma_start3A_124 = tpu.memref_slice %arg14[%dma_start3A_122, %dma_start3A_123] : memref<256x8xf32, #tpu.memory_space<vmem>> -> memref<128x8xf32, #tpu.memory_space<vmem>>
        %dma_start3A_125 = arith.constant 0 : i32
        %dma_start3A_126 = tpu.memref_slice %arg9[%add3A_121, %dma_start3A_125] : memref<88x128xi32, #tpu.memory_space<vmem>> -> memref<1x128xi32, #tpu.memory_space<vmem>>
        %dma_start3A_127 = tpu.memref_squeeze %dma_start3A_126 : memref<1x128xi32, #tpu.memory_space<vmem>> -> memref<128xi32, #tpu.memory_space<vmem>>
        %dma_start3A_128 = arith.constant 0 : i32
        %dma_start3A_129 = arith.constant 0 : i32
        %dma_start3A_130 = tpu.memref_slice %arg8[%dma_start3A_128, %dma_start3A_129] : memref<10240x8xf32, #tpu.memory_space<vmem_shared>> -> memref<10240x8xf32, #tpu.memory_space<vmem_shared>>
        tpu.enqueue_indirect_dma source(%dma_start3A_130 : memref<10240x8xf32, #tpu.memory_space<vmem_shared>>) target(%dma_start3A_124 : memref<128x8xf32, #tpu.memory_space<vmem>>) offsets(%dma_start3A_127 : memref<128xi32, #tpu.memory_space<vmem>>) semaphore(%arg15 : memref<!tpu.dma_semaphore, #tpu.memory_space<semaphore_mem>>)
        %mul3A_131 = arith.constant 2 : i32
        %mul3A_132 = arith.muli %add3A_117, %mul3A_131 : i32
        %add3A_133 = arith.constant 1 : i32
        %add3A_134 = arith.addi %mul3A_132, %add3A_133 : i32
        %dma_start3A_135 = arith.constant 128 : i32
        %dma_start3A_136 = arith.constant 0 : i32
        %dma_start3A_137 = tpu.memref_slice %arg14[%dma_start3A_135, %dma_start3A_136] : memref<256x8xf32, #tpu.memory_space<vmem>> -> memref<128x8xf32, #tpu.memory_space<vmem>>
        %dma_start3A_138 = arith.constant 0 : i32
        %dma_start3A_139 = tpu.memref_slice %arg9[%add3A_134, %dma_start3A_138] : memref<88x128xi32, #tpu.memory_space<vmem>> -> memref<1x128xi32, #tpu.memory_space<vmem>>
        %dma_start3A_140 = tpu.memref_squeeze %dma_start3A_139 : memref<1x128xi32, #tpu.memory_space<vmem>> -> memref<128xi32, #tpu.memory_space<vmem>>
        %dma_start3A_141 = arith.constant 0 : i32
        %dma_start3A_142 = arith.constant 0 : i32
        %dma_start3A_143 = tpu.memref_slice %arg8[%dma_start3A_141, %dma_start3A_142] : memref<10240x8xf32, #tpu.memory_space<vmem_shared>> -> memref<10240x8xf32, #tpu.memory_space<vmem_shared>>
        tpu.enqueue_indirect_dma source(%dma_start3A_143 : memref<10240x8xf32, #tpu.memory_space<vmem_shared>>) target(%dma_start3A_137 : memref<128x8xf32, #tpu.memory_space<vmem>>) offsets(%dma_start3A_140 : memref<128xi32, #tpu.memory_space<vmem>>) semaphore(%arg15 : memref<!tpu.dma_semaphore, #tpu.memory_space<semaphore_mem>>)
        %dma_wait3A = arith.constant 0 : i32
        %dma_wait3A_144 = arith.constant 0 : i32
        %dma_wait3A_145 = tpu.memref_slice %arg11[%dma_wait3A, %dma_wait3A_144] : memref<256x8xf32, #tpu.memory_space<vmem>> -> memref<128x8xf32, #tpu.memory_space<vmem>>
        %dma_wait3A_146 = arith.constant 0 : i32
        %dma_wait3A_147 = tpu.memref_slice %arg9[%add3A_38, %dma_wait3A_146] : memref<88x128xi32, #tpu.memory_space<vmem>> -> memref<1x128xi32, #tpu.memory_space<vmem>>
        %dma_wait3A_148 = tpu.memref_squeeze %dma_wait3A_147 : memref<1x128xi32, #tpu.memory_space<vmem>> -> memref<128xi32, #tpu.memory_space<vmem>>
        %dma_wait3A_149 = arith.constant 0 : i32
        %dma_wait3A_150 = arith.constant 0 : i32
        %dma_wait3A_151 = tpu.memref_slice %arg8[%dma_wait3A_149, %dma_wait3A_150] : memref<10240x8xf32, #tpu.memory_space<vmem_shared>> -> memref<10240x8xf32, #tpu.memory_space<vmem_shared>>
        tpu.wait_indirect_dma semaphore(%arg15 : memref<!tpu.dma_semaphore, #tpu.memory_space<semaphore_mem>>) src(%dma_wait3A_151 : memref<10240x8xf32, #tpu.memory_space<vmem_shared>>) dst(%dma_wait3A_145 : memref<128x8xf32, #tpu.memory_space<vmem>>)
        %dma_wait3A_152 = arith.constant 128 : i32
        %dma_wait3A_153 = arith.constant 0 : i32
        %dma_wait3A_154 = tpu.memref_slice %arg11[%dma_wait3A_152, %dma_wait3A_153] : memref<256x8xf32, #tpu.memory_space<vmem>> -> memref<128x8xf32, #tpu.memory_space<vmem>>
        %dma_wait3A_155 = arith.constant 0 : i32
        %dma_wait3A_156 = tpu.memref_slice %arg9[%add3A_50, %dma_wait3A_155] : memref<88x128xi32, #tpu.memory_space<vmem>> -> memref<1x128xi32, #tpu.memory_space<vmem>>
        %dma_wait3A_157 = tpu.memref_squeeze %dma_wait3A_156 : memref<1x128xi32, #tpu.memory_space<vmem>> -> memref<128xi32, #tpu.memory_space<vmem>>
        %dma_wait3A_158 = arith.constant 0 : i32
        %dma_wait3A_159 = arith.constant 0 : i32
        %dma_wait3A_160 = tpu.memref_slice %arg8[%dma_wait3A_158, %dma_wait3A_159] : memref<10240x8xf32, #tpu.memory_space<vmem_shared>> -> memref<10240x8xf32, #tpu.memory_space<vmem_shared>>
        tpu.wait_indirect_dma semaphore(%arg15 : memref<!tpu.dma_semaphore, #tpu.memory_space<semaphore_mem>>) src(%dma_wait3A_160 : memref<10240x8xf32, #tpu.memory_space<vmem_shared>>) dst(%dma_wait3A_154 : memref<128x8xf32, #tpu.memory_space<vmem>>)
        %add3A_161 = arith.constant 0 : i32
        %add3A_162 = arith.addi %mul3A_32, %add3A_161 : i32
        %mul3A_163 = arith.constant 2 : i32
        %mul3A_164 = arith.muli %add3A_162, %mul3A_163 : i32
        %add3A_165 = arith.constant 0 : i32
        %add3A_166 = arith.addi %mul3A_164, %add3A_165 : i32
        %dma_start3A_167 = arith.constant 0 : i32
        %dma_start3A_168 = arith.constant 0 : i32
        %dma_start3A_169 = tpu.memref_slice %arg11[%dma_start3A_167, %dma_start3A_168] : memref<256x8xf32, #tpu.memory_space<vmem>> -> memref<128x8xf32, #tpu.memory_space<vmem>>
        %dma_start3A_170 = arith.constant 0 : i32
        %dma_start3A_171 = tpu.memref_slice %arg10[%add3A_166, %dma_start3A_170] : memref<88x128xi32, #tpu.memory_space<vmem>> -> memref<1x128xi32, #tpu.memory_space<vmem>>
        %dma_start3A_172 = tpu.memref_squeeze %dma_start3A_171 : memref<1x128xi32, #tpu.memory_space<vmem>> -> memref<128xi32, #tpu.memory_space<vmem>>
        %dma_start3A_173 = arith.constant 0 : i32
        %dma_start3A_174 = arith.constant 0 : i32
        %dma_start3A_175 = tpu.memref_slice %arg7[%dma_start3A_173, %dma_start3A_174] : memref<10240x8xf32, #tpu.memory_space<vmem_shared>> -> memref<10240x8xf32, #tpu.memory_space<vmem_shared>>
        tpu.enqueue_indirect_dma source(%dma_start3A_169 : memref<128x8xf32, #tpu.memory_space<vmem>>) target(%dma_start3A_175 : memref<10240x8xf32, #tpu.memory_space<vmem_shared>>) offsets(%dma_start3A_172 : memref<128xi32, #tpu.memory_space<vmem>>) semaphore(%arg16 : memref<!tpu.dma_semaphore, #tpu.memory_space<semaphore_mem>>) {add = true}
        %mul3A_176 = arith.constant 2 : i32
        %mul3A_177 = arith.muli %add3A_162, %mul3A_176 : i32
        %add3A_178 = arith.constant 1 : i32
        %add3A_179 = arith.addi %mul3A_177, %add3A_178 : i32
        %dma_start3A_180 = arith.constant 128 : i32
        %dma_start3A_181 = arith.constant 0 : i32
        %dma_start3A_182 = tpu.memref_slice %arg11[%dma_start3A_180, %dma_start3A_181] : memref<256x8xf32, #tpu.memory_space<vmem>> -> memref<128x8xf32, #tpu.memory_space<vmem>>
        %dma_start3A_183 = arith.constant 0 : i32
        %dma_start3A_184 = tpu.memref_slice %arg10[%add3A_179, %dma_start3A_183] : memref<88x128xi32, #tpu.memory_space<vmem>> -> memref<1x128xi32, #tpu.memory_space<vmem>>
        %dma_start3A_185 = tpu.memref_squeeze %dma_start3A_184 : memref<1x128xi32, #tpu.memory_space<vmem>> -> memref<128xi32, #tpu.memory_space<vmem>>
        %dma_start3A_186 = arith.constant 0 : i32
        %dma_start3A_187 = arith.constant 0 : i32
        %dma_start3A_188 = tpu.memref_slice %arg7[%dma_start3A_186, %dma_start3A_187] : memref<10240x8xf32, #tpu.memory_space<vmem_shared>> -> memref<10240x8xf32, #tpu.memory_space<vmem_shared>>
        tpu.enqueue_indirect_dma source(%dma_start3A_182 : memref<128x8xf32, #tpu.memory_space<vmem>>) target(%dma_start3A_188 : memref<10240x8xf32, #tpu.memory_space<vmem_shared>>) offsets(%dma_start3A_185 : memref<128xi32, #tpu.memory_space<vmem>>) semaphore(%arg16 : memref<!tpu.dma_semaphore, #tpu.memory_space<semaphore_mem>>) {add = true}
        %dma_wait3A_189 = arith.constant 0 : i32
        %dma_wait3A_190 = arith.constant 0 : i32
        %dma_wait3A_191 = tpu.memref_slice %arg12[%dma_wait3A_189, %dma_wait3A_190] : memref<256x8xf32, #tpu.memory_space<vmem>> -> memref<128x8xf32, #tpu.memory_space<vmem>>
        %dma_wait3A_192 = arith.constant 0 : i32
        %dma_wait3A_193 = tpu.memref_slice %arg9[%add3A_65, %dma_wait3A_192] : memref<88x128xi32, #tpu.memory_space<vmem>> -> memref<1x128xi32, #tpu.memory_space<vmem>>
        %dma_wait3A_194 = tpu.memref_squeeze %dma_wait3A_193 : memref<1x128xi32, #tpu.memory_space<vmem>> -> memref<128xi32, #tpu.memory_space<vmem>>
        %dma_wait3A_195 = arith.constant 0 : i32
        %dma_wait3A_196 = arith.constant 0 : i32
        %dma_wait3A_197 = tpu.memref_slice %arg8[%dma_wait3A_195, %dma_wait3A_196] : memref<10240x8xf32, #tpu.memory_space<vmem_shared>> -> memref<10240x8xf32, #tpu.memory_space<vmem_shared>>
        tpu.wait_indirect_dma semaphore(%arg15 : memref<!tpu.dma_semaphore, #tpu.memory_space<semaphore_mem>>) src(%dma_wait3A_197 : memref<10240x8xf32, #tpu.memory_space<vmem_shared>>) dst(%dma_wait3A_191 : memref<128x8xf32, #tpu.memory_space<vmem>>)
        %dma_wait3A_198 = arith.constant 128 : i32
        %dma_wait3A_199 = arith.constant 0 : i32
        %dma_wait3A_200 = tpu.memref_slice %arg12[%dma_wait3A_198, %dma_wait3A_199] : memref<256x8xf32, #tpu.memory_space<vmem>> -> memref<128x8xf32, #tpu.memory_space<vmem>>
        %dma_wait3A_201 = arith.constant 0 : i32
        %dma_wait3A_202 = tpu.memref_slice %arg9[%add3A_78, %dma_wait3A_201] : memref<88x128xi32, #tpu.memory_space<vmem>> -> memref<1x128xi32, #tpu.memory_space<vmem>>
        %dma_wait3A_203 = tpu.memref_squeeze %dma_wait3A_202 : memref<1x128xi32, #tpu.memory_space<vmem>> -> memref<128xi32, #tpu.memory_space<vmem>>
        %dma_wait3A_204 = arith.constant 0 : i32
        %dma_wait3A_205 = arith.constant 0 : i32
        %dma_wait3A_206 = tpu.memref_slice %arg8[%dma_wait3A_204, %dma_wait3A_205] : memref<10240x8xf32, #tpu.memory_space<vmem_shared>> -> memref<10240x8xf32, #tpu.memory_space<vmem_shared>>
        tpu.wait_indirect_dma semaphore(%arg15 : memref<!tpu.dma_semaphore, #tpu.memory_space<semaphore_mem>>) src(%dma_wait3A_206 : memref<10240x8xf32, #tpu.memory_space<vmem_shared>>) dst(%dma_wait3A_200 : memref<128x8xf32, #tpu.memory_space<vmem>>)
        %add3A_207 = arith.constant 1 : i32
        %add3A_208 = arith.addi %mul3A_32, %add3A_207 : i32
        %mul3A_209 = arith.constant 2 : i32
        %mul3A_210 = arith.muli %add3A_208, %mul3A_209 : i32
        %add3A_211 = arith.constant 0 : i32
        %add3A_212 = arith.addi %mul3A_210, %add3A_211 : i32
        %dma_start3A_213 = arith.constant 0 : i32
        %dma_start3A_214 = arith.constant 0 : i32
        %dma_start3A_215 = tpu.memref_slice %arg12[%dma_start3A_213, %dma_start3A_214] : memref<256x8xf32, #tpu.memory_space<vmem>> -> memref<128x8xf32, #tpu.memory_space<vmem>>
        %dma_start3A_216 = arith.constant 0 : i32
        %dma_start3A_217 = tpu.memref_slice %arg10[%add3A_212, %dma_start3A_216] : memref<88x128xi32, #tpu.memory_space<vmem>> -> memref<1x128xi32, #tpu.memory_space<vmem>>
        %dma_start3A_218 = tpu.memref_squeeze %dma_start3A_217 : memref<1x128xi32, #tpu.memory_space<vmem>> -> memref<128xi32, #tpu.memory_space<vmem>>
        %dma_start3A_219 = arith.constant 0 : i32
        %dma_start3A_220 = arith.constant 0 : i32
        %dma_start3A_221 = tpu.memref_slice %arg7[%dma_start3A_219, %dma_start3A_220] : memref<10240x8xf32, #tpu.memory_space<vmem_shared>> -> memref<10240x8xf32, #tpu.memory_space<vmem_shared>>
        tpu.enqueue_indirect_dma source(%dma_start3A_215 : memref<128x8xf32, #tpu.memory_space<vmem>>) target(%dma_start3A_221 : memref<10240x8xf32, #tpu.memory_space<vmem_shared>>) offsets(%dma_start3A_218 : memref<128xi32, #tpu.memory_space<vmem>>) semaphore(%arg16 : memref<!tpu.dma_semaphore, #tpu.memory_space<semaphore_mem>>) {add = true}
        %mul3A_222 = arith.constant 2 : i32
        %mul3A_223 = arith.muli %add3A_208, %mul3A_222 : i32
        %add3A_224 = arith.constant 1 : i32
        %add3A_225 = arith.addi %mul3A_223, %add3A_224 : i32
        %dma_start3A_226 = arith.constant 128 : i32
        %dma_start3A_227 = arith.constant 0 : i32
        %dma_start3A_228 = tpu.memref_slice %arg12[%dma_start3A_226, %dma_start3A_227] : memref<256x8xf32, #tpu.memory_space<vmem>> -> memref<128x8xf32, #tpu.memory_space<vmem>>
        %dma_start3A_229 = arith.constant 0 : i32
        %dma_start3A_230 = tpu.memref_slice %arg10[%add3A_225, %dma_start3A_229] : memref<88x128xi32, #tpu.memory_space<vmem>> -> memref<1x128xi32, #tpu.memory_space<vmem>>
        %dma_start3A_231 = tpu.memref_squeeze %dma_start3A_230 : memref<1x128xi32, #tpu.memory_space<vmem>> -> memref<128xi32, #tpu.memory_space<vmem>>
        %dma_start3A_232 = arith.constant 0 : i32
        %dma_start3A_233 = arith.constant 0 : i32
        %dma_start3A_234 = tpu.memref_slice %arg7[%dma_start3A_232, %dma_start3A_233] : memref<10240x8xf32, #tpu.memory_space<vmem_shared>> -> memref<10240x8xf32, #tpu.memory_space<vmem_shared>>
        tpu.enqueue_indirect_dma source(%dma_start3A_228 : memref<128x8xf32, #tpu.memory_space<vmem>>) target(%dma_start3A_234 : memref<10240x8xf32, #tpu.memory_space<vmem_shared>>) offsets(%dma_start3A_231 : memref<128xi32, #tpu.memory_space<vmem>>) semaphore(%arg16 : memref<!tpu.dma_semaphore, #tpu.memory_space<semaphore_mem>>) {add = true}
        %dma_wait3A_235 = arith.constant 0 : i32
        %dma_wait3A_236 = arith.constant 0 : i32
        %dma_wait3A_237 = tpu.memref_slice %arg13[%dma_wait3A_235, %dma_wait3A_236] : memref<256x8xf32, #tpu.memory_space<vmem>> -> memref<128x8xf32, #tpu.memory_space<vmem>>
        %dma_wait3A_238 = arith.constant 0 : i32
        %dma_wait3A_239 = tpu.memref_slice %arg9[%add3A_93, %dma_wait3A_238] : memref<88x128xi32, #tpu.memory_space<vmem>> -> memref<1x128xi32, #tpu.memory_space<vmem>>
        %dma_wait3A_240 = tpu.memref_squeeze %dma_wait3A_239 : memref<1x128xi32, #tpu.memory_space<vmem>> -> memref<128xi32, #tpu.memory_space<vmem>>
        %dma_wait3A_241 = arith.constant 0 : i32
        %dma_wait3A_242 = arith.constant 0 : i32
        %dma_wait3A_243 = tpu.memref_slice %arg8[%dma_wait3A_241, %dma_wait3A_242] : memref<10240x8xf32, #tpu.memory_space<vmem_shared>> -> memref<10240x8xf32, #tpu.memory_space<vmem_shared>>
        tpu.wait_indirect_dma semaphore(%arg15 : memref<!tpu.dma_semaphore, #tpu.memory_space<semaphore_mem>>) src(%dma_wait3A_243 : memref<10240x8xf32, #tpu.memory_space<vmem_shared>>) dst(%dma_wait3A_237 : memref<128x8xf32, #tpu.memory_space<vmem>>)
        %dma_wait3A_244 = arith.constant 128 : i32
        %dma_wait3A_245 = arith.constant 0 : i32
        %dma_wait3A_246 = tpu.memref_slice %arg13[%dma_wait3A_244, %dma_wait3A_245] : memref<256x8xf32, #tpu.memory_space<vmem>> -> memref<128x8xf32, #tpu.memory_space<vmem>>
        %dma_wait3A_247 = arith.constant 0 : i32
        %dma_wait3A_248 = tpu.memref_slice %arg9[%add3A_106, %dma_wait3A_247] : memref<88x128xi32, #tpu.memory_space<vmem>> -> memref<1x128xi32, #tpu.memory_space<vmem>>
        %dma_wait3A_249 = tpu.memref_squeeze %dma_wait3A_248 : memref<1x128xi32, #tpu.memory_space<vmem>> -> memref<128xi32, #tpu.memory_space<vmem>>
        %dma_wait3A_250 = arith.constant 0 : i32
        %dma_wait3A_251 = arith.constant 0 : i32
        %dma_wait3A_252 = tpu.memref_slice %arg8[%dma_wait3A_250, %dma_wait3A_251] : memref<10240x8xf32, #tpu.memory_space<vmem_shared>> -> memref<10240x8xf32, #tpu.memory_space<vmem_shared>>
        tpu.wait_indirect_dma semaphore(%arg15 : memref<!tpu.dma_semaphore, #tpu.memory_space<semaphore_mem>>) src(%dma_wait3A_252 : memref<10240x8xf32, #tpu.memory_space<vmem_shared>>) dst(%dma_wait3A_246 : memref<128x8xf32, #tpu.memory_space<vmem>>)
        %add3A_253 = arith.constant 2 : i32
        %add3A_254 = arith.addi %mul3A_32, %add3A_253 : i32
        %mul3A_255 = arith.constant 2 : i32
        %mul3A_256 = arith.muli %add3A_254, %mul3A_255 : i32
        %add3A_257 = arith.constant 0 : i32
        %add3A_258 = arith.addi %mul3A_256, %add3A_257 : i32
        %dma_start3A_259 = arith.constant 0 : i32
        %dma_start3A_260 = arith.constant 0 : i32
        %dma_start3A_261 = tpu.memref_slice %arg13[%dma_start3A_259, %dma_start3A_260] : memref<256x8xf32, #tpu.memory_space<vmem>> -> memref<128x8xf32, #tpu.memory_space<vmem>>
        %dma_start3A_262 = arith.constant 0 : i32
        %dma_start3A_263 = tpu.memref_slice %arg10[%add3A_258, %dma_start3A_262] : memref<88x128xi32, #tpu.memory_space<vmem>> -> memref<1x128xi32, #tpu.memory_space<vmem>>
        %dma_start3A_264 = tpu.memref_squeeze %dma_start3A_263 : memref<1x128xi32, #tpu.memory_space<vmem>> -> memref<128xi32, #tpu.memory_space<vmem>>
        %dma_start3A_265 = arith.constant 0 : i32
        %dma_start3A_266 = arith.constant 0 : i32
        %dma_start3A_267 = tpu.memref_slice %arg7[%dma_start3A_265, %dma_start3A_266] : memref<10240x8xf32, #tpu.memory_space<vmem_shared>> -> memref<10240x8xf32, #tpu.memory_space<vmem_shared>>
        tpu.enqueue_indirect_dma source(%dma_start3A_261 : memref<128x8xf32, #tpu.memory_space<vmem>>) target(%dma_start3A_267 : memref<10240x8xf32, #tpu.memory_space<vmem_shared>>) offsets(%dma_start3A_264 : memref<128xi32, #tpu.memory_space<vmem>>) semaphore(%arg16 : memref<!tpu.dma_semaphore, #tpu.memory_space<semaphore_mem>>) {add = true}
        %mul3A_268 = arith.constant 2 : i32
        %mul3A_269 = arith.muli %add3A_254, %mul3A_268 : i32
        %add3A_270 = arith.constant 1 : i32
        %add3A_271 = arith.addi %mul3A_269, %add3A_270 : i32
        %dma_start3A_272 = arith.constant 128 : i32
        %dma_start3A_273 = arith.constant 0 : i32
        %dma_start3A_274 = tpu.memref_slice %arg13[%dma_start3A_272, %dma_start3A_273] : memref<256x8xf32, #tpu.memory_space<vmem>> -> memref<128x8xf32, #tpu.memory_space<vmem>>
        %dma_start3A_275 = arith.constant 0 : i32
        %dma_start3A_276 = tpu.memref_slice %arg10[%add3A_271, %dma_start3A_275] : memref<88x128xi32, #tpu.memory_space<vmem>> -> memref<1x128xi32, #tpu.memory_space<vmem>>
        %dma_start3A_277 = tpu.memref_squeeze %dma_start3A_276 : memref<1x128xi32, #tpu.memory_space<vmem>> -> memref<128xi32, #tpu.memory_space<vmem>>
        %dma_start3A_278 = arith.constant 0 : i32
        %dma_start3A_279 = arith.constant 0 : i32
        %dma_start3A_280 = tpu.memref_slice %arg7[%dma_start3A_278, %dma_start3A_279] : memref<10240x8xf32, #tpu.memory_space<vmem_shared>> -> memref<10240x8xf32, #tpu.memory_space<vmem_shared>>
        tpu.enqueue_indirect_dma source(%dma_start3A_274 : memref<128x8xf32, #tpu.memory_space<vmem>>) target(%dma_start3A_280 : memref<10240x8xf32, #tpu.memory_space<vmem_shared>>) offsets(%dma_start3A_277 : memref<128xi32, #tpu.memory_space<vmem>>) semaphore(%arg16 : memref<!tpu.dma_semaphore, #tpu.memory_space<semaphore_mem>>) {add = true}
        %dma_wait3A_281 = arith.constant 0 : i32
        %dma_wait3A_282 = arith.constant 0 : i32
        %dma_wait3A_283 = tpu.memref_slice %arg14[%dma_wait3A_281, %dma_wait3A_282] : memref<256x8xf32, #tpu.memory_space<vmem>> -> memref<128x8xf32, #tpu.memory_space<vmem>>
        %dma_wait3A_284 = arith.constant 0 : i32
        %dma_wait3A_285 = tpu.memref_slice %arg9[%add3A_121, %dma_wait3A_284] : memref<88x128xi32, #tpu.memory_space<vmem>> -> memref<1x128xi32, #tpu.memory_space<vmem>>
        %dma_wait3A_286 = tpu.memref_squeeze %dma_wait3A_285 : memref<1x128xi32, #tpu.memory_space<vmem>> -> memref<128xi32, #tpu.memory_space<vmem>>
        %dma_wait3A_287 = arith.constant 0 : i32
        %dma_wait3A_288 = arith.constant 0 : i32
        %dma_wait3A_289 = tpu.memref_slice %arg8[%dma_wait3A_287, %dma_wait3A_288] : memref<10240x8xf32, #tpu.memory_space<vmem_shared>> -> memref<10240x8xf32, #tpu.memory_space<vmem_shared>>
        tpu.wait_indirect_dma semaphore(%arg15 : memref<!tpu.dma_semaphore, #tpu.memory_space<semaphore_mem>>) src(%dma_wait3A_289 : memref<10240x8xf32, #tpu.memory_space<vmem_shared>>) dst(%dma_wait3A_283 : memref<128x8xf32, #tpu.memory_space<vmem>>)
        %dma_wait3A_290 = arith.constant 128 : i32
        %dma_wait3A_291 = arith.constant 0 : i32
        %dma_wait3A_292 = tpu.memref_slice %arg14[%dma_wait3A_290, %dma_wait3A_291] : memref<256x8xf32, #tpu.memory_space<vmem>> -> memref<128x8xf32, #tpu.memory_space<vmem>>
        %dma_wait3A_293 = arith.constant 0 : i32
        %dma_wait3A_294 = tpu.memref_slice %arg9[%add3A_134, %dma_wait3A_293] : memref<88x128xi32, #tpu.memory_space<vmem>> -> memref<1x128xi32, #tpu.memory_space<vmem>>
        %dma_wait3A_295 = tpu.memref_squeeze %dma_wait3A_294 : memref<1x128xi32, #tpu.memory_space<vmem>> -> memref<128xi32, #tpu.memory_space<vmem>>
        %dma_wait3A_296 = arith.constant 0 : i32
        %dma_wait3A_297 = arith.constant 0 : i32
        %dma_wait3A_298 = tpu.memref_slice %arg8[%dma_wait3A_296, %dma_wait3A_297] : memref<10240x8xf32, #tpu.memory_space<vmem_shared>> -> memref<10240x8xf32, #tpu.memory_space<vmem_shared>>
        tpu.wait_indirect_dma semaphore(%arg15 : memref<!tpu.dma_semaphore, #tpu.memory_space<semaphore_mem>>) src(%dma_wait3A_298 : memref<10240x8xf32, #tpu.memory_space<vmem_shared>>) dst(%dma_wait3A_292 : memref<128x8xf32, #tpu.memory_space<vmem>>)
        %add3A_299 = arith.constant 3 : i32
        %add3A_300 = arith.addi %mul3A_32, %add3A_299 : i32
        %mul3A_301 = arith.constant 2 : i32
        %mul3A_302 = arith.muli %add3A_300, %mul3A_301 : i32
        %add3A_303 = arith.constant 0 : i32
        %add3A_304 = arith.addi %mul3A_302, %add3A_303 : i32
        %dma_start3A_305 = arith.constant 0 : i32
        %dma_start3A_306 = arith.constant 0 : i32
        %dma_start3A_307 = tpu.memref_slice %arg14[%dma_start3A_305, %dma_start3A_306] : memref<256x8xf32, #tpu.memory_space<vmem>> -> memref<128x8xf32, #tpu.memory_space<vmem>>
        %dma_start3A_308 = arith.constant 0 : i32
        %dma_start3A_309 = tpu.memref_slice %arg10[%add3A_304, %dma_start3A_308] : memref<88x128xi32, #tpu.memory_space<vmem>> -> memref<1x128xi32, #tpu.memory_space<vmem>>
        %dma_start3A_310 = tpu.memref_squeeze %dma_start3A_309 : memref<1x128xi32, #tpu.memory_space<vmem>> -> memref<128xi32, #tpu.memory_space<vmem>>
        %dma_start3A_311 = arith.constant 0 : i32
        %dma_start3A_312 = arith.constant 0 : i32
        %dma_start3A_313 = tpu.memref_slice %arg7[%dma_start3A_311, %dma_start3A_312] : memref<10240x8xf32, #tpu.memory_space<vmem_shared>> -> memref<10240x8xf32, #tpu.memory_space<vmem_shared>>
        tpu.enqueue_indirect_dma source(%dma_start3A_307 : memref<128x8xf32, #tpu.memory_space<vmem>>) target(%dma_start3A_313 : memref<10240x8xf32, #tpu.memory_space<vmem_shared>>) offsets(%dma_start3A_310 : memref<128xi32, #tpu.memory_space<vmem>>) semaphore(%arg16 : memref<!tpu.dma_semaphore, #tpu.memory_space<semaphore_mem>>) {add = true}
        %mul3A_314 = arith.constant 2 : i32
        %mul3A_315 = arith.muli %add3A_300, %mul3A_314 : i32
        %add3A_316 = arith.constant 1 : i32
        %add3A_317 = arith.addi %mul3A_315, %add3A_316 : i32
        %dma_start3A_318 = arith.constant 128 : i32
        %dma_start3A_319 = arith.constant 0 : i32
        %dma_start3A_320 = tpu.memref_slice %arg14[%dma_start3A_318, %dma_start3A_319] : memref<256x8xf32, #tpu.memory_space<vmem>> -> memref<128x8xf32, #tpu.memory_space<vmem>>
        %dma_start3A_321 = arith.constant 0 : i32
        %dma_start3A_322 = tpu.memref_slice %arg10[%add3A_317, %dma_start3A_321] : memref<88x128xi32, #tpu.memory_space<vmem>> -> memref<1x128xi32, #tpu.memory_space<vmem>>
        %dma_start3A_323 = tpu.memref_squeeze %dma_start3A_322 : memref<1x128xi32, #tpu.memory_space<vmem>> -> memref<128xi32, #tpu.memory_space<vmem>>
        %dma_start3A_324 = arith.constant 0 : i32
        %dma_start3A_325 = arith.constant 0 : i32
        %dma_start3A_326 = tpu.memref_slice %arg7[%dma_start3A_324, %dma_start3A_325] : memref<10240x8xf32, #tpu.memory_space<vmem_shared>> -> memref<10240x8xf32, #tpu.memory_space<vmem_shared>>
        tpu.enqueue_indirect_dma source(%dma_start3A_320 : memref<128x8xf32, #tpu.memory_space<vmem>>) target(%dma_start3A_326 : memref<10240x8xf32, #tpu.memory_space<vmem_shared>>) offsets(%dma_start3A_323 : memref<128xi32, #tpu.memory_space<vmem>>) semaphore(%arg16 : memref<!tpu.dma_semaphore, #tpu.memory_space<semaphore_mem>>) {add = true}
        %dma_wait3A_327 = arith.constant 0 : i32
        %dma_wait3A_328 = arith.constant 0 : i32
        %dma_wait3A_329 = tpu.memref_slice %arg11[%dma_wait3A_327, %dma_wait3A_328] : memref<256x8xf32, #tpu.memory_space<vmem>> -> memref<128x8xf32, #tpu.memory_space<vmem>>
        %dma_wait3A_330 = arith.constant 0 : i32
        %dma_wait3A_331 = tpu.memref_slice %arg10[%add3A_166, %dma_wait3A_330] : memref<88x128xi32, #tpu.memory_space<vmem>> -> memref<1x128xi32, #tpu.memory_space<vmem>>
        %dma_wait3A_332 = tpu.memref_squeeze %dma_wait3A_331 : memref<1x128xi32, #tpu.memory_space<vmem>> -> memref<128xi32, #tpu.memory_space<vmem>>
        %dma_wait3A_333 = arith.constant 0 : i32
        %dma_wait3A_334 = arith.constant 0 : i32
        %dma_wait3A_335 = tpu.memref_slice %arg7[%dma_wait3A_333, %dma_wait3A_334] : memref<10240x8xf32, #tpu.memory_space<vmem_shared>> -> memref<10240x8xf32, #tpu.memory_space<vmem_shared>>
        tpu.wait_indirect_dma semaphore(%arg16 : memref<!tpu.dma_semaphore, #tpu.memory_space<semaphore_mem>>) src(%dma_wait3A_329 : memref<128x8xf32, #tpu.memory_space<vmem>>) dst(%dma_wait3A_335 : memref<10240x8xf32, #tpu.memory_space<vmem_shared>>)
        %dma_wait3A_336 = arith.constant 128 : i32
        %dma_wait3A_337 = arith.constant 0 : i32
        %dma_wait3A_338 = tpu.memref_slice %arg11[%dma_wait3A_336, %dma_wait3A_337] : memref<256x8xf32, #tpu.memory_space<vmem>> -> memref<128x8xf32, #tpu.memory_space<vmem>>
        %dma_wait3A_339 = arith.constant 0 : i32
        %dma_wait3A_340 = tpu.memref_slice %arg10[%add3A_179, %dma_wait3A_339] : memref<88x128xi32, #tpu.memory_space<vmem>> -> memref<1x128xi32, #tpu.memory_space<vmem>>
        %dma_wait3A_341 = tpu.memref_squeeze %dma_wait3A_340 : memref<1x128xi32, #tpu.memory_space<vmem>> -> memref<128xi32, #tpu.memory_space<vmem>>
        %dma_wait3A_342 = arith.constant 0 : i32
        %dma_wait3A_343 = arith.constant 0 : i32
        %dma_wait3A_344 = tpu.memref_slice %arg7[%dma_wait3A_342, %dma_wait3A_343] : memref<10240x8xf32, #tpu.memory_space<vmem_shared>> -> memref<10240x8xf32, #tpu.memory_space<vmem_shared>>
        tpu.wait_indirect_dma semaphore(%arg16 : memref<!tpu.dma_semaphore, #tpu.memory_space<semaphore_mem>>) src(%dma_wait3A_338 : memref<128x8xf32, #tpu.memory_space<vmem>>) dst(%dma_wait3A_344 : memref<10240x8xf32, #tpu.memory_space<vmem_shared>>)
        %dma_wait3A_345 = arith.constant 0 : i32
        %dma_wait3A_346 = arith.constant 0 : i32
        %dma_wait3A_347 = tpu.memref_slice %arg12[%dma_wait3A_345, %dma_wait3A_346] : memref<256x8xf32, #tpu.memory_space<vmem>> -> memref<128x8xf32, #tpu.memory_space<vmem>>
        %dma_wait3A_348 = arith.constant 0 : i32
        %dma_wait3A_349 = tpu.memref_slice %arg10[%add3A_212, %dma_wait3A_348] : memref<88x128xi32, #tpu.memory_space<vmem>> -> memref<1x128xi32, #tpu.memory_space<vmem>>
        %dma_wait3A_350 = tpu.memref_squeeze %dma_wait3A_349 : memref<1x128xi32, #tpu.memory_space<vmem>> -> memref<128xi32, #tpu.memory_space<vmem>>
        %dma_wait3A_351 = arith.constant 0 : i32
        %dma_wait3A_352 = arith.constant 0 : i32
        %dma_wait3A_353 = tpu.memref_slice %arg7[%dma_wait3A_351, %dma_wait3A_352] : memref<10240x8xf32, #tpu.memory_space<vmem_shared>> -> memref<10240x8xf32, #tpu.memory_space<vmem_shared>>
        tpu.wait_indirect_dma semaphore(%arg16 : memref<!tpu.dma_semaphore, #tpu.memory_space<semaphore_mem>>) src(%dma_wait3A_347 : memref<128x8xf32, #tpu.memory_space<vmem>>) dst(%dma_wait3A_353 : memref<10240x8xf32, #tpu.memory_space<vmem_shared>>)
        %dma_wait3A_354 = arith.constant 128 : i32
        %dma_wait3A_355 = arith.constant 0 : i32
        %dma_wait3A_356 = tpu.memref_slice %arg12[%dma_wait3A_354, %dma_wait3A_355] : memref<256x8xf32, #tpu.memory_space<vmem>> -> memref<128x8xf32, #tpu.memory_space<vmem>>
        %dma_wait3A_357 = arith.constant 0 : i32
        %dma_wait3A_358 = tpu.memref_slice %arg10[%add3A_225, %dma_wait3A_357] : memref<88x128xi32, #tpu.memory_space<vmem>> -> memref<1x128xi32, #tpu.memory_space<vmem>>
        %dma_wait3A_359 = tpu.memref_squeeze %dma_wait3A_358 : memref<1x128xi32, #tpu.memory_space<vmem>> -> memref<128xi32, #tpu.memory_space<vmem>>
        %dma_wait3A_360 = arith.constant 0 : i32
        %dma_wait3A_361 = arith.constant 0 : i32
        %dma_wait3A_362 = tpu.memref_slice %arg7[%dma_wait3A_360, %dma_wait3A_361] : memref<10240x8xf32, #tpu.memory_space<vmem_shared>> -> memref<10240x8xf32, #tpu.memory_space<vmem_shared>>
        tpu.wait_indirect_dma semaphore(%arg16 : memref<!tpu.dma_semaphore, #tpu.memory_space<semaphore_mem>>) src(%dma_wait3A_356 : memref<128x8xf32, #tpu.memory_space<vmem>>) dst(%dma_wait3A_362 : memref<10240x8xf32, #tpu.memory_space<vmem_shared>>)
        %dma_wait3A_363 = arith.constant 0 : i32
        %dma_wait3A_364 = arith.constant 0 : i32
        %dma_wait3A_365 = tpu.memref_slice %arg13[%dma_wait3A_363, %dma_wait3A_364] : memref<256x8xf32, #tpu.memory_space<vmem>> -> memref<128x8xf32, #tpu.memory_space<vmem>>
        %dma_wait3A_366 = arith.constant 0 : i32
        %dma_wait3A_367 = tpu.memref_slice %arg10[%add3A_258, %dma_wait3A_366] : memref<88x128xi32, #tpu.memory_space<vmem>> -> memref<1x128xi32, #tpu.memory_space<vmem>>
        %dma_wait3A_368 = tpu.memref_squeeze %dma_wait3A_367 : memref<1x128xi32, #tpu.memory_space<vmem>> -> memref<128xi32, #tpu.memory_space<vmem>>
        %dma_wait3A_369 = arith.constant 0 : i32
        %dma_wait3A_370 = arith.constant 0 : i32
        %dma_wait3A_371 = tpu.memref_slice %arg7[%dma_wait3A_369, %dma_wait3A_370] : memref<10240x8xf32, #tpu.memory_space<vmem_shared>> -> memref<10240x8xf32, #tpu.memory_space<vmem_shared>>
        tpu.wait_indirect_dma semaphore(%arg16 : memref<!tpu.dma_semaphore, #tpu.memory_space<semaphore_mem>>) src(%dma_wait3A_365 : memref<128x8xf32, #tpu.memory_space<vmem>>) dst(%dma_wait3A_371 : memref<10240x8xf32, #tpu.memory_space<vmem_shared>>)
        %dma_wait3A_372 = arith.constant 128 : i32
        %dma_wait3A_373 = arith.constant 0 : i32
        %dma_wait3A_374 = tpu.memref_slice %arg13[%dma_wait3A_372, %dma_wait3A_373] : memref<256x8xf32, #tpu.memory_space<vmem>> -> memref<128x8xf32, #tpu.memory_space<vmem>>
        %dma_wait3A_375 = arith.constant 0 : i32
        %dma_wait3A_376 = tpu.memref_slice %arg10[%add3A_271, %dma_wait3A_375] : memref<88x128xi32, #tpu.memory_space<vmem>> -> memref<1x128xi32, #tpu.memory_space<vmem>>
        %dma_wait3A_377 = tpu.memref_squeeze %dma_wait3A_376 : memref<1x128xi32, #tpu.memory_space<vmem>> -> memref<128xi32, #tpu.memory_space<vmem>>
        %dma_wait3A_378 = arith.constant 0 : i32
        %dma_wait3A_379 = arith.constant 0 : i32
        %dma_wait3A_380 = tpu.memref_slice %arg7[%dma_wait3A_378, %dma_wait3A_379] : memref<10240x8xf32, #tpu.memory_space<vmem_shared>> -> memref<10240x8xf32, #tpu.memory_space<vmem_shared>>
        tpu.wait_indirect_dma semaphore(%arg16 : memref<!tpu.dma_semaphore, #tpu.memory_space<semaphore_mem>>) src(%dma_wait3A_374 : memref<128x8xf32, #tpu.memory_space<vmem>>) dst(%dma_wait3A_380 : memref<10240x8xf32, #tpu.memory_space<vmem_shared>>)
        %dma_wait3A_381 = arith.constant 0 : i32
        %dma_wait3A_382 = arith.constant 0 : i32
        %dma_wait3A_383 = tpu.memref_slice %arg14[%dma_wait3A_381, %dma_wait3A_382] : memref<256x8xf32, #tpu.memory_space<vmem>> -> memref<128x8xf32, #tpu.memory_space<vmem>>
        %dma_wait3A_384 = arith.constant 0 : i32
        %dma_wait3A_385 = tpu.memref_slice %arg10[%add3A_304, %dma_wait3A_384] : memref<88x128xi32, #tpu.memory_space<vmem>> -> memref<1x128xi32, #tpu.memory_space<vmem>>
        %dma_wait3A_386 = tpu.memref_squeeze %dma_wait3A_385 : memref<1x128xi32, #tpu.memory_space<vmem>> -> memref<128xi32, #tpu.memory_space<vmem>>
        %dma_wait3A_387 = arith.constant 0 : i32
        %dma_wait3A_388 = arith.constant 0 : i32
        %dma_wait3A_389 = tpu.memref_slice %arg7[%dma_wait3A_387, %dma_wait3A_388] : memref<10240x8xf32, #tpu.memory_space<vmem_shared>> -> memref<10240x8xf32, #tpu.memory_space<vmem_shared>>
        tpu.wait_indirect_dma semaphore(%arg16 : memref<!tpu.dma_semaphore, #tpu.memory_space<semaphore_mem>>) src(%dma_wait3A_383 : memref<128x8xf32, #tpu.memory_space<vmem>>) dst(%dma_wait3A_389 : memref<10240x8xf32, #tpu.memory_space<vmem_shared>>)
        %dma_wait3A_390 = arith.constant 128 : i32
        %dma_wait3A_391 = arith.constant 0 : i32
        %dma_wait3A_392 = tpu.memref_slice %arg14[%dma_wait3A_390, %dma_wait3A_391] : memref<256x8xf32, #tpu.memory_space<vmem>> -> memref<128x8xf32, #tpu.memory_space<vmem>>
        %dma_wait3A_393 = arith.constant 0 : i32
        %dma_wait3A_394 = tpu.memref_slice %arg10[%add3A_317, %dma_wait3A_393] : memref<88x128xi32, #tpu.memory_space<vmem>> -> memref<1x128xi32, #tpu.memory_space<vmem>>
        %dma_wait3A_395 = tpu.memref_squeeze %dma_wait3A_394 : memref<1x128xi32, #tpu.memory_space<vmem>> -> memref<128xi32, #tpu.memory_space<vmem>>
        %dma_wait3A_396 = arith.constant 0 : i32
        %dma_wait3A_397 = arith.constant 0 : i32
        %dma_wait3A_398 = tpu.memref_slice %arg7[%dma_wait3A_396, %dma_wait3A_397] : memref<10240x8xf32, #tpu.memory_space<vmem_shared>> -> memref<10240x8xf32, #tpu.memory_space<vmem_shared>>
        tpu.wait_indirect_dma semaphore(%arg16 : memref<!tpu.dma_semaphore, #tpu.memory_space<semaphore_mem>>) src(%dma_wait3A_392 : memref<128x8xf32, #tpu.memory_space<vmem>>) dst(%dma_wait3A_398 : memref<10240x8xf32, #tpu.memory_space<vmem_shared>>)
      }
      %scan3A_25 = arith.constant 9 : i32
    } else {
    }
    %barrier3A = arith.constant 0 : index
    tpu.barrier barrier_id(%barrier3A)
    %mul3A_14 = arith.constant 640 : i32
    %mul3A_15 = arith.muli %arg1, %mul3A_14 : i32
    %mul3A_16 = arith.constant 640 : i32
    %mul3A_17 = arith.muli %arg1, %mul3A_16 : i32
    "tpu.region"() ({
      %run_scoped3A = tpu.sem_alloc : memref<!tpu.dma_semaphore, #tpu.memory_space<semaphore_mem>>
      %dma_start3A = arith.constant 0 : i32
      %dma_start3A_18 = tpu.memref_slice %arg6[%arg0, %mul3A_17, %dma_start3A] : memref<2x10240x8xf32, #tpu.memory_space<hbm>> -> memref<1x640x8xf32, #tpu.memory_space<hbm>>
      %dma_start3A_19 = tpu.memref_squeeze %dma_start3A_18 : memref<1x640x8xf32, #tpu.memory_space<hbm>> -> memref<640x8xf32, #tpu.memory_space<hbm>>
      %dma_start3A_20 = arith.constant 0 : i32
      %dma_start3A_21 = tpu.memref_slice %arg7[%mul3A_15, %dma_start3A_20] : memref<10240x8xf32, #tpu.memory_space<vmem_shared>> -> memref<640x8xf32, #tpu.memory_space<vmem_shared>>
      tpu.enqueue_dma source(%dma_start3A_21 : memref<640x8xf32, #tpu.memory_space<vmem_shared>>) target(%dma_start3A_19 : memref<640x8xf32, #tpu.memory_space<hbm>>) target_semaphore(%run_scoped3A : memref<!tpu.dma_semaphore, #tpu.memory_space<semaphore_mem>>)
      %dma_wait3A = arith.constant 0 : i32
      %dma_wait3A_22 = tpu.memref_slice %arg6[%arg0, %mul3A_17, %dma_wait3A] : memref<2x10240x8xf32, #tpu.memory_space<hbm>> -> memref<1x640x8xf32, #tpu.memory_space<hbm>>
      %dma_wait3A_23 = tpu.memref_squeeze %dma_wait3A_22 : memref<1x640x8xf32, #tpu.memory_space<hbm>> -> memref<640x8xf32, #tpu.memory_space<hbm>>
      %dma_wait3A_24 = arith.constant 0 : i32
      %dma_wait3A_25 = tpu.memref_slice %arg7[%mul3A_15, %dma_wait3A_24] : memref<10240x8xf32, #tpu.memory_space<vmem_shared>> -> memref<640x8xf32, #tpu.memory_space<vmem_shared>>
      tpu.wait_dma2 semaphore(%run_scoped3A : memref<!tpu.dma_semaphore, #tpu.memory_space<semaphore_mem>>) src(%dma_wait3A_25 : memref<640x8xf32, #tpu.memory_space<vmem_shared>>) dst(%dma_wait3A_23 : memref<640x8xf32, #tpu.memory_space<hbm>>)
      tpu.yield
    }) : () -> ()
    return
  }
}

#map = affine_map<(d0, d1) -> (0, 0)>
#map1 = affine_map<(d0, d1) -> (0, 0, 0)>
module attributes {stable_mosaic.version = 14 : i64} {
  func.func @agg(%arg0: i32, %arg1: i32, %arg2: memref<10240x8xf32, #tpu.memory_space<hbm>>, %arg3: memref<2560x128xi32, #tpu.memory_space<hbm>>, %arg4: memref<2560x128xi32, #tpu.memory_space<hbm>>, %arg5: memref<10240x8xf32, #tpu.memory_space<hbm>>, %arg6: memref<2x10240x8xf32, #tpu.memory_space<hbm>>, %arg7: memref<10240x8xf32, #tpu.memory_space<vmem_shared>>, %arg8: memref<10240x8xf32, #tpu.memory_space<vmem_shared>>, %arg9: memref<88x128xi32, #tpu.memory_space<vmem>>, %arg10: memref<88x128xi32, #tpu.memory_space<vmem>>, %arg11: memref<256x8xf32, #tpu.memory_space<vmem>>, %arg12: memref<256x8xf32, #tpu.memory_space<vmem>>, %arg13: memref<256x8xf32, #tpu.memory_space<vmem>>, %arg14: memref<256x8xf32, #tpu.memory_space<vmem>>, %arg15: memref<!tpu.dma_semaphore, #tpu.memory_space<semaphore_mem>>, %arg16: memref<!tpu.dma_semaphore, #tpu.memory_space<semaphore_mem>>) attributes {dimension_semantics = [#tpu.dimension_semantics<core_parallel>, #tpu.dimension_semantics<subcore_parallel>], iteration_bounds = array<i64: 2, 16>, scalar_prefetch = 0 : i64, scratch_operands = 10 : i64, tpu.core_type = #tpu.core_type<sc_vector_subcore>, window_params = [{transform_indices = #map}, {transform_indices = #map}, {transform_indices = #map}, {transform_indices = #map}, {transform_indices = #map1}]} {
    %mul3A = arith.constant 640 : i32
    %mul3A_0 = arith.muli %arg1, %mul3A : i32
    %mul3A_1 = arith.constant 640 : i32
    %mul3A_2 = arith.muli %arg1, %mul3A_1 : i32
    "tpu.region"() ({
      %run_scoped3A = tpu.sem_alloc : memref<!tpu.dma_semaphore, #tpu.memory_space<semaphore_mem>>
      %dma_start3A = arith.constant 0 : i32
      %dma_start3A_18 = tpu.memref_slice %arg7[%mul3A_2, %dma_start3A] : memref<10240x8xf32, #tpu.memory_space<vmem_shared>> -> memref<640x8xf32, #tpu.memory_space<vmem_shared>>
      %dma_start3A_19 = arith.constant 0 : i32
      %dma_start3A_20 = tpu.memref_slice %arg5[%mul3A_0, %dma_start3A_19] : memref<10240x8xf32, #tpu.memory_space<hbm>> -> memref<640x8xf32, #tpu.memory_space<hbm>>
      tpu.enqueue_dma source(%dma_start3A_20 : memref<640x8xf32, #tpu.memory_space<hbm>>) target(%dma_start3A_18 : memref<640x8xf32, #tpu.memory_space<vmem_shared>>) target_semaphore(%run_scoped3A : memref<!tpu.dma_semaphore, #tpu.memory_space<semaphore_mem>>)
      %dma_wait3A = arith.constant 0 : i32
      %dma_wait3A_21 = tpu.memref_slice %arg7[%mul3A_2, %dma_wait3A] : memref<10240x8xf32, #tpu.memory_space<vmem_shared>> -> memref<640x8xf32, #tpu.memory_space<vmem_shared>>
      %dma_wait3A_22 = arith.constant 0 : i32
      %dma_wait3A_23 = tpu.memref_slice %arg5[%mul3A_0, %dma_wait3A_22] : memref<10240x8xf32, #tpu.memory_space<hbm>> -> memref<640x8xf32, #tpu.memory_space<hbm>>
      tpu.wait_dma2 semaphore(%run_scoped3A : memref<!tpu.dma_semaphore, #tpu.memory_space<semaphore_mem>>) src(%dma_wait3A_23 : memref<640x8xf32, #tpu.memory_space<hbm>>) dst(%dma_wait3A_21 : memref<640x8xf32, #tpu.memory_space<vmem_shared>>)
      tpu.yield
    }) : () -> ()
    %mul3A_3 = arith.constant 640 : i32
    %mul3A_4 = arith.muli %arg1, %mul3A_3 : i32
    %mul3A_5 = arith.constant 640 : i32
    %mul3A_6 = arith.muli %arg1, %mul3A_5 : i32
    "tpu.region"() ({
      %run_scoped3A = tpu.sem_alloc : memref<!tpu.dma_semaphore, #tpu.memory_space<semaphore_mem>>
      %dma_start3A = arith.constant 0 : i32
      %dma_start3A_18 = tpu.memref_slice %arg8[%mul3A_6, %dma_start3A] : memref<10240x8xf32, #tpu.memory_space<vmem_shared>> -> memref<640x8xf32, #tpu.memory_space<vmem_shared>>
      %dma_start3A_19 = arith.constant 0 : i32
      %dma_start3A_20 = tpu.memref_slice %arg2[%mul3A_4, %dma_start3A_19] : memref<10240x8xf32, #tpu.memory_space<hbm>> -> memref<640x8xf32, #tpu.memory_space<hbm>>
      tpu.enqueue_dma source(%dma_start3A_20 : memref<640x8xf32, #tpu.memory_space<hbm>>) target(%dma_start3A_18 : memref<640x8xf32, #tpu.memory_space<vmem_shared>>) target_semaphore(%run_scoped3A : memref<!tpu.dma_semaphore, #tpu.memory_space<semaphore_mem>>)
      %dma_wait3A = arith.constant 0 : i32
      %dma_wait3A_21 = tpu.memref_slice %arg8[%mul3A_6, %dma_wait3A] : memref<10240x8xf32, #tpu.memory_space<vmem_shared>> -> memref<640x8xf32, #tpu.memory_space<vmem_shared>>
      %dma_wait3A_22 = arith.constant 0 : i32
      %dma_wait3A_23 = tpu.memref_slice %arg2[%mul3A_4, %dma_wait3A_22] : memref<10240x8xf32, #tpu.memory_space<hbm>> -> memref<640x8xf32, #tpu.memory_space<hbm>>
      tpu.wait_dma2 semaphore(%run_scoped3A : memref<!tpu.dma_semaphore, #tpu.memory_space<semaphore_mem>>) src(%dma_wait3A_23 : memref<640x8xf32, #tpu.memory_space<hbm>>) dst(%dma_wait3A_21 : memref<640x8xf32, #tpu.memory_space<vmem_shared>>)
      tpu.yield
    }) : () -> ()
    %eq3A = arith.constant 0 : i32
    %eq3A_7 = arith.cmpi eq, %arg0, %eq3A : i32
    %convert_element_type3A = arith.extui %eq3A_7 : i1 to i32
    %cond3A = arith.constant 0 : i32
    %cond3A_8 = arith.cmpi ne, %convert_element_type3A, %cond3A : i32
    scf.if %cond3A_8 {
      %mul3A_18 = arith.constant 88 : i32
      %mul3A_19 = arith.muli %arg1, %mul3A_18 : i32
      "tpu.region"() ({
        %run_scoped3A = tpu.sem_alloc : memref<!tpu.dma_semaphore, #tpu.memory_space<semaphore_mem>>
        %dma_start3A = arith.constant 0 : i32
        %dma_start3A_25 = arith.constant 0 : i32
        %dma_start3A_26 = tpu.memref_slice %arg9[%dma_start3A, %dma_start3A_25] : memref<88x128xi32, #tpu.memory_space<vmem>> -> memref<88x128xi32, #tpu.memory_space<vmem>>
        %dma_start3A_27 = arith.constant 0 : i32
        %dma_start3A_28 = tpu.memref_slice %arg3[%mul3A_19, %dma_start3A_27] : memref<2560x128xi32, #tpu.memory_space<hbm>> -> memref<88x128xi32, #tpu.memory_space<hbm>>
        %dma_start3A_29 = arith.constant 0 : i32
        %dma_start3A_30 = arith.constant 0 : i32
        %dma_start3A_31 = tpu.memref_slice %arg9[%dma_start3A_29, %dma_start3A_30] : memref<88x128xi32, #tpu.memory_space<vmem>> -> memref<88x128xi32, #tpu.memory_space<vmem>>
        %dma_start3A_32 = arith.constant 0 : i32
        %dma_start3A_33 = tpu.memref_slice %arg3[%mul3A_19, %dma_start3A_32] : memref<2560x128xi32, #tpu.memory_space<hbm>> -> memref<88x128xi32, #tpu.memory_space<hbm>>
        tpu.enqueue_dma source(%dma_start3A_33 : memref<88x128xi32, #tpu.memory_space<hbm>>) target(%dma_start3A_31 : memref<88x128xi32, #tpu.memory_space<vmem>>) target_semaphore(%run_scoped3A : memref<!tpu.dma_semaphore, #tpu.memory_space<semaphore_mem>>)
        %dma_wait3A = arith.constant 0 : i32
        %dma_wait3A_34 = arith.constant 0 : i32
        %dma_wait3A_35 = tpu.memref_slice %arg9[%dma_wait3A, %dma_wait3A_34] : memref<88x128xi32, #tpu.memory_space<vmem>> -> memref<88x128xi32, #tpu.memory_space<vmem>>
        %dma_wait3A_36 = arith.constant 0 : i32
        %dma_wait3A_37 = tpu.memref_slice %arg3[%mul3A_19, %dma_wait3A_36] : memref<2560x128xi32, #tpu.memory_space<hbm>> -> memref<88x128xi32, #tpu.memory_space<hbm>>
        %dma_wait3A_38 = arith.constant 0 : i32
        %dma_wait3A_39 = arith.constant 0 : i32
        %dma_wait3A_40 = tpu.memref_slice %arg9[%dma_wait3A_38, %dma_wait3A_39] : memref<88x128xi32, #tpu.memory_space<vmem>> -> memref<88x128xi32, #tpu.memory_space<vmem>>
        %dma_wait3A_41 = arith.constant 0 : i32
        %dma_wait3A_42 = tpu.memref_slice %arg3[%mul3A_19, %dma_wait3A_41] : memref<2560x128xi32, #tpu.memory_space<hbm>> -> memref<88x128xi32, #tpu.memory_space<hbm>>
        tpu.wait_dma2 semaphore(%run_scoped3A : memref<!tpu.dma_semaphore, #tpu.memory_space<semaphore_mem>>) src(%dma_wait3A_42 : memref<88x128xi32, #tpu.memory_space<hbm>>) dst(%dma_wait3A_40 : memref<88x128xi32, #tpu.memory_space<vmem>>)
        tpu.yield
      }) : () -> ()
      "tpu.region"() ({
        %run_scoped3A = tpu.sem_alloc : memref<!tpu.dma_semaphore, #tpu.memory_space<semaphore_mem>>
        %dma_start3A = arith.constant 0 : i32
        %dma_start3A_25 = arith.constant 0 : i32
        %dma_start3A_26 = tpu.memref_slice %arg10[%dma_start3A, %dma_start3A_25] : memref<88x128xi32, #tpu.memory_space<vmem>> -> memref<88x128xi32, #tpu.memory_space<vmem>>
        %dma_start3A_27 = arith.constant 0 : i32
        %dma_start3A_28 = tpu.memref_slice %arg4[%mul3A_19, %dma_start3A_27] : memref<2560x128xi32, #tpu.memory_space<hbm>> -> memref<88x128xi32, #tpu.memory_space<hbm>>
        %dma_start3A_29 = arith.constant 0 : i32
        %dma_start3A_30 = arith.constant 0 : i32
        %dma_start3A_31 = tpu.memref_slice %arg10[%dma_start3A_29, %dma_start3A_30] : memref<88x128xi32, #tpu.memory_space<vmem>> -> memref<88x128xi32, #tpu.memory_space<vmem>>
        %dma_start3A_32 = arith.constant 0 : i32
        %dma_start3A_33 = tpu.memref_slice %arg4[%mul3A_19, %dma_start3A_32] : memref<2560x128xi32, #tpu.memory_space<hbm>> -> memref<88x128xi32, #tpu.memory_space<hbm>>
        tpu.enqueue_dma source(%dma_start3A_33 : memref<88x128xi32, #tpu.memory_space<hbm>>) target(%dma_start3A_31 : memref<88x128xi32, #tpu.memory_space<vmem>>) target_semaphore(%run_scoped3A : memref<!tpu.dma_semaphore, #tpu.memory_space<semaphore_mem>>)
        %dma_wait3A = arith.constant 0 : i32
        %dma_wait3A_34 = arith.constant 0 : i32
        %dma_wait3A_35 = tpu.memref_slice %arg10[%dma_wait3A, %dma_wait3A_34] : memref<88x128xi32, #tpu.memory_space<vmem>> -> memref<88x128xi32, #tpu.memory_space<vmem>>
        %dma_wait3A_36 = arith.constant 0 : i32
        %dma_wait3A_37 = tpu.memref_slice %arg4[%mul3A_19, %dma_wait3A_36] : memref<2560x128xi32, #tpu.memory_space<hbm>> -> memref<88x128xi32, #tpu.memory_space<hbm>>
        %dma_wait3A_38 = arith.constant 0 : i32
        %dma_wait3A_39 = arith.constant 0 : i32
        %dma_wait3A_40 = tpu.memref_slice %arg10[%dma_wait3A_38, %dma_wait3A_39] : memref<88x128xi32, #tpu.memory_space<vmem>> -> memref<88x128xi32, #tpu.memory_space<vmem>>
        %dma_wait3A_41 = arith.constant 0 : i32
        %dma_wait3A_42 = tpu.memref_slice %arg4[%mul3A_19, %dma_wait3A_41] : memref<2560x128xi32, #tpu.memory_space<hbm>> -> memref<88x128xi32, #tpu.memory_space<hbm>>
        tpu.wait_dma2 semaphore(%run_scoped3A : memref<!tpu.dma_semaphore, #tpu.memory_space<semaphore_mem>>) src(%dma_wait3A_42 : memref<88x128xi32, #tpu.memory_space<hbm>>) dst(%dma_wait3A_40 : memref<88x128xi32, #tpu.memory_space<vmem>>)
        tpu.yield
      }) : () -> ()
      %barrier3A_20 = arith.constant 0 : index
      tpu.barrier barrier_id(%barrier3A_20)
      %scan3A = arith.constant 0 : i32
      %scan3A_21 = arith.constant 11 : i32
      %scan3A_22 = arith.addi %scan3A, %scan3A_21 : i32
      %scan3A_23 = arith.constant 1 : i32
      scf.for %scan3A_25 = %scan3A to %scan3A_22 step %scan3A_23  : i32 {
        %mul3A_26 = arith.constant 1 : i32
        %mul3A_27 = arith.muli %scan3A_25, %mul3A_26 : i32
        %add3A = arith.constant 0 : i32
        %add3A_28 = arith.addi %add3A, %mul3A_27 : i32
        %mul3A_29 = arith.constant 4 : i32
        %mul3A_30 = arith.muli %mul3A_29, %add3A_28 : i32
        %add3A_31 = arith.constant 0 : i32
        %add3A_32 = arith.addi %mul3A_30, %add3A_31 : i32
        %mul3A_33 = arith.constant 2 : i32
        %mul3A_34 = arith.muli %add3A_32, %mul3A_33 : i32
        %add3A_35 = arith.constant 0 : i32
        %add3A_36 = arith.addi %mul3A_34, %add3A_35 : i32
        %dma_start3A = arith.constant 0 : i32
        %dma_start3A_37 = arith.constant 0 : i32
        %dma_start3A_38 = tpu.memref_slice %arg11[%dma_start3A, %dma_start3A_37] : memref<256x8xf32, #tpu.memory_space<vmem>> -> memref<128x8xf32, #tpu.memory_space<vmem>>
        %dma_start3A_39 = arith.constant 0 : i32
        %dma_start3A_40 = tpu.memref_slice %arg9[%add3A_36, %dma_start3A_39] : memref<88x128xi32, #tpu.memory_space<vmem>> -> memref<1x128xi32, #tpu.memory_space<vmem>>
        %dma_start3A_41 = tpu.memref_squeeze %dma_start3A_40 : memref<1x128xi32, #tpu.memory_space<vmem>> -> memref<128xi32, #tpu.memory_space<vmem>>
        %dma_start3A_42 = arith.constant 0 : i32
        %dma_start3A_43 = arith.constant 0 : i32
        %dma_start3A_44 = tpu.memref_slice %arg8[%dma_start3A_42, %dma_start3A_43] : memref<10240x8xf32, #tpu.memory_space<vmem_shared>> -> memref<10240x8xf32, #tpu.memory_space<vmem_shared>>
        tpu.enqueue_indirect_dma source(%dma_start3A_44 : memref<10240x8xf32, #tpu.memory_space<vmem_shared>>) target(%dma_start3A_38 : memref<128x8xf32, #tpu.memory_space<vmem>>) offsets(%dma_start3A_41 : memref<128xi32, #tpu.memory_space<vmem>>) semaphore(%arg15 : memref<!tpu.dma_semaphore, #tpu.memory_space<semaphore_mem>>)
        %mul3A_45 = arith.constant 2 : i32
        %mul3A_46 = arith.muli %add3A_32, %mul3A_45 : i32
        %add3A_47 = arith.constant 1 : i32
        %add3A_48 = arith.addi %mul3A_46, %add3A_47 : i32
        %dma_start3A_49 = arith.constant 128 : i32
        %dma_start3A_50 = arith.constant 0 : i32
        %dma_start3A_51 = tpu.memref_slice %arg11[%dma_start3A_49, %dma_start3A_50] : memref<256x8xf32, #tpu.memory_space<vmem>> -> memref<128x8xf32, #tpu.memory_space<vmem>>
        %dma_start3A_52 = arith.constant 0 : i32
        %dma_start3A_53 = tpu.memref_slice %arg9[%add3A_48, %dma_start3A_52] : memref<88x128xi32, #tpu.memory_space<vmem>> -> memref<1x128xi32, #tpu.memory_space<vmem>>
        %dma_start3A_54 = tpu.memref_squeeze %dma_start3A_53 : memref<1x128xi32, #tpu.memory_space<vmem>> -> memref<128xi32, #tpu.memory_space<vmem>>
        %dma_start3A_55 = arith.constant 0 : i32
        %dma_start3A_56 = arith.constant 0 : i32
        %dma_start3A_57 = tpu.memref_slice %arg8[%dma_start3A_55, %dma_start3A_56] : memref<10240x8xf32, #tpu.memory_space<vmem_shared>> -> memref<10240x8xf32, #tpu.memory_space<vmem_shared>>
        tpu.enqueue_indirect_dma source(%dma_start3A_57 : memref<10240x8xf32, #tpu.memory_space<vmem_shared>>) target(%dma_start3A_51 : memref<128x8xf32, #tpu.memory_space<vmem>>) offsets(%dma_start3A_54 : memref<128xi32, #tpu.memory_space<vmem>>) semaphore(%arg15 : memref<!tpu.dma_semaphore, #tpu.memory_space<semaphore_mem>>)
        %add3A_58 = arith.constant 1 : i32
        %add3A_59 = arith.addi %mul3A_30, %add3A_58 : i32
        %mul3A_60 = arith.constant 2 : i32
        %mul3A_61 = arith.muli %add3A_59, %mul3A_60 : i32
        %add3A_62 = arith.constant 0 : i32
        %add3A_63 = arith.addi %mul3A_61, %add3A_62 : i32
        %dma_start3A_64 = arith.constant 0 : i32
        %dma_start3A_65 = arith.constant 0 : i32
        %dma_start3A_66 = tpu.memref_slice %arg12[%dma_start3A_64, %dma_start3A_65] : memref<256x8xf32, #tpu.memory_space<vmem>> -> memref<128x8xf32, #tpu.memory_space<vmem>>
        %dma_start3A_67 = arith.constant 0 : i32
        %dma_start3A_68 = tpu.memref_slice %arg9[%add3A_63, %dma_start3A_67] : memref<88x128xi32, #tpu.memory_space<vmem>> -> memref<1x128xi32, #tpu.memory_space<vmem>>
        %dma_start3A_69 = tpu.memref_squeeze %dma_start3A_68 : memref<1x128xi32, #tpu.memory_space<vmem>> -> memref<128xi32, #tpu.memory_space<vmem>>
        %dma_start3A_70 = arith.constant 0 : i32
        %dma_start3A_71 = arith.constant 0 : i32
        %dma_start3A_72 = tpu.memref_slice %arg8[%dma_start3A_70, %dma_start3A_71] : memref<10240x8xf32, #tpu.memory_space<vmem_shared>> -> memref<10240x8xf32, #tpu.memory_space<vmem_shared>>
        tpu.enqueue_indirect_dma source(%dma_start3A_72 : memref<10240x8xf32, #tpu.memory_space<vmem_shared>>) target(%dma_start3A_66 : memref<128x8xf32, #tpu.memory_space<vmem>>) offsets(%dma_start3A_69 : memref<128xi32, #tpu.memory_space<vmem>>) semaphore(%arg15 : memref<!tpu.dma_semaphore, #tpu.memory_space<semaphore_mem>>)
        %mul3A_73 = arith.constant 2 : i32
        %mul3A_74 = arith.muli %add3A_59, %mul3A_73 : i32
        %add3A_75 = arith.constant 1 : i32
        %add3A_76 = arith.addi %mul3A_74, %add3A_75 : i32
        %dma_start3A_77 = arith.constant 128 : i32
        %dma_start3A_78 = arith.constant 0 : i32
        %dma_start3A_79 = tpu.memref_slice %arg12[%dma_start3A_77, %dma_start3A_78] : memref<256x8xf32, #tpu.memory_space<vmem>> -> memref<128x8xf32, #tpu.memory_space<vmem>>
        %dma_start3A_80 = arith.constant 0 : i32
        %dma_start3A_81 = tpu.memref_slice %arg9[%add3A_76, %dma_start3A_80] : memref<88x128xi32, #tpu.memory_space<vmem>> -> memref<1x128xi32, #tpu.memory_space<vmem>>
        %dma_start3A_82 = tpu.memref_squeeze %dma_start3A_81 : memref<1x128xi32, #tpu.memory_space<vmem>> -> memref<128xi32, #tpu.memory_space<vmem>>
        %dma_start3A_83 = arith.constant 0 : i32
        %dma_start3A_84 = arith.constant 0 : i32
        %dma_start3A_85 = tpu.memref_slice %arg8[%dma_start3A_83, %dma_start3A_84] : memref<10240x8xf32, #tpu.memory_space<vmem_shared>> -> memref<10240x8xf32, #tpu.memory_space<vmem_shared>>
        tpu.enqueue_indirect_dma source(%dma_start3A_85 : memref<10240x8xf32, #tpu.memory_space<vmem_shared>>) target(%dma_start3A_79 : memref<128x8xf32, #tpu.memory_space<vmem>>) offsets(%dma_start3A_82 : memref<128xi32, #tpu.memory_space<vmem>>) semaphore(%arg15 : memref<!tpu.dma_semaphore, #tpu.memory_space<semaphore_mem>>)
        %add3A_86 = arith.constant 2 : i32
        %add3A_87 = arith.addi %mul3A_30, %add3A_86 : i32
        %mul3A_88 = arith.constant 2 : i32
        %mul3A_89 = arith.muli %add3A_87, %mul3A_88 : i32
        %add3A_90 = arith.constant 0 : i32
        %add3A_91 = arith.addi %mul3A_89, %add3A_90 : i32
        %dma_start3A_92 = arith.constant 0 : i32
        %dma_start3A_93 = arith.constant 0 : i32
        %dma_start3A_94 = tpu.memref_slice %arg13[%dma_start3A_92, %dma_start3A_93] : memref<256x8xf32, #tpu.memory_space<vmem>> -> memref<128x8xf32, #tpu.memory_space<vmem>>
        %dma_start3A_95 = arith.constant 0 : i32
        %dma_start3A_96 = tpu.memref_slice %arg9[%add3A_91, %dma_start3A_95] : memref<88x128xi32, #tpu.memory_space<vmem>> -> memref<1x128xi32, #tpu.memory_space<vmem>>
        %dma_start3A_97 = tpu.memref_squeeze %dma_start3A_96 : memref<1x128xi32, #tpu.memory_space<vmem>> -> memref<128xi32, #tpu.memory_space<vmem>>
        %dma_start3A_98 = arith.constant 0 : i32
        %dma_start3A_99 = arith.constant 0 : i32
        %dma_start3A_100 = tpu.memref_slice %arg8[%dma_start3A_98, %dma_start3A_99] : memref<10240x8xf32, #tpu.memory_space<vmem_shared>> -> memref<10240x8xf32, #tpu.memory_space<vmem_shared>>
        tpu.enqueue_indirect_dma source(%dma_start3A_100 : memref<10240x8xf32, #tpu.memory_space<vmem_shared>>) target(%dma_start3A_94 : memref<128x8xf32, #tpu.memory_space<vmem>>) offsets(%dma_start3A_97 : memref<128xi32, #tpu.memory_space<vmem>>) semaphore(%arg15 : memref<!tpu.dma_semaphore, #tpu.memory_space<semaphore_mem>>)
        %mul3A_101 = arith.constant 2 : i32
        %mul3A_102 = arith.muli %add3A_87, %mul3A_101 : i32
        %add3A_103 = arith.constant 1 : i32
        %add3A_104 = arith.addi %mul3A_102, %add3A_103 : i32
        %dma_start3A_105 = arith.constant 128 : i32
        %dma_start3A_106 = arith.constant 0 : i32
        %dma_start3A_107 = tpu.memref_slice %arg13[%dma_start3A_105, %dma_start3A_106] : memref<256x8xf32, #tpu.memory_space<vmem>> -> memref<128x8xf32, #tpu.memory_space<vmem>>
        %dma_start3A_108 = arith.constant 0 : i32
        %dma_start3A_109 = tpu.memref_slice %arg9[%add3A_104, %dma_start3A_108] : memref<88x128xi32, #tpu.memory_space<vmem>> -> memref<1x128xi32, #tpu.memory_space<vmem>>
        %dma_start3A_110 = tpu.memref_squeeze %dma_start3A_109 : memref<1x128xi32, #tpu.memory_space<vmem>> -> memref<128xi32, #tpu.memory_space<vmem>>
        %dma_start3A_111 = arith.constant 0 : i32
        %dma_start3A_112 = arith.constant 0 : i32
        %dma_start3A_113 = tpu.memref_slice %arg8[%dma_start3A_111, %dma_start3A_112] : memref<10240x8xf32, #tpu.memory_space<vmem_shared>> -> memref<10240x8xf32, #tpu.memory_space<vmem_shared>>
        tpu.enqueue_indirect_dma source(%dma_start3A_113 : memref<10240x8xf32, #tpu.memory_space<vmem_shared>>) target(%dma_start3A_107 : memref<128x8xf32, #tpu.memory_space<vmem>>) offsets(%dma_start3A_110 : memref<128xi32, #tpu.memory_space<vmem>>) semaphore(%arg15 : memref<!tpu.dma_semaphore, #tpu.memory_space<semaphore_mem>>)
        %add3A_114 = arith.constant 3 : i32
        %add3A_115 = arith.addi %mul3A_30, %add3A_114 : i32
        %mul3A_116 = arith.constant 2 : i32
        %mul3A_117 = arith.muli %add3A_115, %mul3A_116 : i32
        %add3A_118 = arith.constant 0 : i32
        %add3A_119 = arith.addi %mul3A_117, %add3A_118 : i32
        %dma_start3A_120 = arith.constant 0 : i32
        %dma_start3A_121 = arith.constant 0 : i32
        %dma_start3A_122 = tpu.memref_slice %arg14[%dma_start3A_120, %dma_start3A_121] : memref<256x8xf32, #tpu.memory_space<vmem>> -> memref<128x8xf32, #tpu.memory_space<vmem>>
        %dma_start3A_123 = arith.constant 0 : i32
        %dma_start3A_124 = tpu.memref_slice %arg9[%add3A_119, %dma_start3A_123] : memref<88x128xi32, #tpu.memory_space<vmem>> -> memref<1x128xi32, #tpu.memory_space<vmem>>
        %dma_start3A_125 = tpu.memref_squeeze %dma_start3A_124 : memref<1x128xi32, #tpu.memory_space<vmem>> -> memref<128xi32, #tpu.memory_space<vmem>>
        %dma_start3A_126 = arith.constant 0 : i32
        %dma_start3A_127 = arith.constant 0 : i32
        %dma_start3A_128 = tpu.memref_slice %arg8[%dma_start3A_126, %dma_start3A_127] : memref<10240x8xf32, #tpu.memory_space<vmem_shared>> -> memref<10240x8xf32, #tpu.memory_space<vmem_shared>>
        tpu.enqueue_indirect_dma source(%dma_start3A_128 : memref<10240x8xf32, #tpu.memory_space<vmem_shared>>) target(%dma_start3A_122 : memref<128x8xf32, #tpu.memory_space<vmem>>) offsets(%dma_start3A_125 : memref<128xi32, #tpu.memory_space<vmem>>) semaphore(%arg15 : memref<!tpu.dma_semaphore, #tpu.memory_space<semaphore_mem>>)
        %mul3A_129 = arith.constant 2 : i32
        %mul3A_130 = arith.muli %add3A_115, %mul3A_129 : i32
        %add3A_131 = arith.constant 1 : i32
        %add3A_132 = arith.addi %mul3A_130, %add3A_131 : i32
        %dma_start3A_133 = arith.constant 128 : i32
        %dma_start3A_134 = arith.constant 0 : i32
        %dma_start3A_135 = tpu.memref_slice %arg14[%dma_start3A_133, %dma_start3A_134] : memref<256x8xf32, #tpu.memory_space<vmem>> -> memref<128x8xf32, #tpu.memory_space<vmem>>
        %dma_start3A_136 = arith.constant 0 : i32
        %dma_start3A_137 = tpu.memref_slice %arg9[%add3A_132, %dma_start3A_136] : memref<88x128xi32, #tpu.memory_space<vmem>> -> memref<1x128xi32, #tpu.memory_space<vmem>>
        %dma_start3A_138 = tpu.memref_squeeze %dma_start3A_137 : memref<1x128xi32, #tpu.memory_space<vmem>> -> memref<128xi32, #tpu.memory_space<vmem>>
        %dma_start3A_139 = arith.constant 0 : i32
        %dma_start3A_140 = arith.constant 0 : i32
        %dma_start3A_141 = tpu.memref_slice %arg8[%dma_start3A_139, %dma_start3A_140] : memref<10240x8xf32, #tpu.memory_space<vmem_shared>> -> memref<10240x8xf32, #tpu.memory_space<vmem_shared>>
        tpu.enqueue_indirect_dma source(%dma_start3A_141 : memref<10240x8xf32, #tpu.memory_space<vmem_shared>>) target(%dma_start3A_135 : memref<128x8xf32, #tpu.memory_space<vmem>>) offsets(%dma_start3A_138 : memref<128xi32, #tpu.memory_space<vmem>>) semaphore(%arg15 : memref<!tpu.dma_semaphore, #tpu.memory_space<semaphore_mem>>)
        %dma_wait3A = arith.constant 0 : i32
        %dma_wait3A_142 = arith.constant 0 : i32
        %dma_wait3A_143 = tpu.memref_slice %arg11[%dma_wait3A, %dma_wait3A_142] : memref<256x8xf32, #tpu.memory_space<vmem>> -> memref<128x8xf32, #tpu.memory_space<vmem>>
        %dma_wait3A_144 = arith.constant 0 : i32
        %dma_wait3A_145 = tpu.memref_slice %arg9[%add3A_36, %dma_wait3A_144] : memref<88x128xi32, #tpu.memory_space<vmem>> -> memref<1x128xi32, #tpu.memory_space<vmem>>
        %dma_wait3A_146 = tpu.memref_squeeze %dma_wait3A_145 : memref<1x128xi32, #tpu.memory_space<vmem>> -> memref<128xi32, #tpu.memory_space<vmem>>
        %dma_wait3A_147 = arith.constant 0 : i32
        %dma_wait3A_148 = arith.constant 0 : i32
        %dma_wait3A_149 = tpu.memref_slice %arg8[%dma_wait3A_147, %dma_wait3A_148] : memref<10240x8xf32, #tpu.memory_space<vmem_shared>> -> memref<10240x8xf32, #tpu.memory_space<vmem_shared>>
        tpu.wait_indirect_dma semaphore(%arg15 : memref<!tpu.dma_semaphore, #tpu.memory_space<semaphore_mem>>) src(%dma_wait3A_149 : memref<10240x8xf32, #tpu.memory_space<vmem_shared>>) dst(%dma_wait3A_143 : memref<128x8xf32, #tpu.memory_space<vmem>>)
        %dma_wait3A_150 = arith.constant 128 : i32
        %dma_wait3A_151 = arith.constant 0 : i32
        %dma_wait3A_152 = tpu.memref_slice %arg11[%dma_wait3A_150, %dma_wait3A_151] : memref<256x8xf32, #tpu.memory_space<vmem>> -> memref<128x8xf32, #tpu.memory_space<vmem>>
        %dma_wait3A_153 = arith.constant 0 : i32
        %dma_wait3A_154 = tpu.memref_slice %arg9[%add3A_48, %dma_wait3A_153] : memref<88x128xi32, #tpu.memory_space<vmem>> -> memref<1x128xi32, #tpu.memory_space<vmem>>
        %dma_wait3A_155 = tpu.memref_squeeze %dma_wait3A_154 : memref<1x128xi32, #tpu.memory_space<vmem>> -> memref<128xi32, #tpu.memory_space<vmem>>
        %dma_wait3A_156 = arith.constant 0 : i32
        %dma_wait3A_157 = arith.constant 0 : i32
        %dma_wait3A_158 = tpu.memref_slice %arg8[%dma_wait3A_156, %dma_wait3A_157] : memref<10240x8xf32, #tpu.memory_space<vmem_shared>> -> memref<10240x8xf32, #tpu.memory_space<vmem_shared>>
        tpu.wait_indirect_dma semaphore(%arg15 : memref<!tpu.dma_semaphore, #tpu.memory_space<semaphore_mem>>) src(%dma_wait3A_158 : memref<10240x8xf32, #tpu.memory_space<vmem_shared>>) dst(%dma_wait3A_152 : memref<128x8xf32, #tpu.memory_space<vmem>>)
        %add3A_159 = arith.constant 0 : i32
        %add3A_160 = arith.addi %mul3A_30, %add3A_159 : i32
        %mul3A_161 = arith.constant 2 : i32
        %mul3A_162 = arith.muli %add3A_160, %mul3A_161 : i32
        %add3A_163 = arith.constant 0 : i32
        %add3A_164 = arith.addi %mul3A_162, %add3A_163 : i32
        %dma_start3A_165 = arith.constant 0 : i32
        %dma_start3A_166 = arith.constant 0 : i32
        %dma_start3A_167 = tpu.memref_slice %arg11[%dma_start3A_165, %dma_start3A_166] : memref<256x8xf32, #tpu.memory_space<vmem>> -> memref<128x8xf32, #tpu.memory_space<vmem>>
        %dma_start3A_168 = arith.constant 0 : i32
        %dma_start3A_169 = tpu.memref_slice %arg10[%add3A_164, %dma_start3A_168] : memref<88x128xi32, #tpu.memory_space<vmem>> -> memref<1x128xi32, #tpu.memory_space<vmem>>
        %dma_start3A_170 = tpu.memref_squeeze %dma_start3A_169 : memref<1x128xi32, #tpu.memory_space<vmem>> -> memref<128xi32, #tpu.memory_space<vmem>>
        %dma_start3A_171 = arith.constant 0 : i32
        %dma_start3A_172 = arith.constant 0 : i32
        %dma_start3A_173 = tpu.memref_slice %arg7[%dma_start3A_171, %dma_start3A_172] : memref<10240x8xf32, #tpu.memory_space<vmem_shared>> -> memref<10240x8xf32, #tpu.memory_space<vmem_shared>>
        tpu.enqueue_indirect_dma source(%dma_start3A_167 : memref<128x8xf32, #tpu.memory_space<vmem>>) target(%dma_start3A_173 : memref<10240x8xf32, #tpu.memory_space<vmem_shared>>) offsets(%dma_start3A_170 : memref<128xi32, #tpu.memory_space<vmem>>) semaphore(%arg16 : memref<!tpu.dma_semaphore, #tpu.memory_space<semaphore_mem>>) {add = true}
        %mul3A_174 = arith.constant 2 : i32
        %mul3A_175 = arith.muli %add3A_160, %mul3A_174 : i32
        %add3A_176 = arith.constant 1 : i32
        %add3A_177 = arith.addi %mul3A_175, %add3A_176 : i32
        %dma_start3A_178 = arith.constant 128 : i32
        %dma_start3A_179 = arith.constant 0 : i32
        %dma_start3A_180 = tpu.memref_slice %arg11[%dma_start3A_178, %dma_start3A_179] : memref<256x8xf32, #tpu.memory_space<vmem>> -> memref<128x8xf32, #tpu.memory_space<vmem>>
        %dma_start3A_181 = arith.constant 0 : i32
        %dma_start3A_182 = tpu.memref_slice %arg10[%add3A_177, %dma_start3A_181] : memref<88x128xi32, #tpu.memory_space<vmem>> -> memref<1x128xi32, #tpu.memory_space<vmem>>
        %dma_start3A_183 = tpu.memref_squeeze %dma_start3A_182 : memref<1x128xi32, #tpu.memory_space<vmem>> -> memref<128xi32, #tpu.memory_space<vmem>>
        %dma_start3A_184 = arith.constant 0 : i32
        %dma_start3A_185 = arith.constant 0 : i32
        %dma_start3A_186 = tpu.memref_slice %arg7[%dma_start3A_184, %dma_start3A_185] : memref<10240x8xf32, #tpu.memory_space<vmem_shared>> -> memref<10240x8xf32, #tpu.memory_space<vmem_shared>>
        tpu.enqueue_indirect_dma source(%dma_start3A_180 : memref<128x8xf32, #tpu.memory_space<vmem>>) target(%dma_start3A_186 : memref<10240x8xf32, #tpu.memory_space<vmem_shared>>) offsets(%dma_start3A_183 : memref<128xi32, #tpu.memory_space<vmem>>) semaphore(%arg16 : memref<!tpu.dma_semaphore, #tpu.memory_space<semaphore_mem>>) {add = true}
        %dma_wait3A_187 = arith.constant 0 : i32
        %dma_wait3A_188 = arith.constant 0 : i32
        %dma_wait3A_189 = tpu.memref_slice %arg12[%dma_wait3A_187, %dma_wait3A_188] : memref<256x8xf32, #tpu.memory_space<vmem>> -> memref<128x8xf32, #tpu.memory_space<vmem>>
        %dma_wait3A_190 = arith.constant 0 : i32
        %dma_wait3A_191 = tpu.memref_slice %arg9[%add3A_63, %dma_wait3A_190] : memref<88x128xi32, #tpu.memory_space<vmem>> -> memref<1x128xi32, #tpu.memory_space<vmem>>
        %dma_wait3A_192 = tpu.memref_squeeze %dma_wait3A_191 : memref<1x128xi32, #tpu.memory_space<vmem>> -> memref<128xi32, #tpu.memory_space<vmem>>
        %dma_wait3A_193 = arith.constant 0 : i32
        %dma_wait3A_194 = arith.constant 0 : i32
        %dma_wait3A_195 = tpu.memref_slice %arg8[%dma_wait3A_193, %dma_wait3A_194] : memref<10240x8xf32, #tpu.memory_space<vmem_shared>> -> memref<10240x8xf32, #tpu.memory_space<vmem_shared>>
        tpu.wait_indirect_dma semaphore(%arg15 : memref<!tpu.dma_semaphore, #tpu.memory_space<semaphore_mem>>) src(%dma_wait3A_195 : memref<10240x8xf32, #tpu.memory_space<vmem_shared>>) dst(%dma_wait3A_189 : memref<128x8xf32, #tpu.memory_space<vmem>>)
        %dma_wait3A_196 = arith.constant 128 : i32
        %dma_wait3A_197 = arith.constant 0 : i32
        %dma_wait3A_198 = tpu.memref_slice %arg12[%dma_wait3A_196, %dma_wait3A_197] : memref<256x8xf32, #tpu.memory_space<vmem>> -> memref<128x8xf32, #tpu.memory_space<vmem>>
        %dma_wait3A_199 = arith.constant 0 : i32
        %dma_wait3A_200 = tpu.memref_slice %arg9[%add3A_76, %dma_wait3A_199] : memref<88x128xi32, #tpu.memory_space<vmem>> -> memref<1x128xi32, #tpu.memory_space<vmem>>
        %dma_wait3A_201 = tpu.memref_squeeze %dma_wait3A_200 : memref<1x128xi32, #tpu.memory_space<vmem>> -> memref<128xi32, #tpu.memory_space<vmem>>
        %dma_wait3A_202 = arith.constant 0 : i32
        %dma_wait3A_203 = arith.constant 0 : i32
        %dma_wait3A_204 = tpu.memref_slice %arg8[%dma_wait3A_202, %dma_wait3A_203] : memref<10240x8xf32, #tpu.memory_space<vmem_shared>> -> memref<10240x8xf32, #tpu.memory_space<vmem_shared>>
        tpu.wait_indirect_dma semaphore(%arg15 : memref<!tpu.dma_semaphore, #tpu.memory_space<semaphore_mem>>) src(%dma_wait3A_204 : memref<10240x8xf32, #tpu.memory_space<vmem_shared>>) dst(%dma_wait3A_198 : memref<128x8xf32, #tpu.memory_space<vmem>>)
        %add3A_205 = arith.constant 1 : i32
        %add3A_206 = arith.addi %mul3A_30, %add3A_205 : i32
        %mul3A_207 = arith.constant 2 : i32
        %mul3A_208 = arith.muli %add3A_206, %mul3A_207 : i32
        %add3A_209 = arith.constant 0 : i32
        %add3A_210 = arith.addi %mul3A_208, %add3A_209 : i32
        %dma_start3A_211 = arith.constant 0 : i32
        %dma_start3A_212 = arith.constant 0 : i32
        %dma_start3A_213 = tpu.memref_slice %arg12[%dma_start3A_211, %dma_start3A_212] : memref<256x8xf32, #tpu.memory_space<vmem>> -> memref<128x8xf32, #tpu.memory_space<vmem>>
        %dma_start3A_214 = arith.constant 0 : i32
        %dma_start3A_215 = tpu.memref_slice %arg10[%add3A_210, %dma_start3A_214] : memref<88x128xi32, #tpu.memory_space<vmem>> -> memref<1x128xi32, #tpu.memory_space<vmem>>
        %dma_start3A_216 = tpu.memref_squeeze %dma_start3A_215 : memref<1x128xi32, #tpu.memory_space<vmem>> -> memref<128xi32, #tpu.memory_space<vmem>>
        %dma_start3A_217 = arith.constant 0 : i32
        %dma_start3A_218 = arith.constant 0 : i32
        %dma_start3A_219 = tpu.memref_slice %arg7[%dma_start3A_217, %dma_start3A_218] : memref<10240x8xf32, #tpu.memory_space<vmem_shared>> -> memref<10240x8xf32, #tpu.memory_space<vmem_shared>>
        tpu.enqueue_indirect_dma source(%dma_start3A_213 : memref<128x8xf32, #tpu.memory_space<vmem>>) target(%dma_start3A_219 : memref<10240x8xf32, #tpu.memory_space<vmem_shared>>) offsets(%dma_start3A_216 : memref<128xi32, #tpu.memory_space<vmem>>) semaphore(%arg16 : memref<!tpu.dma_semaphore, #tpu.memory_space<semaphore_mem>>) {add = true}
        %mul3A_220 = arith.constant 2 : i32
        %mul3A_221 = arith.muli %add3A_206, %mul3A_220 : i32
        %add3A_222 = arith.constant 1 : i32
        %add3A_223 = arith.addi %mul3A_221, %add3A_222 : i32
        %dma_start3A_224 = arith.constant 128 : i32
        %dma_start3A_225 = arith.constant 0 : i32
        %dma_start3A_226 = tpu.memref_slice %arg12[%dma_start3A_224, %dma_start3A_225] : memref<256x8xf32, #tpu.memory_space<vmem>> -> memref<128x8xf32, #tpu.memory_space<vmem>>
        %dma_start3A_227 = arith.constant 0 : i32
        %dma_start3A_228 = tpu.memref_slice %arg10[%add3A_223, %dma_start3A_227] : memref<88x128xi32, #tpu.memory_space<vmem>> -> memref<1x128xi32, #tpu.memory_space<vmem>>
        %dma_start3A_229 = tpu.memref_squeeze %dma_start3A_228 : memref<1x128xi32, #tpu.memory_space<vmem>> -> memref<128xi32, #tpu.memory_space<vmem>>
        %dma_start3A_230 = arith.constant 0 : i32
        %dma_start3A_231 = arith.constant 0 : i32
        %dma_start3A_232 = tpu.memref_slice %arg7[%dma_start3A_230, %dma_start3A_231] : memref<10240x8xf32, #tpu.memory_space<vmem_shared>> -> memref<10240x8xf32, #tpu.memory_space<vmem_shared>>
        tpu.enqueue_indirect_dma source(%dma_start3A_226 : memref<128x8xf32, #tpu.memory_space<vmem>>) target(%dma_start3A_232 : memref<10240x8xf32, #tpu.memory_space<vmem_shared>>) offsets(%dma_start3A_229 : memref<128xi32, #tpu.memory_space<vmem>>) semaphore(%arg16 : memref<!tpu.dma_semaphore, #tpu.memory_space<semaphore_mem>>) {add = true}
        %dma_wait3A_233 = arith.constant 0 : i32
        %dma_wait3A_234 = arith.constant 0 : i32
        %dma_wait3A_235 = tpu.memref_slice %arg13[%dma_wait3A_233, %dma_wait3A_234] : memref<256x8xf32, #tpu.memory_space<vmem>> -> memref<128x8xf32, #tpu.memory_space<vmem>>
        %dma_wait3A_236 = arith.constant 0 : i32
        %dma_wait3A_237 = tpu.memref_slice %arg9[%add3A_91, %dma_wait3A_236] : memref<88x128xi32, #tpu.memory_space<vmem>> -> memref<1x128xi32, #tpu.memory_space<vmem>>
        %dma_wait3A_238 = tpu.memref_squeeze %dma_wait3A_237 : memref<1x128xi32, #tpu.memory_space<vmem>> -> memref<128xi32, #tpu.memory_space<vmem>>
        %dma_wait3A_239 = arith.constant 0 : i32
        %dma_wait3A_240 = arith.constant 0 : i32
        %dma_wait3A_241 = tpu.memref_slice %arg8[%dma_wait3A_239, %dma_wait3A_240] : memref<10240x8xf32, #tpu.memory_space<vmem_shared>> -> memref<10240x8xf32, #tpu.memory_space<vmem_shared>>
        tpu.wait_indirect_dma semaphore(%arg15 : memref<!tpu.dma_semaphore, #tpu.memory_space<semaphore_mem>>) src(%dma_wait3A_241 : memref<10240x8xf32, #tpu.memory_space<vmem_shared>>) dst(%dma_wait3A_235 : memref<128x8xf32, #tpu.memory_space<vmem>>)
        %dma_wait3A_242 = arith.constant 128 : i32
        %dma_wait3A_243 = arith.constant 0 : i32
        %dma_wait3A_244 = tpu.memref_slice %arg13[%dma_wait3A_242, %dma_wait3A_243] : memref<256x8xf32, #tpu.memory_space<vmem>> -> memref<128x8xf32, #tpu.memory_space<vmem>>
        %dma_wait3A_245 = arith.constant 0 : i32
        %dma_wait3A_246 = tpu.memref_slice %arg9[%add3A_104, %dma_wait3A_245] : memref<88x128xi32, #tpu.memory_space<vmem>> -> memref<1x128xi32, #tpu.memory_space<vmem>>
        %dma_wait3A_247 = tpu.memref_squeeze %dma_wait3A_246 : memref<1x128xi32, #tpu.memory_space<vmem>> -> memref<128xi32, #tpu.memory_space<vmem>>
        %dma_wait3A_248 = arith.constant 0 : i32
        %dma_wait3A_249 = arith.constant 0 : i32
        %dma_wait3A_250 = tpu.memref_slice %arg8[%dma_wait3A_248, %dma_wait3A_249] : memref<10240x8xf32, #tpu.memory_space<vmem_shared>> -> memref<10240x8xf32, #tpu.memory_space<vmem_shared>>
        tpu.wait_indirect_dma semaphore(%arg15 : memref<!tpu.dma_semaphore, #tpu.memory_space<semaphore_mem>>) src(%dma_wait3A_250 : memref<10240x8xf32, #tpu.memory_space<vmem_shared>>) dst(%dma_wait3A_244 : memref<128x8xf32, #tpu.memory_space<vmem>>)
        %add3A_251 = arith.constant 2 : i32
        %add3A_252 = arith.addi %mul3A_30, %add3A_251 : i32
        %mul3A_253 = arith.constant 2 : i32
        %mul3A_254 = arith.muli %add3A_252, %mul3A_253 : i32
        %add3A_255 = arith.constant 0 : i32
        %add3A_256 = arith.addi %mul3A_254, %add3A_255 : i32
        %dma_start3A_257 = arith.constant 0 : i32
        %dma_start3A_258 = arith.constant 0 : i32
        %dma_start3A_259 = tpu.memref_slice %arg13[%dma_start3A_257, %dma_start3A_258] : memref<256x8xf32, #tpu.memory_space<vmem>> -> memref<128x8xf32, #tpu.memory_space<vmem>>
        %dma_start3A_260 = arith.constant 0 : i32
        %dma_start3A_261 = tpu.memref_slice %arg10[%add3A_256, %dma_start3A_260] : memref<88x128xi32, #tpu.memory_space<vmem>> -> memref<1x128xi32, #tpu.memory_space<vmem>>
        %dma_start3A_262 = tpu.memref_squeeze %dma_start3A_261 : memref<1x128xi32, #tpu.memory_space<vmem>> -> memref<128xi32, #tpu.memory_space<vmem>>
        %dma_start3A_263 = arith.constant 0 : i32
        %dma_start3A_264 = arith.constant 0 : i32
        %dma_start3A_265 = tpu.memref_slice %arg7[%dma_start3A_263, %dma_start3A_264] : memref<10240x8xf32, #tpu.memory_space<vmem_shared>> -> memref<10240x8xf32, #tpu.memory_space<vmem_shared>>
        tpu.enqueue_indirect_dma source(%dma_start3A_259 : memref<128x8xf32, #tpu.memory_space<vmem>>) target(%dma_start3A_265 : memref<10240x8xf32, #tpu.memory_space<vmem_shared>>) offsets(%dma_start3A_262 : memref<128xi32, #tpu.memory_space<vmem>>) semaphore(%arg16 : memref<!tpu.dma_semaphore, #tpu.memory_space<semaphore_mem>>) {add = true}
        %mul3A_266 = arith.constant 2 : i32
        %mul3A_267 = arith.muli %add3A_252, %mul3A_266 : i32
        %add3A_268 = arith.constant 1 : i32
        %add3A_269 = arith.addi %mul3A_267, %add3A_268 : i32
        %dma_start3A_270 = arith.constant 128 : i32
        %dma_start3A_271 = arith.constant 0 : i32
        %dma_start3A_272 = tpu.memref_slice %arg13[%dma_start3A_270, %dma_start3A_271] : memref<256x8xf32, #tpu.memory_space<vmem>> -> memref<128x8xf32, #tpu.memory_space<vmem>>
        %dma_start3A_273 = arith.constant 0 : i32
        %dma_start3A_274 = tpu.memref_slice %arg10[%add3A_269, %dma_start3A_273] : memref<88x128xi32, #tpu.memory_space<vmem>> -> memref<1x128xi32, #tpu.memory_space<vmem>>
        %dma_start3A_275 = tpu.memref_squeeze %dma_start3A_274 : memref<1x128xi32, #tpu.memory_space<vmem>> -> memref<128xi32, #tpu.memory_space<vmem>>
        %dma_start3A_276 = arith.constant 0 : i32
        %dma_start3A_277 = arith.constant 0 : i32
        %dma_start3A_278 = tpu.memref_slice %arg7[%dma_start3A_276, %dma_start3A_277] : memref<10240x8xf32, #tpu.memory_space<vmem_shared>> -> memref<10240x8xf32, #tpu.memory_space<vmem_shared>>
        tpu.enqueue_indirect_dma source(%dma_start3A_272 : memref<128x8xf32, #tpu.memory_space<vmem>>) target(%dma_start3A_278 : memref<10240x8xf32, #tpu.memory_space<vmem_shared>>) offsets(%dma_start3A_275 : memref<128xi32, #tpu.memory_space<vmem>>) semaphore(%arg16 : memref<!tpu.dma_semaphore, #tpu.memory_space<semaphore_mem>>) {add = true}
        %dma_wait3A_279 = arith.constant 0 : i32
        %dma_wait3A_280 = arith.constant 0 : i32
        %dma_wait3A_281 = tpu.memref_slice %arg14[%dma_wait3A_279, %dma_wait3A_280] : memref<256x8xf32, #tpu.memory_space<vmem>> -> memref<128x8xf32, #tpu.memory_space<vmem>>
        %dma_wait3A_282 = arith.constant 0 : i32
        %dma_wait3A_283 = tpu.memref_slice %arg9[%add3A_119, %dma_wait3A_282] : memref<88x128xi32, #tpu.memory_space<vmem>> -> memref<1x128xi32, #tpu.memory_space<vmem>>
        %dma_wait3A_284 = tpu.memref_squeeze %dma_wait3A_283 : memref<1x128xi32, #tpu.memory_space<vmem>> -> memref<128xi32, #tpu.memory_space<vmem>>
        %dma_wait3A_285 = arith.constant 0 : i32
        %dma_wait3A_286 = arith.constant 0 : i32
        %dma_wait3A_287 = tpu.memref_slice %arg8[%dma_wait3A_285, %dma_wait3A_286] : memref<10240x8xf32, #tpu.memory_space<vmem_shared>> -> memref<10240x8xf32, #tpu.memory_space<vmem_shared>>
        tpu.wait_indirect_dma semaphore(%arg15 : memref<!tpu.dma_semaphore, #tpu.memory_space<semaphore_mem>>) src(%dma_wait3A_287 : memref<10240x8xf32, #tpu.memory_space<vmem_shared>>) dst(%dma_wait3A_281 : memref<128x8xf32, #tpu.memory_space<vmem>>)
        %dma_wait3A_288 = arith.constant 128 : i32
        %dma_wait3A_289 = arith.constant 0 : i32
        %dma_wait3A_290 = tpu.memref_slice %arg14[%dma_wait3A_288, %dma_wait3A_289] : memref<256x8xf32, #tpu.memory_space<vmem>> -> memref<128x8xf32, #tpu.memory_space<vmem>>
        %dma_wait3A_291 = arith.constant 0 : i32
        %dma_wait3A_292 = tpu.memref_slice %arg9[%add3A_132, %dma_wait3A_291] : memref<88x128xi32, #tpu.memory_space<vmem>> -> memref<1x128xi32, #tpu.memory_space<vmem>>
        %dma_wait3A_293 = tpu.memref_squeeze %dma_wait3A_292 : memref<1x128xi32, #tpu.memory_space<vmem>> -> memref<128xi32, #tpu.memory_space<vmem>>
        %dma_wait3A_294 = arith.constant 0 : i32
        %dma_wait3A_295 = arith.constant 0 : i32
        %dma_wait3A_296 = tpu.memref_slice %arg8[%dma_wait3A_294, %dma_wait3A_295] : memref<10240x8xf32, #tpu.memory_space<vmem_shared>> -> memref<10240x8xf32, #tpu.memory_space<vmem_shared>>
        tpu.wait_indirect_dma semaphore(%arg15 : memref<!tpu.dma_semaphore, #tpu.memory_space<semaphore_mem>>) src(%dma_wait3A_296 : memref<10240x8xf32, #tpu.memory_space<vmem_shared>>) dst(%dma_wait3A_290 : memref<128x8xf32, #tpu.memory_space<vmem>>)
        %add3A_297 = arith.constant 3 : i32
        %add3A_298 = arith.addi %mul3A_30, %add3A_297 : i32
        %mul3A_299 = arith.constant 2 : i32
        %mul3A_300 = arith.muli %add3A_298, %mul3A_299 : i32
        %add3A_301 = arith.constant 0 : i32
        %add3A_302 = arith.addi %mul3A_300, %add3A_301 : i32
        %dma_start3A_303 = arith.constant 0 : i32
        %dma_start3A_304 = arith.constant 0 : i32
        %dma_start3A_305 = tpu.memref_slice %arg14[%dma_start3A_303, %dma_start3A_304] : memref<256x8xf32, #tpu.memory_space<vmem>> -> memref<128x8xf32, #tpu.memory_space<vmem>>
        %dma_start3A_306 = arith.constant 0 : i32
        %dma_start3A_307 = tpu.memref_slice %arg10[%add3A_302, %dma_start3A_306] : memref<88x128xi32, #tpu.memory_space<vmem>> -> memref<1x128xi32, #tpu.memory_space<vmem>>
        %dma_start3A_308 = tpu.memref_squeeze %dma_start3A_307 : memref<1x128xi32, #tpu.memory_space<vmem>> -> memref<128xi32, #tpu.memory_space<vmem>>
        %dma_start3A_309 = arith.constant 0 : i32
        %dma_start3A_310 = arith.constant 0 : i32
        %dma_start3A_311 = tpu.memref_slice %arg7[%dma_start3A_309, %dma_start3A_310] : memref<10240x8xf32, #tpu.memory_space<vmem_shared>> -> memref<10240x8xf32, #tpu.memory_space<vmem_shared>>
        tpu.enqueue_indirect_dma source(%dma_start3A_305 : memref<128x8xf32, #tpu.memory_space<vmem>>) target(%dma_start3A_311 : memref<10240x8xf32, #tpu.memory_space<vmem_shared>>) offsets(%dma_start3A_308 : memref<128xi32, #tpu.memory_space<vmem>>) semaphore(%arg16 : memref<!tpu.dma_semaphore, #tpu.memory_space<semaphore_mem>>) {add = true}
        %mul3A_312 = arith.constant 2 : i32
        %mul3A_313 = arith.muli %add3A_298, %mul3A_312 : i32
        %add3A_314 = arith.constant 1 : i32
        %add3A_315 = arith.addi %mul3A_313, %add3A_314 : i32
        %dma_start3A_316 = arith.constant 128 : i32
        %dma_start3A_317 = arith.constant 0 : i32
        %dma_start3A_318 = tpu.memref_slice %arg14[%dma_start3A_316, %dma_start3A_317] : memref<256x8xf32, #tpu.memory_space<vmem>> -> memref<128x8xf32, #tpu.memory_space<vmem>>
        %dma_start3A_319 = arith.constant 0 : i32
        %dma_start3A_320 = tpu.memref_slice %arg10[%add3A_315, %dma_start3A_319] : memref<88x128xi32, #tpu.memory_space<vmem>> -> memref<1x128xi32, #tpu.memory_space<vmem>>
        %dma_start3A_321 = tpu.memref_squeeze %dma_start3A_320 : memref<1x128xi32, #tpu.memory_space<vmem>> -> memref<128xi32, #tpu.memory_space<vmem>>
        %dma_start3A_322 = arith.constant 0 : i32
        %dma_start3A_323 = arith.constant 0 : i32
        %dma_start3A_324 = tpu.memref_slice %arg7[%dma_start3A_322, %dma_start3A_323] : memref<10240x8xf32, #tpu.memory_space<vmem_shared>> -> memref<10240x8xf32, #tpu.memory_space<vmem_shared>>
        tpu.enqueue_indirect_dma source(%dma_start3A_318 : memref<128x8xf32, #tpu.memory_space<vmem>>) target(%dma_start3A_324 : memref<10240x8xf32, #tpu.memory_space<vmem_shared>>) offsets(%dma_start3A_321 : memref<128xi32, #tpu.memory_space<vmem>>) semaphore(%arg16 : memref<!tpu.dma_semaphore, #tpu.memory_space<semaphore_mem>>) {add = true}
        %dma_wait3A_325 = arith.constant 0 : i32
        %dma_wait3A_326 = arith.constant 0 : i32
        %dma_wait3A_327 = tpu.memref_slice %arg11[%dma_wait3A_325, %dma_wait3A_326] : memref<256x8xf32, #tpu.memory_space<vmem>> -> memref<128x8xf32, #tpu.memory_space<vmem>>
        %dma_wait3A_328 = arith.constant 0 : i32
        %dma_wait3A_329 = tpu.memref_slice %arg10[%add3A_164, %dma_wait3A_328] : memref<88x128xi32, #tpu.memory_space<vmem>> -> memref<1x128xi32, #tpu.memory_space<vmem>>
        %dma_wait3A_330 = tpu.memref_squeeze %dma_wait3A_329 : memref<1x128xi32, #tpu.memory_space<vmem>> -> memref<128xi32, #tpu.memory_space<vmem>>
        %dma_wait3A_331 = arith.constant 0 : i32
        %dma_wait3A_332 = arith.constant 0 : i32
        %dma_wait3A_333 = tpu.memref_slice %arg7[%dma_wait3A_331, %dma_wait3A_332] : memref<10240x8xf32, #tpu.memory_space<vmem_shared>> -> memref<10240x8xf32, #tpu.memory_space<vmem_shared>>
        tpu.wait_indirect_dma semaphore(%arg16 : memref<!tpu.dma_semaphore, #tpu.memory_space<semaphore_mem>>) src(%dma_wait3A_327 : memref<128x8xf32, #tpu.memory_space<vmem>>) dst(%dma_wait3A_333 : memref<10240x8xf32, #tpu.memory_space<vmem_shared>>)
        %dma_wait3A_334 = arith.constant 128 : i32
        %dma_wait3A_335 = arith.constant 0 : i32
        %dma_wait3A_336 = tpu.memref_slice %arg11[%dma_wait3A_334, %dma_wait3A_335] : memref<256x8xf32, #tpu.memory_space<vmem>> -> memref<128x8xf32, #tpu.memory_space<vmem>>
        %dma_wait3A_337 = arith.constant 0 : i32
        %dma_wait3A_338 = tpu.memref_slice %arg10[%add3A_177, %dma_wait3A_337] : memref<88x128xi32, #tpu.memory_space<vmem>> -> memref<1x128xi32, #tpu.memory_space<vmem>>
        %dma_wait3A_339 = tpu.memref_squeeze %dma_wait3A_338 : memref<1x128xi32, #tpu.memory_space<vmem>> -> memref<128xi32, #tpu.memory_space<vmem>>
        %dma_wait3A_340 = arith.constant 0 : i32
        %dma_wait3A_341 = arith.constant 0 : i32
        %dma_wait3A_342 = tpu.memref_slice %arg7[%dma_wait3A_340, %dma_wait3A_341] : memref<10240x8xf32, #tpu.memory_space<vmem_shared>> -> memref<10240x8xf32, #tpu.memory_space<vmem_shared>>
        tpu.wait_indirect_dma semaphore(%arg16 : memref<!tpu.dma_semaphore, #tpu.memory_space<semaphore_mem>>) src(%dma_wait3A_336 : memref<128x8xf32, #tpu.memory_space<vmem>>) dst(%dma_wait3A_342 : memref<10240x8xf32, #tpu.memory_space<vmem_shared>>)
        %dma_wait3A_343 = arith.constant 0 : i32
        %dma_wait3A_344 = arith.constant 0 : i32
        %dma_wait3A_345 = tpu.memref_slice %arg12[%dma_wait3A_343, %dma_wait3A_344] : memref<256x8xf32, #tpu.memory_space<vmem>> -> memref<128x8xf32, #tpu.memory_space<vmem>>
        %dma_wait3A_346 = arith.constant 0 : i32
        %dma_wait3A_347 = tpu.memref_slice %arg10[%add3A_210, %dma_wait3A_346] : memref<88x128xi32, #tpu.memory_space<vmem>> -> memref<1x128xi32, #tpu.memory_space<vmem>>
        %dma_wait3A_348 = tpu.memref_squeeze %dma_wait3A_347 : memref<1x128xi32, #tpu.memory_space<vmem>> -> memref<128xi32, #tpu.memory_space<vmem>>
        %dma_wait3A_349 = arith.constant 0 : i32
        %dma_wait3A_350 = arith.constant 0 : i32
        %dma_wait3A_351 = tpu.memref_slice %arg7[%dma_wait3A_349, %dma_wait3A_350] : memref<10240x8xf32, #tpu.memory_space<vmem_shared>> -> memref<10240x8xf32, #tpu.memory_space<vmem_shared>>
        tpu.wait_indirect_dma semaphore(%arg16 : memref<!tpu.dma_semaphore, #tpu.memory_space<semaphore_mem>>) src(%dma_wait3A_345 : memref<128x8xf32, #tpu.memory_space<vmem>>) dst(%dma_wait3A_351 : memref<10240x8xf32, #tpu.memory_space<vmem_shared>>)
        %dma_wait3A_352 = arith.constant 128 : i32
        %dma_wait3A_353 = arith.constant 0 : i32
        %dma_wait3A_354 = tpu.memref_slice %arg12[%dma_wait3A_352, %dma_wait3A_353] : memref<256x8xf32, #tpu.memory_space<vmem>> -> memref<128x8xf32, #tpu.memory_space<vmem>>
        %dma_wait3A_355 = arith.constant 0 : i32
        %dma_wait3A_356 = tpu.memref_slice %arg10[%add3A_223, %dma_wait3A_355] : memref<88x128xi32, #tpu.memory_space<vmem>> -> memref<1x128xi32, #tpu.memory_space<vmem>>
        %dma_wait3A_357 = tpu.memref_squeeze %dma_wait3A_356 : memref<1x128xi32, #tpu.memory_space<vmem>> -> memref<128xi32, #tpu.memory_space<vmem>>
        %dma_wait3A_358 = arith.constant 0 : i32
        %dma_wait3A_359 = arith.constant 0 : i32
        %dma_wait3A_360 = tpu.memref_slice %arg7[%dma_wait3A_358, %dma_wait3A_359] : memref<10240x8xf32, #tpu.memory_space<vmem_shared>> -> memref<10240x8xf32, #tpu.memory_space<vmem_shared>>
        tpu.wait_indirect_dma semaphore(%arg16 : memref<!tpu.dma_semaphore, #tpu.memory_space<semaphore_mem>>) src(%dma_wait3A_354 : memref<128x8xf32, #tpu.memory_space<vmem>>) dst(%dma_wait3A_360 : memref<10240x8xf32, #tpu.memory_space<vmem_shared>>)
        %dma_wait3A_361 = arith.constant 0 : i32
        %dma_wait3A_362 = arith.constant 0 : i32
        %dma_wait3A_363 = tpu.memref_slice %arg13[%dma_wait3A_361, %dma_wait3A_362] : memref<256x8xf32, #tpu.memory_space<vmem>> -> memref<128x8xf32, #tpu.memory_space<vmem>>
        %dma_wait3A_364 = arith.constant 0 : i32
        %dma_wait3A_365 = tpu.memref_slice %arg10[%add3A_256, %dma_wait3A_364] : memref<88x128xi32, #tpu.memory_space<vmem>> -> memref<1x128xi32, #tpu.memory_space<vmem>>
        %dma_wait3A_366 = tpu.memref_squeeze %dma_wait3A_365 : memref<1x128xi32, #tpu.memory_space<vmem>> -> memref<128xi32, #tpu.memory_space<vmem>>
        %dma_wait3A_367 = arith.constant 0 : i32
        %dma_wait3A_368 = arith.constant 0 : i32
        %dma_wait3A_369 = tpu.memref_slice %arg7[%dma_wait3A_367, %dma_wait3A_368] : memref<10240x8xf32, #tpu.memory_space<vmem_shared>> -> memref<10240x8xf32, #tpu.memory_space<vmem_shared>>
        tpu.wait_indirect_dma semaphore(%arg16 : memref<!tpu.dma_semaphore, #tpu.memory_space<semaphore_mem>>) src(%dma_wait3A_363 : memref<128x8xf32, #tpu.memory_space<vmem>>) dst(%dma_wait3A_369 : memref<10240x8xf32, #tpu.memory_space<vmem_shared>>)
        %dma_wait3A_370 = arith.constant 128 : i32
        %dma_wait3A_371 = arith.constant 0 : i32
        %dma_wait3A_372 = tpu.memref_slice %arg13[%dma_wait3A_370, %dma_wait3A_371] : memref<256x8xf32, #tpu.memory_space<vmem>> -> memref<128x8xf32, #tpu.memory_space<vmem>>
        %dma_wait3A_373 = arith.constant 0 : i32
        %dma_wait3A_374 = tpu.memref_slice %arg10[%add3A_269, %dma_wait3A_373] : memref<88x128xi32, #tpu.memory_space<vmem>> -> memref<1x128xi32, #tpu.memory_space<vmem>>
        %dma_wait3A_375 = tpu.memref_squeeze %dma_wait3A_374 : memref<1x128xi32, #tpu.memory_space<vmem>> -> memref<128xi32, #tpu.memory_space<vmem>>
        %dma_wait3A_376 = arith.constant 0 : i32
        %dma_wait3A_377 = arith.constant 0 : i32
        %dma_wait3A_378 = tpu.memref_slice %arg7[%dma_wait3A_376, %dma_wait3A_377] : memref<10240x8xf32, #tpu.memory_space<vmem_shared>> -> memref<10240x8xf32, #tpu.memory_space<vmem_shared>>
        tpu.wait_indirect_dma semaphore(%arg16 : memref<!tpu.dma_semaphore, #tpu.memory_space<semaphore_mem>>) src(%dma_wait3A_372 : memref<128x8xf32, #tpu.memory_space<vmem>>) dst(%dma_wait3A_378 : memref<10240x8xf32, #tpu.memory_space<vmem_shared>>)
        %dma_wait3A_379 = arith.constant 0 : i32
        %dma_wait3A_380 = arith.constant 0 : i32
        %dma_wait3A_381 = tpu.memref_slice %arg14[%dma_wait3A_379, %dma_wait3A_380] : memref<256x8xf32, #tpu.memory_space<vmem>> -> memref<128x8xf32, #tpu.memory_space<vmem>>
        %dma_wait3A_382 = arith.constant 0 : i32
        %dma_wait3A_383 = tpu.memref_slice %arg10[%add3A_302, %dma_wait3A_382] : memref<88x128xi32, #tpu.memory_space<vmem>> -> memref<1x128xi32, #tpu.memory_space<vmem>>
        %dma_wait3A_384 = tpu.memref_squeeze %dma_wait3A_383 : memref<1x128xi32, #tpu.memory_space<vmem>> -> memref<128xi32, #tpu.memory_space<vmem>>
        %dma_wait3A_385 = arith.constant 0 : i32
        %dma_wait3A_386 = arith.constant 0 : i32
        %dma_wait3A_387 = tpu.memref_slice %arg7[%dma_wait3A_385, %dma_wait3A_386] : memref<10240x8xf32, #tpu.memory_space<vmem_shared>> -> memref<10240x8xf32, #tpu.memory_space<vmem_shared>>
        tpu.wait_indirect_dma semaphore(%arg16 : memref<!tpu.dma_semaphore, #tpu.memory_space<semaphore_mem>>) src(%dma_wait3A_381 : memref<128x8xf32, #tpu.memory_space<vmem>>) dst(%dma_wait3A_387 : memref<10240x8xf32, #tpu.memory_space<vmem_shared>>)
        %dma_wait3A_388 = arith.constant 128 : i32
        %dma_wait3A_389 = arith.constant 0 : i32
        %dma_wait3A_390 = tpu.memref_slice %arg14[%dma_wait3A_388, %dma_wait3A_389] : memref<256x8xf32, #tpu.memory_space<vmem>> -> memref<128x8xf32, #tpu.memory_space<vmem>>
        %dma_wait3A_391 = arith.constant 0 : i32
        %dma_wait3A_392 = tpu.memref_slice %arg10[%add3A_315, %dma_wait3A_391] : memref<88x128xi32, #tpu.memory_space<vmem>> -> memref<1x128xi32, #tpu.memory_space<vmem>>
        %dma_wait3A_393 = tpu.memref_squeeze %dma_wait3A_392 : memref<1x128xi32, #tpu.memory_space<vmem>> -> memref<128xi32, #tpu.memory_space<vmem>>
        %dma_wait3A_394 = arith.constant 0 : i32
        %dma_wait3A_395 = arith.constant 0 : i32
        %dma_wait3A_396 = tpu.memref_slice %arg7[%dma_wait3A_394, %dma_wait3A_395] : memref<10240x8xf32, #tpu.memory_space<vmem_shared>> -> memref<10240x8xf32, #tpu.memory_space<vmem_shared>>
        tpu.wait_indirect_dma semaphore(%arg16 : memref<!tpu.dma_semaphore, #tpu.memory_space<semaphore_mem>>) src(%dma_wait3A_390 : memref<128x8xf32, #tpu.memory_space<vmem>>) dst(%dma_wait3A_396 : memref<10240x8xf32, #tpu.memory_space<vmem_shared>>)
      }
      %scan3A_24 = arith.constant 11 : i32
    } else {
    }
    %eq3A_9 = arith.constant 1 : i32
    %eq3A_10 = arith.cmpi eq, %arg0, %eq3A_9 : i32
    %convert_element_type3A_11 = arith.extui %eq3A_10 : i1 to i32
    %cond3A_12 = arith.constant 0 : i32
    %cond3A_13 = arith.cmpi ne, %convert_element_type3A_11, %cond3A_12 : i32
    scf.if %cond3A_13 {
      %mul3A_18 = arith.constant 72 : i32
      %mul3A_19 = arith.muli %arg1, %mul3A_18 : i32
      %add3A = arith.constant 1408 : i32
      %add3A_20 = arith.addi %add3A, %mul3A_19 : i32
      "tpu.region"() ({
        %run_scoped3A = tpu.sem_alloc : memref<!tpu.dma_semaphore, #tpu.memory_space<semaphore_mem>>
        %dma_start3A = arith.constant 0 : i32
        %dma_start3A_26 = arith.constant 0 : i32
        %dma_start3A_27 = tpu.memref_slice %arg9[%dma_start3A, %dma_start3A_26] : memref<88x128xi32, #tpu.memory_space<vmem>> -> memref<72x128xi32, #tpu.memory_space<vmem>>
        %dma_start3A_28 = arith.constant 0 : i32
        %dma_start3A_29 = tpu.memref_slice %arg3[%add3A_20, %dma_start3A_28] : memref<2560x128xi32, #tpu.memory_space<hbm>> -> memref<72x128xi32, #tpu.memory_space<hbm>>
        %dma_start3A_30 = arith.constant 0 : i32
        %dma_start3A_31 = arith.constant 0 : i32
        %dma_start3A_32 = tpu.memref_slice %arg9[%dma_start3A_30, %dma_start3A_31] : memref<88x128xi32, #tpu.memory_space<vmem>> -> memref<72x128xi32, #tpu.memory_space<vmem>>
        %dma_start3A_33 = arith.constant 0 : i32
        %dma_start3A_34 = tpu.memref_slice %arg3[%add3A_20, %dma_start3A_33] : memref<2560x128xi32, #tpu.memory_space<hbm>> -> memref<72x128xi32, #tpu.memory_space<hbm>>
        tpu.enqueue_dma source(%dma_start3A_34 : memref<72x128xi32, #tpu.memory_space<hbm>>) target(%dma_start3A_32 : memref<72x128xi32, #tpu.memory_space<vmem>>) target_semaphore(%run_scoped3A : memref<!tpu.dma_semaphore, #tpu.memory_space<semaphore_mem>>)
        %dma_wait3A = arith.constant 0 : i32
        %dma_wait3A_35 = arith.constant 0 : i32
        %dma_wait3A_36 = tpu.memref_slice %arg9[%dma_wait3A, %dma_wait3A_35] : memref<88x128xi32, #tpu.memory_space<vmem>> -> memref<72x128xi32, #tpu.memory_space<vmem>>
        %dma_wait3A_37 = arith.constant 0 : i32
        %dma_wait3A_38 = tpu.memref_slice %arg3[%add3A_20, %dma_wait3A_37] : memref<2560x128xi32, #tpu.memory_space<hbm>> -> memref<72x128xi32, #tpu.memory_space<hbm>>
        %dma_wait3A_39 = arith.constant 0 : i32
        %dma_wait3A_40 = arith.constant 0 : i32
        %dma_wait3A_41 = tpu.memref_slice %arg9[%dma_wait3A_39, %dma_wait3A_40] : memref<88x128xi32, #tpu.memory_space<vmem>> -> memref<72x128xi32, #tpu.memory_space<vmem>>
        %dma_wait3A_42 = arith.constant 0 : i32
        %dma_wait3A_43 = tpu.memref_slice %arg3[%add3A_20, %dma_wait3A_42] : memref<2560x128xi32, #tpu.memory_space<hbm>> -> memref<72x128xi32, #tpu.memory_space<hbm>>
        tpu.wait_dma2 semaphore(%run_scoped3A : memref<!tpu.dma_semaphore, #tpu.memory_space<semaphore_mem>>) src(%dma_wait3A_43 : memref<72x128xi32, #tpu.memory_space<hbm>>) dst(%dma_wait3A_41 : memref<72x128xi32, #tpu.memory_space<vmem>>)
        tpu.yield
      }) : () -> ()
      "tpu.region"() ({
        %run_scoped3A = tpu.sem_alloc : memref<!tpu.dma_semaphore, #tpu.memory_space<semaphore_mem>>
        %dma_start3A = arith.constant 0 : i32
        %dma_start3A_26 = arith.constant 0 : i32
        %dma_start3A_27 = tpu.memref_slice %arg10[%dma_start3A, %dma_start3A_26] : memref<88x128xi32, #tpu.memory_space<vmem>> -> memref<72x128xi32, #tpu.memory_space<vmem>>
        %dma_start3A_28 = arith.constant 0 : i32
        %dma_start3A_29 = tpu.memref_slice %arg4[%add3A_20, %dma_start3A_28] : memref<2560x128xi32, #tpu.memory_space<hbm>> -> memref<72x128xi32, #tpu.memory_space<hbm>>
        %dma_start3A_30 = arith.constant 0 : i32
        %dma_start3A_31 = arith.constant 0 : i32
        %dma_start3A_32 = tpu.memref_slice %arg10[%dma_start3A_30, %dma_start3A_31] : memref<88x128xi32, #tpu.memory_space<vmem>> -> memref<72x128xi32, #tpu.memory_space<vmem>>
        %dma_start3A_33 = arith.constant 0 : i32
        %dma_start3A_34 = tpu.memref_slice %arg4[%add3A_20, %dma_start3A_33] : memref<2560x128xi32, #tpu.memory_space<hbm>> -> memref<72x128xi32, #tpu.memory_space<hbm>>
        tpu.enqueue_dma source(%dma_start3A_34 : memref<72x128xi32, #tpu.memory_space<hbm>>) target(%dma_start3A_32 : memref<72x128xi32, #tpu.memory_space<vmem>>) target_semaphore(%run_scoped3A : memref<!tpu.dma_semaphore, #tpu.memory_space<semaphore_mem>>)
        %dma_wait3A = arith.constant 0 : i32
        %dma_wait3A_35 = arith.constant 0 : i32
        %dma_wait3A_36 = tpu.memref_slice %arg10[%dma_wait3A, %dma_wait3A_35] : memref<88x128xi32, #tpu.memory_space<vmem>> -> memref<72x128xi32, #tpu.memory_space<vmem>>
        %dma_wait3A_37 = arith.constant 0 : i32
        %dma_wait3A_38 = tpu.memref_slice %arg4[%add3A_20, %dma_wait3A_37] : memref<2560x128xi32, #tpu.memory_space<hbm>> -> memref<72x128xi32, #tpu.memory_space<hbm>>
        %dma_wait3A_39 = arith.constant 0 : i32
        %dma_wait3A_40 = arith.constant 0 : i32
        %dma_wait3A_41 = tpu.memref_slice %arg10[%dma_wait3A_39, %dma_wait3A_40] : memref<88x128xi32, #tpu.memory_space<vmem>> -> memref<72x128xi32, #tpu.memory_space<vmem>>
        %dma_wait3A_42 = arith.constant 0 : i32
        %dma_wait3A_43 = tpu.memref_slice %arg4[%add3A_20, %dma_wait3A_42] : memref<2560x128xi32, #tpu.memory_space<hbm>> -> memref<72x128xi32, #tpu.memory_space<hbm>>
        tpu.wait_dma2 semaphore(%run_scoped3A : memref<!tpu.dma_semaphore, #tpu.memory_space<semaphore_mem>>) src(%dma_wait3A_43 : memref<72x128xi32, #tpu.memory_space<hbm>>) dst(%dma_wait3A_41 : memref<72x128xi32, #tpu.memory_space<vmem>>)
        tpu.yield
      }) : () -> ()
      %barrier3A_21 = arith.constant 0 : index
      tpu.barrier barrier_id(%barrier3A_21)
      %scan3A = arith.constant 0 : i32
      %scan3A_22 = arith.constant 9 : i32
      %scan3A_23 = arith.addi %scan3A, %scan3A_22 : i32
      %scan3A_24 = arith.constant 1 : i32
      scf.for %scan3A_26 = %scan3A to %scan3A_23 step %scan3A_24  : i32 {
        %mul3A_27 = arith.constant 1 : i32
        %mul3A_28 = arith.muli %scan3A_26, %mul3A_27 : i32
        %add3A_29 = arith.constant 0 : i32
        %add3A_30 = arith.addi %add3A_29, %mul3A_28 : i32
        %mul3A_31 = arith.constant 4 : i32
        %mul3A_32 = arith.muli %mul3A_31, %add3A_30 : i32
        %add3A_33 = arith.constant 0 : i32
        %add3A_34 = arith.addi %mul3A_32, %add3A_33 : i32
        %mul3A_35 = arith.constant 2 : i32
        %mul3A_36 = arith.muli %add3A_34, %mul3A_35 : i32
        %add3A_37 = arith.constant 0 : i32
        %add3A_38 = arith.addi %mul3A_36, %add3A_37 : i32
        %dma_start3A = arith.constant 0 : i32
        %dma_start3A_39 = arith.constant 0 : i32
        %dma_start3A_40 = tpu.memref_slice %arg11[%dma_start3A, %dma_start3A_39] : memref<256x8xf32, #tpu.memory_space<vmem>> -> memref<128x8xf32, #tpu.memory_space<vmem>>
        %dma_start3A_41 = arith.constant 0 : i32
        %dma_start3A_42 = tpu.memref_slice %arg9[%add3A_38, %dma_start3A_41] : memref<88x128xi32, #tpu.memory_space<vmem>> -> memref<1x128xi32, #tpu.memory_space<vmem>>
        %dma_start3A_43 = tpu.memref_squeeze %dma_start3A_42 : memref<1x128xi32, #tpu.memory_space<vmem>> -> memref<128xi32, #tpu.memory_space<vmem>>
        %dma_start3A_44 = arith.constant 0 : i32
        %dma_start3A_45 = arith.constant 0 : i32
        %dma_start3A_46 = tpu.memref_slice %arg8[%dma_start3A_44, %dma_start3A_45] : memref<10240x8xf32, #tpu.memory_space<vmem_shared>> -> memref<10240x8xf32, #tpu.memory_space<vmem_shared>>
        tpu.enqueue_indirect_dma source(%dma_start3A_46 : memref<10240x8xf32, #tpu.memory_space<vmem_shared>>) target(%dma_start3A_40 : memref<128x8xf32, #tpu.memory_space<vmem>>) offsets(%dma_start3A_43 : memref<128xi32, #tpu.memory_space<vmem>>) semaphore(%arg15 : memref<!tpu.dma_semaphore, #tpu.memory_space<semaphore_mem>>)
        %mul3A_47 = arith.constant 2 : i32
        %mul3A_48 = arith.muli %add3A_34, %mul3A_47 : i32
        %add3A_49 = arith.constant 1 : i32
        %add3A_50 = arith.addi %mul3A_48, %add3A_49 : i32
        %dma_start3A_51 = arith.constant 128 : i32
        %dma_start3A_52 = arith.constant 0 : i32
        %dma_start3A_53 = tpu.memref_slice %arg11[%dma_start3A_51, %dma_start3A_52] : memref<256x8xf32, #tpu.memory_space<vmem>> -> memref<128x8xf32, #tpu.memory_space<vmem>>
        %dma_start3A_54 = arith.constant 0 : i32
        %dma_start3A_55 = tpu.memref_slice %arg9[%add3A_50, %dma_start3A_54] : memref<88x128xi32, #tpu.memory_space<vmem>> -> memref<1x128xi32, #tpu.memory_space<vmem>>
        %dma_start3A_56 = tpu.memref_squeeze %dma_start3A_55 : memref<1x128xi32, #tpu.memory_space<vmem>> -> memref<128xi32, #tpu.memory_space<vmem>>
        %dma_start3A_57 = arith.constant 0 : i32
        %dma_start3A_58 = arith.constant 0 : i32
        %dma_start3A_59 = tpu.memref_slice %arg8[%dma_start3A_57, %dma_start3A_58] : memref<10240x8xf32, #tpu.memory_space<vmem_shared>> -> memref<10240x8xf32, #tpu.memory_space<vmem_shared>>
        tpu.enqueue_indirect_dma source(%dma_start3A_59 : memref<10240x8xf32, #tpu.memory_space<vmem_shared>>) target(%dma_start3A_53 : memref<128x8xf32, #tpu.memory_space<vmem>>) offsets(%dma_start3A_56 : memref<128xi32, #tpu.memory_space<vmem>>) semaphore(%arg15 : memref<!tpu.dma_semaphore, #tpu.memory_space<semaphore_mem>>)
        %add3A_60 = arith.constant 1 : i32
        %add3A_61 = arith.addi %mul3A_32, %add3A_60 : i32
        %mul3A_62 = arith.constant 2 : i32
        %mul3A_63 = arith.muli %add3A_61, %mul3A_62 : i32
        %add3A_64 = arith.constant 0 : i32
        %add3A_65 = arith.addi %mul3A_63, %add3A_64 : i32
        %dma_start3A_66 = arith.constant 0 : i32
        %dma_start3A_67 = arith.constant 0 : i32
        %dma_start3A_68 = tpu.memref_slice %arg12[%dma_start3A_66, %dma_start3A_67] : memref<256x8xf32, #tpu.memory_space<vmem>> -> memref<128x8xf32, #tpu.memory_space<vmem>>
        %dma_start3A_69 = arith.constant 0 : i32
        %dma_start3A_70 = tpu.memref_slice %arg9[%add3A_65, %dma_start3A_69] : memref<88x128xi32, #tpu.memory_space<vmem>> -> memref<1x128xi32, #tpu.memory_space<vmem>>
        %dma_start3A_71 = tpu.memref_squeeze %dma_start3A_70 : memref<1x128xi32, #tpu.memory_space<vmem>> -> memref<128xi32, #tpu.memory_space<vmem>>
        %dma_start3A_72 = arith.constant 0 : i32
        %dma_start3A_73 = arith.constant 0 : i32
        %dma_start3A_74 = tpu.memref_slice %arg8[%dma_start3A_72, %dma_start3A_73] : memref<10240x8xf32, #tpu.memory_space<vmem_shared>> -> memref<10240x8xf32, #tpu.memory_space<vmem_shared>>
        tpu.enqueue_indirect_dma source(%dma_start3A_74 : memref<10240x8xf32, #tpu.memory_space<vmem_shared>>) target(%dma_start3A_68 : memref<128x8xf32, #tpu.memory_space<vmem>>) offsets(%dma_start3A_71 : memref<128xi32, #tpu.memory_space<vmem>>) semaphore(%arg15 : memref<!tpu.dma_semaphore, #tpu.memory_space<semaphore_mem>>)
        %mul3A_75 = arith.constant 2 : i32
        %mul3A_76 = arith.muli %add3A_61, %mul3A_75 : i32
        %add3A_77 = arith.constant 1 : i32
        %add3A_78 = arith.addi %mul3A_76, %add3A_77 : i32
        %dma_start3A_79 = arith.constant 128 : i32
        %dma_start3A_80 = arith.constant 0 : i32
        %dma_start3A_81 = tpu.memref_slice %arg12[%dma_start3A_79, %dma_start3A_80] : memref<256x8xf32, #tpu.memory_space<vmem>> -> memref<128x8xf32, #tpu.memory_space<vmem>>
        %dma_start3A_82 = arith.constant 0 : i32
        %dma_start3A_83 = tpu.memref_slice %arg9[%add3A_78, %dma_start3A_82] : memref<88x128xi32, #tpu.memory_space<vmem>> -> memref<1x128xi32, #tpu.memory_space<vmem>>
        %dma_start3A_84 = tpu.memref_squeeze %dma_start3A_83 : memref<1x128xi32, #tpu.memory_space<vmem>> -> memref<128xi32, #tpu.memory_space<vmem>>
        %dma_start3A_85 = arith.constant 0 : i32
        %dma_start3A_86 = arith.constant 0 : i32
        %dma_start3A_87 = tpu.memref_slice %arg8[%dma_start3A_85, %dma_start3A_86] : memref<10240x8xf32, #tpu.memory_space<vmem_shared>> -> memref<10240x8xf32, #tpu.memory_space<vmem_shared>>
        tpu.enqueue_indirect_dma source(%dma_start3A_87 : memref<10240x8xf32, #tpu.memory_space<vmem_shared>>) target(%dma_start3A_81 : memref<128x8xf32, #tpu.memory_space<vmem>>) offsets(%dma_start3A_84 : memref<128xi32, #tpu.memory_space<vmem>>) semaphore(%arg15 : memref<!tpu.dma_semaphore, #tpu.memory_space<semaphore_mem>>)
        %add3A_88 = arith.constant 2 : i32
        %add3A_89 = arith.addi %mul3A_32, %add3A_88 : i32
        %mul3A_90 = arith.constant 2 : i32
        %mul3A_91 = arith.muli %add3A_89, %mul3A_90 : i32
        %add3A_92 = arith.constant 0 : i32
        %add3A_93 = arith.addi %mul3A_91, %add3A_92 : i32
        %dma_start3A_94 = arith.constant 0 : i32
        %dma_start3A_95 = arith.constant 0 : i32
        %dma_start3A_96 = tpu.memref_slice %arg13[%dma_start3A_94, %dma_start3A_95] : memref<256x8xf32, #tpu.memory_space<vmem>> -> memref<128x8xf32, #tpu.memory_space<vmem>>
        %dma_start3A_97 = arith.constant 0 : i32
        %dma_start3A_98 = tpu.memref_slice %arg9[%add3A_93, %dma_start3A_97] : memref<88x128xi32, #tpu.memory_space<vmem>> -> memref<1x128xi32, #tpu.memory_space<vmem>>
        %dma_start3A_99 = tpu.memref_squeeze %dma_start3A_98 : memref<1x128xi32, #tpu.memory_space<vmem>> -> memref<128xi32, #tpu.memory_space<vmem>>
        %dma_start3A_100 = arith.constant 0 : i32
        %dma_start3A_101 = arith.constant 0 : i32
        %dma_start3A_102 = tpu.memref_slice %arg8[%dma_start3A_100, %dma_start3A_101] : memref<10240x8xf32, #tpu.memory_space<vmem_shared>> -> memref<10240x8xf32, #tpu.memory_space<vmem_shared>>
        tpu.enqueue_indirect_dma source(%dma_start3A_102 : memref<10240x8xf32, #tpu.memory_space<vmem_shared>>) target(%dma_start3A_96 : memref<128x8xf32, #tpu.memory_space<vmem>>) offsets(%dma_start3A_99 : memref<128xi32, #tpu.memory_space<vmem>>) semaphore(%arg15 : memref<!tpu.dma_semaphore, #tpu.memory_space<semaphore_mem>>)
        %mul3A_103 = arith.constant 2 : i32
        %mul3A_104 = arith.muli %add3A_89, %mul3A_103 : i32
        %add3A_105 = arith.constant 1 : i32
        %add3A_106 = arith.addi %mul3A_104, %add3A_105 : i32
        %dma_start3A_107 = arith.constant 128 : i32
        %dma_start3A_108 = arith.constant 0 : i32
        %dma_start3A_109 = tpu.memref_slice %arg13[%dma_start3A_107, %dma_start3A_108] : memref<256x8xf32, #tpu.memory_space<vmem>> -> memref<128x8xf32, #tpu.memory_space<vmem>>
        %dma_start3A_110 = arith.constant 0 : i32
        %dma_start3A_111 = tpu.memref_slice %arg9[%add3A_106, %dma_start3A_110] : memref<88x128xi32, #tpu.memory_space<vmem>> -> memref<1x128xi32, #tpu.memory_space<vmem>>
        %dma_start3A_112 = tpu.memref_squeeze %dma_start3A_111 : memref<1x128xi32, #tpu.memory_space<vmem>> -> memref<128xi32, #tpu.memory_space<vmem>>
        %dma_start3A_113 = arith.constant 0 : i32
        %dma_start3A_114 = arith.constant 0 : i32
        %dma_start3A_115 = tpu.memref_slice %arg8[%dma_start3A_113, %dma_start3A_114] : memref<10240x8xf32, #tpu.memory_space<vmem_shared>> -> memref<10240x8xf32, #tpu.memory_space<vmem_shared>>
        tpu.enqueue_indirect_dma source(%dma_start3A_115 : memref<10240x8xf32, #tpu.memory_space<vmem_shared>>) target(%dma_start3A_109 : memref<128x8xf32, #tpu.memory_space<vmem>>) offsets(%dma_start3A_112 : memref<128xi32, #tpu.memory_space<vmem>>) semaphore(%arg15 : memref<!tpu.dma_semaphore, #tpu.memory_space<semaphore_mem>>)
        %add3A_116 = arith.constant 3 : i32
        %add3A_117 = arith.addi %mul3A_32, %add3A_116 : i32
        %mul3A_118 = arith.constant 2 : i32
        %mul3A_119 = arith.muli %add3A_117, %mul3A_118 : i32
        %add3A_120 = arith.constant 0 : i32
        %add3A_121 = arith.addi %mul3A_119, %add3A_120 : i32
        %dma_start3A_122 = arith.constant 0 : i32
        %dma_start3A_123 = arith.constant 0 : i32
        %dma_start3A_124 = tpu.memref_slice %arg14[%dma_start3A_122, %dma_start3A_123] : memref<256x8xf32, #tpu.memory_space<vmem>> -> memref<128x8xf32, #tpu.memory_space<vmem>>
        %dma_start3A_125 = arith.constant 0 : i32
        %dma_start3A_126 = tpu.memref_slice %arg9[%add3A_121, %dma_start3A_125] : memref<88x128xi32, #tpu.memory_space<vmem>> -> memref<1x128xi32, #tpu.memory_space<vmem>>
        %dma_start3A_127 = tpu.memref_squeeze %dma_start3A_126 : memref<1x128xi32, #tpu.memory_space<vmem>> -> memref<128xi32, #tpu.memory_space<vmem>>
        %dma_start3A_128 = arith.constant 0 : i32
        %dma_start3A_129 = arith.constant 0 : i32
        %dma_start3A_130 = tpu.memref_slice %arg8[%dma_start3A_128, %dma_start3A_129] : memref<10240x8xf32, #tpu.memory_space<vmem_shared>> -> memref<10240x8xf32, #tpu.memory_space<vmem_shared>>
        tpu.enqueue_indirect_dma source(%dma_start3A_130 : memref<10240x8xf32, #tpu.memory_space<vmem_shared>>) target(%dma_start3A_124 : memref<128x8xf32, #tpu.memory_space<vmem>>) offsets(%dma_start3A_127 : memref<128xi32, #tpu.memory_space<vmem>>) semaphore(%arg15 : memref<!tpu.dma_semaphore, #tpu.memory_space<semaphore_mem>>)
        %mul3A_131 = arith.constant 2 : i32
        %mul3A_132 = arith.muli %add3A_117, %mul3A_131 : i32
        %add3A_133 = arith.constant 1 : i32
        %add3A_134 = arith.addi %mul3A_132, %add3A_133 : i32
        %dma_start3A_135 = arith.constant 128 : i32
        %dma_start3A_136 = arith.constant 0 : i32
        %dma_start3A_137 = tpu.memref_slice %arg14[%dma_start3A_135, %dma_start3A_136] : memref<256x8xf32, #tpu.memory_space<vmem>> -> memref<128x8xf32, #tpu.memory_space<vmem>>
        %dma_start3A_138 = arith.constant 0 : i32
        %dma_start3A_139 = tpu.memref_slice %arg9[%add3A_134, %dma_start3A_138] : memref<88x128xi32, #tpu.memory_space<vmem>> -> memref<1x128xi32, #tpu.memory_space<vmem>>
        %dma_start3A_140 = tpu.memref_squeeze %dma_start3A_139 : memref<1x128xi32, #tpu.memory_space<vmem>> -> memref<128xi32, #tpu.memory_space<vmem>>
        %dma_start3A_141 = arith.constant 0 : i32
        %dma_start3A_142 = arith.constant 0 : i32
        %dma_start3A_143 = tpu.memref_slice %arg8[%dma_start3A_141, %dma_start3A_142] : memref<10240x8xf32, #tpu.memory_space<vmem_shared>> -> memref<10240x8xf32, #tpu.memory_space<vmem_shared>>
        tpu.enqueue_indirect_dma source(%dma_start3A_143 : memref<10240x8xf32, #tpu.memory_space<vmem_shared>>) target(%dma_start3A_137 : memref<128x8xf32, #tpu.memory_space<vmem>>) offsets(%dma_start3A_140 : memref<128xi32, #tpu.memory_space<vmem>>) semaphore(%arg15 : memref<!tpu.dma_semaphore, #tpu.memory_space<semaphore_mem>>)
        %dma_wait3A = arith.constant 0 : i32
        %dma_wait3A_144 = arith.constant 0 : i32
        %dma_wait3A_145 = tpu.memref_slice %arg11[%dma_wait3A, %dma_wait3A_144] : memref<256x8xf32, #tpu.memory_space<vmem>> -> memref<128x8xf32, #tpu.memory_space<vmem>>
        %dma_wait3A_146 = arith.constant 0 : i32
        %dma_wait3A_147 = tpu.memref_slice %arg9[%add3A_38, %dma_wait3A_146] : memref<88x128xi32, #tpu.memory_space<vmem>> -> memref<1x128xi32, #tpu.memory_space<vmem>>
        %dma_wait3A_148 = tpu.memref_squeeze %dma_wait3A_147 : memref<1x128xi32, #tpu.memory_space<vmem>> -> memref<128xi32, #tpu.memory_space<vmem>>
        %dma_wait3A_149 = arith.constant 0 : i32
        %dma_wait3A_150 = arith.constant 0 : i32
        %dma_wait3A_151 = tpu.memref_slice %arg8[%dma_wait3A_149, %dma_wait3A_150] : memref<10240x8xf32, #tpu.memory_space<vmem_shared>> -> memref<10240x8xf32, #tpu.memory_space<vmem_shared>>
        tpu.wait_indirect_dma semaphore(%arg15 : memref<!tpu.dma_semaphore, #tpu.memory_space<semaphore_mem>>) src(%dma_wait3A_151 : memref<10240x8xf32, #tpu.memory_space<vmem_shared>>) dst(%dma_wait3A_145 : memref<128x8xf32, #tpu.memory_space<vmem>>)
        %dma_wait3A_152 = arith.constant 128 : i32
        %dma_wait3A_153 = arith.constant 0 : i32
        %dma_wait3A_154 = tpu.memref_slice %arg11[%dma_wait3A_152, %dma_wait3A_153] : memref<256x8xf32, #tpu.memory_space<vmem>> -> memref<128x8xf32, #tpu.memory_space<vmem>>
        %dma_wait3A_155 = arith.constant 0 : i32
        %dma_wait3A_156 = tpu.memref_slice %arg9[%add3A_50, %dma_wait3A_155] : memref<88x128xi32, #tpu.memory_space<vmem>> -> memref<1x128xi32, #tpu.memory_space<vmem>>
        %dma_wait3A_157 = tpu.memref_squeeze %dma_wait3A_156 : memref<1x128xi32, #tpu.memory_space<vmem>> -> memref<128xi32, #tpu.memory_space<vmem>>
        %dma_wait3A_158 = arith.constant 0 : i32
        %dma_wait3A_159 = arith.constant 0 : i32
        %dma_wait3A_160 = tpu.memref_slice %arg8[%dma_wait3A_158, %dma_wait3A_159] : memref<10240x8xf32, #tpu.memory_space<vmem_shared>> -> memref<10240x8xf32, #tpu.memory_space<vmem_shared>>
        tpu.wait_indirect_dma semaphore(%arg15 : memref<!tpu.dma_semaphore, #tpu.memory_space<semaphore_mem>>) src(%dma_wait3A_160 : memref<10240x8xf32, #tpu.memory_space<vmem_shared>>) dst(%dma_wait3A_154 : memref<128x8xf32, #tpu.memory_space<vmem>>)
        %add3A_161 = arith.constant 0 : i32
        %add3A_162 = arith.addi %mul3A_32, %add3A_161 : i32
        %mul3A_163 = arith.constant 2 : i32
        %mul3A_164 = arith.muli %add3A_162, %mul3A_163 : i32
        %add3A_165 = arith.constant 0 : i32
        %add3A_166 = arith.addi %mul3A_164, %add3A_165 : i32
        %dma_start3A_167 = arith.constant 0 : i32
        %dma_start3A_168 = arith.constant 0 : i32
        %dma_start3A_169 = tpu.memref_slice %arg11[%dma_start3A_167, %dma_start3A_168] : memref<256x8xf32, #tpu.memory_space<vmem>> -> memref<128x8xf32, #tpu.memory_space<vmem>>
        %dma_start3A_170 = arith.constant 0 : i32
        %dma_start3A_171 = tpu.memref_slice %arg10[%add3A_166, %dma_start3A_170] : memref<88x128xi32, #tpu.memory_space<vmem>> -> memref<1x128xi32, #tpu.memory_space<vmem>>
        %dma_start3A_172 = tpu.memref_squeeze %dma_start3A_171 : memref<1x128xi32, #tpu.memory_space<vmem>> -> memref<128xi32, #tpu.memory_space<vmem>>
        %dma_start3A_173 = arith.constant 0 : i32
        %dma_start3A_174 = arith.constant 0 : i32
        %dma_start3A_175 = tpu.memref_slice %arg7[%dma_start3A_173, %dma_start3A_174] : memref<10240x8xf32, #tpu.memory_space<vmem_shared>> -> memref<10240x8xf32, #tpu.memory_space<vmem_shared>>
        tpu.enqueue_indirect_dma source(%dma_start3A_169 : memref<128x8xf32, #tpu.memory_space<vmem>>) target(%dma_start3A_175 : memref<10240x8xf32, #tpu.memory_space<vmem_shared>>) offsets(%dma_start3A_172 : memref<128xi32, #tpu.memory_space<vmem>>) semaphore(%arg16 : memref<!tpu.dma_semaphore, #tpu.memory_space<semaphore_mem>>) {add = true}
        %mul3A_176 = arith.constant 2 : i32
        %mul3A_177 = arith.muli %add3A_162, %mul3A_176 : i32
        %add3A_178 = arith.constant 1 : i32
        %add3A_179 = arith.addi %mul3A_177, %add3A_178 : i32
        %dma_start3A_180 = arith.constant 128 : i32
        %dma_start3A_181 = arith.constant 0 : i32
        %dma_start3A_182 = tpu.memref_slice %arg11[%dma_start3A_180, %dma_start3A_181] : memref<256x8xf32, #tpu.memory_space<vmem>> -> memref<128x8xf32, #tpu.memory_space<vmem>>
        %dma_start3A_183 = arith.constant 0 : i32
        %dma_start3A_184 = tpu.memref_slice %arg10[%add3A_179, %dma_start3A_183] : memref<88x128xi32, #tpu.memory_space<vmem>> -> memref<1x128xi32, #tpu.memory_space<vmem>>
        %dma_start3A_185 = tpu.memref_squeeze %dma_start3A_184 : memref<1x128xi32, #tpu.memory_space<vmem>> -> memref<128xi32, #tpu.memory_space<vmem>>
        %dma_start3A_186 = arith.constant 0 : i32
        %dma_start3A_187 = arith.constant 0 : i32
        %dma_start3A_188 = tpu.memref_slice %arg7[%dma_start3A_186, %dma_start3A_187] : memref<10240x8xf32, #tpu.memory_space<vmem_shared>> -> memref<10240x8xf32, #tpu.memory_space<vmem_shared>>
        tpu.enqueue_indirect_dma source(%dma_start3A_182 : memref<128x8xf32, #tpu.memory_space<vmem>>) target(%dma_start3A_188 : memref<10240x8xf32, #tpu.memory_space<vmem_shared>>) offsets(%dma_start3A_185 : memref<128xi32, #tpu.memory_space<vmem>>) semaphore(%arg16 : memref<!tpu.dma_semaphore, #tpu.memory_space<semaphore_mem>>) {add = true}
        %dma_wait3A_189 = arith.constant 0 : i32
        %dma_wait3A_190 = arith.constant 0 : i32
        %dma_wait3A_191 = tpu.memref_slice %arg12[%dma_wait3A_189, %dma_wait3A_190] : memref<256x8xf32, #tpu.memory_space<vmem>> -> memref<128x8xf32, #tpu.memory_space<vmem>>
        %dma_wait3A_192 = arith.constant 0 : i32
        %dma_wait3A_193 = tpu.memref_slice %arg9[%add3A_65, %dma_wait3A_192] : memref<88x128xi32, #tpu.memory_space<vmem>> -> memref<1x128xi32, #tpu.memory_space<vmem>>
        %dma_wait3A_194 = tpu.memref_squeeze %dma_wait3A_193 : memref<1x128xi32, #tpu.memory_space<vmem>> -> memref<128xi32, #tpu.memory_space<vmem>>
        %dma_wait3A_195 = arith.constant 0 : i32
        %dma_wait3A_196 = arith.constant 0 : i32
        %dma_wait3A_197 = tpu.memref_slice %arg8[%dma_wait3A_195, %dma_wait3A_196] : memref<10240x8xf32, #tpu.memory_space<vmem_shared>> -> memref<10240x8xf32, #tpu.memory_space<vmem_shared>>
        tpu.wait_indirect_dma semaphore(%arg15 : memref<!tpu.dma_semaphore, #tpu.memory_space<semaphore_mem>>) src(%dma_wait3A_197 : memref<10240x8xf32, #tpu.memory_space<vmem_shared>>) dst(%dma_wait3A_191 : memref<128x8xf32, #tpu.memory_space<vmem>>)
        %dma_wait3A_198 = arith.constant 128 : i32
        %dma_wait3A_199 = arith.constant 0 : i32
        %dma_wait3A_200 = tpu.memref_slice %arg12[%dma_wait3A_198, %dma_wait3A_199] : memref<256x8xf32, #tpu.memory_space<vmem>> -> memref<128x8xf32, #tpu.memory_space<vmem>>
        %dma_wait3A_201 = arith.constant 0 : i32
        %dma_wait3A_202 = tpu.memref_slice %arg9[%add3A_78, %dma_wait3A_201] : memref<88x128xi32, #tpu.memory_space<vmem>> -> memref<1x128xi32, #tpu.memory_space<vmem>>
        %dma_wait3A_203 = tpu.memref_squeeze %dma_wait3A_202 : memref<1x128xi32, #tpu.memory_space<vmem>> -> memref<128xi32, #tpu.memory_space<vmem>>
        %dma_wait3A_204 = arith.constant 0 : i32
        %dma_wait3A_205 = arith.constant 0 : i32
        %dma_wait3A_206 = tpu.memref_slice %arg8[%dma_wait3A_204, %dma_wait3A_205] : memref<10240x8xf32, #tpu.memory_space<vmem_shared>> -> memref<10240x8xf32, #tpu.memory_space<vmem_shared>>
        tpu.wait_indirect_dma semaphore(%arg15 : memref<!tpu.dma_semaphore, #tpu.memory_space<semaphore_mem>>) src(%dma_wait3A_206 : memref<10240x8xf32, #tpu.memory_space<vmem_shared>>) dst(%dma_wait3A_200 : memref<128x8xf32, #tpu.memory_space<vmem>>)
        %add3A_207 = arith.constant 1 : i32
        %add3A_208 = arith.addi %mul3A_32, %add3A_207 : i32
        %mul3A_209 = arith.constant 2 : i32
        %mul3A_210 = arith.muli %add3A_208, %mul3A_209 : i32
        %add3A_211 = arith.constant 0 : i32
        %add3A_212 = arith.addi %mul3A_210, %add3A_211 : i32
        %dma_start3A_213 = arith.constant 0 : i32
        %dma_start3A_214 = arith.constant 0 : i32
        %dma_start3A_215 = tpu.memref_slice %arg12[%dma_start3A_213, %dma_start3A_214] : memref<256x8xf32, #tpu.memory_space<vmem>> -> memref<128x8xf32, #tpu.memory_space<vmem>>
        %dma_start3A_216 = arith.constant 0 : i32
        %dma_start3A_217 = tpu.memref_slice %arg10[%add3A_212, %dma_start3A_216] : memref<88x128xi32, #tpu.memory_space<vmem>> -> memref<1x128xi32, #tpu.memory_space<vmem>>
        %dma_start3A_218 = tpu.memref_squeeze %dma_start3A_217 : memref<1x128xi32, #tpu.memory_space<vmem>> -> memref<128xi32, #tpu.memory_space<vmem>>
        %dma_start3A_219 = arith.constant 0 : i32
        %dma_start3A_220 = arith.constant 0 : i32
        %dma_start3A_221 = tpu.memref_slice %arg7[%dma_start3A_219, %dma_start3A_220] : memref<10240x8xf32, #tpu.memory_space<vmem_shared>> -> memref<10240x8xf32, #tpu.memory_space<vmem_shared>>
        tpu.enqueue_indirect_dma source(%dma_start3A_215 : memref<128x8xf32, #tpu.memory_space<vmem>>) target(%dma_start3A_221 : memref<10240x8xf32, #tpu.memory_space<vmem_shared>>) offsets(%dma_start3A_218 : memref<128xi32, #tpu.memory_space<vmem>>) semaphore(%arg16 : memref<!tpu.dma_semaphore, #tpu.memory_space<semaphore_mem>>) {add = true}
        %mul3A_222 = arith.constant 2 : i32
        %mul3A_223 = arith.muli %add3A_208, %mul3A_222 : i32
        %add3A_224 = arith.constant 1 : i32
        %add3A_225 = arith.addi %mul3A_223, %add3A_224 : i32
        %dma_start3A_226 = arith.constant 128 : i32
        %dma_start3A_227 = arith.constant 0 : i32
        %dma_start3A_228 = tpu.memref_slice %arg12[%dma_start3A_226, %dma_start3A_227] : memref<256x8xf32, #tpu.memory_space<vmem>> -> memref<128x8xf32, #tpu.memory_space<vmem>>
        %dma_start3A_229 = arith.constant 0 : i32
        %dma_start3A_230 = tpu.memref_slice %arg10[%add3A_225, %dma_start3A_229] : memref<88x128xi32, #tpu.memory_space<vmem>> -> memref<1x128xi32, #tpu.memory_space<vmem>>
        %dma_start3A_231 = tpu.memref_squeeze %dma_start3A_230 : memref<1x128xi32, #tpu.memory_space<vmem>> -> memref<128xi32, #tpu.memory_space<vmem>>
        %dma_start3A_232 = arith.constant 0 : i32
        %dma_start3A_233 = arith.constant 0 : i32
        %dma_start3A_234 = tpu.memref_slice %arg7[%dma_start3A_232, %dma_start3A_233] : memref<10240x8xf32, #tpu.memory_space<vmem_shared>> -> memref<10240x8xf32, #tpu.memory_space<vmem_shared>>
        tpu.enqueue_indirect_dma source(%dma_start3A_228 : memref<128x8xf32, #tpu.memory_space<vmem>>) target(%dma_start3A_234 : memref<10240x8xf32, #tpu.memory_space<vmem_shared>>) offsets(%dma_start3A_231 : memref<128xi32, #tpu.memory_space<vmem>>) semaphore(%arg16 : memref<!tpu.dma_semaphore, #tpu.memory_space<semaphore_mem>>) {add = true}
        %dma_wait3A_235 = arith.constant 0 : i32
        %dma_wait3A_236 = arith.constant 0 : i32
        %dma_wait3A_237 = tpu.memref_slice %arg13[%dma_wait3A_235, %dma_wait3A_236] : memref<256x8xf32, #tpu.memory_space<vmem>> -> memref<128x8xf32, #tpu.memory_space<vmem>>
        %dma_wait3A_238 = arith.constant 0 : i32
        %dma_wait3A_239 = tpu.memref_slice %arg9[%add3A_93, %dma_wait3A_238] : memref<88x128xi32, #tpu.memory_space<vmem>> -> memref<1x128xi32, #tpu.memory_space<vmem>>
        %dma_wait3A_240 = tpu.memref_squeeze %dma_wait3A_239 : memref<1x128xi32, #tpu.memory_space<vmem>> -> memref<128xi32, #tpu.memory_space<vmem>>
        %dma_wait3A_241 = arith.constant 0 : i32
        %dma_wait3A_242 = arith.constant 0 : i32
        %dma_wait3A_243 = tpu.memref_slice %arg8[%dma_wait3A_241, %dma_wait3A_242] : memref<10240x8xf32, #tpu.memory_space<vmem_shared>> -> memref<10240x8xf32, #tpu.memory_space<vmem_shared>>
        tpu.wait_indirect_dma semaphore(%arg15 : memref<!tpu.dma_semaphore, #tpu.memory_space<semaphore_mem>>) src(%dma_wait3A_243 : memref<10240x8xf32, #tpu.memory_space<vmem_shared>>) dst(%dma_wait3A_237 : memref<128x8xf32, #tpu.memory_space<vmem>>)
        %dma_wait3A_244 = arith.constant 128 : i32
        %dma_wait3A_245 = arith.constant 0 : i32
        %dma_wait3A_246 = tpu.memref_slice %arg13[%dma_wait3A_244, %dma_wait3A_245] : memref<256x8xf32, #tpu.memory_space<vmem>> -> memref<128x8xf32, #tpu.memory_space<vmem>>
        %dma_wait3A_247 = arith.constant 0 : i32
        %dma_wait3A_248 = tpu.memref_slice %arg9[%add3A_106, %dma_wait3A_247] : memref<88x128xi32, #tpu.memory_space<vmem>> -> memref<1x128xi32, #tpu.memory_space<vmem>>
        %dma_wait3A_249 = tpu.memref_squeeze %dma_wait3A_248 : memref<1x128xi32, #tpu.memory_space<vmem>> -> memref<128xi32, #tpu.memory_space<vmem>>
        %dma_wait3A_250 = arith.constant 0 : i32
        %dma_wait3A_251 = arith.constant 0 : i32
        %dma_wait3A_252 = tpu.memref_slice %arg8[%dma_wait3A_250, %dma_wait3A_251] : memref<10240x8xf32, #tpu.memory_space<vmem_shared>> -> memref<10240x8xf32, #tpu.memory_space<vmem_shared>>
        tpu.wait_indirect_dma semaphore(%arg15 : memref<!tpu.dma_semaphore, #tpu.memory_space<semaphore_mem>>) src(%dma_wait3A_252 : memref<10240x8xf32, #tpu.memory_space<vmem_shared>>) dst(%dma_wait3A_246 : memref<128x8xf32, #tpu.memory_space<vmem>>)
        %add3A_253 = arith.constant 2 : i32
        %add3A_254 = arith.addi %mul3A_32, %add3A_253 : i32
        %mul3A_255 = arith.constant 2 : i32
        %mul3A_256 = arith.muli %add3A_254, %mul3A_255 : i32
        %add3A_257 = arith.constant 0 : i32
        %add3A_258 = arith.addi %mul3A_256, %add3A_257 : i32
        %dma_start3A_259 = arith.constant 0 : i32
        %dma_start3A_260 = arith.constant 0 : i32
        %dma_start3A_261 = tpu.memref_slice %arg13[%dma_start3A_259, %dma_start3A_260] : memref<256x8xf32, #tpu.memory_space<vmem>> -> memref<128x8xf32, #tpu.memory_space<vmem>>
        %dma_start3A_262 = arith.constant 0 : i32
        %dma_start3A_263 = tpu.memref_slice %arg10[%add3A_258, %dma_start3A_262] : memref<88x128xi32, #tpu.memory_space<vmem>> -> memref<1x128xi32, #tpu.memory_space<vmem>>
        %dma_start3A_264 = tpu.memref_squeeze %dma_start3A_263 : memref<1x128xi32, #tpu.memory_space<vmem>> -> memref<128xi32, #tpu.memory_space<vmem>>
        %dma_start3A_265 = arith.constant 0 : i32
        %dma_start3A_266 = arith.constant 0 : i32
        %dma_start3A_267 = tpu.memref_slice %arg7[%dma_start3A_265, %dma_start3A_266] : memref<10240x8xf32, #tpu.memory_space<vmem_shared>> -> memref<10240x8xf32, #tpu.memory_space<vmem_shared>>
        tpu.enqueue_indirect_dma source(%dma_start3A_261 : memref<128x8xf32, #tpu.memory_space<vmem>>) target(%dma_start3A_267 : memref<10240x8xf32, #tpu.memory_space<vmem_shared>>) offsets(%dma_start3A_264 : memref<128xi32, #tpu.memory_space<vmem>>) semaphore(%arg16 : memref<!tpu.dma_semaphore, #tpu.memory_space<semaphore_mem>>) {add = true}
        %mul3A_268 = arith.constant 2 : i32
        %mul3A_269 = arith.muli %add3A_254, %mul3A_268 : i32
        %add3A_270 = arith.constant 1 : i32
        %add3A_271 = arith.addi %mul3A_269, %add3A_270 : i32
        %dma_start3A_272 = arith.constant 128 : i32
        %dma_start3A_273 = arith.constant 0 : i32
        %dma_start3A_274 = tpu.memref_slice %arg13[%dma_start3A_272, %dma_start3A_273] : memref<256x8xf32, #tpu.memory_space<vmem>> -> memref<128x8xf32, #tpu.memory_space<vmem>>
        %dma_start3A_275 = arith.constant 0 : i32
        %dma_start3A_276 = tpu.memref_slice %arg10[%add3A_271, %dma_start3A_275] : memref<88x128xi32, #tpu.memory_space<vmem>> -> memref<1x128xi32, #tpu.memory_space<vmem>>
        %dma_start3A_277 = tpu.memref_squeeze %dma_start3A_276 : memref<1x128xi32, #tpu.memory_space<vmem>> -> memref<128xi32, #tpu.memory_space<vmem>>
        %dma_start3A_278 = arith.constant 0 : i32
        %dma_start3A_279 = arith.constant 0 : i32
        %dma_start3A_280 = tpu.memref_slice %arg7[%dma_start3A_278, %dma_start3A_279] : memref<10240x8xf32, #tpu.memory_space<vmem_shared>> -> memref<10240x8xf32, #tpu.memory_space<vmem_shared>>
        tpu.enqueue_indirect_dma source(%dma_start3A_274 : memref<128x8xf32, #tpu.memory_space<vmem>>) target(%dma_start3A_280 : memref<10240x8xf32, #tpu.memory_space<vmem_shared>>) offsets(%dma_start3A_277 : memref<128xi32, #tpu.memory_space<vmem>>) semaphore(%arg16 : memref<!tpu.dma_semaphore, #tpu.memory_space<semaphore_mem>>) {add = true}
        %dma_wait3A_281 = arith.constant 0 : i32
        %dma_wait3A_282 = arith.constant 0 : i32
        %dma_wait3A_283 = tpu.memref_slice %arg14[%dma_wait3A_281, %dma_wait3A_282] : memref<256x8xf32, #tpu.memory_space<vmem>> -> memref<128x8xf32, #tpu.memory_space<vmem>>
        %dma_wait3A_284 = arith.constant 0 : i32
        %dma_wait3A_285 = tpu.memref_slice %arg9[%add3A_121, %dma_wait3A_284] : memref<88x128xi32, #tpu.memory_space<vmem>> -> memref<1x128xi32, #tpu.memory_space<vmem>>
        %dma_wait3A_286 = tpu.memref_squeeze %dma_wait3A_285 : memref<1x128xi32, #tpu.memory_space<vmem>> -> memref<128xi32, #tpu.memory_space<vmem>>
        %dma_wait3A_287 = arith.constant 0 : i32
        %dma_wait3A_288 = arith.constant 0 : i32
        %dma_wait3A_289 = tpu.memref_slice %arg8[%dma_wait3A_287, %dma_wait3A_288] : memref<10240x8xf32, #tpu.memory_space<vmem_shared>> -> memref<10240x8xf32, #tpu.memory_space<vmem_shared>>
        tpu.wait_indirect_dma semaphore(%arg15 : memref<!tpu.dma_semaphore, #tpu.memory_space<semaphore_mem>>) src(%dma_wait3A_289 : memref<10240x8xf32, #tpu.memory_space<vmem_shared>>) dst(%dma_wait3A_283 : memref<128x8xf32, #tpu.memory_space<vmem>>)
        %dma_wait3A_290 = arith.constant 128 : i32
        %dma_wait3A_291 = arith.constant 0 : i32
        %dma_wait3A_292 = tpu.memref_slice %arg14[%dma_wait3A_290, %dma_wait3A_291] : memref<256x8xf32, #tpu.memory_space<vmem>> -> memref<128x8xf32, #tpu.memory_space<vmem>>
        %dma_wait3A_293 = arith.constant 0 : i32
        %dma_wait3A_294 = tpu.memref_slice %arg9[%add3A_134, %dma_wait3A_293] : memref<88x128xi32, #tpu.memory_space<vmem>> -> memref<1x128xi32, #tpu.memory_space<vmem>>
        %dma_wait3A_295 = tpu.memref_squeeze %dma_wait3A_294 : memref<1x128xi32, #tpu.memory_space<vmem>> -> memref<128xi32, #tpu.memory_space<vmem>>
        %dma_wait3A_296 = arith.constant 0 : i32
        %dma_wait3A_297 = arith.constant 0 : i32
        %dma_wait3A_298 = tpu.memref_slice %arg8[%dma_wait3A_296, %dma_wait3A_297] : memref<10240x8xf32, #tpu.memory_space<vmem_shared>> -> memref<10240x8xf32, #tpu.memory_space<vmem_shared>>
        tpu.wait_indirect_dma semaphore(%arg15 : memref<!tpu.dma_semaphore, #tpu.memory_space<semaphore_mem>>) src(%dma_wait3A_298 : memref<10240x8xf32, #tpu.memory_space<vmem_shared>>) dst(%dma_wait3A_292 : memref<128x8xf32, #tpu.memory_space<vmem>>)
        %add3A_299 = arith.constant 3 : i32
        %add3A_300 = arith.addi %mul3A_32, %add3A_299 : i32
        %mul3A_301 = arith.constant 2 : i32
        %mul3A_302 = arith.muli %add3A_300, %mul3A_301 : i32
        %add3A_303 = arith.constant 0 : i32
        %add3A_304 = arith.addi %mul3A_302, %add3A_303 : i32
        %dma_start3A_305 = arith.constant 0 : i32
        %dma_start3A_306 = arith.constant 0 : i32
        %dma_start3A_307 = tpu.memref_slice %arg14[%dma_start3A_305, %dma_start3A_306] : memref<256x8xf32, #tpu.memory_space<vmem>> -> memref<128x8xf32, #tpu.memory_space<vmem>>
        %dma_start3A_308 = arith.constant 0 : i32
        %dma_start3A_309 = tpu.memref_slice %arg10[%add3A_304, %dma_start3A_308] : memref<88x128xi32, #tpu.memory_space<vmem>> -> memref<1x128xi32, #tpu.memory_space<vmem>>
        %dma_start3A_310 = tpu.memref_squeeze %dma_start3A_309 : memref<1x128xi32, #tpu.memory_space<vmem>> -> memref<128xi32, #tpu.memory_space<vmem>>
        %dma_start3A_311 = arith.constant 0 : i32
        %dma_start3A_312 = arith.constant 0 : i32
        %dma_start3A_313 = tpu.memref_slice %arg7[%dma_start3A_311, %dma_start3A_312] : memref<10240x8xf32, #tpu.memory_space<vmem_shared>> -> memref<10240x8xf32, #tpu.memory_space<vmem_shared>>
        tpu.enqueue_indirect_dma source(%dma_start3A_307 : memref<128x8xf32, #tpu.memory_space<vmem>>) target(%dma_start3A_313 : memref<10240x8xf32, #tpu.memory_space<vmem_shared>>) offsets(%dma_start3A_310 : memref<128xi32, #tpu.memory_space<vmem>>) semaphore(%arg16 : memref<!tpu.dma_semaphore, #tpu.memory_space<semaphore_mem>>) {add = true}
        %mul3A_314 = arith.constant 2 : i32
        %mul3A_315 = arith.muli %add3A_300, %mul3A_314 : i32
        %add3A_316 = arith.constant 1 : i32
        %add3A_317 = arith.addi %mul3A_315, %add3A_316 : i32
        %dma_start3A_318 = arith.constant 128 : i32
        %dma_start3A_319 = arith.constant 0 : i32
        %dma_start3A_320 = tpu.memref_slice %arg14[%dma_start3A_318, %dma_start3A_319] : memref<256x8xf32, #tpu.memory_space<vmem>> -> memref<128x8xf32, #tpu.memory_space<vmem>>
        %dma_start3A_321 = arith.constant 0 : i32
        %dma_start3A_322 = tpu.memref_slice %arg10[%add3A_317, %dma_start3A_321] : memref<88x128xi32, #tpu.memory_space<vmem>> -> memref<1x128xi32, #tpu.memory_space<vmem>>
        %dma_start3A_323 = tpu.memref_squeeze %dma_start3A_322 : memref<1x128xi32, #tpu.memory_space<vmem>> -> memref<128xi32, #tpu.memory_space<vmem>>
        %dma_start3A_324 = arith.constant 0 : i32
        %dma_start3A_325 = arith.constant 0 : i32
        %dma_start3A_326 = tpu.memref_slice %arg7[%dma_start3A_324, %dma_start3A_325] : memref<10240x8xf32, #tpu.memory_space<vmem_shared>> -> memref<10240x8xf32, #tpu.memory_space<vmem_shared>>
        tpu.enqueue_indirect_dma source(%dma_start3A_320 : memref<128x8xf32, #tpu.memory_space<vmem>>) target(%dma_start3A_326 : memref<10240x8xf32, #tpu.memory_space<vmem_shared>>) offsets(%dma_start3A_323 : memref<128xi32, #tpu.memory_space<vmem>>) semaphore(%arg16 : memref<!tpu.dma_semaphore, #tpu.memory_space<semaphore_mem>>) {add = true}
        %dma_wait3A_327 = arith.constant 0 : i32
        %dma_wait3A_328 = arith.constant 0 : i32
        %dma_wait3A_329 = tpu.memref_slice %arg11[%dma_wait3A_327, %dma_wait3A_328] : memref<256x8xf32, #tpu.memory_space<vmem>> -> memref<128x8xf32, #tpu.memory_space<vmem>>
        %dma_wait3A_330 = arith.constant 0 : i32
        %dma_wait3A_331 = tpu.memref_slice %arg10[%add3A_166, %dma_wait3A_330] : memref<88x128xi32, #tpu.memory_space<vmem>> -> memref<1x128xi32, #tpu.memory_space<vmem>>
        %dma_wait3A_332 = tpu.memref_squeeze %dma_wait3A_331 : memref<1x128xi32, #tpu.memory_space<vmem>> -> memref<128xi32, #tpu.memory_space<vmem>>
        %dma_wait3A_333 = arith.constant 0 : i32
        %dma_wait3A_334 = arith.constant 0 : i32
        %dma_wait3A_335 = tpu.memref_slice %arg7[%dma_wait3A_333, %dma_wait3A_334] : memref<10240x8xf32, #tpu.memory_space<vmem_shared>> -> memref<10240x8xf32, #tpu.memory_space<vmem_shared>>
        tpu.wait_indirect_dma semaphore(%arg16 : memref<!tpu.dma_semaphore, #tpu.memory_space<semaphore_mem>>) src(%dma_wait3A_329 : memref<128x8xf32, #tpu.memory_space<vmem>>) dst(%dma_wait3A_335 : memref<10240x8xf32, #tpu.memory_space<vmem_shared>>)
        %dma_wait3A_336 = arith.constant 128 : i32
        %dma_wait3A_337 = arith.constant 0 : i32
        %dma_wait3A_338 = tpu.memref_slice %arg11[%dma_wait3A_336, %dma_wait3A_337] : memref<256x8xf32, #tpu.memory_space<vmem>> -> memref<128x8xf32, #tpu.memory_space<vmem>>
        %dma_wait3A_339 = arith.constant 0 : i32
        %dma_wait3A_340 = tpu.memref_slice %arg10[%add3A_179, %dma_wait3A_339] : memref<88x128xi32, #tpu.memory_space<vmem>> -> memref<1x128xi32, #tpu.memory_space<vmem>>
        %dma_wait3A_341 = tpu.memref_squeeze %dma_wait3A_340 : memref<1x128xi32, #tpu.memory_space<vmem>> -> memref<128xi32, #tpu.memory_space<vmem>>
        %dma_wait3A_342 = arith.constant 0 : i32
        %dma_wait3A_343 = arith.constant 0 : i32
        %dma_wait3A_344 = tpu.memref_slice %arg7[%dma_wait3A_342, %dma_wait3A_343] : memref<10240x8xf32, #tpu.memory_space<vmem_shared>> -> memref<10240x8xf32, #tpu.memory_space<vmem_shared>>
        tpu.wait_indirect_dma semaphore(%arg16 : memref<!tpu.dma_semaphore, #tpu.memory_space<semaphore_mem>>) src(%dma_wait3A_338 : memref<128x8xf32, #tpu.memory_space<vmem>>) dst(%dma_wait3A_344 : memref<10240x8xf32, #tpu.memory_space<vmem_shared>>)
        %dma_wait3A_345 = arith.constant 0 : i32
        %dma_wait3A_346 = arith.constant 0 : i32
        %dma_wait3A_347 = tpu.memref_slice %arg12[%dma_wait3A_345, %dma_wait3A_346] : memref<256x8xf32, #tpu.memory_space<vmem>> -> memref<128x8xf32, #tpu.memory_space<vmem>>
        %dma_wait3A_348 = arith.constant 0 : i32
        %dma_wait3A_349 = tpu.memref_slice %arg10[%add3A_212, %dma_wait3A_348] : memref<88x128xi32, #tpu.memory_space<vmem>> -> memref<1x128xi32, #tpu.memory_space<vmem>>
        %dma_wait3A_350 = tpu.memref_squeeze %dma_wait3A_349 : memref<1x128xi32, #tpu.memory_space<vmem>> -> memref<128xi32, #tpu.memory_space<vmem>>
        %dma_wait3A_351 = arith.constant 0 : i32
        %dma_wait3A_352 = arith.constant 0 : i32
        %dma_wait3A_353 = tpu.memref_slice %arg7[%dma_wait3A_351, %dma_wait3A_352] : memref<10240x8xf32, #tpu.memory_space<vmem_shared>> -> memref<10240x8xf32, #tpu.memory_space<vmem_shared>>
        tpu.wait_indirect_dma semaphore(%arg16 : memref<!tpu.dma_semaphore, #tpu.memory_space<semaphore_mem>>) src(%dma_wait3A_347 : memref<128x8xf32, #tpu.memory_space<vmem>>) dst(%dma_wait3A_353 : memref<10240x8xf32, #tpu.memory_space<vmem_shared>>)
        %dma_wait3A_354 = arith.constant 128 : i32
        %dma_wait3A_355 = arith.constant 0 : i32
        %dma_wait3A_356 = tpu.memref_slice %arg12[%dma_wait3A_354, %dma_wait3A_355] : memref<256x8xf32, #tpu.memory_space<vmem>> -> memref<128x8xf32, #tpu.memory_space<vmem>>
        %dma_wait3A_357 = arith.constant 0 : i32
        %dma_wait3A_358 = tpu.memref_slice %arg10[%add3A_225, %dma_wait3A_357] : memref<88x128xi32, #tpu.memory_space<vmem>> -> memref<1x128xi32, #tpu.memory_space<vmem>>
        %dma_wait3A_359 = tpu.memref_squeeze %dma_wait3A_358 : memref<1x128xi32, #tpu.memory_space<vmem>> -> memref<128xi32, #tpu.memory_space<vmem>>
        %dma_wait3A_360 = arith.constant 0 : i32
        %dma_wait3A_361 = arith.constant 0 : i32
        %dma_wait3A_362 = tpu.memref_slice %arg7[%dma_wait3A_360, %dma_wait3A_361] : memref<10240x8xf32, #tpu.memory_space<vmem_shared>> -> memref<10240x8xf32, #tpu.memory_space<vmem_shared>>
        tpu.wait_indirect_dma semaphore(%arg16 : memref<!tpu.dma_semaphore, #tpu.memory_space<semaphore_mem>>) src(%dma_wait3A_356 : memref<128x8xf32, #tpu.memory_space<vmem>>) dst(%dma_wait3A_362 : memref<10240x8xf32, #tpu.memory_space<vmem_shared>>)
        %dma_wait3A_363 = arith.constant 0 : i32
        %dma_wait3A_364 = arith.constant 0 : i32
        %dma_wait3A_365 = tpu.memref_slice %arg13[%dma_wait3A_363, %dma_wait3A_364] : memref<256x8xf32, #tpu.memory_space<vmem>> -> memref<128x8xf32, #tpu.memory_space<vmem>>
        %dma_wait3A_366 = arith.constant 0 : i32
        %dma_wait3A_367 = tpu.memref_slice %arg10[%add3A_258, %dma_wait3A_366] : memref<88x128xi32, #tpu.memory_space<vmem>> -> memref<1x128xi32, #tpu.memory_space<vmem>>
        %dma_wait3A_368 = tpu.memref_squeeze %dma_wait3A_367 : memref<1x128xi32, #tpu.memory_space<vmem>> -> memref<128xi32, #tpu.memory_space<vmem>>
        %dma_wait3A_369 = arith.constant 0 : i32
        %dma_wait3A_370 = arith.constant 0 : i32
        %dma_wait3A_371 = tpu.memref_slice %arg7[%dma_wait3A_369, %dma_wait3A_370] : memref<10240x8xf32, #tpu.memory_space<vmem_shared>> -> memref<10240x8xf32, #tpu.memory_space<vmem_shared>>
        tpu.wait_indirect_dma semaphore(%arg16 : memref<!tpu.dma_semaphore, #tpu.memory_space<semaphore_mem>>) src(%dma_wait3A_365 : memref<128x8xf32, #tpu.memory_space<vmem>>) dst(%dma_wait3A_371 : memref<10240x8xf32, #tpu.memory_space<vmem_shared>>)
        %dma_wait3A_372 = arith.constant 128 : i32
        %dma_wait3A_373 = arith.constant 0 : i32
        %dma_wait3A_374 = tpu.memref_slice %arg13[%dma_wait3A_372, %dma_wait3A_373] : memref<256x8xf32, #tpu.memory_space<vmem>> -> memref<128x8xf32, #tpu.memory_space<vmem>>
        %dma_wait3A_375 = arith.constant 0 : i32
        %dma_wait3A_376 = tpu.memref_slice %arg10[%add3A_271, %dma_wait3A_375] : memref<88x128xi32, #tpu.memory_space<vmem>> -> memref<1x128xi32, #tpu.memory_space<vmem>>
        %dma_wait3A_377 = tpu.memref_squeeze %dma_wait3A_376 : memref<1x128xi32, #tpu.memory_space<vmem>> -> memref<128xi32, #tpu.memory_space<vmem>>
        %dma_wait3A_378 = arith.constant 0 : i32
        %dma_wait3A_379 = arith.constant 0 : i32
        %dma_wait3A_380 = tpu.memref_slice %arg7[%dma_wait3A_378, %dma_wait3A_379] : memref<10240x8xf32, #tpu.memory_space<vmem_shared>> -> memref<10240x8xf32, #tpu.memory_space<vmem_shared>>
        tpu.wait_indirect_dma semaphore(%arg16 : memref<!tpu.dma_semaphore, #tpu.memory_space<semaphore_mem>>) src(%dma_wait3A_374 : memref<128x8xf32, #tpu.memory_space<vmem>>) dst(%dma_wait3A_380 : memref<10240x8xf32, #tpu.memory_space<vmem_shared>>)
        %dma_wait3A_381 = arith.constant 0 : i32
        %dma_wait3A_382 = arith.constant 0 : i32
        %dma_wait3A_383 = tpu.memref_slice %arg14[%dma_wait3A_381, %dma_wait3A_382] : memref<256x8xf32, #tpu.memory_space<vmem>> -> memref<128x8xf32, #tpu.memory_space<vmem>>
        %dma_wait3A_384 = arith.constant 0 : i32
        %dma_wait3A_385 = tpu.memref_slice %arg10[%add3A_304, %dma_wait3A_384] : memref<88x128xi32, #tpu.memory_space<vmem>> -> memref<1x128xi32, #tpu.memory_space<vmem>>
        %dma_wait3A_386 = tpu.memref_squeeze %dma_wait3A_385 : memref<1x128xi32, #tpu.memory_space<vmem>> -> memref<128xi32, #tpu.memory_space<vmem>>
        %dma_wait3A_387 = arith.constant 0 : i32
        %dma_wait3A_388 = arith.constant 0 : i32
        %dma_wait3A_389 = tpu.memref_slice %arg7[%dma_wait3A_387, %dma_wait3A_388] : memref<10240x8xf32, #tpu.memory_space<vmem_shared>> -> memref<10240x8xf32, #tpu.memory_space<vmem_shared>>
        tpu.wait_indirect_dma semaphore(%arg16 : memref<!tpu.dma_semaphore, #tpu.memory_space<semaphore_mem>>) src(%dma_wait3A_383 : memref<128x8xf32, #tpu.memory_space<vmem>>) dst(%dma_wait3A_389 : memref<10240x8xf32, #tpu.memory_space<vmem_shared>>)
        %dma_wait3A_390 = arith.constant 128 : i32
        %dma_wait3A_391 = arith.constant 0 : i32
        %dma_wait3A_392 = tpu.memref_slice %arg14[%dma_wait3A_390, %dma_wait3A_391] : memref<256x8xf32, #tpu.memory_space<vmem>> -> memref<128x8xf32, #tpu.memory_space<vmem>>
        %dma_wait3A_393 = arith.constant 0 : i32
        %dma_wait3A_394 = tpu.memref_slice %arg10[%add3A_317, %dma_wait3A_393] : memref<88x128xi32, #tpu.memory_space<vmem>> -> memref<1x128xi32, #tpu.memory_space<vmem>>
        %dma_wait3A_395 = tpu.memref_squeeze %dma_wait3A_394 : memref<1x128xi32, #tpu.memory_space<vmem>> -> memref<128xi32, #tpu.memory_space<vmem>>
        %dma_wait3A_396 = arith.constant 0 : i32
        %dma_wait3A_397 = arith.constant 0 : i32
        %dma_wait3A_398 = tpu.memref_slice %arg7[%dma_wait3A_396, %dma_wait3A_397] : memref<10240x8xf32, #tpu.memory_space<vmem_shared>> -> memref<10240x8xf32, #tpu.memory_space<vmem_shared>>
        tpu.wait_indirect_dma semaphore(%arg16 : memref<!tpu.dma_semaphore, #tpu.memory_space<semaphore_mem>>) src(%dma_wait3A_392 : memref<128x8xf32, #tpu.memory_space<vmem>>) dst(%dma_wait3A_398 : memref<10240x8xf32, #tpu.memory_space<vmem_shared>>)
      }
      %scan3A_25 = arith.constant 9 : i32
    } else {
    }
    %barrier3A = arith.constant 0 : index
    tpu.barrier barrier_id(%barrier3A)
    %mul3A_14 = arith.constant 640 : i32
    %mul3A_15 = arith.muli %arg1, %mul3A_14 : i32
    %mul3A_16 = arith.constant 640 : i32
    %mul3A_17 = arith.muli %arg1, %mul3A_16 : i32
    "tpu.region"() ({
      %run_scoped3A = tpu.sem_alloc : memref<!tpu.dma_semaphore, #tpu.memory_space<semaphore_mem>>
      %dma_start3A = arith.constant 0 : i32
      %dma_start3A_18 = tpu.memref_slice %arg6[%arg0, %mul3A_17, %dma_start3A] : memref<2x10240x8xf32, #tpu.memory_space<hbm>> -> memref<1x640x8xf32, #tpu.memory_space<hbm>>
      %dma_start3A_19 = tpu.memref_squeeze %dma_start3A_18 : memref<1x640x8xf32, #tpu.memory_space<hbm>> -> memref<640x8xf32, #tpu.memory_space<hbm>>
      %dma_start3A_20 = arith.constant 0 : i32
      %dma_start3A_21 = tpu.memref_slice %arg7[%mul3A_15, %dma_start3A_20] : memref<10240x8xf32, #tpu.memory_space<vmem_shared>> -> memref<640x8xf32, #tpu.memory_space<vmem_shared>>
      tpu.enqueue_dma source(%dma_start3A_21 : memref<640x8xf32, #tpu.memory_space<vmem_shared>>) target(%dma_start3A_19 : memref<640x8xf32, #tpu.memory_space<hbm>>) target_semaphore(%run_scoped3A : memref<!tpu.dma_semaphore, #tpu.memory_space<semaphore_mem>>)
      %dma_wait3A = arith.constant 0 : i32
      %dma_wait3A_22 = tpu.memref_slice %arg6[%arg0, %mul3A_17, %dma_wait3A] : memref<2x10240x8xf32, #tpu.memory_space<hbm>> -> memref<1x640x8xf32, #tpu.memory_space<hbm>>
      %dma_wait3A_23 = tpu.memref_squeeze %dma_wait3A_22 : memref<1x640x8xf32, #tpu.memory_space<hbm>> -> memref<640x8xf32, #tpu.memory_space<hbm>>
      %dma_wait3A_24 = arith.constant 0 : i32
      %dma_wait3A_25 = tpu.memref_slice %arg7[%mul3A_15, %dma_wait3A_24] : memref<10240x8xf32, #tpu.memory_space<vmem_shared>> -> memref<640x8xf32, #tpu.memory_space<vmem_shared>>
      tpu.wait_dma2 semaphore(%run_scoped3A : memref<!tpu.dma_semaphore, #tpu.memory_space<semaphore_mem>>) src(%dma_wait3A_25 : memref<640x8xf32, #tpu.memory_space<vmem_shared>>) dst(%dma_wait3A_23 : memref<640x8xf32, #tpu.memory_space<hbm>>)
      tpu.yield
    }) : () -> ()
    return
  }
}

module attributes {stable_mosaic.version = 14 : i64} {
  func.func @_mm_body(%arg0: memref<10240x128xf32, #tpu.memory_space<vmem>>, %arg1: memref<128x8xf32, #tpu.memory_space<vmem>>, %arg2: memref<10240x8xf32, #tpu.memory_space<vmem>>) attributes {dimension_semantics = [], scalar_prefetch = 0 : i64, scratch_operands = 0 : i64, tpu.core_type = #tpu.core_type<tc>} {
    %get3A = arith.constant 0 : index
    %get3A_0 = arith.constant 0 : index
    %get3A_1 = vector.load %arg0[%get3A, %get3A_0] : memref<10240x128xf32, #tpu.memory_space<vmem>>, vector<10240x128xf32>
    %get3A_2 = arith.constant 0 : index
    %get3A_3 = arith.constant 0 : index
    %get3A_4 = vector.load %arg1[%get3A_2, %get3A_3] : memref<128x8xf32, #tpu.memory_space<vmem>>, vector<128x8xf32>
    %dot_general3A = arith.constant dense<0.000000e+00> : vector<10240x8xf32>
    %dot_general3A_5 = tpu.matmul %get3A_1, %get3A_4, %dot_general3A {dimension_numbers = #tpu.dot_dimension_numbers<[1], [0], [0], [1], [0, 0, 1, 1], [], []>, transpose_lhs_hint = false} : vector<10240x128xf32>, vector<128x8xf32>, vector<10240x8xf32> -> vector<10240x8xf32>
    %swap3A = arith.constant 0 : index
    %swap3A_6 = arith.constant 0 : index
    %swap3A_7 = vector.load %arg2[%swap3A, %swap3A_6] : memref<10240x8xf32, #tpu.memory_space<vmem>>, vector<10240x8xf32>
    tpu.vector_store %arg2[%swap3A, %swap3A_6], %dot_general3A_5 {strides = array<i32>} : memref<10240x8xf32, #tpu.memory_space<vmem>>, vector<10240x8xf32>,
    return
  }
}

module attributes {stable_mosaic.version = 14 : i64} {
  func.func @_disg_body(%arg0: memref<2x640x128xf32, #tpu.memory_space<vmem>>, %arg1: memref<640x128xf32, #tpu.memory_space<vmem>>, %arg2: memref<640x128xf32, #tpu.memory_space<vmem>>, %arg3: memref<640x128xf32, #tpu.memory_space<vmem>>) attributes {dimension_semantics = [], scalar_prefetch = 0 : i64, scratch_operands = 0 : i64, tpu.core_type = #tpu.core_type<tc>} {
    %get3A = arith.constant 0 : index
    %get3A_0 = arith.constant 0 : index
    %get3A_1 = arith.constant 0 : index
    %get3A_2 = vector.load %arg0[%get3A, %get3A_0, %get3A_1] : memref<2x640x128xf32, #tpu.memory_space<vmem>>, vector<1x640x128xf32>
    %get3A_3 = vector.shape_cast %get3A_2 : vector<1x640x128xf32> to vector<640x128xf32>
    %get3A_4 = arith.constant 1 : index
    %get3A_5 = arith.constant 0 : index
    %get3A_6 = arith.constant 0 : index
    %get3A_7 = vector.load %arg0[%get3A_4, %get3A_5, %get3A_6] : memref<2x640x128xf32, #tpu.memory_space<vmem>>, vector<1x640x128xf32>
    %get3A_8 = vector.shape_cast %get3A_7 : vector<1x640x128xf32> to vector<640x128xf32>
    %add3A = arith.addf %get3A_3, %get3A_8 : vector<640x128xf32>
    %add3A_9 = arith.constant 1.000000e+00 : f32
    %add3A_10 = vector.broadcast %add3A_9 : f32 to vector<640x128xf32>
    %add3A_11 = arith.addf %add3A, %add3A_10 : vector<640x128xf32>
    %rsqrt3A = math.rsqrt %add3A_11 : vector<640x128xf32>
    %swap3A = arith.constant 0 : index
    %swap3A_12 = arith.constant 0 : index
    %swap3A_13 = vector.load %arg2[%swap3A, %swap3A_12] : memref<640x128xf32, #tpu.memory_space<vmem>>, vector<640x128xf32>
    tpu.vector_store %arg2[%swap3A, %swap3A_12], %rsqrt3A {strides = array<i32>} : memref<640x128xf32, #tpu.memory_space<vmem>>, vector<640x128xf32>,
    %get3A_14 = arith.constant 0 : index
    %get3A_15 = arith.constant 0 : index
    %get3A_16 = vector.load %arg1[%get3A_14, %get3A_15] : memref<640x128xf32, #tpu.memory_space<vmem>>, vector<640x128xf32>
    %mul3A = arith.mulf %get3A_16, %rsqrt3A : vector<640x128xf32>
    %swap3A_17 = arith.constant 0 : index
    %swap3A_18 = arith.constant 0 : index
    %swap3A_19 = vector.load %arg3[%swap3A_17, %swap3A_18] : memref<640x128xf32, #tpu.memory_space<vmem>>, vector<640x128xf32>
    tpu.vector_store %arg3[%swap3A_17, %swap3A_18], %mul3A {strides = array<i32>} : memref<640x128xf32, #tpu.memory_space<vmem>>, vector<640x128xf32>,
    return
  }
}

module attributes {stable_mosaic.version = 14 : i64} {
  func.func @_post_body(%arg0: memref<2x640x128xf32, #tpu.memory_space<vmem>>, %arg1: memref<640x128xf32, #tpu.memory_space<vmem>>, %arg2: memref<640x128xf32, #tpu.memory_space<vmem>>, %arg3: memref<128x128xf32, #tpu.memory_space<vmem>>, %arg4: memref<1x128xf32, #tpu.memory_space<vmem>>, %arg5: memref<640x128xf32, #tpu.memory_space<vmem>>) attributes {dimension_semantics = [], scalar_prefetch = 0 : i64, scratch_operands = 0 : i64, tpu.core_type = #tpu.core_type<tc>} {
    %get3A = arith.constant 0 : index
    %get3A_0 = arith.constant 0 : index
    %get3A_1 = arith.constant 0 : index
    %get3A_2 = vector.load %arg0[%get3A, %get3A_0, %get3A_1] : memref<2x640x128xf32, #tpu.memory_space<vmem>>, vector<1x640x128xf32>
    %get3A_3 = vector.shape_cast %get3A_2 : vector<1x640x128xf32> to vector<640x128xf32>
    %get3A_4 = arith.constant 1 : index
    %get3A_5 = arith.constant 0 : index
    %get3A_6 = arith.constant 0 : index
    %get3A_7 = vector.load %arg0[%get3A_4, %get3A_5, %get3A_6] : memref<2x640x128xf32, #tpu.memory_space<vmem>>, vector<1x640x128xf32>
    %get3A_8 = vector.shape_cast %get3A_7 : vector<1x640x128xf32> to vector<640x128xf32>
    %add3A = arith.addf %get3A_3, %get3A_8 : vector<640x128xf32>
    %get3A_9 = arith.constant 0 : index
    %get3A_10 = arith.constant 0 : index
    %get3A_11 = vector.load %arg1[%get3A_9, %get3A_10] : memref<640x128xf32, #tpu.memory_space<vmem>>, vector<640x128xf32>
    %add3A_12 = arith.addf %add3A, %get3A_11 : vector<640x128xf32>
    %get3A_13 = arith.constant 0 : index
    %get3A_14 = arith.constant 0 : index
    %get3A_15 = vector.load %arg2[%get3A_13, %get3A_14] : memref<640x128xf32, #tpu.memory_space<vmem>>, vector<640x128xf32>
    %mul3A = arith.mulf %add3A_12, %get3A_15 : vector<640x128xf32>
    %get3A_16 = arith.constant 0 : index
    %get3A_17 = arith.constant 0 : index
    %get3A_18 = vector.load %arg4[%get3A_16, %get3A_17] : memref<1x128xf32, #tpu.memory_space<vmem>>, vector<1x128xf32>
    %add3A_19 = vector.broadcast %get3A_18 : vector<1x128xf32> to vector<640x128xf32>
    %add3A_20 = arith.addf %mul3A, %add3A_19 : vector<640x128xf32>
    %max3A = arith.constant 0.000000e+00 : f32
    %max3A_21 = vector.broadcast %max3A : f32 to vector<640x128xf32>
    %max3A_22 = arith.maximumf %add3A_20, %max3A_21 : vector<640x128xf32>
    %get3A_23 = arith.constant 0 : index
    %get3A_24 = arith.constant 0 : index
    %get3A_25 = vector.load %arg3[%get3A_23, %get3A_24] : memref<128x128xf32, #tpu.memory_space<vmem>>, vector<128x128xf32>
    %dot_general3A = arith.constant dense<0.000000e+00> : vector<640x128xf32>
    %dot_general3A_26 = tpu.matmul %max3A_22, %get3A_25, %dot_general3A {dimension_numbers = #tpu.dot_dimension_numbers<[1], [0], [0], [1], [0, 0, 1, 1], [], []>, transpose_lhs_hint = false} : vector<640x128xf32>, vector<128x128xf32>, vector<640x128xf32> -> vector<640x128xf32>
    %get3A_27 = arith.constant 0 : index
    %get3A_28 = arith.constant 0 : index
    %get3A_29 = vector.load %arg2[%get3A_27, %get3A_28] : memref<640x128xf32, #tpu.memory_space<vmem>>, vector<640x128xf32>
    %mul3A_30 = arith.mulf %dot_general3A_26, %get3A_29 : vector<640x128xf32>
    %swap3A = arith.constant 0 : index
    %swap3A_31 = arith.constant 0 : index
    %swap3A_32 = vector.load %arg5[%swap3A, %swap3A_31] : memref<640x128xf32, #tpu.memory_space<vmem>>, vector<640x128xf32>
    tpu.vector_store %arg5[%swap3A, %swap3A_31], %mul3A_30 {strides = array<i32>} : memref<640x128xf32, #tpu.memory_space<vmem>>, vector<640x128xf32>,
    return
  }
}

module attributes {stable_mosaic.version = 14 : i64} {
  func.func @_final_body(%arg0: memref<2x640x128xf32, #tpu.memory_space<vmem>>, %arg1: memref<640x128xf32, #tpu.memory_space<vmem>>, %arg2: memref<640x128xf32, #tpu.memory_space<vmem>>, %arg3: memref<128x256xf32, #tpu.memory_space<vmem>>, %arg4: memref<1x128xf32, #tpu.memory_space<vmem>>, %arg5: memref<1x256xf32, #tpu.memory_space<vmem>>, %arg6: memref<640x128xf32, #tpu.memory_space<vmem>>, %arg7: memref<640x256xf32, #tpu.memory_space<vmem>>) attributes {dimension_semantics = [], scalar_prefetch = 0 : i64, scratch_operands = 0 : i64, tpu.core_type = #tpu.core_type<tc>} {
    %get3A = arith.constant 0 : index
    %get3A_0 = arith.constant 0 : index
    %get3A_1 = arith.constant 0 : index
    %get3A_2 = vector.load %arg0[%get3A, %get3A_0, %get3A_1] : memref<2x640x128xf32, #tpu.memory_space<vmem>>, vector<1x640x128xf32>
    %get3A_3 = vector.shape_cast %get3A_2 : vector<1x640x128xf32> to vector<640x128xf32>
    %get3A_4 = arith.constant 1 : index
    %get3A_5 = arith.constant 0 : index
    %get3A_6 = arith.constant 0 : index
    %get3A_7 = vector.load %arg0[%get3A_4, %get3A_5, %get3A_6] : memref<2x640x128xf32, #tpu.memory_space<vmem>>, vector<1x640x128xf32>
    %get3A_8 = vector.shape_cast %get3A_7 : vector<1x640x128xf32> to vector<640x128xf32>
    %add3A = arith.addf %get3A_3, %get3A_8 : vector<640x128xf32>
    %get3A_9 = arith.constant 0 : index
    %get3A_10 = arith.constant 0 : index
    %get3A_11 = vector.load %arg1[%get3A_9, %get3A_10] : memref<640x128xf32, #tpu.memory_space<vmem>>, vector<640x128xf32>
    %add3A_12 = arith.addf %add3A, %get3A_11 : vector<640x128xf32>
    %get3A_13 = arith.constant 0 : index
    %get3A_14 = arith.constant 0 : index
    %get3A_15 = vector.load %arg2[%get3A_13, %get3A_14] : memref<640x128xf32, #tpu.memory_space<vmem>>, vector<640x128xf32>
    %mul3A = arith.mulf %add3A_12, %get3A_15 : vector<640x128xf32>
    %get3A_16 = arith.constant 0 : index
    %get3A_17 = arith.constant 0 : index
    %get3A_18 = vector.load %arg4[%get3A_16, %get3A_17] : memref<1x128xf32, #tpu.memory_space<vmem>>, vector<1x128xf32>
    %add3A_19 = vector.broadcast %get3A_18 : vector<1x128xf32> to vector<640x128xf32>
    %add3A_20 = arith.addf %mul3A, %add3A_19 : vector<640x128xf32>
    %max3A = arith.constant 0.000000e+00 : f32
    %max3A_21 = vector.broadcast %max3A : f32 to vector<640x128xf32>
    %max3A_22 = arith.maximumf %add3A_20, %max3A_21 : vector<640x128xf32>
    %swap3A = arith.constant 0 : index
    %swap3A_23 = arith.constant 0 : index
    %swap3A_24 = vector.load %arg6[%swap3A, %swap3A_23] : memref<640x128xf32, #tpu.memory_space<vmem>>, vector<640x128xf32>
    tpu.vector_store %arg6[%swap3A, %swap3A_23], %max3A_22 {strides = array<i32>} : memref<640x128xf32, #tpu.memory_space<vmem>>, vector<640x128xf32>,
    %get3A_25 = arith.constant 0 : index
    %get3A_26 = arith.constant 0 : index
    %get3A_27 = vector.load %arg3[%get3A_25, %get3A_26] : memref<128x256xf32, #tpu.memory_space<vmem>>, vector<128x256xf32>
    %dot_general3A = arith.constant dense<0.000000e+00> : vector<640x256xf32>
    %dot_general3A_28 = tpu.matmul %max3A_22, %get3A_27, %dot_general3A {dimension_numbers = #tpu.dot_dimension_numbers<[1], [0], [0], [1], [0, 0, 1, 1], [], []>, transpose_lhs_hint = false} : vector<640x128xf32>, vector<128x256xf32>, vector<640x256xf32> -> vector<640x256xf32>
    %get3A_29 = arith.constant 0 : index
    %get3A_30 = arith.constant 0 : index
    %get3A_31 = vector.load %arg5[%get3A_29, %get3A_30] : memref<1x256xf32, #tpu.memory_space<vmem>>, vector<1x256xf32>
    %add3A_32 = vector.broadcast %get3A_31 : vector<1x256xf32> to vector<640x256xf32>
    %add3A_33 = arith.addf %dot_general3A_28, %add3A_32 : vector<640x256xf32>
    %swap3A_34 = arith.constant 0 : index
    %swap3A_35 = arith.constant 0 : index
    %swap3A_36 = vector.load %arg7[%swap3A_34, %swap3A_35] : memref<640x256xf32, #tpu.memory_space<vmem>>, vector<640x256xf32>
    tpu.vector_store %arg7[%swap3A_34, %swap3A_35], %add3A_33 {strides = array<i32>} : memref<640x256xf32, #tpu.memory_space<vmem>>, vector<640x256xf32>,
    return
  }
}

</mosaic_0001>

<sc_bundles>
// kernel: kernel.11.cloned.1.call-start
scs
__scs_entry_jumppad:
0x0: {  	(pc) =	sbr.rel $0x88, $3  }
0x1: {  	(tag) =	ssettag $0x0;
	lr =	simm.s32 $0x1  }
0x2: {  	[smem:$0x3F97] =	sst lr;
	_ =	strace $0xD0000000  }
0x3: {  	_ = 	snop  }
0x4: {  	_ = 	snop  }
0x5: {  	_ = 	snop  }
0x6: {  	_ = 	snop  }
0x7: {  	_ = 	snop  }
__scs_overlays_trampoline_lowered:
0x8: {  	[smem:$0x3FA6] =	sst s0  }
0x9: {  	[smem:$0x3FA7] =	sst s1  }
0xa: {  	[smem:$0x3FA8] =	sst s2  }
0xb: {  	[smem:$0x3FA9] =	sst s3  }
0xc: {  	[smem:$0x3FAA] =	sst s4  }
0xd: {  	[smem:$0x3FAB] =	sst s5  }
0xe: {  	[smem:$0x3FAC] =	sst s6  }
0xf: {  	[smem:$0x3FAD] =	sst s7  }
0x10: {  	[smem:$0x3FAE] =	sst s8  }
0x11: {  	[smem:$0x3FAF] =	sst s9;
	s0 =	simm.s32 @!p0 $0x0  }
0x12: {  	s1 =	sld [smem:$0x3F95];
	s0 =	simm.s32 @p0 $0x1  }
0x13: {  	[smem:$0x3FB0] =	sst s0;
	s0 =	simm.s32 @!p1 $0x0  }
0x14: {  	s2 =	sld [smem:$0x3F94];
	s0 =	simm.s32 @p1 $0x1  }
0x15: {  	[smem:$0x3FB1] =	sst s0;
	s0 =	simm.s32 @!p2 $0x0  }
0x16: {  	s3 =	sld [smem:$0x3FDB];
	s0 =	simm.s32 @p2 $0x1  }
0x17: {  	s4 =	simm.s32 $0x1BF5;
	[smem:$0x3FB3] =	sst s0  }
0x18: {  	s0 =	sld [smem:$0x3F96];
	_ =	swait.ge [sflag:s4], $0x0  }
0x19: {  	s7 =	sld [smem:$0x3F97]  }
0x1a: {  	s8 =	sadd.s32 $0xFFFFE003, lr  }
0x1b: {  	s9 =	sadd.s32 $0xFFFFFEF7, lr;
	s5 =	simm.s32 $0xFFFFFFFF;
	p2 =	slt.u32 s8, $0xFFFFF086  }
0x1c: {  	p1 =	slt.u32 s9, $0xF7A;
	s5 =	simm.s32 @!p2 $0x0  }
0x1d: {  	s5 =	simm.s32 @p1 $0x1;
	p0 =	seq.s32 s7, s2  }
0x1e: {  	s7 =	smul.u32 @!p0 $0xF7A, s2;
	p2 =	seq.s32 @!p0 s5, $0x0  }
0x1f: {  	s9 =	smul.u32 $0xF7A, s1;
	s8 =	simm.s32 @!p0 $0x1BF5;
	p2 =	por !p2, p0  }
0x20: {  	[sflag:s8] =	ssyncset.s32 @!p0 $0xFFFFF086;
	s6 =	sadd.s32 @!p0 s3, s7;
	s7 =	simm.s32 @!p0 $0x108  }
0x21: {  	s3 =	sadd.s32 s3, s9;
	s6 =	sadd.s32 @!p0 $0x88, s6;
	s7 =	simm.s32 @p2 $0x1082  }
0x22: {  	[simem:s7], [sflag:s8] =	dma.local @!p0 [hbm:s6], $0xF7A  }
0x23: {  	s9 =	sor.u32 $0xD0000000, s2;
	s6 =	simm.s32 $0x108;
	_ =	swait.ge @!p0 [sflag:s8], $0x0  }
0x24: {  	s3 =	sadd.s32 $0x88, s3;
	s6 =	simm.s32 @!p1 $0x1082;
	[sflag:s4] =	ssyncset.s32 $0xFFFFF086  }
0x25: {  	[simem:s6], [sflag:s4] =	dma.local [hbm:s3], $0xF7A  }
0x26: {  	[smem:$0x3F97] =	sst s1;
	(tag) =	ssettag s2;
	_ =	strace s9  }
0x27: {  	s1 =	sld [smem:$0x3FA7]  }
0x28: {  	s2 =	sld [smem:$0x3FA8]  }
0x29: {  	s4 =	sld [smem:$0x3FAA]  }
0x2a: {  	p0 =	seq.s32 s5, $0x0;
	s5 =	sld [smem:$0x3FAB]  }
0x2b: {  	s6 =	sld [smem:$0x3FAC]  }
0x2c: {  	s7 =	sld [smem:$0x3FAD]  }
0x2d: {  	s3 =	simm.s32 $0x108;
	s8 =	sld [smem:$0x3FAE]  }
0x2e: {  	s3 =	simm.s32 @!p0 $0x1082;
	s9 =	sld [smem:$0x3FAF]  }
0x2f: {  	lr =	sadd.s32 s0, s3;
	s0 =	sld [smem:$0x3FA6]  }
0x30: {  	s3 =	sld [smem:$0x3FA9]  }
0x31: {  	[smem:$0x3FB2] =	sst s10  }
0x32: {  	s10 =	sld [smem:$0x3FB0];
	_ =	sdelay $0x3  }
0x33: {  	p0 =	seq.s32 s10, $0x1;
	s10 =	sld [smem:$0x3FB2];
	_ =	sdelay $0x3  }
0x34: {  	[smem:$0x3FB2] =	sst s10  }
0x35: {  	s10 =	sld [smem:$0x3FB1];
	_ =	sdelay $0x3  }
0x36: {  	p1 =	seq.s32 s10, $0x1;
	s10 =	sld [smem:$0x3FB2];
	_ =	sdelay $0x3  }
0x37: {  	[smem:$0x3FB2] =	sst s10  }
0x38: {  	s10 =	sld [smem:$0x3FB3]  }
0x39: {  	_ = 	snop;
	(pc) =	sbr.ind lr, $3  }
0x3a: {  	_ = 	snop  }
0x3b: {  	_ = 	snop  }
0x3c: {  	p2 =	seq.s32 s10, $0x1;
	s10 =	sld [smem:$0x3FB2]  }
0x3d: {  	_ =	shalt  }
0x3e: {  	_ =	shalt  }
0x3f: {  	_ =	shalt  }
0x40: {  	_ =	shalt  }
0x41: {  	_ =	shalt  }
0x42: {  	_ =	shalt  }
0x43: {  	_ =	shalt  }
0x44: {  	_ =	shalt  }
0x45: {  	_ =	shalt  }
0x46: {  	_ =	shalt  }
0x47: {  	_ =	shalt  }
0x48: {  	_ =	shalt  }
0x49: {  	_ =	shalt  }
0x4a: {  	_ =	shalt  }
0x4b: {  	_ =	shalt  }
0x4c: {  	_ =	shalt  }
0x4d: {  	_ =	shalt  }
0x4e: {  	_ =	shalt  }
0x4f: {  	_ =	shalt  }
0x50: {  	_ =	shalt  }
0x51: {  	_ =	shalt  }
0x52: {  	_ =	shalt  }
0x53: {  	_ =	shalt  }
0x54: {  	_ =	shalt  }
0x55: {  	_ =	shalt  }
0x56: {  	_ =	shalt  }
0x57: {  	_ =	shalt  }
0x58: {  	_ =	shalt  }
0x59: {  	_ =	shalt  }
0x5a: {  	_ =	shalt  }
0x5b: {  	_ =	shalt  }
0x5c: {  	_ =	shalt  }
0x5d: {  	_ =	shalt  }
0x5e: {  	_ =	shalt  }
0x5f: {  	_ =	shalt  }
0x60: {  	_ =	shalt  }
0x61: {  	_ =	shalt  }
0x62: {  	_ =	shalt  }
0x63: {  	_ =	shalt  }
0x64: {  	_ =	shalt  }
0x65: {  	_ =	shalt  }
0x66: {  	_ =	shalt  }
0x67: {  	_ =	shalt  }
0x68: {  	_ =	shalt  }
0x69: {  	_ =	shalt  }
0x6a: {  	_ =	shalt  }
0x6b: {  	_ =	shalt  }
0x6c: {  	_ =	shalt  }
0x6d: {  	_ =	shalt  }
0x6e: {  	_ =	shalt  }
0x6f: {  	_ =	shalt  }
0x70: {  	_ =	shalt  }
0x71: {  	_ =	shalt  }
0x72: {  	_ =	shalt  }
0x73: {  	_ =	shalt  }
0x74: {  	_ =	shalt  }
0x75: {  	_ =	shalt  }
0x76: {  	_ =	shalt  }
0x77: {  	_ =	shalt  }
0x78: {  	_ =	shalt  }
0x79: {  	_ =	shalt  }
0x7a: {  	_ =	shalt  }
0x7b: {  	_ =	shalt  }
0x7c: {  	_ =	shalt  }
0x7d: {  	_ =	shalt  }
0x7e: {  	_ =	shalt  }
0x7f: {  	_ =	shalt  }
0x80: {  	_ =	shalt  }
0x81: {  	_ =	shalt  }
0x82: {  	_ =	shalt  }
0x83: {  	_ =	shalt  }
0x84: {  	_ =	shalt  }
0x85: {  	_ =	shalt  }
0x86: {  	_ =	shalt  }
0x87: {  	_ =	shalt  }
.Lfunc_end0:
.L_simem_size_0:
called_computation_lowered:
.L_overlay_start_0:
0x88: {  	s2 =	sld [smem:$0x3FD9]  }
0x89: {  	s3 =	sld [smem:$0x3FFE];
	_ =	sdelay $0x1  }
0x8a: {  	s1 =	srdreg.scid  }
0x8b: {  	s0 =	sand.u32 $0x1, s1  }
0x8c: {  	s14 =	sshll.u32 s0, $0xA;
	s2 =	sadd.s32 s3, s2  }
0x8d: {  	s2 =	sadd.s32 s2, s14  }
0x8e: {  	[smem:$0x3FBE] =	sst s2  }
0x8f: {  	_ = 	snop  }
0x90: {  	s2 =	sld [smem:$0x3FD0];
	_ =	sdelay $0x2  }
0x91: {  	s15 =	simm.s32 $0xA;
	s4 =	simm.s32 $0x10  }
0x92: {  	[smem:s4], [sflag:s15] =	dma.local [hbm:s2], $0x1  }
0x93: {  	_ =	swait.eq [sflag:s15], $0x1  }
0x94: {  	[sflag:s15] =	ssyncset.done $0x0  }
0x95: {  	s16 =	sld [smem:$0x10];
	[sflag:s15] =	ssyncadd.s32 $0xFFFFFFFF  }
0x96: {  	s17 =	sld [smem:$0x11];
	(tm) =	ssettm $0x1  }
0x97: {  	s18 =	sld [smem:$0x3FFB];
	_ =	sdelay $0x3  }
0x98: {  	_ =	strace s18  }
0x99: {  	s4 =	sld [smem:$0x3FFC];
	_ =	sdelay $0x3  }
0x9a: {  	_ =	strace s4  }
0x9b: {  	s4 =	sld [smem:$0x3FFD];
	_ =	sdelay $0x3  }
0x9c: {  	_ =	strace s4  }
0x9d: {  	_ =	strace $0x8FFFFFFF  }
0x9e: {  	s19 =	sld [smem:$0x3FDB];
	_ =	sdelay $0x1  }
0x9f: {  	s5 =	simm.s32 $_scs_section_size  }
0xa0: {  	s6 =	simm.s32 $_size__tile_overlayer_lowered;
	s7 =	simm.s32 $_tile_overlayer_lowered  }
0xa1: {  	s22 =	simm.s32 $0x1BFF;
	s21 =	sshll.u32 s7, $0x1;
	s4 =	sadd.s32 s5, s19  }
0xa2: {  	s8 =	simm.s32 $0x0;
	s20 =	sshll.u32 s6, $0x1;
	s6 =	sadd.s32 s21, s4  }
0xa3: {  	[timem:s8], [sflag:s22] =	dma.local [hbm:s6], s20  }
0xa4: {  	_ =	swait.ge [sflag:s22], s20  }
0xa5: {  	s5 =	ssub.s32 $0x0, s20;
	[sflag:s22] =	ssyncset.done $0x0  }
0xa6: {  	[sflag:s22] =	ssyncadd.s32 s5;
	_ =	sdelay $0x1  }
0xa7: {  	s23 =	simm.s32 $0x1B8B  }
0xa8: {  	_ =	swait.ge [sflag:s23], $0x1  }
0xa9: {  	[sflag:s23] =	ssyncset.done $0x0  }
0xaa: {  	s25 =	simm.s32 $0x1B8E;
	s24 =	sld [smem:$0x3FFE];
	[sflag:s23] =	ssyncadd.s32 $0xFFFFFFFF  }
0xab: {  	s26 =	simm.s32 $execute0_lowered;
	[smem:$0x3FD2] =	sst s25  }
0xac: {  	s6 =	sshll.u32 s26, $0x1;
	_ =	strace $0x80000046;
	[dreg:$0x1] =	wrdreg $0xFFFFFFFF  }
0xad: {  	s28 =	simm.s32 $_size_execute0_lowered;
	s4 =	sadd.s32 s4, s6;
	[dreg:$0x0] =	wrdreg $0x0  }
0xae: {  	s6 =	sshll.u32 s28, $0x1;
	[dreg:$0x2] =	wrdreg s4  }
0xaf: {  	[dreg:$0x3] =	wrdreg s6  }
0xb0: {  	[dreg:$0x4] =	wrdreg $0xC0  }
0xb1: {  	_ =	task [dreg:s8], $0x5FFFF  }
0xb2: {  	[dreg:$0x1] =	wrdreg $0xFFFFFFFF  }
0xb3: {  	[dreg:$0x0] =	wrdreg $0x60  }
0xb4: {  	[dreg:$0x2] =	wrdreg s24  }
0xb5: {  	[dreg:$0x3] =	wrdreg s16  }
0xb6: {  	[dreg:$0x4] =	wrdreg s17  }
0xb7: {  	[dreg:$0x5] =	wrdreg $0x0  }
0xb8: {  	[dreg:$0x6] =	wrdreg $0x9  }
0xb9: {  	_ =	task.clear_ibuf [dreg:s8], $0x7FFFF;
	_ =	strace $0x90000046  }
0xba: {  	s29 =	simm.s32 $0x9;
	_ =	strace $0x80000048  }
0xbb: {  	_ =	swait.ge [sflag:s29], $0x1  }
0xbc: {  	[sflag:s29] =	ssyncadd.s32 $0xFFFFFFFF  }
0xbd: {  	_ =	strace $0x90000048  }
0xbe: {  	_ =	sfence  }
0xbf: {  	s30 =	sld [smem:$0x0];
	_ =	sdelay $0x2  }
0xc0: {  	s31 =	sshll.u32 s1, $0xD;
	s1 =	sshrl.u32 s1, $0x2  }
0xc1: {  	s3 =	sand.u32 $0x4000, s31;
	s1 =	sadd.s32 s1, s30  }
0xc2: {  	s0 =	sor.u32 s3, s0;
	s1 =	sshll.u32 s1, $0x11  }
0xc3: {  	s0 =	sor.u32 s1, s0  }
0xc4: {  	s0 =	sadd.s32 $0x8F2B, s0  }
0xc5: {  	[sflag:s0] =	ssyncadd.remote.s32 $0x1  }
0xc6: {  	_ =	sfence.sel $0xFFFF  }
0xc7: {  	[dreg:$0x0] =	wrdreg $0xFFFFFFFF;
	(pc) =	sbr.abs _section_cstart, $3  }
0xc8: {  	[dreg:$0x1] =	wrdreg $0xFFFFFFFF  }
0xc9: {  	_ =	task.clear_ibuf [dreg:s8], $0x2FFFF;
	_ =	strace $0x9FFFFFFF  }
0xca: {  	(tm) =	ssettm $0x7FFFFFFF  }
0xcb: {  	_ =	shalt  }
tec
execute0_lowered:
.L_overlay_start_1:
0x0: {  	(tag) =	ssettag $0x1  }
0x1: {  	s5 =	rddreg [dreg:$0x0]  }
0x2: {  	s6 =	rddreg [dreg:$0x1]  }
0x3: {  	s2 =	rddreg [dreg:$0x2]  }
0x4: {  	s3 =	rddreg [dreg:$0x3];
	s4 =	srdreg.scid  }
0x5: {  	s1 =	stileid.u32;
	s0 =	rddreg [dreg:$0x4];
	s13 =	simm.s32 $0x3C00  }
0x6: {  	s14 =	simm.s32 $0x80;
	s15 =	simm.s32 $0x1;
	s16 =	simm.s32 $0x0  }
0x7: {  	s7 =	sand.u32 $0x1, s4;
	s8 =	smul.u32 $0x1400, s1;
	s4 =	simm.s32 $0x0  }
0x8: {  	s31 =	sshll.u32 s1, $0x6;
	s9 =	sshll.u32 s7, $0x4;
	s10 =	smul.u32 $0x14000, s7  }
0x9: {  	[smem:$0x7FF] =	sst s4;
	s7 =	ssub.s32 $0x2, s7;
	s9 =	sor.u32 s1, s9  }
0xa: {  	_ =	strace $0x80000047;
	s11 =	sshrl.u32 s7, $0x1;
	s12 =	sadd.s32 s8, s3  }
0xb: {  	s30 =	sshrl.u32 s8, $0x3;
	s9 =	smul.u32 $0x500, s9;
	s10 =	sadd.s32 s8, s10  }
0xc: {  	s11 =	ssub.s32 s7, s11;
	s6 =	sadd.s32 s6, s30;
	s12 =	sshrl.u32 s12, $0x3  }
0xd: {  	s10 =	sshrl.u32 s10, $0x3;
	s8 =	smax.u32 s11, $0x1;
	s9 =	sadd.s32 s9, s5  }
0xe: {  	s11 =	sor.u32 $0x1C02, s31;
	s10 =	sadd.s32 s10, s5;
	s5 =	sadd.s32 $0x3A00, s9  }
0xf: {  	s7 =	sadd.s32 $0xDA00, s10;
	s9 =	simm.s32 $0x1400;
	s10 =	simm.s32 $0x2  }
.LBB2_1:
0x10: {  	[tilespmem:s9], [sflag:$0x2] =	stream.linear.gather [hbm4b:s5+s4], $0x2800, $0x38;
	[tilespmem:$0x4000] =	vst v63  }
0x11: {  	_ =	swait.ge [sflag:s10], $0x2800  }
0x12: {  	[sflag:s10] =	ssyncset.done $0x0  }
0x13: {  	[sflag:s10] =	ssyncadd.s32 $0xFFFFD800  }
0x14: {  	[spmem:s12], [sflag:s11] =	dma.local [hbm:s6], $0x280  }
0x15: {  	_ =	swait.ge [sflag:s10], $0x280  }
0x16: {  	[sflag:s10] =	ssyncset.done $0x0  }
0x17: {  	[sflag:s10] =	ssyncadd.s32 $0xFFFFFD80  }
0x18: {  	[tilespmem:s13], [sflag:$0x2] =	stream.linear.gather [hbm4b:s2+s4], $0x400, $0x38;
	[tilespmem:$0x4000] =	vst v63  }
0x19: {  	_ =	swait.ge [sflag:s10], $0x400  }
0x1a: {  	[sflag:s10] =	ssyncset.done $0x0  }
0x1b: {  	[sflag:s10] =	ssyncadd.s32 $0xFFFFFC00  }
0x1c: {  	s17 =	simm.s32 $0x1400;
	[bflag:$0x0] =	sbarrier.arrive $0xFFFF  }
0x1d: {  	[spmem:s3] =	stream.indirect.scatter.add.f32 [tilespmem:s13], [sflag:$0x1], $0x8, s17, s14, $0xb8;
	[tilespmem:$0x4000] =	vst v63  }
0x1e: {  	s31 =	simm.s32 $0x1480  }
0x1f: {  	[spmem:s3] =	stream.indirect.scatter.add.f32 [tilespmem:s13], [sflag:$0x1], $0x8, s31, s14, $0xb8;
	[tilespmem:$0x4000] =	vst v63  }
0x20: {  	_ =	swait.ge [sflag:s15], $0x400  }
0x21: {  	[sflag:s15] =	ssyncset.done $0x0  }
0x22: {  	[sflag:s15] =	ssyncadd.s32 $0xFFFFFC00  }
0x23: {  	_ =	swait.ge [sflag:s15], $0x400  }
0x24: {  	s18 =	simm.s32 $0x800;
	s17 =	simm.s32 $0x100;
	[sflag:s15] =	ssyncset.done $0x0  }
.LBB2_2:
0x25: {  	s19 =	sadd.s32 $0x1400, s17  }
0x26: {  	[sflag:s15] =	ssyncadd.s32 $0xFFFFFC00;
	s20 =	smov.u32 s18;
	s21 =	sadd.s32 $0x400, s18  }
0x27: {  	[spmem:s3] =	stream.indirect.scatter.add.f32 [tilespmem:s13], [sflag:$0x1], $0x8, s19, s14, $0xb8;
	[tilespmem:$0x4000] =	vst v63  }
0x28: {  	p0 =	sne.s32 s18, $0x9C00;
	s17 =	sadd.s32 $0x1480, s17  }
0x29: {  	[spmem:s3] =	stream.indirect.scatter.add.f32 [tilespmem:s13], [sflag:$0x1], $0x8, s17, s14, $0xb8;
	[tilespmem:$0x4000] =	vst v63  }
.Ltmp0:
0x2a: {  	_ =	swait.ge [sflag:s15], $0x400;
	(pc) =	sbr.rel @p0 .LBB2_2-.Ltmp0, $4  }
0x2b: {  	[sflag:s15] =	ssyncset.done $0x0  }
0x2c: {  	[sflag:s15] =	ssyncadd.s32 $0xFFFFFC00  }
0x2d: {  	_ =	swait.ge [sflag:s15], $0x400  }
0x2e: {  	s18 =	smov.u32 s21;
	s17 =	sshra.s32 s20, $0x2;
	[sflag:s15] =	ssyncset.done $0x0  }
0x2f: {  	s18 =	sadd.s32 $0x1400, s17;
	[sflag:s15] =	ssyncadd.s32 $0xFFFFFC00  }
0x30: {  	[spmem:s3] =	stream.indirect.scatter.add.f32 [tilespmem:s13], [sflag:$0x1], $0x8, s18, s14, $0xb8;
	[tilespmem:$0x4000] =	vst v63  }
0x31: {  	s31 =	sadd.s32 $0x1480, s17  }
0x32: {  	[spmem:s3] =	stream.indirect.scatter.add.f32 [tilespmem:s13], [sflag:$0x1], $0x8, s31, s14, $0xb8;
	[tilespmem:$0x4000] =	vst v63  }
0x33: {  	_ =	swait.ge [sflag:s15], $0x400  }
0x34: {  	[sflag:s15] =	ssyncset.done $0x0  }
0x35: {  	[sflag:s15] =	ssyncadd.s32 $0xFFFFFC00  }
0x36: {  	_ =	swait.ge [sflag:s15], $0x400  }
0x37: {  	s16 =	sadd.s32 $0x1, s16;
	[sflag:s15] =	ssyncset.done $0x0  }
0x38: {  	p0 =	sne.s32 s16, s8;
	[sflag:s15] =	ssyncadd.s32 $0xFFFFFC00  }
.Ltmp1:
0x39: {  	[bflag:$0x0] =	sbarrier.arrive $0xFFFF;
	(pc) =	sbr.rel @p0 .LBB2_1-.Ltmp1, $4  }
0x3a: {  	[hbm:s7], [sflag:s11] =	dma.local [spmem:s12], $0x280  }
0x3b: {  	_ =	swait.ge [sflag:s10], $0x280  }
0x3c: {  	[sflag:s10] =	ssyncset.done $0x0  }
0x3d: {  	[sflag:s10] =	ssyncadd.s32 $0xFFFFFD80  }
0x3e: {  	_ =	sfence.sel $0x180000  }
0x3f: {  	[bflag:$0x0] =	sbarrier.arrive $0xFFFF  }
0x40: {  	p0 =	sne.s32 s1, $0x0;
	_ =	strace $0x90000047  }
0x41: {  	s0 =	sadd.s32 @!p0 $0x100000, s0;
	[bflag:$0x2] =	sbarrier.arrive $0xFFFF  }
0x42: {  	[sflag:s0] =	ssyncadd.tile.s32 @!p0 $0x1;
	_ =	shalt  }
.Lfunc_end2:
_tile_overlayer_lowered:
.L_overlay_start_2:
0x43: {  	(tag) =	ssettag $0x2  }
0x44: {  	s0 =	rddreg [dreg:$0x0];
	s2 =	stileid.u32  }
0x45: {  	s1 =	rddreg [dreg:$0x1];
	p0 =	sne.s32 s2, $0x0  }
0x46: {  	s3 =	rddreg [dreg:$0x2];
	[bflag:$0x3] =	sbarrier.arrive $0xFFFF;
	s2 =	simm.s32 @!p0 $0x1C02  }
0x47: {  	[timem:s3], [sflag:s2] =	dma.local @!p0 [hbm:s0], s1  }
0x48: {  	s0 =	simm.s32 @!p0 $0x2  }
0x49: {  	_ =	swait.ge @!p0 [sflag:s0], s1  }
0x4a: {  	s1 =	ssub.s32 @!p0 $0x0, s1;
	[sflag:s0] =	ssyncset.done @!p0 $0x0  }
0x4b: {  	[sflag:s0] =	ssyncadd.s32 @!p0 s1  }
0x4c: {  	[bflag:$0x3] =	sbarrier.arrive $0xFFFF  }
0x4d: {  	_ =	shalt  }

// kernel: kernel.14.cloned.1.call-start
scs
__scs_entry_jumppad:
0x0: {  	(pc) =	sbr.rel $0x88, $3  }
0x1: {  	(tag) =	ssettag $0x0;
	lr =	simm.s32 $0x1  }
0x2: {  	[smem:$0x3F97] =	sst lr;
	_ =	strace $0xD0000000  }
0x3: {  	_ = 	snop  }
0x4: {  	_ = 	snop  }
0x5: {  	_ = 	snop  }
0x6: {  	_ = 	snop  }
0x7: {  	_ = 	snop  }
__scs_overlays_trampoline_lowered:
0x8: {  	[smem:$0x3FA6] =	sst s0  }
0x9: {  	[smem:$0x3FA7] =	sst s1  }
0xa: {  	[smem:$0x3FA8] =	sst s2  }
0xb: {  	[smem:$0x3FA9] =	sst s3  }
0xc: {  	[smem:$0x3FAA] =	sst s4  }
0xd: {  	[smem:$0x3FAB] =	sst s5  }
0xe: {  	[smem:$0x3FAC] =	sst s6  }
0xf: {  	[smem:$0x3FAD] =	sst s7  }
0x10: {  	[smem:$0x3FAE] =	sst s8  }
0x11: {  	[smem:$0x3FAF] =	sst s9;
	s0 =	simm.s32 @!p0 $0x0  }
0x12: {  	s1 =	sld [smem:$0x3F95];
	s0 =	simm.s32 @p0 $0x1  }
0x13: {  	[smem:$0x3FB0] =	sst s0;
	s0 =	simm.s32 @!p1 $0x0  }
0x14: {  	s2 =	sld [smem:$0x3F94];
	s0 =	simm.s32 @p1 $0x1  }
0x15: {  	[smem:$0x3FB1] =	sst s0;
	s0 =	simm.s32 @!p2 $0x0  }
0x16: {  	s3 =	sld [smem:$0x3FDB];
	s0 =	simm.s32 @p2 $0x1  }
0x17: {  	s4 =	simm.s32 $0x1BF5;
	[smem:$0x3FB3] =	sst s0  }
0x18: {  	s0 =	sld [smem:$0x3F96];
	_ =	swait.ge [sflag:s4], $0x0  }
0x19: {  	s7 =	sld [smem:$0x3F97]  }
0x1a: {  	s8 =	sadd.s32 $0xFFFFE003, lr  }
0x1b: {  	s9 =	sadd.s32 $0xFFFFFEF7, lr;
	s5 =	simm.s32 $0xFFFFFFFF;
	p2 =	slt.u32 s8, $0xFFFFF086  }
0x1c: {  	p1 =	slt.u32 s9, $0xF7A;
	s5 =	simm.s32 @!p2 $0x0  }
0x1d: {  	s5 =	simm.s32 @p1 $0x1;
	p0 =	seq.s32 s7, s2  }
0x1e: {  	s7 =	smul.u32 @!p0 $0xF7A, s2;
	p2 =	seq.s32 @!p0 s5, $0x0  }
0x1f: {  	s9 =	smul.u32 $0xF7A, s1;
	s8 =	simm.s32 @!p0 $0x1BF5;
	p2 =	por !p2, p0  }
0x20: {  	[sflag:s8] =	ssyncset.s32 @!p0 $0xFFFFF086;
	s6 =	sadd.s32 @!p0 s3, s7;
	s7 =	simm.s32 @!p0 $0x108  }
0x21: {  	s3 =	sadd.s32 s3, s9;
	s6 =	sadd.s32 @!p0 $0x88, s6;
	s7 =	simm.s32 @p2 $0x1082  }
0x22: {  	[simem:s7], [sflag:s8] =	dma.local @!p0 [hbm:s6], $0xF7A  }
0x23: {  	s9 =	sor.u32 $0xD0000000, s2;
	s6 =	simm.s32 $0x108;
	_ =	swait.ge @!p0 [sflag:s8], $0x0  }
0x24: {  	s3 =	sadd.s32 $0x88, s3;
	s6 =	simm.s32 @!p1 $0x1082;
	[sflag:s4] =	ssyncset.s32 $0xFFFFF086  }
0x25: {  	[simem:s6], [sflag:s4] =	dma.local [hbm:s3], $0xF7A  }
0x26: {  	[smem:$0x3F97] =	sst s1;
	(tag) =	ssettag s2;
	_ =	strace s9  }
0x27: {  	s1 =	sld [smem:$0x3FA7]  }
0x28: {  	s2 =	sld [smem:$0x3FA8]  }
0x29: {  	s4 =	sld [smem:$0x3FAA]  }
0x2a: {  	p0 =	seq.s32 s5, $0x0;
	s5 =	sld [smem:$0x3FAB]  }
0x2b: {  	s6 =	sld [smem:$0x3FAC]  }
0x2c: {  	s7 =	sld [smem:$0x3FAD]  }
0x2d: {  	s3 =	simm.s32 $0x108;
	s8 =	sld [smem:$0x3FAE]  }
0x2e: {  	s3 =	simm.s32 @!p0 $0x1082;
	s9 =	sld [smem:$0x3FAF]  }
0x2f: {  	lr =	sadd.s32 s0, s3;
	s0 =	sld [smem:$0x3FA6]  }
0x30: {  	s3 =	sld [smem:$0x3FA9]  }
0x31: {  	[smem:$0x3FB2] =	sst s10  }
0x32: {  	s10 =	sld [smem:$0x3FB0];
	_ =	sdelay $0x3  }
0x33: {  	p0 =	seq.s32 s10, $0x1;
	s10 =	sld [smem:$0x3FB2];
	_ =	sdelay $0x3  }
0x34: {  	[smem:$0x3FB2] =	sst s10  }
0x35: {  	s10 =	sld [smem:$0x3FB1];
	_ =	sdelay $0x3  }
0x36: {  	p1 =	seq.s32 s10, $0x1;
	s10 =	sld [smem:$0x3FB2];
	_ =	sdelay $0x3  }
0x37: {  	[smem:$0x3FB2] =	sst s10  }
0x38: {  	s10 =	sld [smem:$0x3FB3]  }
0x39: {  	_ = 	snop;
	(pc) =	sbr.ind lr, $3  }
0x3a: {  	_ = 	snop  }
0x3b: {  	_ = 	snop  }
0x3c: {  	p2 =	seq.s32 s10, $0x1;
	s10 =	sld [smem:$0x3FB2]  }
0x3d: {  	_ =	shalt  }
0x3e: {  	_ =	shalt  }
0x3f: {  	_ =	shalt  }
0x40: {  	_ =	shalt  }
0x41: {  	_ =	shalt  }
0x42: {  	_ =	shalt  }
0x43: {  	_ =	shalt  }
0x44: {  	_ =	shalt  }
0x45: {  	_ =	shalt  }
0x46: {  	_ =	shalt  }
0x47: {  	_ =	shalt  }
0x48: {  	_ =	shalt  }
0x49: {  	_ =	shalt  }
0x4a: {  	_ =	shalt  }
0x4b: {  	_ =	shalt  }
0x4c: {  	_ =	shalt  }
0x4d: {  	_ =	shalt  }
0x4e: {  	_ =	shalt  }
0x4f: {  	_ =	shalt  }
0x50: {  	_ =	shalt  }
0x51: {  	_ =	shalt  }
0x52: {  	_ =	shalt  }
0x53: {  	_ =	shalt  }
0x54: {  	_ =	shalt  }
0x55: {  	_ =	shalt  }
0x56: {  	_ =	shalt  }
0x57: {  	_ =	shalt  }
0x58: {  	_ =	shalt  }
0x59: {  	_ =	shalt  }
0x5a: {  	_ =	shalt  }
0x5b: {  	_ =	shalt  }
0x5c: {  	_ =	shalt  }
0x5d: {  	_ =	shalt  }
0x5e: {  	_ =	shalt  }
0x5f: {  	_ =	shalt  }
0x60: {  	_ =	shalt  }
0x61: {  	_ =	shalt  }
0x62: {  	_ =	shalt  }
0x63: {  	_ =	shalt  }
0x64: {  	_ =	shalt  }
0x65: {  	_ =	shalt  }
0x66: {  	_ =	shalt  }
0x67: {  	_ =	shalt  }
0x68: {  	_ =	shalt  }
0x69: {  	_ =	shalt  }
0x6a: {  	_ =	shalt  }
0x6b: {  	_ =	shalt  }
0x6c: {  	_ =	shalt  }
0x6d: {  	_ =	shalt  }
0x6e: {  	_ =	shalt  }
0x6f: {  	_ =	shalt  }
0x70: {  	_ =	shalt  }
0x71: {  	_ =	shalt  }
0x72: {  	_ =	shalt  }
0x73: {  	_ =	shalt  }
0x74: {  	_ =	shalt  }
0x75: {  	_ =	shalt  }
0x76: {  	_ =	shalt  }
0x77: {  	_ =	shalt  }
0x78: {  	_ =	shalt  }
0x79: {  	_ =	shalt  }
0x7a: {  	_ =	shalt  }
0x7b: {  	_ =	shalt  }
0x7c: {  	_ =	shalt  }
0x7d: {  	_ =	shalt  }
0x7e: {  	_ =	shalt  }
0x7f: {  	_ =	shalt  }
0x80: {  	_ =	shalt  }
0x81: {  	_ =	shalt  }
0x82: {  	_ =	shalt  }
0x83: {  	_ =	shalt  }
0x84: {  	_ =	shalt  }
0x85: {  	_ =	shalt  }
0x86: {  	_ =	shalt  }
0x87: {  	_ =	shalt  }
.Lfunc_end0:
.L_simem_size_0:
called_computation.1_lowered:
.L_overlay_start_0:
0x88: {  	s2 =	sld [smem:$0x3FD9]  }
0x89: {  	s3 =	sld [smem:$0x3FFE];
	_ =	sdelay $0x1  }
0x8a: {  	s1 =	srdreg.scid  }
0x8b: {  	s0 =	sand.u32 $0x1, s1  }
0x8c: {  	s14 =	sshll.u32 s0, $0xA;
	s2 =	sadd.s32 s3, s2  }
0x8d: {  	s2 =	sadd.s32 s2, s14  }
0x8e: {  	[smem:$0x3FBE] =	sst s2  }
0x8f: {  	_ = 	snop  }
0x90: {  	s2 =	sld [smem:$0x3FD0];
	_ =	sdelay $0x2  }
0x91: {  	s15 =	simm.s32 $0xA;
	s4 =	simm.s32 $0x10  }
0x92: {  	[smem:s4], [sflag:s15] =	dma.local [hbm:s2], $0x1  }
0x93: {  	_ =	swait.eq [sflag:s15], $0x1  }
0x94: {  	[sflag:s15] =	ssyncset.done $0x0  }
0x95: {  	[sflag:s15] =	ssyncadd.s32 $0xFFFFFFFF  }
0x96: {  	s16 =	sld [smem:$0x10];
	(tm) =	ssettm $0x1  }
0x97: {  	s17 =	sld [smem:$0x3FFB];
	_ =	sdelay $0x3  }
0x98: {  	_ =	strace s17  }
0x99: {  	s3 =	sld [smem:$0x3FFC];
	_ =	sdelay $0x3  }
0x9a: {  	_ =	strace s3  }
0x9b: {  	s3 =	sld [smem:$0x3FFD];
	_ =	sdelay $0x3  }
0x9c: {  	_ =	strace s3  }
0x9d: {  	_ =	strace $0x8FFFFFFF  }
0x9e: {  	s18 =	sld [smem:$0x3FDB];
	_ =	sdelay $0x1  }
0x9f: {  	s19 =	simm.s32 $_scs_section_size  }
0xa0: {  	s5 =	simm.s32 $_size__tile_overlayer_lowered;
	s6 =	simm.s32 $_tile_overlayer_lowered  }
0xa1: {  	s22 =	simm.s32 $0x1BFF;
	s21 =	sshll.u32 s6, $0x1;
	s3 =	sadd.s32 s19, s18  }
0xa2: {  	s7 =	simm.s32 $0x0;
	s20 =	sshll.u32 s5, $0x1;
	s5 =	sadd.s32 s21, s3  }
0xa3: {  	[timem:s7], [sflag:s22] =	dma.local [hbm:s5], s20  }
0xa4: {  	_ =	swait.ge [sflag:s22], s20  }
0xa5: {  	s4 =	ssub.s32 $0x0, s20;
	[sflag:s22] =	ssyncset.done $0x0  }
0xa6: {  	[sflag:s22] =	ssyncadd.s32 s4;
	_ =	sdelay $0x1  }
0xa7: {  	s23 =	simm.s32 $0x1B8B  }
0xa8: {  	_ =	swait.ge [sflag:s23], $0x1  }
0xa9: {  	[sflag:s23] =	ssyncset.done $0x0  }
0xaa: {  	s25 =	simm.s32 $0x1B8E;
	s24 =	sld [smem:$0x3FFE];
	[sflag:s23] =	ssyncadd.s32 $0xFFFFFFFF  }
0xab: {  	s26 =	simm.s32 $execute0_lowered;
	[smem:$0x3FD2] =	sst s25  }
0xac: {  	s5 =	sshll.u32 s26, $0x1;
	_ =	strace $0x80000049;
	[dreg:$0x1] =	wrdreg $0xFFFFFFFF  }
0xad: {  	s28 =	simm.s32 $_size_execute0_lowered;
	s3 =	sadd.s32 s3, s5;
	[dreg:$0x0] =	wrdreg $0x0  }
0xae: {  	s5 =	sshll.u32 s28, $0x1;
	[dreg:$0x2] =	wrdreg s3  }
0xaf: {  	[dreg:$0x3] =	wrdreg s5  }
0xb0: {  	[dreg:$0x4] =	wrdreg $0xC0  }
0xb1: {  	_ =	task [dreg:s7], $0x5FFFF  }
0xb2: {  	[dreg:$0x1] =	wrdreg $0xFFFFFFFF  }
0xb3: {  	[dreg:$0x0] =	wrdreg $0x60  }
0xb4: {  	[dreg:$0x2] =	wrdreg s24  }
0xb5: {  	[dreg:$0x3] =	wrdreg s16  }
0xb6: {  	[dreg:$0x4] =	wrdreg $0x0  }
0xb7: {  	[dreg:$0x5] =	wrdreg $0x14000  }
0xb8: {  	[dreg:$0x6] =	wrdreg $0x9  }
0xb9: {  	_ =	task.clear_ibuf [dreg:s7], $0x7FFFF;
	_ =	strace $0x90000049  }
0xba: {  	s29 =	simm.s32 $0x9;
	_ =	strace $0x8000004B  }
0xbb: {  	_ =	swait.ge [sflag:s29], $0x1  }
0xbc: {  	[sflag:s29] =	ssyncadd.s32 $0xFFFFFFFF  }
0xbd: {  	_ =	strace $0x9000004B  }
0xbe: {  	_ =	sfence  }
0xbf: {  	s30 =	sld [smem:$0x0];
	_ =	sdelay $0x2  }
0xc0: {  	s31 =	sshll.u32 s1, $0xD;
	s1 =	sshrl.u32 s1, $0x2  }
0xc1: {  	s3 =	sand.u32 $0x4000, s31;
	s1 =	sadd.s32 s1, s30  }
0xc2: {  	s0 =	sor.u32 s3, s0;
	s1 =	sshll.u32 s1, $0x11  }
0xc3: {  	s0 =	sor.u32 s1, s0  }
0xc4: {  	s0 =	sadd.s32 $0x8F2B, s0  }
0xc5: {  	[sflag:s0] =	ssyncadd.remote.s32 $0x1  }
0xc6: {  	_ =	sfence.sel $0xFFFF  }
0xc7: {  	[dreg:$0x0] =	wrdreg $0xFFFFFFFF;
	(pc) =	sbr.abs _section_cstart, $3  }
0xc8: {  	[dreg:$0x1] =	wrdreg $0xFFFFFFFF  }
0xc9: {  	_ =	task.clear_ibuf [dreg:s7], $0x2FFFF;
	_ =	strace $0x9FFFFFFF  }
0xca: {  	(tm) =	ssettm $0x7FFFFFFF  }
0xcb: {  	_ =	shalt  }
tec
execute0_lowered:
.L_overlay_start_1:
0x0: {  	(tag) =	ssettag $0x1  }
0x1: {  	s0 =	rddreg [dreg:$0x0]  }
0x2: {  	s1 =	rddreg [dreg:$0x1]  }
0x3: {  	s2 =	rddreg [dreg:$0x2]  }
0x4: {  	s3 =	rddreg [dreg:$0x3]  }
0x5: {  	s16 =	stileid.u32;
	s5 =	srdreg.scid  }
0x6: {  	s4 =	simm.s32 $0x0;
	s19 =	simm.s32 $0x80;
	s20 =	simm.s32 $0x8000  }
0x7: {  	s21 =	simm.s32 $0x8400;
	s22 =	simm.s32 $0x8800;
	s28 =	simm.s32 $0x9C00  }
0x8: {  	s29 =	simm.s32 $0x1;
	s30 =	simm.s32 $0x2;
	s7 =	smul.u32 $0x1400, s16  }
0x9: {  	s8 =	sand.u32 $0x1, s5;
	[smem:$0x7FF] =	sst s4;
	s24 =	smul.u32 $0x2400, s16  }
0xa: {  	s11 =	sadd.s32 $0x12A00, s0;
	s13 =	sadd.s32 $0x3A00, s0;
	s25 =	smul.u32 $0x580, s16  }
0xb: {  	s23 =	sshll.u32 s16, $0x6;
	s5 =	smul.u32 $0x14000, s8;
	_ =	strace $0x8000004A  }
0xc: {  	s10 =	ssub.s32 $0x2, s8;
	p0 =	seq.s32 s8, $0x1;
	s6 =	sshrl.u32 s7, $0x3  }
0xd: {  	s12 =	sshrl.u32 s10, $0x1;
	s15 =	sadd.s32 s7, s2;
	s26 =	sadd.s32 s7, s3  }
0xe: {  	s31 =	sshrl.u32 s24, $0x3;
	s8 =	sadd.s32 s11, s25;
	s24 =	simm.s32 $0x9000  }
0xf: {  	s9 =	sadd.s32 s6, s0;
	s5 =	sadd.s32 s7, s5;
	s14 =	ssub.s32 s10, s12  }
0x10: {  	s12 =	sadd.s32 $0x5800, s31;
	s16 =	sshrl.u32 s26, $0x3;
	s26 =	simm.s32 $0x9800  }
.Ltmp0:
0x11: {  	s5 =	sshrl.u32 s5, $0x3;
	s7 =	sadd.s32 $0xDA00, s9;
	(pc) =	sbr.rel .LBB2_1-.Ltmp0, $4  }
0x12: {  	s9 =	sadd.s32 s13, s25;
	s10 =	sadd.s32 s11, s12;
	s11 =	sadd.s32 s13, s12  }
0x13: {  	s13 =	smax.u32 s14, $0x1;
	s14 =	sshrl.u32 s15, $0x3;
	s15 =	simm.s32 $0x3  }
0x14: {  	s25 =	simm.s32 $0x9400;
	s0 =	sadd.s32 s5, s0;
	s5 =	sadd.s32 s1, s6  }
0x15: {  	s6 =	sor.u32 $0x1C03, s23;
	s23 =	simm.s32 $0x8C00;
	s12 =	sadd.s32 $0x1CA00, s0  }
.LBB2_7:
0x16: {  	s0 =	sadd.s32 $0x2800, s31;
	[sflag:s30] =	ssyncadd.s32 $0xFFFFFC00  }
0x17: {  	[tilespmem:s20], [sflag:$0x1] =	stream.indirect.gather [spmem:s3], $0x8, s0, s19, $0xb8;
	[tilespmem:$0xA000] =	vst v63  }
0x18: {  	s17 =	sadd.s32 $0x2880, s31  }
0x19: {  	[tilespmem:s21], [sflag:$0x1] =	stream.indirect.gather [spmem:s3], $0x8, s17, s19, $0xb8;
	[tilespmem:$0xA000] =	vst v63  }
0x1a: {  	s18 =	sadd.s32 $0x2900, s31  }
0x1b: {  	[tilespmem:s22], [sflag:$0x1] =	stream.indirect.gather [spmem:s3], $0x8, s18, s19, $0xb8;
	[tilespmem:$0xA000] =	vst v63  }
0x1c: {  	s1 =	sadd.s32 $0x2980, s31  }
0x1d: {  	[tilespmem:s23], [sflag:$0x1] =	stream.indirect.gather [spmem:s3], $0x8, s1, s19, $0xb8;
	[tilespmem:$0xA000] =	vst v63  }
0x1e: {  	s17 =	sadd.s32 $0x2A00, s31  }
0x1f: {  	[tilespmem:s24], [sflag:$0x1] =	stream.indirect.gather [spmem:s3], $0x8, s17, s19, $0xb8;
	[tilespmem:$0xA000] =	vst v63  }
0x20: {  	s18 =	sadd.s32 $0x2A80, s31  }
0x21: {  	[tilespmem:s25], [sflag:$0x1] =	stream.indirect.gather [spmem:s3], $0x8, s18, s19, $0xb8;
	[tilespmem:$0xA000] =	vst v63  }
0x22: {  	s1 =	sadd.s32 $0x2B00, s31  }
0x23: {  	[tilespmem:s26], [sflag:$0x1] =	stream.indirect.gather [spmem:s3], $0x8, s1, s19, $0xb8;
	[tilespmem:$0xA000] =	vst v63  }
0x24: {  	s17 =	sadd.s32 $0x2B80, s31  }
0x25: {  	[tilespmem:s28], [sflag:$0x1] =	stream.indirect.gather [spmem:s3], $0x8, s17, s19, $0xb8;
	[tilespmem:$0xA000] =	vst v63  }
0x26: {  	_ =	swait.ge [sflag:s29], $0x400  }
0x27: {  	[sflag:s29] =	ssyncset.done $0x0  }
0x28: {  	[sflag:s29] =	ssyncadd.s32 $0xFFFFFC00  }
0x29: {  	_ =	swait.ge [sflag:s29], $0x400  }
0x2a: {  	[sflag:s29] =	ssyncset.done $0x0  }
0x2b: {  	s18 =	sadd.s32 $0x5400, s31;
	[sflag:s29] =	ssyncadd.s32 $0xFFFFFC00  }
0x2c: {  	[spmem:s2] =	stream.indirect.scatter.add.f32 [tilespmem:s20], [sflag:$0x2], $0x8, s18, s19, $0xb8;
	[tilespmem:$0xA000] =	vst v63  }
0x2d: {  	s1 =	sadd.s32 $0x5480, s31  }
0x2e: {  	[spmem:s2] =	stream.indirect.scatter.add.f32 [tilespmem:s21], [sflag:$0x2], $0x8, s1, s19, $0xb8;
	[tilespmem:$0xA000] =	vst v63  }
0x2f: {  	_ =	swait.ge [sflag:s29], $0x400  }
0x30: {  	[sflag:s29] =	ssyncset.done $0x0  }
0x31: {  	[sflag:s29] =	ssyncadd.s32 $0xFFFFFC00  }
0x32: {  	_ =	swait.ge [sflag:s29], $0x400  }
0x33: {  	[sflag:s29] =	ssyncset.done $0x0  }
0x34: {  	s17 =	sadd.s32 $0x5500, s31;
	[sflag:s29] =	ssyncadd.s32 $0xFFFFFC00  }
0x35: {  	[spmem:s2] =	stream.indirect.scatter.add.f32 [tilespmem:s22], [sflag:$0x2], $0x8, s17, s19, $0xb8;
	[tilespmem:$0xA000] =	vst v63  }
0x36: {  	s18 =	sadd.s32 $0x5580, s31  }
0x37: {  	[spmem:s2] =	stream.indirect.scatter.add.f32 [tilespmem:s23], [sflag:$0x2], $0x8, s18, s19, $0xb8;
	[tilespmem:$0xA000] =	vst v63  }
0x38: {  	_ =	swait.ge [sflag:s29], $0x400  }
0x39: {  	[sflag:s29] =	ssyncset.done $0x0  }
0x3a: {  	[sflag:s29] =	ssyncadd.s32 $0xFFFFFC00  }
0x3b: {  	_ =	swait.ge [sflag:s29], $0x400  }
0x3c: {  	[sflag:s29] =	ssyncset.done $0x0  }
0x3d: {  	s1 =	sadd.s32 $0x5600, s31;
	[sflag:s29] =	ssyncadd.s32 $0xFFFFFC00  }
0x3e: {  	[spmem:s2] =	stream.indirect.scatter.add.f32 [tilespmem:s24], [sflag:$0x2], $0x8, s1, s19, $0xb8;
	[tilespmem:$0xA000] =	vst v63  }
0x3f: {  	s17 =	sadd.s32 $0x5680, s31  }
0x40: {  	[spmem:s2] =	stream.indirect.scatter.add.f32 [tilespmem:s25], [sflag:$0x2], $0x8, s17, s19, $0xb8;
	[tilespmem:$0xA000] =	vst v63  }
0x41: {  	_ =	swait.ge [sflag:s29], $0x400  }
0x42: {  	[sflag:s29] =	ssyncset.done $0x0  }
0x43: {  	[sflag:s29] =	ssyncadd.s32 $0xFFFFFC00  }
0x44: {  	_ =	swait.ge [sflag:s29], $0x400  }
0x45: {  	[sflag:s29] =	ssyncset.done $0x0  }
0x46: {  	s18 =	sadd.s32 $0x5700, s31;
	[sflag:s29] =	ssyncadd.s32 $0xFFFFFC00  }
0x47: {  	[spmem:s2] =	stream.indirect.scatter.add.f32 [tilespmem:s26], [sflag:$0x2], $0x8, s18, s19, $0xb8;
	[tilespmem:$0xA000] =	vst v63  }
0x48: {  	s31 =	sadd.s32 $0x5780, s31  }
0x49: {  	[spmem:s2] =	stream.indirect.scatter.add.f32 [tilespmem:s28], [sflag:$0x2], $0x8, s31, s19, $0xb8;
	[tilespmem:$0xA000] =	vst v63  }
0x4a: {  	_ =	swait.ge [sflag:s30], $0x400  }
0x4b: {  	[sflag:s30] =	ssyncset.done $0x0  }
0x4c: {  	[sflag:s30] =	ssyncadd.s32 $0xFFFFFC00  }
0x4d: {  	_ =	swait.ge [sflag:s30], $0x400  }
0x4e: {  	[sflag:s30] =	ssyncset.done $0x0  }
0x4f: {  	[sflag:s30] =	ssyncadd.s32 $0xFFFFFC00  }
0x50: {  	_ =	swait.ge [sflag:s30], $0x400  }
0x51: {  	[sflag:s30] =	ssyncset.done $0x0  }
0x52: {  	[sflag:s30] =	ssyncadd.s32 $0xFFFFFC00  }
0x53: {  	_ =	swait.ge [sflag:s30], $0x400  }
0x54: {  	[sflag:s30] =	ssyncset.done $0x0  }
0x55: {  	[sflag:s30] =	ssyncadd.s32 $0xFFFFFC00  }
0x56: {  	_ =	swait.ge [sflag:s30], $0x400  }
0x57: {  	[sflag:s30] =	ssyncset.done $0x0  }
0x58: {  	[sflag:s30] =	ssyncadd.s32 $0xFFFFFC00  }
0x59: {  	_ =	swait.ge [sflag:s30], $0x400  }
0x5a: {  	[sflag:s30] =	ssyncset.done $0x0  }
0x5b: {  	[sflag:s30] =	ssyncadd.s32 $0xFFFFFC00  }
0x5c: {  	_ =	swait.ge [sflag:s30], $0x400  }
0x5d: {  	[sflag:s30] =	ssyncset.done $0x0  }
0x5e: {  	[sflag:s30] =	ssyncadd.s32 $0xFFFFFC00  }
0x5f: {  	_ =	swait.ge [sflag:s30], $0x400  }
0x60: {  	[sflag:s30] =	ssyncset.done $0x0  }
0x61: {  	[sflag:s30] =	ssyncadd.s32 $0xFFFFFC00  }
.LBB2_8:
0x62: {  	s4 =	sadd.s32 $0x1, s4  }
0x63: {  	p1 =	sne.s32 s4, s13  }
.Ltmp1:
0x64: {  	[bflag:$0x0] =	sbarrier.arrive $0xFFFF;
	(pc) =	sbr.rel @!p1 .LBB2_9-.Ltmp1, $4  }
0x65: {  	[hbm:s12], [sflag:s6] =	dma.local [spmem:s14], $0x280  }
0x66: {  	_ =	swait.ge [sflag:s15], $0x280  }
0x67: {  	[sflag:s15] =	ssyncset.done $0x0  }
0x68: {  	[sflag:s15] =	ssyncadd.s32 $0xFFFFFD80  }
.LBB2_1:
0x69: {  	[spmem:s14], [sflag:s6] =	dma.local [hbm:s5], $0x280  }
0x6a: {  	_ =	swait.ge [sflag:s15], $0x280  }
0x6b: {  	[sflag:s15] =	ssyncset.done $0x0  }
.Ltmp2:
0x6c: {  	[sflag:s15] =	ssyncadd.s32 $0xFFFFFD80;
	(pc) =	sbr.rel @!p0 .LBB2_2-.Ltmp2, $4  }
0x6d: {  	[spmem:s16], [sflag:s6] =	dma.local [hbm:s7], $0x280  }
0x6e: {  	_ =	swait.ge [sflag:s15], $0x280  }
0x6f: {  	[sflag:s15] =	ssyncset.done $0x0  }
0x70: {  	s0 =	simm.s32 $0x0;
	s1 =	simm.s32 $0x2800;
	[sflag:s15] =	ssyncadd.s32 $0xFFFFFD80  }
0x71: {  	[tilespmem:s1], [sflag:$0x3] =	stream.linear.gather [hbm4b:s10+s0], $0x2400, $0x38;
	[tilespmem:$0xA000] =	vst v63  }
0x72: {  	_ =	swait.ge [sflag:s15], $0x2400  }
0x73: {  	[sflag:s15] =	ssyncset.done $0x0  }
0x74: {  	s17 =	simm.s32 $0x5400;
	[sflag:s15] =	ssyncadd.s32 $0xFFFFDC00  }
0x75: {  	[tilespmem:s17], [sflag:$0x3] =	stream.linear.gather [hbm4b:s11+s0], $0x2400, $0x38;
	[tilespmem:$0xA000] =	vst v63  }
0x76: {  	_ =	swait.ge [sflag:s15], $0x2400  }
0x77: {  	[sflag:s15] =	ssyncset.done $0x0  }
0x78: {  	[sflag:s15] =	ssyncadd.s32 $0xFFFFDC00  }
0x79: {  	s18 =	simm.s32 $0x2800;
	[bflag:$0x0] =	sbarrier.arrive $0xFFFF  }
0x7a: {  	[tilespmem:s20], [sflag:$0x1] =	stream.indirect.gather [spmem:s3], $0x8, s18, s19, $0xb8;
	[tilespmem:$0xA000] =	vst v63  }
0x7b: {  	s1 =	simm.s32 $0x2880  }
0x7c: {  	[tilespmem:s21], [sflag:$0x1] =	stream.indirect.gather [spmem:s3], $0x8, s1, s19, $0xb8;
	[tilespmem:$0xA000] =	vst v63  }
0x7d: {  	s17 =	simm.s32 $0x2900  }
0x7e: {  	[tilespmem:s22], [sflag:$0x1] =	stream.indirect.gather [spmem:s3], $0x8, s17, s19, $0xb8;
	[tilespmem:$0xA000] =	vst v63  }
0x7f: {  	s18 =	simm.s32 $0x2980  }
0x80: {  	[tilespmem:s23], [sflag:$0x1] =	stream.indirect.gather [spmem:s3], $0x8, s18, s19, $0xb8;
	[tilespmem:$0xA000] =	vst v63  }
0x81: {  	s1 =	simm.s32 $0x2A00  }
0x82: {  	[tilespmem:s24], [sflag:$0x1] =	stream.indirect.gather [spmem:s3], $0x8, s1, s19, $0xb8;
	[tilespmem:$0xA000] =	vst v63  }
0x83: {  	s17 =	simm.s32 $0x2A80  }
0x84: {  	[tilespmem:s25], [sflag:$0x1] =	stream.indirect.gather [spmem:s3], $0x8, s17, s19, $0xb8;
	[tilespmem:$0xA000] =	vst v63  }
0x85: {  	s18 =	simm.s32 $0x2B00  }
0x86: {  	[tilespmem:s26], [sflag:$0x1] =	stream.indirect.gather [spmem:s3], $0x8, s18, s19, $0xb8;
	[tilespmem:$0xA000] =	vst v63  }
0x87: {  	s1 =	simm.s32 $0x2B80  }
0x88: {  	[tilespmem:s28], [sflag:$0x1] =	stream.indirect.gather [spmem:s3], $0x8, s1, s19, $0xb8;
	[tilespmem:$0xA000] =	vst v63  }
0x89: {  	_ =	swait.ge [sflag:s29], $0x400  }
0x8a: {  	[sflag:s29] =	ssyncset.done $0x0  }
0x8b: {  	[sflag:s29] =	ssyncadd.s32 $0xFFFFFC00  }
0x8c: {  	_ =	swait.ge [sflag:s29], $0x400  }
0x8d: {  	[sflag:s29] =	ssyncset.done $0x0  }
0x8e: {  	s17 =	simm.s32 $0x5400;
	[sflag:s29] =	ssyncadd.s32 $0xFFFFFC00  }
0x8f: {  	[spmem:s2] =	stream.indirect.scatter.add.f32 [tilespmem:s20], [sflag:$0x2], $0x8, s17, s19, $0xb8;
	[tilespmem:$0xA000] =	vst v63  }
0x90: {  	s18 =	simm.s32 $0x5480  }
0x91: {  	[spmem:s2] =	stream.indirect.scatter.add.f32 [tilespmem:s21], [sflag:$0x2], $0x8, s18, s19, $0xb8;
	[tilespmem:$0xA000] =	vst v63  }
0x92: {  	_ =	swait.ge [sflag:s29], $0x400  }
0x93: {  	[sflag:s29] =	ssyncset.done $0x0  }
0x94: {  	[sflag:s29] =	ssyncadd.s32 $0xFFFFFC00  }
0x95: {  	_ =	swait.ge [sflag:s29], $0x400  }
0x96: {  	[sflag:s29] =	ssyncset.done $0x0  }
0x97: {  	s1 =	simm.s32 $0x5500;
	[sflag:s29] =	ssyncadd.s32 $0xFFFFFC00  }
0x98: {  	[spmem:s2] =	stream.indirect.scatter.add.f32 [tilespmem:s22], [sflag:$0x2], $0x8, s1, s19, $0xb8;
	[tilespmem:$0xA000] =	vst v63  }
0x99: {  	s17 =	simm.s32 $0x5580  }
0x9a: {  	[spmem:s2] =	stream.indirect.scatter.add.f32 [tilespmem:s23], [sflag:$0x2], $0x8, s17, s19, $0xb8;
	[tilespmem:$0xA000] =	vst v63  }
0x9b: {  	_ =	swait.ge [sflag:s29], $0x400  }
0x9c: {  	[sflag:s29] =	ssyncset.done $0x0  }
0x9d: {  	[sflag:s29] =	ssyncadd.s32 $0xFFFFFC00  }
0x9e: {  	_ =	swait.ge [sflag:s29], $0x400  }
0x9f: {  	[sflag:s29] =	ssyncset.done $0x0  }
0xa0: {  	s18 =	simm.s32 $0x5600;
	[sflag:s29] =	ssyncadd.s32 $0xFFFFFC00  }
0xa1: {  	[spmem:s2] =	stream.indirect.scatter.add.f32 [tilespmem:s24], [sflag:$0x2], $0x8, s18, s19, $0xb8;
	[tilespmem:$0xA000] =	vst v63  }
0xa2: {  	s1 =	simm.s32 $0x5680  }
0xa3: {  	[spmem:s2] =	stream.indirect.scatter.add.f32 [tilespmem:s25], [sflag:$0x2], $0x8, s1, s19, $0xb8;
	[tilespmem:$0xA000] =	vst v63  }
0xa4: {  	_ =	swait.ge [sflag:s29], $0x400  }
0xa5: {  	[sflag:s29] =	ssyncset.done $0x0  }
0xa6: {  	[sflag:s29] =	ssyncadd.s32 $0xFFFFFC00  }
0xa7: {  	_ =	swait.ge [sflag:s29], $0x400  }
0xa8: {  	[sflag:s29] =	ssyncset.done $0x0  }
0xa9: {  	s17 =	simm.s32 $0x5700;
	[sflag:s29] =	ssyncadd.s32 $0xFFFFFC00  }
0xaa: {  	[spmem:s2] =	stream.indirect.scatter.add.f32 [tilespmem:s26], [sflag:$0x2], $0x8, s17, s19, $0xb8;
	[tilespmem:$0xA000] =	vst v63  }
0xab: {  	s18 =	simm.s32 $0x5780  }
0xac: {  	[spmem:s2] =	stream.indirect.scatter.add.f32 [tilespmem:s28], [sflag:$0x2], $0x8, s18, s19, $0xb8;
	[tilespmem:$0xA000] =	vst v63  }
0xad: {  	_ =	swait.ge [sflag:s30], $0x400  }
0xae: {  	[sflag:s30] =	ssyncset.done $0x0  }
0xaf: {  	[sflag:s30] =	ssyncadd.s32 $0xFFFFFC00  }
0xb0: {  	_ =	swait.ge [sflag:s30], $0x400  }
0xb1: {  	[sflag:s30] =	ssyncset.done $0x0  }
0xb2: {  	[sflag:s30] =	ssyncadd.s32 $0xFFFFFC00  }
0xb3: {  	_ =	swait.ge [sflag:s30], $0x400  }
0xb4: {  	[sflag:s30] =	ssyncset.done $0x0  }
0xb5: {  	[sflag:s30] =	ssyncadd.s32 $0xFFFFFC00  }
0xb6: {  	_ =	swait.ge [sflag:s30], $0x400  }
0xb7: {  	[sflag:s30] =	ssyncset.done $0x0  }
0xb8: {  	[sflag:s30] =	ssyncadd.s32 $0xFFFFFC00  }
0xb9: {  	_ =	swait.ge [sflag:s30], $0x400  }
0xba: {  	[sflag:s30] =	ssyncset.done $0x0  }
0xbb: {  	[sflag:s30] =	ssyncadd.s32 $0xFFFFFC00  }
0xbc: {  	_ =	swait.ge [sflag:s30], $0x400  }
0xbd: {  	[sflag:s30] =	ssyncset.done $0x0  }
0xbe: {  	[sflag:s30] =	ssyncadd.s32 $0xFFFFFC00  }
0xbf: {  	_ =	swait.ge [sflag:s30], $0x400  }
0xc0: {  	[sflag:s30] =	ssyncset.done $0x0  }
0xc1: {  	[sflag:s30] =	ssyncadd.s32 $0xFFFFFC00  }
0xc2: {  	_ =	swait.ge [sflag:s30], $0x400  }
0xc3: {  	s31 =	simm.s32 $0x400;
	s17 =	simm.s32 $0x2000;
	[sflag:s30] =	ssyncset.done $0x0  }
.LBB2_6:
0xc4: {  	s18 =	sadd.s32 $0x2800, s31  }
0xc5: {  	[sflag:s30] =	ssyncadd.s32 $0xFFFFFC00;
	s1 =	smov.u32 s17;
	s0 =	sadd.s32 $0x1000, s17  }
0xc6: {  	[tilespmem:s20], [sflag:$0x1] =	stream.indirect.gather [spmem:s3], $0x8, s18, s19, $0xb8;
	[tilespmem:$0xA000] =	vst v63  }
0xc7: {  	p1 =	sne.s32 s17, $0x8000;
	s17 =	sadd.s32 $0x2880, s31  }
0xc8: {  	[tilespmem:s21], [sflag:$0x1] =	stream.indirect.gather [spmem:s3], $0x8, s17, s19, $0xb8;
	[tilespmem:$0xA000] =	vst v63  }
0xc9: {  	s17 =	sadd.s32 $0x2900, s31  }
0xca: {  	[tilespmem:s22], [sflag:$0x1] =	stream.indirect.gather [spmem:s3], $0x8, s17, s19, $0xb8;
	[tilespmem:$0xA000] =	vst v63  }
0xcb: {  	s17 =	sadd.s32 $0x2980, s31  }
0xcc: {  	[tilespmem:s23], [sflag:$0x1] =	stream.indirect.gather [spmem:s3], $0x8, s17, s19, $0xb8;
	[tilespmem:$0xA000] =	vst v63  }
0xcd: {  	s17 =	sadd.s32 $0x2A00, s31  }
0xce: {  	[tilespmem:s24], [sflag:$0x1] =	stream.indirect.gather [spmem:s3], $0x8, s17, s19, $0xb8;
	[tilespmem:$0xA000] =	vst v63  }
0xcf: {  	s17 =	sadd.s32 $0x2A80, s31  }
0xd0: {  	[tilespmem:s25], [sflag:$0x1] =	stream.indirect.gather [spmem:s3], $0x8, s17, s19, $0xb8;
	[tilespmem:$0xA000] =	vst v63  }
0xd1: {  	s17 =	sadd.s32 $0x2B00, s31  }
0xd2: {  	[tilespmem:s26], [sflag:$0x1] =	stream.indirect.gather [spmem:s3], $0x8, s17, s19, $0xb8;
	[tilespmem:$0xA000] =	vst v63  }
0xd3: {  	s17 =	sadd.s32 $0x2B80, s31  }
0xd4: {  	[tilespmem:s28], [sflag:$0x1] =	stream.indirect.gather [spmem:s3], $0x8, s17, s19, $0xb8;
	[tilespmem:$0xA000] =	vst v63  }
0xd5: {  	_ =	swait.ge [sflag:s29], $0x400  }
0xd6: {  	[sflag:s29] =	ssyncset.done $0x0  }
0xd7: {  	[sflag:s29] =	ssyncadd.s32 $0xFFFFFC00  }
0xd8: {  	_ =	swait.ge [sflag:s29], $0x400  }
0xd9: {  	[sflag:s29] =	ssyncset.done $0x0  }
0xda: {  	s17 =	sadd.s32 $0x5400, s31;
	[sflag:s29] =	ssyncadd.s32 $0xFFFFFC00  }
0xdb: {  	[spmem:s2] =	stream.indirect.scatter.add.f32 [tilespmem:s20], [sflag:$0x2], $0x8, s17, s19, $0xb8;
	[tilespmem:$0xA000] =	vst v63  }
0xdc: {  	s17 =	sadd.s32 $0x5480, s31  }
0xdd: {  	[spmem:s2] =	stream.indirect.scatter.add.f32 [tilespmem:s21], [sflag:$0x2], $0x8, s17, s19, $0xb8;
	[tilespmem:$0xA000] =	vst v63  }
0xde: {  	_ =	swait.ge [sflag:s29], $0x400  }
0xdf: {  	[sflag:s29] =	ssyncset.done $0x0  }
0xe0: {  	[sflag:s29] =	ssyncadd.s32 $0xFFFFFC00  }
0xe1: {  	_ =	swait.ge [sflag:s29], $0x400  }
0xe2: {  	[sflag:s29] =	ssyncset.done $0x0  }
0xe3: {  	s17 =	sadd.s32 $0x5500, s31;
	[sflag:s29] =	ssyncadd.s32 $0xFFFFFC00  }
0xe4: {  	[spmem:s2] =	stream.indirect.scatter.add.f32 [tilespmem:s22], [sflag:$0x2], $0x8, s17, s19, $0xb8;
	[tilespmem:$0xA000] =	vst v63  }
0xe5: {  	s17 =	sadd.s32 $0x5580, s31  }
0xe6: {  	[spmem:s2] =	stream.indirect.scatter.add.f32 [tilespmem:s23], [sflag:$0x2], $0x8, s17, s19, $0xb8;
	[tilespmem:$0xA000] =	vst v63  }
0xe7: {  	_ =	swait.ge [sflag:s29], $0x400  }
0xe8: {  	[sflag:s29] =	ssyncset.done $0x0  }
0xe9: {  	[sflag:s29] =	ssyncadd.s32 $0xFFFFFC00  }
0xea: {  	_ =	swait.ge [sflag:s29], $0x400  }
0xeb: {  	[sflag:s29] =	ssyncset.done $0x0  }
0xec: {  	s17 =	sadd.s32 $0x5600, s31;
	[sflag:s29] =	ssyncadd.s32 $0xFFFFFC00  }
0xed: {  	[spmem:s2] =	stream.indirect.scatter.add.f32 [tilespmem:s24], [sflag:$0x2], $0x8, s17, s19, $0xb8;
	[tilespmem:$0xA000] =	vst v63  }
0xee: {  	s17 =	sadd.s32 $0x5680, s31  }
0xef: {  	[spmem:s2] =	stream.indirect.scatter.add.f32 [tilespmem:s25], [sflag:$0x2], $0x8, s17, s19, $0xb8;
	[tilespmem:$0xA000] =	vst v63  }
0xf0: {  	_ =	swait.ge [sflag:s29], $0x400  }
0xf1: {  	[sflag:s29] =	ssyncset.done $0x0  }
0xf2: {  	[sflag:s29] =	ssyncadd.s32 $0xFFFFFC00  }
0xf3: {  	_ =	swait.ge [sflag:s29], $0x400  }
0xf4: {  	[sflag:s29] =	ssyncset.done $0x0  }
0xf5: {  	s17 =	sadd.s32 $0x5700, s31;
	[sflag:s29] =	ssyncadd.s32 $0xFFFFFC00  }
0xf6: {  	[spmem:s2] =	stream.indirect.scatter.add.f32 [tilespmem:s26], [sflag:$0x2], $0x8, s17, s19, $0xb8;
	[tilespmem:$0xA000] =	vst v63  }
0xf7: {  	s17 =	sadd.s32 $0x5780, s31  }
0xf8: {  	[spmem:s2] =	stream.indirect.scatter.add.f32 [tilespmem:s28], [sflag:$0x2], $0x8, s17, s19, $0xb8;
	[tilespmem:$0xA000] =	vst v63  }
0xf9: {  	_ =	swait.ge [sflag:s30], $0x400  }
0xfa: {  	[sflag:s30] =	ssyncset.done $0x0  }
0xfb: {  	[sflag:s30] =	ssyncadd.s32 $0xFFFFFC00  }
0xfc: {  	_ =	swait.ge [sflag:s30], $0x400  }
0xfd: {  	[sflag:s30] =	ssyncset.done $0x0  }
0xfe: {  	[sflag:s30] =	ssyncadd.s32 $0xFFFFFC00  }
0xff: {  	_ =	swait.ge [sflag:s30], $0x400  }
0x100: {  	[sflag:s30] =	ssyncset.done $0x0  }
0x101: {  	[sflag:s30] =	ssyncadd.s32 $0xFFFFFC00  }
0x102: {  	_ =	swait.ge [sflag:s30], $0x400  }
0x103: {  	[sflag:s30] =	ssyncset.done $0x0  }
0x104: {  	[sflag:s30] =	ssyncadd.s32 $0xFFFFFC00  }
0x105: {  	_ =	swait.ge [sflag:s30], $0x400  }
0x106: {  	[sflag:s30] =	ssyncset.done $0x0  }
0x107: {  	[sflag:s30] =	ssyncadd.s32 $0xFFFFFC00  }
0x108: {  	_ =	swait.ge [sflag:s30], $0x400  }
0x109: {  	[sflag:s30] =	ssyncset.done $0x0  }
0x10a: {  	[sflag:s30] =	ssyncadd.s32 $0xFFFFFC00  }
.Ltmp3:
0x10b: {  	_ =	swait.ge [sflag:s30], $0x400;
	(pc) =	sbr.rel @p1 .LBB2_6-.Ltmp3, $4  }
0x10c: {  	[sflag:s30] =	ssyncset.done $0x0  }
0x10d: {  	[sflag:s30] =	ssyncadd.s32 $0xFFFFFC00  }
0x10e: {  	_ =	swait.ge [sflag:s30], $0x400  }
0x10f: {  	s31 =	sshra.s32 s1, $0x2;
	s17 =	smov.u32 s0;
	[sflag:s30] =	ssyncset.done $0x0  }
.Ltmp4:
0x110: {  	_ = 	snop;
	(pc) =	sbr.rel .LBB2_7-.Ltmp4, $1  }
0x111: {  	_ =	sdelay $0x3  }
.LBB2_2:
0x112: {  	[tilespmem:s1], [sflag:$0x3] =	stream.linear.gather [hbm4b:s8+s0], $0x2C00, $0x38;
	[tilespmem:$0xA000] =	vst v63  }
0x113: {  	_ =	swait.ge [sflag:s15], $0x2C00  }
0x114: {  	[sflag:s15] =	ssyncset.done $0x0  }
0x115: {  	s17 =	simm.s32 $0x5400;
	[sflag:s15] =	ssyncadd.s32 $0xFFFFD400  }
0x116: {  	[tilespmem:s17], [sflag:$0x3] =	stream.linear.gather [hbm4b:s9+s0], $0x2C00, $0x38;
	[tilespmem:$0xA000] =	vst v63  }
0x117: {  	_ =	swait.ge [sflag:s15], $0x2C00  }
0x118: {  	[sflag:s15] =	ssyncset.done $0x0  }
0x119: {  	[sflag:s15] =	ssyncadd.s32 $0xFFFFD400  }
0x11a: {  	s18 =	simm.s32 $0x2800;
	[bflag:$0x0] =	sbarrier.arrive $0xFFFF  }
0x11b: {  	[tilespmem:s20], [sflag:$0x1] =	stream.indirect.gather [spmem:s3], $0x8, s18, s19, $0xb8;
	[tilespmem:$0xA000] =	vst v63  }
0x11c: {  	s1 =	simm.s32 $0x2880  }
0x11d: {  	[tilespmem:s21], [sflag:$0x1] =	stream.indirect.gather [spmem:s3], $0x8, s1, s19, $0xb8;
	[tilespmem:$0xA000] =	vst v63  }
0x11e: {  	s17 =	simm.s32 $0x2900  }
0x11f: {  	[tilespmem:s22], [sflag:$0x1] =	stream.indirect.gather [spmem:s3], $0x8, s17, s19, $0xb8;
	[tilespmem:$0xA000] =	vst v63  }
0x120: {  	s18 =	simm.s32 $0x2980  }
0x121: {  	[tilespmem:s23], [sflag:$0x1] =	stream.indirect.gather [spmem:s3], $0x8, s18, s19, $0xb8;
	[tilespmem:$0xA000] =	vst v63  }
0x122: {  	s1 =	simm.s32 $0x2A00  }
0x123: {  	[tilespmem:s24], [sflag:$0x1] =	stream.indirect.gather [spmem:s3], $0x8, s1, s19, $0xb8;
	[tilespmem:$0xA000] =	vst v63  }
0x124: {  	s17 =	simm.s32 $0x2A80  }
0x125: {  	[tilespmem:s25], [sflag:$0x1] =	stream.indirect.gather [spmem:s3], $0x8, s17, s19, $0xb8;
	[tilespmem:$0xA000] =	vst v63  }
0x126: {  	s18 =	simm.s32 $0x2B00  }
0x127: {  	[tilespmem:s26], [sflag:$0x1] =	stream.indirect.gather [spmem:s3], $0x8, s18, s19, $0xb8;
	[tilespmem:$0xA000] =	vst v63  }
0x128: {  	s1 =	simm.s32 $0x2B80  }
0x129: {  	[tilespmem:s28], [sflag:$0x1] =	stream.indirect.gather [spmem:s3], $0x8, s1, s19, $0xb8;
	[tilespmem:$0xA000] =	vst v63  }
0x12a: {  	_ =	swait.ge [sflag:s29], $0x400  }
0x12b: {  	[sflag:s29] =	ssyncset.done $0x0  }
0x12c: {  	[sflag:s29] =	ssyncadd.s32 $0xFFFFFC00  }
0x12d: {  	_ =	swait.ge [sflag:s29], $0x400  }
0x12e: {  	[sflag:s29] =	ssyncset.done $0x0  }
0x12f: {  	s17 =	simm.s32 $0x5400;
	[sflag:s29] =	ssyncadd.s32 $0xFFFFFC00  }
0x130: {  	[spmem:s2] =	stream.indirect.scatter.add.f32 [tilespmem:s20], [sflag:$0x2], $0x8, s17, s19, $0xb8;
	[tilespmem:$0xA000] =	vst v63  }
0x131: {  	s18 =	simm.s32 $0x5480  }
0x132: {  	[spmem:s2] =	stream.indirect.scatter.add.f32 [tilespmem:s21], [sflag:$0x2], $0x8, s18, s19, $0xb8;
	[tilespmem:$0xA000] =	vst v63  }
0x133: {  	_ =	swait.ge [sflag:s29], $0x400  }
0x134: {  	[sflag:s29] =	ssyncset.done $0x0  }
0x135: {  	[sflag:s29] =	ssyncadd.s32 $0xFFFFFC00  }
0x136: {  	_ =	swait.ge [sflag:s29], $0x400  }
0x137: {  	[sflag:s29] =	ssyncset.done $0x0  }
0x138: {  	s1 =	simm.s32 $0x5500;
	[sflag:s29] =	ssyncadd.s32 $0xFFFFFC00  }
0x139: {  	[spmem:s2] =	stream.indirect.scatter.add.f32 [tilespmem:s22], [sflag:$0x2], $0x8, s1, s19, $0xb8;
	[tilespmem:$0xA000] =	vst v63  }
0x13a: {  	s17 =	simm.s32 $0x5580  }
0x13b: {  	[spmem:s2] =	stream.indirect.scatter.add.f32 [tilespmem:s23], [sflag:$0x2], $0x8, s17, s19, $0xb8;
	[tilespmem:$0xA000] =	vst v63  }
0x13c: {  	_ =	swait.ge [sflag:s29], $0x400  }
0x13d: {  	[sflag:s29] =	ssyncset.done $0x0  }
0x13e: {  	[sflag:s29] =	ssyncadd.s32 $0xFFFFFC00  }
0x13f: {  	_ =	swait.ge [sflag:s29], $0x400  }
0x140: {  	[sflag:s29] =	ssyncset.done $0x0  }
0x141: {  	s18 =	simm.s32 $0x5600;
	[sflag:s29] =	ssyncadd.s32 $0xFFFFFC00  }
0x142: {  	[spmem:s2] =	stream.indirect.scatter.add.f32 [tilespmem:s24], [sflag:$0x2], $0x8, s18, s19, $0xb8;
	[tilespmem:$0xA000] =	vst v63  }
0x143: {  	s1 =	simm.s32 $0x5680  }
0x144: {  	[spmem:s2] =	stream.indirect.scatter.add.f32 [tilespmem:s25], [sflag:$0x2], $0x8, s1, s19, $0xb8;
	[tilespmem:$0xA000] =	vst v63  }
0x145: {  	_ =	swait.ge [sflag:s29], $0x400  }
0x146: {  	[sflag:s29] =	ssyncset.done $0x0  }
0x147: {  	[sflag:s29] =	ssyncadd.s32 $0xFFFFFC00  }
0x148: {  	_ =	swait.ge [sflag:s29], $0x400  }
0x149: {  	[sflag:s29] =	ssyncset.done $0x0  }
0x14a: {  	s17 =	simm.s32 $0x5700;
	[sflag:s29] =	ssyncadd.s32 $0xFFFFFC00  }
0x14b: {  	[spmem:s2] =	stream.indirect.scatter.add.f32 [tilespmem:s26], [sflag:$0x2], $0x8, s17, s19, $0xb8;
	[tilespmem:$0xA000] =	vst v63  }
0x14c: {  	s18 =	simm.s32 $0x5780  }
0x14d: {  	[spmem:s2] =	stream.indirect.scatter.add.f32 [tilespmem:s28], [sflag:$0x2], $0x8, s18, s19, $0xb8;
	[tilespmem:$0xA000] =	vst v63  }
0x14e: {  	_ =	swait.ge [sflag:s30], $0x400  }
0x14f: {  	[sflag:s30] =	ssyncset.done $0x0  }
0x150: {  	[sflag:s30] =	ssyncadd.s32 $0xFFFFFC00  }
0x151: {  	_ =	swait.ge [sflag:s30], $0x400  }
0x152: {  	[sflag:s30] =	ssyncset.done $0x0  }
0x153: {  	[sflag:s30] =	ssyncadd.s32 $0xFFFFFC00  }
0x154: {  	_ =	swait.ge [sflag:s30], $0x400  }
0x155: {  	[sflag:s30] =	ssyncset.done $0x0  }
0x156: {  	[sflag:s30] =	ssyncadd.s32 $0xFFFFFC00  }
0x157: {  	_ =	swait.ge [sflag:s30], $0x400  }
0x158: {  	[sflag:s30] =	ssyncset.done $0x0  }
0x159: {  	[sflag:s30] =	ssyncadd.s32 $0xFFFFFC00  }
0x15a: {  	_ =	swait.ge [sflag:s30], $0x400  }
0x15b: {  	[sflag:s30] =	ssyncset.done $0x0  }
0x15c: {  	[sflag:s30] =	ssyncadd.s32 $0xFFFFFC00  }
0x15d: {  	_ =	swait.ge [sflag:s30], $0x400  }
0x15e: {  	[sflag:s30] =	ssyncset.done $0x0  }
0x15f: {  	[sflag:s30] =	ssyncadd.s32 $0xFFFFFC00  }
0x160: {  	_ =	swait.ge [sflag:s30], $0x400  }
0x161: {  	[sflag:s30] =	ssyncset.done $0x0  }
0x162: {  	[sflag:s30] =	ssyncadd.s32 $0xFFFFFC00  }
0x163: {  	_ =	swait.ge [sflag:s30], $0x400  }
0x164: {  	s31 =	simm.s32 $0x400;
	s0 =	simm.s32 $0x2000;
	[sflag:s30] =	ssyncset.done $0x0  }
.LBB2_3:
0x165: {  	s18 =	sadd.s32 $0x2800, s31  }
0x166: {  	[sflag:s30] =	ssyncadd.s32 $0xFFFFFC00;
	s1 =	smov.u32 s0;
	s17 =	sadd.s32 $0x1000, s0  }
0x167: {  	[tilespmem:s20], [sflag:$0x1] =	stream.indirect.gather [spmem:s3], $0x8, s18, s19, $0xb8;
	[tilespmem:$0xA000] =	vst v63  }
0x168: {  	p1 =	seq.s32 s0, $0xA000;
	s0 =	sadd.s32 $0x2880, s31  }
0x169: {  	[tilespmem:s21], [sflag:$0x1] =	stream.indirect.gather [spmem:s3], $0x8, s0, s19, $0xb8;
	[tilespmem:$0xA000] =	vst v63  }
0x16a: {  	s0 =	sadd.s32 $0x2900, s31  }
0x16b: {  	[tilespmem:s22], [sflag:$0x1] =	stream.indirect.gather [spmem:s3], $0x8, s0, s19, $0xb8;
	[tilespmem:$0xA000] =	vst v63  }
0x16c: {  	s0 =	sadd.s32 $0x2980, s31  }
0x16d: {  	[tilespmem:s23], [sflag:$0x1] =	stream.indirect.gather [spmem:s3], $0x8, s0, s19, $0xb8;
	[tilespmem:$0xA000] =	vst v63  }
0x16e: {  	s0 =	sadd.s32 $0x2A00, s31  }
0x16f: {  	[tilespmem:s24], [sflag:$0x1] =	stream.indirect.gather [spmem:s3], $0x8, s0, s19, $0xb8;
	[tilespmem:$0xA000] =	vst v63  }
0x170: {  	s0 =	sadd.s32 $0x2A80, s31  }
0x171: {  	[tilespmem:s25], [sflag:$0x1] =	stream.indirect.gather [spmem:s3], $0x8, s0, s19, $0xb8;
	[tilespmem:$0xA000] =	vst v63  }
0x172: {  	s0 =	sadd.s32 $0x2B00, s31  }
0x173: {  	[tilespmem:s26], [sflag:$0x1] =	stream.indirect.gather [spmem:s3], $0x8, s0, s19, $0xb8;
	[tilespmem:$0xA000] =	vst v63  }
0x174: {  	s0 =	sadd.s32 $0x2B80, s31  }
0x175: {  	[tilespmem:s28], [sflag:$0x1] =	stream.indirect.gather [spmem:s3], $0x8, s0, s19, $0xb8;
	[tilespmem:$0xA000] =	vst v63  }
0x176: {  	_ =	swait.ge [sflag:s29], $0x400  }
0x177: {  	[sflag:s29] =	ssyncset.done $0x0  }
0x178: {  	[sflag:s29] =	ssyncadd.s32 $0xFFFFFC00  }
0x179: {  	_ =	swait.ge [sflag:s29], $0x400  }
0x17a: {  	[sflag:s29] =	ssyncset.done $0x0  }
0x17b: {  	s0 =	sadd.s32 $0x5400, s31;
	[sflag:s29] =	ssyncadd.s32 $0xFFFFFC00  }
0x17c: {  	[spmem:s2] =	stream.indirect.scatter.add.f32 [tilespmem:s20], [sflag:$0x2], $0x8, s0, s19, $0xb8;
	[tilespmem:$0xA000] =	vst v63  }
0x17d: {  	s0 =	sadd.s32 $0x5480, s31  }
0x17e: {  	[spmem:s2] =	stream.indirect.scatter.add.f32 [tilespmem:s21], [sflag:$0x2], $0x8, s0, s19, $0xb8;
	[tilespmem:$0xA000] =	vst v63  }
0x17f: {  	_ =	swait.ge [sflag:s29], $0x400  }
0x180: {  	[sflag:s29] =	ssyncset.done $0x0  }
0x181: {  	[sflag:s29] =	ssyncadd.s32 $0xFFFFFC00  }
0x182: {  	_ =	swait.ge [sflag:s29], $0x400  }
0x183: {  	[sflag:s29] =	ssyncset.done $0x0  }
0x184: {  	s0 =	sadd.s32 $0x5500, s31;
	[sflag:s29] =	ssyncadd.s32 $0xFFFFFC00  }
0x185: {  	[spmem:s2] =	stream.indirect.scatter.add.f32 [tilespmem:s22], [sflag:$0x2], $0x8, s0, s19, $0xb8;
	[tilespmem:$0xA000] =	vst v63  }
0x186: {  	s0 =	sadd.s32 $0x5580, s31  }
0x187: {  	[spmem:s2] =	stream.indirect.scatter.add.f32 [tilespmem:s23], [sflag:$0x2], $0x8, s0, s19, $0xb8;
	[tilespmem:$0xA000] =	vst v63  }
0x188: {  	_ =	swait.ge [sflag:s29], $0x400  }
0x189: {  	[sflag:s29] =	ssyncset.done $0x0  }
0x18a: {  	[sflag:s29] =	ssyncadd.s32 $0xFFFFFC00  }
0x18b: {  	_ =	swait.ge [sflag:s29], $0x400  }
0x18c: {  	[sflag:s29] =	ssyncset.done $0x0  }
0x18d: {  	s0 =	sadd.s32 $0x5600, s31;
	[sflag:s29] =	ssyncadd.s32 $0xFFFFFC00  }
0x18e: {  	[spmem:s2] =	stream.indirect.scatter.add.f32 [tilespmem:s24], [sflag:$0x2], $0x8, s0, s19, $0xb8;
	[tilespmem:$0xA000] =	vst v63  }
0x18f: {  	s0 =	sadd.s32 $0x5680, s31  }
0x190: {  	[spmem:s2] =	stream.indirect.scatter.add.f32 [tilespmem:s25], [sflag:$0x2], $0x8, s0, s19, $0xb8;
	[tilespmem:$0xA000] =	vst v63  }
0x191: {  	_ =	swait.ge [sflag:s29], $0x400  }
0x192: {  	[sflag:s29] =	ssyncset.done $0x0  }
0x193: {  	[sflag:s29] =	ssyncadd.s32 $0xFFFFFC00  }
0x194: {  	_ =	swait.ge [sflag:s29], $0x400  }
0x195: {  	[sflag:s29] =	ssyncset.done $0x0  }
0x196: {  	s0 =	sadd.s32 $0x5700, s31;
	[sflag:s29] =	ssyncadd.s32 $0xFFFFFC00  }
0x197: {  	[spmem:s2] =	stream.indirect.scatter.add.f32 [tilespmem:s26], [sflag:$0x2], $0x8, s0, s19, $0xb8;
	[tilespmem:$0xA000] =	vst v63  }
0x198: {  	s0 =	sadd.s32 $0x5780, s31  }
0x199: {  	[spmem:s2] =	stream.indirect.scatter.add.f32 [tilespmem:s28], [sflag:$0x2], $0x8, s0, s19, $0xb8;
	[tilespmem:$0xA000] =	vst v63  }
0x19a: {  	_ =	swait.ge [sflag:s30], $0x400  }
0x19b: {  	[sflag:s30] =	ssyncset.done $0x0  }
0x19c: {  	[sflag:s30] =	ssyncadd.s32 $0xFFFFFC00  }
0x19d: {  	_ =	swait.ge [sflag:s30], $0x400  }
0x19e: {  	[sflag:s30] =	ssyncset.done $0x0  }
0x19f: {  	[sflag:s30] =	ssyncadd.s32 $0xFFFFFC00  }
0x1a0: {  	_ =	swait.ge [sflag:s30], $0x400  }
0x1a1: {  	[sflag:s30] =	ssyncset.done $0x0  }
0x1a2: {  	[sflag:s30] =	ssyncadd.s32 $0xFFFFFC00  }
0x1a3: {  	_ =	swait.ge [sflag:s30], $0x400  }
0x1a4: {  	[sflag:s30] =	ssyncset.done $0x0  }
0x1a5: {  	[sflag:s30] =	ssyncadd.s32 $0xFFFFFC00  }
0x1a6: {  	_ =	swait.ge [sflag:s30], $0x400  }
0x1a7: {  	[sflag:s30] =	ssyncset.done $0x0  }
0x1a8: {  	[sflag:s30] =	ssyncadd.s32 $0xFFFFFC00  }
0x1a9: {  	_ =	swait.ge [sflag:s30], $0x400  }
0x1aa: {  	[sflag:s30] =	ssyncset.done $0x0  }
0x1ab: {  	[sflag:s30] =	ssyncadd.s32 $0xFFFFFC00  }
.Ltmp5:
0x1ac: {  	_ =	swait.ge [sflag:s30], $0x400;
	(pc) =	sbr.rel @!p1 .LBB2_3-.Ltmp5, $4  }
0x1ad: {  	[sflag:s30] =	ssyncset.done $0x0  }
0x1ae: {  	[sflag:s30] =	ssyncadd.s32 $0xFFFFFC00  }
0x1af: {  	_ =	swait.ge [sflag:s30], $0x400  }
0x1b0: {  	s31 =	sshra.s32 s1, $0x2;
	s0 =	smov.u32 s17;
	[sflag:s30] =	ssyncset.done $0x0  }
0x1b1: {  	s0 =	sadd.s32 $0x2800, s31;
	[sflag:s30] =	ssyncadd.s32 $0xFFFFFC00  }
0x1b2: {  	[tilespmem:s20], [sflag:$0x1] =	stream.indirect.gather [spmem:s3], $0x8, s0, s19, $0xb8;
	[tilespmem:$0xA000] =	vst v63  }
0x1b3: {  	s17 =	sadd.s32 $0x2880, s31  }
0x1b4: {  	[tilespmem:s21], [sflag:$0x1] =	stream.indirect.gather [spmem:s3], $0x8, s17, s19, $0xb8;
	[tilespmem:$0xA000] =	vst v63  }
0x1b5: {  	s18 =	sadd.s32 $0x2900, s31  }
0x1b6: {  	[tilespmem:s22], [sflag:$0x1] =	stream.indirect.gather [spmem:s3], $0x8, s18, s19, $0xb8;
	[tilespmem:$0xA000] =	vst v63  }
0x1b7: {  	s1 =	sadd.s32 $0x2980, s31  }
0x1b8: {  	[tilespmem:s23], [sflag:$0x1] =	stream.indirect.gather [spmem:s3], $0x8, s1, s19, $0xb8;
	[tilespmem:$0xA000] =	vst v63  }
0x1b9: {  	s17 =	sadd.s32 $0x2A00, s31  }
0x1ba: {  	[tilespmem:s24], [sflag:$0x1] =	stream.indirect.gather [spmem:s3], $0x8, s17, s19, $0xb8;
	[tilespmem:$0xA000] =	vst v63  }
0x1bb: {  	s18 =	sadd.s32 $0x2A80, s31  }
0x1bc: {  	[tilespmem:s25], [sflag:$0x1] =	stream.indirect.gather [spmem:s3], $0x8, s18, s19, $0xb8;
	[tilespmem:$0xA000] =	vst v63  }
0x1bd: {  	s1 =	sadd.s32 $0x2B00, s31  }
0x1be: {  	[tilespmem:s26], [sflag:$0x1] =	stream.indirect.gather [spmem:s3], $0x8, s1, s19, $0xb8;
	[tilespmem:$0xA000] =	vst v63  }
0x1bf: {  	s17 =	sadd.s32 $0x2B80, s31  }
0x1c0: {  	[tilespmem:s28], [sflag:$0x1] =	stream.indirect.gather [spmem:s3], $0x8, s17, s19, $0xb8;
	[tilespmem:$0xA000] =	vst v63  }
0x1c1: {  	_ =	swait.ge [sflag:s29], $0x400  }
0x1c2: {  	[sflag:s29] =	ssyncset.done $0x0  }
0x1c3: {  	[sflag:s29] =	ssyncadd.s32 $0xFFFFFC00  }
0x1c4: {  	_ =	swait.ge [sflag:s29], $0x400  }
0x1c5: {  	[sflag:s29] =	ssyncset.done $0x0  }
0x1c6: {  	s18 =	sadd.s32 $0x5400, s31;
	[sflag:s29] =	ssyncadd.s32 $0xFFFFFC00  }
0x1c7: {  	[spmem:s2] =	stream.indirect.scatter.add.f32 [tilespmem:s20], [sflag:$0x2], $0x8, s18, s19, $0xb8;
	[tilespmem:$0xA000] =	vst v63  }
0x1c8: {  	s1 =	sadd.s32 $0x5480, s31  }
0x1c9: {  	[spmem:s2] =	stream.indirect.scatter.add.f32 [tilespmem:s21], [sflag:$0x2], $0x8, s1, s19, $0xb8;
	[tilespmem:$0xA000] =	vst v63  }
0x1ca: {  	_ =	swait.ge [sflag:s29], $0x400  }
0x1cb: {  	[sflag:s29] =	ssyncset.done $0x0  }
0x1cc: {  	[sflag:s29] =	ssyncadd.s32 $0xFFFFFC00  }
0x1cd: {  	_ =	swait.ge [sflag:s29], $0x400  }
0x1ce: {  	[sflag:s29] =	ssyncset.done $0x0  }
0x1cf: {  	s17 =	sadd.s32 $0x5500, s31;
	[sflag:s29] =	ssyncadd.s32 $0xFFFFFC00  }
0x1d0: {  	[spmem:s2] =	stream.indirect.scatter.add.f32 [tilespmem:s22], [sflag:$0x2], $0x8, s17, s19, $0xb8;
	[tilespmem:$0xA000] =	vst v63  }
0x1d1: {  	s18 =	sadd.s32 $0x5580, s31  }
0x1d2: {  	[spmem:s2] =	stream.indirect.scatter.add.f32 [tilespmem:s23], [sflag:$0x2], $0x8, s18, s19, $0xb8;
	[tilespmem:$0xA000] =	vst v63  }
0x1d3: {  	_ =	swait.ge [sflag:s29], $0x400  }
0x1d4: {  	[sflag:s29] =	ssyncset.done $0x0  }
0x1d5: {  	[sflag:s29] =	ssyncadd.s32 $0xFFFFFC00  }
0x1d6: {  	_ =	swait.ge [sflag:s29], $0x400  }
0x1d7: {  	[sflag:s29] =	ssyncset.done $0x0  }
0x1d8: {  	s1 =	sadd.s32 $0x5600, s31;
	[sflag:s29] =	ssyncadd.s32 $0xFFFFFC00  }
0x1d9: {  	[spmem:s2] =	stream.indirect.scatter.add.f32 [tilespmem:s24], [sflag:$0x2], $0x8, s1, s19, $0xb8;
	[tilespmem:$0xA000] =	vst v63  }
0x1da: {  	s17 =	sadd.s32 $0x5680, s31  }
0x1db: {  	[spmem:s2] =	stream.indirect.scatter.add.f32 [tilespmem:s25], [sflag:$0x2], $0x8, s17, s19, $0xb8;
	[tilespmem:$0xA000] =	vst v63  }
0x1dc: {  	_ =	swait.ge [sflag:s29], $0x400  }
0x1dd: {  	[sflag:s29] =	ssyncset.done $0x0  }
0x1de: {  	[sflag:s29] =	ssyncadd.s32 $0xFFFFFC00  }
0x1df: {  	_ =	swait.ge [sflag:s29], $0x400  }
0x1e0: {  	[sflag:s29] =	ssyncset.done $0x0  }
0x1e1: {  	s18 =	sadd.s32 $0x5700, s31;
	[sflag:s29] =	ssyncadd.s32 $0xFFFFFC00  }
0x1e2: {  	[spmem:s2] =	stream.indirect.scatter.add.f32 [tilespmem:s26], [sflag:$0x2], $0x8, s18, s19, $0xb8;
	[tilespmem:$0xA000] =	vst v63  }
0x1e3: {  	s31 =	sadd.s32 $0x5780, s31  }
0x1e4: {  	[spmem:s2] =	stream.indirect.scatter.add.f32 [tilespmem:s28], [sflag:$0x2], $0x8, s31, s19, $0xb8;
	[tilespmem:$0xA000] =	vst v63  }
0x1e5: {  	_ =	swait.ge [sflag:s30], $0x400  }
0x1e6: {  	[sflag:s30] =	ssyncset.done $0x0  }
0x1e7: {  	[sflag:s30] =	ssyncadd.s32 $0xFFFFFC00  }
0x1e8: {  	_ =	swait.ge [sflag:s30], $0x400  }
0x1e9: {  	[sflag:s30] =	ssyncset.done $0x0  }
0x1ea: {  	[sflag:s30] =	ssyncadd.s32 $0xFFFFFC00  }
0x1eb: {  	_ =	swait.ge [sflag:s30], $0x400  }
0x1ec: {  	[sflag:s30] =	ssyncset.done $0x0  }
0x1ed: {  	[sflag:s30] =	ssyncadd.s32 $0xFFFFFC00  }
0x1ee: {  	_ =	swait.ge [sflag:s30], $0x400  }
0x1ef: {  	[sflag:s30] =	ssyncset.done $0x0  }
0x1f0: {  	[sflag:s30] =	ssyncadd.s32 $0xFFFFFC00  }
0x1f1: {  	_ =	swait.ge [sflag:s30], $0x400  }
0x1f2: {  	[sflag:s30] =	ssyncset.done $0x0  }
0x1f3: {  	[sflag:s30] =	ssyncadd.s32 $0xFFFFFC00  }
0x1f4: {  	_ =	swait.ge [sflag:s30], $0x400  }
0x1f5: {  	[sflag:s30] =	ssyncset.done $0x0  }
0x1f6: {  	[sflag:s30] =	ssyncadd.s32 $0xFFFFFC00  }
0x1f7: {  	_ =	swait.ge [sflag:s30], $0x400  }
.Ltmp6:
0x1f8: {  	[sflag:s30] =	ssyncset.done $0x0;
	(pc) =	sbr.rel .LBB2_8-.Ltmp6, $4  }
0x1f9: {  	[sflag:s30] =	ssyncadd.s32 $0xFFFFFC00  }
0x1fa: {  	_ =	swait.ge [sflag:s30], $0x400  }
0x1fb: {  	[sflag:s30] =	ssyncset.done $0x0  }
0x1fc: {  	[sflag:s30] =	ssyncadd.s32 $0xFFFFFC00  }
.LBB2_9:
0x1fd: {  	_ =	sfence.sel $0x180000  }
0x1fe: {  	[bflag:$0x0] =	sbarrier.arrive $0xFFFF  }
0x1ff: {  	_ =	strace $0x9000004A  }
0x200: {  	s0 =	stileid.u32;
	[bflag:$0x2] =	sbarrier.arrive $0xFFFF  }
0x201: {  	p0 =	sne.s32 s0, $0x0;
	s0 =	rddreg [dreg:$0x4]  }
0x202: {  	s0 =	sadd.s32 @!p0 $0x100000, s0  }
0x203: {  	[sflag:s0] =	ssyncadd.tile.s32 @!p0 $0x1;
	_ =	shalt  }
.Lfunc_end2:
_tile_overlayer_lowered:
.L_overlay_start_2:
0x204: {  	(tag) =	ssettag $0x2  }
0x205: {  	s0 =	rddreg [dreg:$0x0];
	s2 =	stileid.u32  }
0x206: {  	s1 =	rddreg [dreg:$0x1];
	p0 =	sne.s32 s2, $0x0  }
0x207: {  	s3 =	rddreg [dreg:$0x2];
	[bflag:$0x3] =	sbarrier.arrive $0xFFFF;
	s2 =	simm.s32 @!p0 $0x1C03  }
0x208: {  	[timem:s3], [sflag:s2] =	dma.local @!p0 [hbm:s0], s1  }
0x209: {  	s0 =	simm.s32 @!p0 $0x3  }
0x20a: {  	_ =	swait.ge @!p0 [sflag:s0], s1  }
0x20b: {  	s1 =	ssub.s32 @!p0 $0x0, s1;
	[sflag:s0] =	ssyncset.done @!p0 $0x0  }
0x20c: {  	[sflag:s0] =	ssyncadd.s32 @!p0 s1  }
0x20d: {  	[bflag:$0x3] =	sbarrier.arrive $0xFFFF  }
0x20e: {  	_ =	shalt  }

// kernel: kernel.17.cloned.1.call-start
scs
__scs_entry_jumppad:
0x0: {  	(pc) =	sbr.rel $0x88, $3  }
0x1: {  	(tag) =	ssettag $0x0;
	lr =	simm.s32 $0x1  }
0x2: {  	[smem:$0x3F97] =	sst lr;
	_ =	strace $0xD0000000  }
0x3: {  	_ = 	snop  }
0x4: {  	_ = 	snop  }
0x5: {  	_ = 	snop  }
0x6: {  	_ = 	snop  }
0x7: {  	_ = 	snop  }
__scs_overlays_trampoline_lowered:
0x8: {  	[smem:$0x3FA6] =	sst s0  }
0x9: {  	[smem:$0x3FA7] =	sst s1  }
0xa: {  	[smem:$0x3FA8] =	sst s2  }
0xb: {  	[smem:$0x3FA9] =	sst s3  }
0xc: {  	[smem:$0x3FAA] =	sst s4  }
0xd: {  	[smem:$0x3FAB] =	sst s5  }
0xe: {  	[smem:$0x3FAC] =	sst s6  }
0xf: {  	[smem:$0x3FAD] =	sst s7  }
0x10: {  	[smem:$0x3FAE] =	sst s8  }
0x11: {  	[smem:$0x3FAF] =	sst s9;
	s0 =	simm.s32 @!p0 $0x0  }
0x12: {  	s1 =	sld [smem:$0x3F95];
	s0 =	simm.s32 @p0 $0x1  }
0x13: {  	[smem:$0x3FB0] =	sst s0;
	s0 =	simm.s32 @!p1 $0x0  }
0x14: {  	s2 =	sld [smem:$0x3F94];
	s0 =	simm.s32 @p1 $0x1  }
0x15: {  	[smem:$0x3FB1] =	sst s0;
	s0 =	simm.s32 @!p2 $0x0  }
0x16: {  	s3 =	sld [smem:$0x3FDB];
	s0 =	simm.s32 @p2 $0x1  }
0x17: {  	s4 =	simm.s32 $0x1BF5;
	[smem:$0x3FB3] =	sst s0  }
0x18: {  	s0 =	sld [smem:$0x3F96];
	_ =	swait.ge [sflag:s4], $0x0  }
0x19: {  	s7 =	sld [smem:$0x3F97]  }
0x1a: {  	s8 =	sadd.s32 $0xFFFFE003, lr  }
0x1b: {  	s9 =	sadd.s32 $0xFFFFFEF7, lr;
	s5 =	simm.s32 $0xFFFFFFFF;
	p2 =	slt.u32 s8, $0xFFFFF086  }
0x1c: {  	p1 =	slt.u32 s9, $0xF7A;
	s5 =	simm.s32 @!p2 $0x0  }
0x1d: {  	s5 =	simm.s32 @p1 $0x1;
	p0 =	seq.s32 s7, s2  }
0x1e: {  	s7 =	smul.u32 @!p0 $0xF7A, s2;
	p2 =	seq.s32 @!p0 s5, $0x0  }
0x1f: {  	s9 =	smul.u32 $0xF7A, s1;
	s8 =	simm.s32 @!p0 $0x1BF5;
	p2 =	por !p2, p0  }
0x20: {  	[sflag:s8] =	ssyncset.s32 @!p0 $0xFFFFF086;
	s6 =	sadd.s32 @!p0 s3, s7;
	s7 =	simm.s32 @!p0 $0x108  }
0x21: {  	s3 =	sadd.s32 s3, s9;
	s6 =	sadd.s32 @!p0 $0x88, s6;
	s7 =	simm.s32 @p2 $0x1082  }
0x22: {  	[simem:s7], [sflag:s8] =	dma.local @!p0 [hbm:s6], $0xF7A  }
0x23: {  	s9 =	sor.u32 $0xD0000000, s2;
	s6 =	simm.s32 $0x108;
	_ =	swait.ge @!p0 [sflag:s8], $0x0  }
0x24: {  	s3 =	sadd.s32 $0x88, s3;
	s6 =	simm.s32 @!p1 $0x1082;
	[sflag:s4] =	ssyncset.s32 $0xFFFFF086  }
0x25: {  	[simem:s6], [sflag:s4] =	dma.local [hbm:s3], $0xF7A  }
0x26: {  	[smem:$0x3F97] =	sst s1;
	(tag) =	ssettag s2;
	_ =	strace s9  }
0x27: {  	s1 =	sld [smem:$0x3FA7]  }
0x28: {  	s2 =	sld [smem:$0x3FA8]  }
0x29: {  	s4 =	sld [smem:$0x3FAA]  }
0x2a: {  	p0 =	seq.s32 s5, $0x0;
	s5 =	sld [smem:$0x3FAB]  }
0x2b: {  	s6 =	sld [smem:$0x3FAC]  }
0x2c: {  	s7 =	sld [smem:$0x3FAD]  }
0x2d: {  	s3 =	simm.s32 $0x108;
	s8 =	sld [smem:$0x3FAE]  }
0x2e: {  	s3 =	simm.s32 @!p0 $0x1082;
	s9 =	sld [smem:$0x3FAF]  }
0x2f: {  	lr =	sadd.s32 s0, s3;
	s0 =	sld [smem:$0x3FA6]  }
0x30: {  	s3 =	sld [smem:$0x3FA9]  }
0x31: {  	[smem:$0x3FB2] =	sst s10  }
0x32: {  	s10 =	sld [smem:$0x3FB0];
	_ =	sdelay $0x3  }
0x33: {  	p0 =	seq.s32 s10, $0x1;
	s10 =	sld [smem:$0x3FB2];
	_ =	sdelay $0x3  }
0x34: {  	[smem:$0x3FB2] =	sst s10  }
0x35: {  	s10 =	sld [smem:$0x3FB1];
	_ =	sdelay $0x3  }
0x36: {  	p1 =	seq.s32 s10, $0x1;
	s10 =	sld [smem:$0x3FB2];
	_ =	sdelay $0x3  }
0x37: {  	[smem:$0x3FB2] =	sst s10  }
0x38: {  	s10 =	sld [smem:$0x3FB3]  }
0x39: {  	_ = 	snop;
	(pc) =	sbr.ind lr, $3  }
0x3a: {  	_ = 	snop  }
0x3b: {  	_ = 	snop  }
0x3c: {  	p2 =	seq.s32 s10, $0x1;
	s10 =	sld [smem:$0x3FB2]  }
0x3d: {  	_ =	shalt  }
0x3e: {  	_ =	shalt  }
0x3f: {  	_ =	shalt  }
0x40: {  	_ =	shalt  }
0x41: {  	_ =	shalt  }
0x42: {  	_ =	shalt  }
0x43: {  	_ =	shalt  }
0x44: {  	_ =	shalt  }
0x45: {  	_ =	shalt  }
0x46: {  	_ =	shalt  }
0x47: {  	_ =	shalt  }
0x48: {  	_ =	shalt  }
0x49: {  	_ =	shalt  }
0x4a: {  	_ =	shalt  }
0x4b: {  	_ =	shalt  }
0x4c: {  	_ =	shalt  }
0x4d: {  	_ =	shalt  }
0x4e: {  	_ =	shalt  }
0x4f: {  	_ =	shalt  }
0x50: {  	_ =	shalt  }
0x51: {  	_ =	shalt  }
0x52: {  	_ =	shalt  }
0x53: {  	_ =	shalt  }
0x54: {  	_ =	shalt  }
0x55: {  	_ =	shalt  }
0x56: {  	_ =	shalt  }
0x57: {  	_ =	shalt  }
0x58: {  	_ =	shalt  }
0x59: {  	_ =	shalt  }
0x5a: {  	_ =	shalt  }
0x5b: {  	_ =	shalt  }
0x5c: {  	_ =	shalt  }
0x5d: {  	_ =	shalt  }
0x5e: {  	_ =	shalt  }
0x5f: {  	_ =	shalt  }
0x60: {  	_ =	shalt  }
0x61: {  	_ =	shalt  }
0x62: {  	_ =	shalt  }
0x63: {  	_ =	shalt  }
0x64: {  	_ =	shalt  }
0x65: {  	_ =	shalt  }
0x66: {  	_ =	shalt  }
0x67: {  	_ =	shalt  }
0x68: {  	_ =	shalt  }
0x69: {  	_ =	shalt  }
0x6a: {  	_ =	shalt  }
0x6b: {  	_ =	shalt  }
0x6c: {  	_ =	shalt  }
0x6d: {  	_ =	shalt  }
0x6e: {  	_ =	shalt  }
0x6f: {  	_ =	shalt  }
0x70: {  	_ =	shalt  }
0x71: {  	_ =	shalt  }
0x72: {  	_ =	shalt  }
0x73: {  	_ =	shalt  }
0x74: {  	_ =	shalt  }
0x75: {  	_ =	shalt  }
0x76: {  	_ =	shalt  }
0x77: {  	_ =	shalt  }
0x78: {  	_ =	shalt  }
0x79: {  	_ =	shalt  }
0x7a: {  	_ =	shalt  }
0x7b: {  	_ =	shalt  }
0x7c: {  	_ =	shalt  }
0x7d: {  	_ =	shalt  }
0x7e: {  	_ =	shalt  }
0x7f: {  	_ =	shalt  }
0x80: {  	_ =	shalt  }
0x81: {  	_ =	shalt  }
0x82: {  	_ =	shalt  }
0x83: {  	_ =	shalt  }
0x84: {  	_ =	shalt  }
0x85: {  	_ =	shalt  }
0x86: {  	_ =	shalt  }
0x87: {  	_ =	shalt  }
.Lfunc_end0:
.L_simem_size_0:
called_computation.2_lowered:
.L_overlay_start_0:
0x88: {  	s2 =	sld [smem:$0x3FD9]  }
0x89: {  	s3 =	sld [smem:$0x3FFE];
	_ =	sdelay $0x1  }
0x8a: {  	s1 =	srdreg.scid  }
0x8b: {  	s0 =	sand.u32 $0x1, s1  }
0x8c: {  	s14 =	sshll.u32 s0, $0xA;
	s2 =	sadd.s32 s3, s2  }
0x8d: {  	s2 =	sadd.s32 s2, s14  }
0x8e: {  	[smem:$0x3FBE] =	sst s2  }
0x8f: {  	_ = 	snop  }
0x90: {  	s2 =	sld [smem:$0x3FD0];
	_ =	sdelay $0x2  }
0x91: {  	s15 =	simm.s32 $0xA;
	s4 =	simm.s32 $0x10  }
0x92: {  	[smem:s4], [sflag:s15] =	dma.local [hbm:s2], $0x1  }
0x93: {  	_ =	swait.eq [sflag:s15], $0x1  }
0x94: {  	[sflag:s15] =	ssyncset.done $0x0  }
0x95: {  	[sflag:s15] =	ssyncadd.s32 $0xFFFFFFFF  }
0x96: {  	s16 =	sld [smem:$0x10];
	(tm) =	ssettm $0x1  }
0x97: {  	s17 =	sld [smem:$0x3FFB];
	_ =	sdelay $0x3  }
0x98: {  	_ =	strace s17  }
0x99: {  	s3 =	sld [smem:$0x3FFC];
	_ =	sdelay $0x3  }
0x9a: {  	_ =	strace s3  }
0x9b: {  	s3 =	sld [smem:$0x3FFD];
	_ =	sdelay $0x3  }
0x9c: {  	_ =	strace s3  }
0x9d: {  	_ =	strace $0x8FFFFFFF  }
0x9e: {  	s18 =	sld [smem:$0x3FDB];
	_ =	sdelay $0x1  }
0x9f: {  	s19 =	simm.s32 $_scs_section_size  }
0xa0: {  	s5 =	simm.s32 $_size__tile_overlayer_lowered;
	s6 =	simm.s32 $_tile_overlayer_lowered  }
0xa1: {  	s22 =	simm.s32 $0x1BFF;
	s21 =	sshll.u32 s6, $0x1;
	s3 =	sadd.s32 s19, s18  }
0xa2: {  	s7 =	simm.s32 $0x0;
	s20 =	sshll.u32 s5, $0x1;
	s5 =	sadd.s32 s21, s3  }
0xa3: {  	[timem:s7], [sflag:s22] =	dma.local [hbm:s5], s20  }
0xa4: {  	_ =	swait.ge [sflag:s22], s20  }
0xa5: {  	s4 =	ssub.s32 $0x0, s20;
	[sflag:s22] =	ssyncset.done $0x0  }
0xa6: {  	[sflag:s22] =	ssyncadd.s32 s4;
	_ =	sdelay $0x1  }
0xa7: {  	s23 =	simm.s32 $0x1B8B  }
0xa8: {  	_ =	swait.ge [sflag:s23], $0x1  }
0xa9: {  	[sflag:s23] =	ssyncset.done $0x0  }
0xaa: {  	s25 =	simm.s32 $0x1B8E;
	s24 =	sld [smem:$0x3FFE];
	[sflag:s23] =	ssyncadd.s32 $0xFFFFFFFF  }
0xab: {  	s26 =	simm.s32 $execute0_lowered;
	[smem:$0x3FD2] =	sst s25  }
0xac: {  	s5 =	sshll.u32 s26, $0x1;
	_ =	strace $0x8000004C;
	[dreg:$0x1] =	wrdreg $0xFFFFFFFF  }
0xad: {  	s28 =	simm.s32 $_size_execute0_lowered;
	s3 =	sadd.s32 s3, s5;
	[dreg:$0x0] =	wrdreg $0x0  }
0xae: {  	s5 =	sshll.u32 s28, $0x1;
	[dreg:$0x2] =	wrdreg s3  }
0xaf: {  	[dreg:$0x3] =	wrdreg s5  }
0xb0: {  	[dreg:$0x4] =	wrdreg $0xC0  }
0xb1: {  	_ =	task [dreg:s7], $0x5FFFF  }
0xb2: {  	[dreg:$0x1] =	wrdreg $0xFFFFFFFF  }
0xb3: {  	[dreg:$0x0] =	wrdreg $0x60  }
0xb4: {  	[dreg:$0x2] =	wrdreg s24  }
0xb5: {  	[dreg:$0x3] =	wrdreg s16  }
0xb6: {  	[dreg:$0x4] =	wrdreg $0x0  }
0xb7: {  	[dreg:$0x5] =	wrdreg $0x14000  }
0xb8: {  	[dreg:$0x6] =	wrdreg $0x9  }
0xb9: {  	_ =	task.clear_ibuf [dreg:s7], $0x7FFFF;
	_ =	strace $0x9000004C  }
0xba: {  	s29 =	simm.s32 $0x9;
	_ =	strace $0x8000004E  }
0xbb: {  	_ =	swait.ge [sflag:s29], $0x1  }
0xbc: {  	[sflag:s29] =	ssyncadd.s32 $0xFFFFFFFF  }
0xbd: {  	_ =	strace $0x9000004E  }
0xbe: {  	_ =	sfence  }
0xbf: {  	s30 =	sld [smem:$0x0];
	_ =	sdelay $0x2  }
0xc0: {  	s31 =	sshll.u32 s1, $0xD;
	s1 =	sshrl.u32 s1, $0x2  }
0xc1: {  	s3 =	sand.u32 $0x4000, s31;
	s1 =	sadd.s32 s1, s30  }
0xc2: {  	s0 =	sor.u32 s3, s0;
	s1 =	sshll.u32 s1, $0x11  }
0xc3: {  	s0 =	sor.u32 s1, s0  }
0xc4: {  	s0 =	sadd.s32 $0x8F2B, s0  }
0xc5: {  	[sflag:s0] =	ssyncadd.remote.s32 $0x1  }
0xc6: {  	_ =	sfence.sel $0xFFFF  }
0xc7: {  	[dreg:$0x0] =	wrdreg $0xFFFFFFFF;
	(pc) =	sbr.abs _section_cstart, $3  }
0xc8: {  	[dreg:$0x1] =	wrdreg $0xFFFFFFFF  }
0xc9: {  	_ =	task.clear_ibuf [dreg:s7], $0x2FFFF;
	_ =	strace $0x9FFFFFFF  }
0xca: {  	(tm) =	ssettm $0x7FFFFFFF  }
0xcb: {  	_ =	shalt  }
tec
execute0_lowered:
.L_overlay_start_1:
0x0: {  	(tag) =	ssettag $0x1  }
0x1: {  	s0 =	rddreg [dreg:$0x0]  }
0x2: {  	s1 =	rddreg [dreg:$0x1]  }
0x3: {  	s2 =	rddreg [dreg:$0x2]  }
0x4: {  	s3 =	rddreg [dreg:$0x3]  }
0x5: {  	s16 =	stileid.u32;
	s5 =	srdreg.scid  }
0x6: {  	s4 =	simm.s32 $0x0;
	s19 =	simm.s32 $0x80;
	s20 =	simm.s32 $0x8000  }
0x7: {  	s21 =	simm.s32 $0x8400;
	s22 =	simm.s32 $0x8800;
	s28 =	simm.s32 $0x9C00  }
0x8: {  	s29 =	simm.s32 $0x1;
	s30 =	simm.s32 $0x2;
	s7 =	smul.u32 $0x1400, s16  }
0x9: {  	s8 =	sand.u32 $0x1, s5;
	[smem:$0x7FF] =	sst s4;
	s24 =	smul.u32 $0x2400, s16  }
0xa: {  	s11 =	sadd.s32 $0x12A00, s0;
	s13 =	sadd.s32 $0x3A00, s0;
	s25 =	smul.u32 $0x580, s16  }
0xb: {  	s23 =	sshll.u32 s16, $0x6;
	s5 =	smul.u32 $0x14000, s8;
	_ =	strace $0x8000004D  }
0xc: {  	s10 =	ssub.s32 $0x2, s8;
	p0 =	seq.s32 s8, $0x1;
	s6 =	sshrl.u32 s7, $0x3  }
0xd: {  	s12 =	sshrl.u32 s10, $0x1;
	s15 =	sadd.s32 s7, s2;
	s26 =	sadd.s32 s7, s3  }
0xe: {  	s31 =	sshrl.u32 s24, $0x3;
	s8 =	sadd.s32 s11, s25;
	s24 =	simm.s32 $0x9000  }
0xf: {  	s9 =	sadd.s32 s6, s0;
	s5 =	sadd.s32 s7, s5;
	s14 =	ssub.s32 s10, s12  }
0x10: {  	s12 =	sadd.s32 $0x5800, s31;
	s16 =	sshrl.u32 s26, $0x3;
	s26 =	simm.s32 $0x9800  }
.Ltmp0:
0x11: {  	s5 =	sshrl.u32 s5, $0x3;
	s7 =	sadd.s32 $0xDA00, s9;
	(pc) =	sbr.rel .LBB2_1-.Ltmp0, $4  }
0x12: {  	s9 =	sadd.s32 s13, s25;
	s10 =	sadd.s32 s11, s12;
	s11 =	sadd.s32 s13, s12  }
0x13: {  	s13 =	smax.u32 s14, $0x1;
	s14 =	sshrl.u32 s15, $0x3;
	s15 =	simm.s32 $0x3  }
0x14: {  	s25 =	simm.s32 $0x9400;
	s0 =	sadd.s32 s5, s0;
	s5 =	sadd.s32 s1, s6  }
0x15: {  	s6 =	sor.u32 $0x1C03, s23;
	s23 =	simm.s32 $0x8C00;
	s12 =	sadd.s32 $0x1CA00, s0  }
.LBB2_7:
0x16: {  	s0 =	sadd.s32 $0x2800, s31;
	[sflag:s30] =	ssyncadd.s32 $0xFFFFFC00  }
0x17: {  	[tilespmem:s20], [sflag:$0x1] =	stream.indirect.gather [spmem:s3], $0x8, s0, s19, $0xb8;
	[tilespmem:$0xA000] =	vst v63  }
0x18: {  	s17 =	sadd.s32 $0x2880, s31  }
0x19: {  	[tilespmem:s21], [sflag:$0x1] =	stream.indirect.gather [spmem:s3], $0x8, s17, s19, $0xb8;
	[tilespmem:$0xA000] =	vst v63  }
0x1a: {  	s18 =	sadd.s32 $0x2900, s31  }
0x1b: {  	[tilespmem:s22], [sflag:$0x1] =	stream.indirect.gather [spmem:s3], $0x8, s18, s19, $0xb8;
	[tilespmem:$0xA000] =	vst v63  }
0x1c: {  	s1 =	sadd.s32 $0x2980, s31  }
0x1d: {  	[tilespmem:s23], [sflag:$0x1] =	stream.indirect.gather [spmem:s3], $0x8, s1, s19, $0xb8;
	[tilespmem:$0xA000] =	vst v63  }
0x1e: {  	s17 =	sadd.s32 $0x2A00, s31  }
0x1f: {  	[tilespmem:s24], [sflag:$0x1] =	stream.indirect.gather [spmem:s3], $0x8, s17, s19, $0xb8;
	[tilespmem:$0xA000] =	vst v63  }
0x20: {  	s18 =	sadd.s32 $0x2A80, s31  }
0x21: {  	[tilespmem:s25], [sflag:$0x1] =	stream.indirect.gather [spmem:s3], $0x8, s18, s19, $0xb8;
	[tilespmem:$0xA000] =	vst v63  }
0x22: {  	s1 =	sadd.s32 $0x2B00, s31  }
0x23: {  	[tilespmem:s26], [sflag:$0x1] =	stream.indirect.gather [spmem:s3], $0x8, s1, s19, $0xb8;
	[tilespmem:$0xA000] =	vst v63  }
0x24: {  	s17 =	sadd.s32 $0x2B80, s31  }
0x25: {  	[tilespmem:s28], [sflag:$0x1] =	stream.indirect.gather [spmem:s3], $0x8, s17, s19, $0xb8;
	[tilespmem:$0xA000] =	vst v63  }
0x26: {  	_ =	swait.ge [sflag:s29], $0x400  }
0x27: {  	[sflag:s29] =	ssyncset.done $0x0  }
0x28: {  	[sflag:s29] =	ssyncadd.s32 $0xFFFFFC00  }
0x29: {  	_ =	swait.ge [sflag:s29], $0x400  }
0x2a: {  	[sflag:s29] =	ssyncset.done $0x0  }
0x2b: {  	s18 =	sadd.s32 $0x5400, s31;
	[sflag:s29] =	ssyncadd.s32 $0xFFFFFC00  }
0x2c: {  	[spmem:s2] =	stream.indirect.scatter.add.f32 [tilespmem:s20], [sflag:$0x2], $0x8, s18, s19, $0xb8;
	[tilespmem:$0xA000] =	vst v63  }
0x2d: {  	s1 =	sadd.s32 $0x5480, s31  }
0x2e: {  	[spmem:s2] =	stream.indirect.scatter.add.f32 [tilespmem:s21], [sflag:$0x2], $0x8, s1, s19, $0xb8;
	[tilespmem:$0xA000] =	vst v63  }
0x2f: {  	_ =	swait.ge [sflag:s29], $0x400  }
0x30: {  	[sflag:s29] =	ssyncset.done $0x0  }
0x31: {  	[sflag:s29] =	ssyncadd.s32 $0xFFFFFC00  }
0x32: {  	_ =	swait.ge [sflag:s29], $0x400  }
0x33: {  	[sflag:s29] =	ssyncset.done $0x0  }
0x34: {  	s17 =	sadd.s32 $0x5500, s31;
	[sflag:s29] =	ssyncadd.s32 $0xFFFFFC00  }
0x35: {  	[spmem:s2] =	stream.indirect.scatter.add.f32 [tilespmem:s22], [sflag:$0x2], $0x8, s17, s19, $0xb8;
	[tilespmem:$0xA000] =	vst v63  }
0x36: {  	s18 =	sadd.s32 $0x5580, s31  }
0x37: {  	[spmem:s2] =	stream.indirect.scatter.add.f32 [tilespmem:s23], [sflag:$0x2], $0x8, s18, s19, $0xb8;
	[tilespmem:$0xA000] =	vst v63  }
0x38: {  	_ =	swait.ge [sflag:s29], $0x400  }
0x39: {  	[sflag:s29] =	ssyncset.done $0x0  }
0x3a: {  	[sflag:s29] =	ssyncadd.s32 $0xFFFFFC00  }
0x3b: {  	_ =	swait.ge [sflag:s29], $0x400  }
0x3c: {  	[sflag:s29] =	ssyncset.done $0x0  }
0x3d: {  	s1 =	sadd.s32 $0x5600, s31;
	[sflag:s29] =	ssyncadd.s32 $0xFFFFFC00  }
0x3e: {  	[spmem:s2] =	stream.indirect.scatter.add.f32 [tilespmem:s24], [sflag:$0x2], $0x8, s1, s19, $0xb8;
	[tilespmem:$0xA000] =	vst v63  }
0x3f: {  	s17 =	sadd.s32 $0x5680, s31  }
0x40: {  	[spmem:s2] =	stream.indirect.scatter.add.f32 [tilespmem:s25], [sflag:$0x2], $0x8, s17, s19, $0xb8;
	[tilespmem:$0xA000] =	vst v63  }
0x41: {  	_ =	swait.ge [sflag:s29], $0x400  }
0x42: {  	[sflag:s29] =	ssyncset.done $0x0  }
0x43: {  	[sflag:s29] =	ssyncadd.s32 $0xFFFFFC00  }
0x44: {  	_ =	swait.ge [sflag:s29], $0x400  }
0x45: {  	[sflag:s29] =	ssyncset.done $0x0  }
0x46: {  	s18 =	sadd.s32 $0x5700, s31;
	[sflag:s29] =	ssyncadd.s32 $0xFFFFFC00  }
0x47: {  	[spmem:s2] =	stream.indirect.scatter.add.f32 [tilespmem:s26], [sflag:$0x2], $0x8, s18, s19, $0xb8;
	[tilespmem:$0xA000] =	vst v63  }
0x48: {  	s31 =	sadd.s32 $0x5780, s31  }
0x49: {  	[spmem:s2] =	stream.indirect.scatter.add.f32 [tilespmem:s28], [sflag:$0x2], $0x8, s31, s19, $0xb8;
	[tilespmem:$0xA000] =	vst v63  }
0x4a: {  	_ =	swait.ge [sflag:s30], $0x400  }
0x4b: {  	[sflag:s30] =	ssyncset.done $0x0  }
0x4c: {  	[sflag:s30] =	ssyncadd.s32 $0xFFFFFC00  }
0x4d: {  	_ =	swait.ge [sflag:s30], $0x400  }
0x4e: {  	[sflag:s30] =	ssyncset.done $0x0  }
0x4f: {  	[sflag:s30] =	ssyncadd.s32 $0xFFFFFC00  }
0x50: {  	_ =	swait.ge [sflag:s30], $0x400  }
0x51: {  	[sflag:s30] =	ssyncset.done $0x0  }
0x52: {  	[sflag:s30] =	ssyncadd.s32 $0xFFFFFC00  }
0x53: {  	_ =	swait.ge [sflag:s30], $0x400  }
0x54: {  	[sflag:s30] =	ssyncset.done $0x0  }
0x55: {  	[sflag:s30] =	ssyncadd.s32 $0xFFFFFC00  }
0x56: {  	_ =	swait.ge [sflag:s30], $0x400  }
0x57: {  	[sflag:s30] =	ssyncset.done $0x0  }
0x58: {  	[sflag:s30] =	ssyncadd.s32 $0xFFFFFC00  }
0x59: {  	_ =	swait.ge [sflag:s30], $0x400  }
0x5a: {  	[sflag:s30] =	ssyncset.done $0x0  }
0x5b: {  	[sflag:s30] =	ssyncadd.s32 $0xFFFFFC00  }
0x5c: {  	_ =	swait.ge [sflag:s30], $0x400  }
0x5d: {  	[sflag:s30] =	ssyncset.done $0x0  }
0x5e: {  	[sflag:s30] =	ssyncadd.s32 $0xFFFFFC00  }
0x5f: {  	_ =	swait.ge [sflag:s30], $0x400  }
0x60: {  	[sflag:s30] =	ssyncset.done $0x0  }
0x61: {  	[sflag:s30] =	ssyncadd.s32 $0xFFFFFC00  }
.LBB2_8:
0x62: {  	s4 =	sadd.s32 $0x1, s4  }
0x63: {  	p1 =	sne.s32 s4, s13  }
.Ltmp1:
0x64: {  	[bflag:$0x0] =	sbarrier.arrive $0xFFFF;
	(pc) =	sbr.rel @!p1 .LBB2_9-.Ltmp1, $4  }
0x65: {  	[hbm:s12], [sflag:s6] =	dma.local [spmem:s14], $0x280  }
0x66: {  	_ =	swait.ge [sflag:s15], $0x280  }
0x67: {  	[sflag:s15] =	ssyncset.done $0x0  }
0x68: {  	[sflag:s15] =	ssyncadd.s32 $0xFFFFFD80  }
.LBB2_1:
0x69: {  	[spmem:s14], [sflag:s6] =	dma.local [hbm:s5], $0x280  }
0x6a: {  	_ =	swait.ge [sflag:s15], $0x280  }
0x6b: {  	[sflag:s15] =	ssyncset.done $0x0  }
.Ltmp2:
0x6c: {  	[sflag:s15] =	ssyncadd.s32 $0xFFFFFD80;
	(pc) =	sbr.rel @!p0 .LBB2_2-.Ltmp2, $4  }
0x6d: {  	[spmem:s16], [sflag:s6] =	dma.local [hbm:s7], $0x280  }
0x6e: {  	_ =	swait.ge [sflag:s15], $0x280  }
0x6f: {  	[sflag:s15] =	ssyncset.done $0x0  }
0x70: {  	s0 =	simm.s32 $0x0;
	s1 =	simm.s32 $0x2800;
	[sflag:s15] =	ssyncadd.s32 $0xFFFFFD80  }
0x71: {  	[tilespmem:s1], [sflag:$0x3] =	stream.linear.gather [hbm4b:s10+s0], $0x2400, $0x38;
	[tilespmem:$0xA000] =	vst v63  }
0x72: {  	_ =	swait.ge [sflag:s15], $0x2400  }
0x73: {  	[sflag:s15] =	ssyncset.done $0x0  }
0x74: {  	s17 =	simm.s32 $0x5400;
	[sflag:s15] =	ssyncadd.s32 $0xFFFFDC00  }
0x75: {  	[tilespmem:s17], [sflag:$0x3] =	stream.linear.gather [hbm4b:s11+s0], $0x2400, $0x38;
	[tilespmem:$0xA000] =	vst v63  }
0x76: {  	_ =	swait.ge [sflag:s15], $0x2400  }
0x77: {  	[sflag:s15] =	ssyncset.done $0x0  }
0x78: {  	[sflag:s15] =	ssyncadd.s32 $0xFFFFDC00  }
0x79: {  	s18 =	simm.s32 $0x2800;
	[bflag:$0x0] =	sbarrier.arrive $0xFFFF  }
0x7a: {  	[tilespmem:s20], [sflag:$0x1] =	stream.indirect.gather [spmem:s3], $0x8, s18, s19, $0xb8;
	[tilespmem:$0xA000] =	vst v63  }
0x7b: {  	s1 =	simm.s32 $0x2880  }
0x7c: {  	[tilespmem:s21], [sflag:$0x1] =	stream.indirect.gather [spmem:s3], $0x8, s1, s19, $0xb8;
	[tilespmem:$0xA000] =	vst v63  }
0x7d: {  	s17 =	simm.s32 $0x2900  }
0x7e: {  	[tilespmem:s22], [sflag:$0x1] =	stream.indirect.gather [spmem:s3], $0x8, s17, s19, $0xb8;
	[tilespmem:$0xA000] =	vst v63  }
0x7f: {  	s18 =	simm.s32 $0x2980  }
0x80: {  	[tilespmem:s23], [sflag:$0x1] =	stream.indirect.gather [spmem:s3], $0x8, s18, s19, $0xb8;
	[tilespmem:$0xA000] =	vst v63  }
0x81: {  	s1 =	simm.s32 $0x2A00  }
0x82: {  	[tilespmem:s24], [sflag:$0x1] =	stream.indirect.gather [spmem:s3], $0x8, s1, s19, $0xb8;
	[tilespmem:$0xA000] =	vst v63  }
0x83: {  	s17 =	simm.s32 $0x2A80  }
0x84: {  	[tilespmem:s25], [sflag:$0x1] =	stream.indirect.gather [spmem:s3], $0x8, s17, s19, $0xb8;
	[tilespmem:$0xA000] =	vst v63  }
0x85: {  	s18 =	simm.s32 $0x2B00  }
0x86: {  	[tilespmem:s26], [sflag:$0x1] =	stream.indirect.gather [spmem:s3], $0x8, s18, s19, $0xb8;
	[tilespmem:$0xA000] =	vst v63  }
0x87: {  	s1 =	simm.s32 $0x2B80  }
0x88: {  	[tilespmem:s28], [sflag:$0x1] =	stream.indirect.gather [spmem:s3], $0x8, s1, s19, $0xb8;
	[tilespmem:$0xA000] =	vst v63  }
0x89: {  	_ =	swait.ge [sflag:s29], $0x400  }
0x8a: {  	[sflag:s29] =	ssyncset.done $0x0  }
0x8b: {  	[sflag:s29] =	ssyncadd.s32 $0xFFFFFC00  }
0x8c: {  	_ =	swait.ge [sflag:s29], $0x400  }
0x8d: {  	[sflag:s29] =	ssyncset.done $0x0  }
0x8e: {  	s17 =	simm.s32 $0x5400;
	[sflag:s29] =	ssyncadd.s32 $0xFFFFFC00  }
0x8f: {  	[spmem:s2] =	stream.indirect.scatter.add.f32 [tilespmem:s20], [sflag:$0x2], $0x8, s17, s19, $0xb8;
	[tilespmem:$0xA000] =	vst v63  }
0x90: {  	s18 =	simm.s32 $0x5480  }
0x91: {  	[spmem:s2] =	stream.indirect.scatter.add.f32 [tilespmem:s21], [sflag:$0x2], $0x8, s18, s19, $0xb8;
	[tilespmem:$0xA000] =	vst v63  }
0x92: {  	_ =	swait.ge [sflag:s29], $0x400  }
0x93: {  	[sflag:s29] =	ssyncset.done $0x0  }
0x94: {  	[sflag:s29] =	ssyncadd.s32 $0xFFFFFC00  }
0x95: {  	_ =	swait.ge [sflag:s29], $0x400  }
0x96: {  	[sflag:s29] =	ssyncset.done $0x0  }
0x97: {  	s1 =	simm.s32 $0x5500;
	[sflag:s29] =	ssyncadd.s32 $0xFFFFFC00  }
0x98: {  	[spmem:s2] =	stream.indirect.scatter.add.f32 [tilespmem:s22], [sflag:$0x2], $0x8, s1, s19, $0xb8;
	[tilespmem:$0xA000] =	vst v63  }
0x99: {  	s17 =	simm.s32 $0x5580  }
0x9a: {  	[spmem:s2] =	stream.indirect.scatter.add.f32 [tilespmem:s23], [sflag:$0x2], $0x8, s17, s19, $0xb8;
	[tilespmem:$0xA000] =	vst v63  }
0x9b: {  	_ =	swait.ge [sflag:s29], $0x400  }
0x9c: {  	[sflag:s29] =	ssyncset.done $0x0  }
0x9d: {  	[sflag:s29] =	ssyncadd.s32 $0xFFFFFC00  }
0x9e: {  	_ =	swait.ge [sflag:s29], $0x400  }
0x9f: {  	[sflag:s29] =	ssyncset.done $0x0  }
0xa0: {  	s18 =	simm.s32 $0x5600;
	[sflag:s29] =	ssyncadd.s32 $0xFFFFFC00  }
0xa1: {  	[spmem:s2] =	stream.indirect.scatter.add.f32 [tilespmem:s24], [sflag:$0x2], $0x8, s18, s19, $0xb8;
	[tilespmem:$0xA000] =	vst v63  }
0xa2: {  	s1 =	simm.s32 $0x5680  }
0xa3: {  	[spmem:s2] =	stream.indirect.scatter.add.f32 [tilespmem:s25], [sflag:$0x2], $0x8, s1, s19, $0xb8;
	[tilespmem:$0xA000] =	vst v63  }
0xa4: {  	_ =	swait.ge [sflag:s29], $0x400  }
0xa5: {  	[sflag:s29] =	ssyncset.done $0x0  }
0xa6: {  	[sflag:s29] =	ssyncadd.s32 $0xFFFFFC00  }
0xa7: {  	_ =	swait.ge [sflag:s29], $0x400  }
0xa8: {  	[sflag:s29] =	ssyncset.done $0x0  }
0xa9: {  	s17 =	simm.s32 $0x5700;
	[sflag:s29] =	ssyncadd.s32 $0xFFFFFC00  }
0xaa: {  	[spmem:s2] =	stream.indirect.scatter.add.f32 [tilespmem:s26], [sflag:$0x2], $0x8, s17, s19, $0xb8;
	[tilespmem:$0xA000] =	vst v63  }
0xab: {  	s18 =	simm.s32 $0x5780  }
0xac: {  	[spmem:s2] =	stream.indirect.scatter.add.f32 [tilespmem:s28], [sflag:$0x2], $0x8, s18, s19, $0xb8;
	[tilespmem:$0xA000] =	vst v63  }
0xad: {  	_ =	swait.ge [sflag:s30], $0x400  }
0xae: {  	[sflag:s30] =	ssyncset.done $0x0  }
0xaf: {  	[sflag:s30] =	ssyncadd.s32 $0xFFFFFC00  }
0xb0: {  	_ =	swait.ge [sflag:s30], $0x400  }
0xb1: {  	[sflag:s30] =	ssyncset.done $0x0  }
0xb2: {  	[sflag:s30] =	ssyncadd.s32 $0xFFFFFC00  }
0xb3: {  	_ =	swait.ge [sflag:s30], $0x400  }
0xb4: {  	[sflag:s30] =	ssyncset.done $0x0  }
0xb5: {  	[sflag:s30] =	ssyncadd.s32 $0xFFFFFC00  }
0xb6: {  	_ =	swait.ge [sflag:s30], $0x400  }
0xb7: {  	[sflag:s30] =	ssyncset.done $0x0  }
0xb8: {  	[sflag:s30] =	ssyncadd.s32 $0xFFFFFC00  }
0xb9: {  	_ =	swait.ge [sflag:s30], $0x400  }
0xba: {  	[sflag:s30] =	ssyncset.done $0x0  }
0xbb: {  	[sflag:s30] =	ssyncadd.s32 $0xFFFFFC00  }
0xbc: {  	_ =	swait.ge [sflag:s30], $0x400  }
0xbd: {  	[sflag:s30] =	ssyncset.done $0x0  }
0xbe: {  	[sflag:s30] =	ssyncadd.s32 $0xFFFFFC00  }
0xbf: {  	_ =	swait.ge [sflag:s30], $0x400  }
0xc0: {  	[sflag:s30] =	ssyncset.done $0x0  }
0xc1: {  	[sflag:s30] =	ssyncadd.s32 $0xFFFFFC00  }
0xc2: {  	_ =	swait.ge [sflag:s30], $0x400  }
0xc3: {  	s31 =	simm.s32 $0x400;
	s17 =	simm.s32 $0x2000;
	[sflag:s30] =	ssyncset.done $0x0  }
.LBB2_6:
0xc4: {  	s18 =	sadd.s32 $0x2800, s31  }
0xc5: {  	[sflag:s30] =	ssyncadd.s32 $0xFFFFFC00;
	s1 =	smov.u32 s17;
	s0 =	sadd.s32 $0x1000, s17  }
0xc6: {  	[tilespmem:s20], [sflag:$0x1] =	stream.indirect.gather [spmem:s3], $0x8, s18, s19, $0xb8;
	[tilespmem:$0xA000] =	vst v63  }
0xc7: {  	p1 =	sne.s32 s17, $0x8000;
	s17 =	sadd.s32 $0x2880, s31  }
0xc8: {  	[tilespmem:s21], [sflag:$0x1] =	stream.indirect.gather [spmem:s3], $0x8, s17, s19, $0xb8;
	[tilespmem:$0xA000] =	vst v63  }
0xc9: {  	s17 =	sadd.s32 $0x2900, s31  }
0xca: {  	[tilespmem:s22], [sflag:$0x1] =	stream.indirect.gather [spmem:s3], $0x8, s17, s19, $0xb8;
	[tilespmem:$0xA000] =	vst v63  }
0xcb: {  	s17 =	sadd.s32 $0x2980, s31  }
0xcc: {  	[tilespmem:s23], [sflag:$0x1] =	stream.indirect.gather [spmem:s3], $0x8, s17, s19, $0xb8;
	[tilespmem:$0xA000] =	vst v63  }
0xcd: {  	s17 =	sadd.s32 $0x2A00, s31  }
0xce: {  	[tilespmem:s24], [sflag:$0x1] =	stream.indirect.gather [spmem:s3], $0x8, s17, s19, $0xb8;
	[tilespmem:$0xA000] =	vst v63  }
0xcf: {  	s17 =	sadd.s32 $0x2A80, s31  }
0xd0: {  	[tilespmem:s25], [sflag:$0x1] =	stream.indirect.gather [spmem:s3], $0x8, s17, s19, $0xb8;
	[tilespmem:$0xA000] =	vst v63  }
0xd1: {  	s17 =	sadd.s32 $0x2B00, s31  }
0xd2: {  	[tilespmem:s26], [sflag:$0x1] =	stream.indirect.gather [spmem:s3], $0x8, s17, s19, $0xb8;
	[tilespmem:$0xA000] =	vst v63  }
0xd3: {  	s17 =	sadd.s32 $0x2B80, s31  }
0xd4: {  	[tilespmem:s28], [sflag:$0x1] =	stream.indirect.gather [spmem:s3], $0x8, s17, s19, $0xb8;
	[tilespmem:$0xA000] =	vst v63  }
0xd5: {  	_ =	swait.ge [sflag:s29], $0x400  }
0xd6: {  	[sflag:s29] =	ssyncset.done $0x0  }
0xd7: {  	[sflag:s29] =	ssyncadd.s32 $0xFFFFFC00  }
0xd8: {  	_ =	swait.ge [sflag:s29], $0x400  }
0xd9: {  	[sflag:s29] =	ssyncset.done $0x0  }
0xda: {  	s17 =	sadd.s32 $0x5400, s31;
	[sflag:s29] =	ssyncadd.s32 $0xFFFFFC00  }
0xdb: {  	[spmem:s2] =	stream.indirect.scatter.add.f32 [tilespmem:s20], [sflag:$0x2], $0x8, s17, s19, $0xb8;
	[tilespmem:$0xA000] =	vst v63  }
0xdc: {  	s17 =	sadd.s32 $0x5480, s31  }
0xdd: {  	[spmem:s2] =	stream.indirect.scatter.add.f32 [tilespmem:s21], [sflag:$0x2], $0x8, s17, s19, $0xb8;
	[tilespmem:$0xA000] =	vst v63  }
0xde: {  	_ =	swait.ge [sflag:s29], $0x400  }
0xdf: {  	[sflag:s29] =	ssyncset.done $0x0  }
0xe0: {  	[sflag:s29] =	ssyncadd.s32 $0xFFFFFC00  }
0xe1: {  	_ =	swait.ge [sflag:s29], $0x400  }
0xe2: {  	[sflag:s29] =	ssyncset.done $0x0  }
0xe3: {  	s17 =	sadd.s32 $0x5500, s31;
	[sflag:s29] =	ssyncadd.s32 $0xFFFFFC00  }
0xe4: {  	[spmem:s2] =	stream.indirect.scatter.add.f32 [tilespmem:s22], [sflag:$0x2], $0x8, s17, s19, $0xb8;
	[tilespmem:$0xA000] =	vst v63  }
0xe5: {  	s17 =	sadd.s32 $0x5580, s31  }
0xe6: {  	[spmem:s2] =	stream.indirect.scatter.add.f32 [tilespmem:s23], [sflag:$0x2], $0x8, s17, s19, $0xb8;
	[tilespmem:$0xA000] =	vst v63  }
0xe7: {  	_ =	swait.ge [sflag:s29], $0x400  }
0xe8: {  	[sflag:s29] =	ssyncset.done $0x0  }
0xe9: {  	[sflag:s29] =	ssyncadd.s32 $0xFFFFFC00  }
0xea: {  	_ =	swait.ge [sflag:s29], $0x400  }
0xeb: {  	[sflag:s29] =	ssyncset.done $0x0  }
0xec: {  	s17 =	sadd.s32 $0x5600, s31;
	[sflag:s29] =	ssyncadd.s32 $0xFFFFFC00  }
0xed: {  	[spmem:s2] =	stream.indirect.scatter.add.f32 [tilespmem:s24], [sflag:$0x2], $0x8, s17, s19, $0xb8;
	[tilespmem:$0xA000] =	vst v63  }
0xee: {  	s17 =	sadd.s32 $0x5680, s31  }
0xef: {  	[spmem:s2] =	stream.indirect.scatter.add.f32 [tilespmem:s25], [sflag:$0x2], $0x8, s17, s19, $0xb8;
	[tilespmem:$0xA000] =	vst v63  }
0xf0: {  	_ =	swait.ge [sflag:s29], $0x400  }
0xf1: {  	[sflag:s29] =	ssyncset.done $0x0  }
0xf2: {  	[sflag:s29] =	ssyncadd.s32 $0xFFFFFC00  }
0xf3: {  	_ =	swait.ge [sflag:s29], $0x400  }
0xf4: {  	[sflag:s29] =	ssyncset.done $0x0  }
0xf5: {  	s17 =	sadd.s32 $0x5700, s31;
	[sflag:s29] =	ssyncadd.s32 $0xFFFFFC00  }
0xf6: {  	[spmem:s2] =	stream.indirect.scatter.add.f32 [tilespmem:s26], [sflag:$0x2], $0x8, s17, s19, $0xb8;
	[tilespmem:$0xA000] =	vst v63  }
0xf7: {  	s17 =	sadd.s32 $0x5780, s31  }
0xf8: {  	[spmem:s2] =	stream.indirect.scatter.add.f32 [tilespmem:s28], [sflag:$0x2], $0x8, s17, s19, $0xb8;
	[tilespmem:$0xA000] =	vst v63  }
0xf9: {  	_ =	swait.ge [sflag:s30], $0x400  }
0xfa: {  	[sflag:s30] =	ssyncset.done $0x0  }
0xfb: {  	[sflag:s30] =	ssyncadd.s32 $0xFFFFFC00  }
0xfc: {  	_ =	swait.ge [sflag:s30], $0x400  }
0xfd: {  	[sflag:s30] =	ssyncset.done $0x0  }
0xfe: {  	[sflag:s30] =	ssyncadd.s32 $0xFFFFFC00  }
0xff: {  	_ =	swait.ge [sflag:s30], $0x400  }
0x100: {  	[sflag:s30] =	ssyncset.done $0x0  }
0x101: {  	[sflag:s30] =	ssyncadd.s32 $0xFFFFFC00  }
0x102: {  	_ =	swait.ge [sflag:s30], $0x400  }
0x103: {  	[sflag:s30] =	ssyncset.done $0x0  }
0x104: {  	[sflag:s30] =	ssyncadd.s32 $0xFFFFFC00  }
0x105: {  	_ =	swait.ge [sflag:s30], $0x400  }
0x106: {  	[sflag:s30] =	ssyncset.done $0x0  }
0x107: {  	[sflag:s30] =	ssyncadd.s32 $0xFFFFFC00  }
0x108: {  	_ =	swait.ge [sflag:s30], $0x400  }
0x109: {  	[sflag:s30] =	ssyncset.done $0x0  }
0x10a: {  	[sflag:s30] =	ssyncadd.s32 $0xFFFFFC00  }
.Ltmp3:
0x10b: {  	_ =	swait.ge [sflag:s30], $0x400;
	(pc) =	sbr.rel @p1 .LBB2_6-.Ltmp3, $4  }
0x10c: {  	[sflag:s30] =	ssyncset.done $0x0  }
0x10d: {  	[sflag:s30] =	ssyncadd.s32 $0xFFFFFC00  }
0x10e: {  	_ =	swait.ge [sflag:s30], $0x400  }
0x10f: {  	s31 =	sshra.s32 s1, $0x2;
	s17 =	smov.u32 s0;
	[sflag:s30] =	ssyncset.done $0x0  }
.Ltmp4:
0x110: {  	_ = 	snop;
	(pc) =	sbr.rel .LBB2_7-.Ltmp4, $1  }
0x111: {  	_ =	sdelay $0x3  }
.LBB2_2:
0x112: {  	[tilespmem:s1], [sflag:$0x3] =	stream.linear.gather [hbm4b:s8+s0], $0x2C00, $0x38;
	[tilespmem:$0xA000] =	vst v63  }
0x113: {  	_ =	swait.ge [sflag:s15], $0x2C00  }
0x114: {  	[sflag:s15] =	ssyncset.done $0x0  }
0x115: {  	s17 =	simm.s32 $0x5400;
	[sflag:s15] =	ssyncadd.s32 $0xFFFFD400  }
0x116: {  	[tilespmem:s17], [sflag:$0x3] =	stream.linear.gather [hbm4b:s9+s0], $0x2C00, $0x38;
	[tilespmem:$0xA000] =	vst v63  }
0x117: {  	_ =	swait.ge [sflag:s15], $0x2C00  }
0x118: {  	[sflag:s15] =	ssyncset.done $0x0  }
0x119: {  	[sflag:s15] =	ssyncadd.s32 $0xFFFFD400  }
0x11a: {  	s18 =	simm.s32 $0x2800;
	[bflag:$0x0] =	sbarrier.arrive $0xFFFF  }
0x11b: {  	[tilespmem:s20], [sflag:$0x1] =	stream.indirect.gather [spmem:s3], $0x8, s18, s19, $0xb8;
	[tilespmem:$0xA000] =	vst v63  }
0x11c: {  	s1 =	simm.s32 $0x2880  }
0x11d: {  	[tilespmem:s21], [sflag:$0x1] =	stream.indirect.gather [spmem:s3], $0x8, s1, s19, $0xb8;
	[tilespmem:$0xA000] =	vst v63  }
0x11e: {  	s17 =	simm.s32 $0x2900  }
0x11f: {  	[tilespmem:s22], [sflag:$0x1] =	stream.indirect.gather [spmem:s3], $0x8, s17, s19, $0xb8;
	[tilespmem:$0xA000] =	vst v63  }
0x120: {  	s18 =	simm.s32 $0x2980  }
0x121: {  	[tilespmem:s23], [sflag:$0x1] =	stream.indirect.gather [spmem:s3], $0x8, s18, s19, $0xb8;
	[tilespmem:$0xA000] =	vst v63  }
0x122: {  	s1 =	simm.s32 $0x2A00  }
0x123: {  	[tilespmem:s24], [sflag:$0x1] =	stream.indirect.gather [spmem:s3], $0x8, s1, s19, $0xb8;
	[tilespmem:$0xA000] =	vst v63  }
0x124: {  	s17 =	simm.s32 $0x2A80  }
0x125: {  	[tilespmem:s25], [sflag:$0x1] =	stream.indirect.gather [spmem:s3], $0x8, s17, s19, $0xb8;
	[tilespmem:$0xA000] =	vst v63  }
0x126: {  	s18 =	simm.s32 $0x2B00  }
0x127: {  	[tilespmem:s26], [sflag:$0x1] =	stream.indirect.gather [spmem:s3], $0x8, s18, s19, $0xb8;
	[tilespmem:$0xA000] =	vst v63  }
0x128: {  	s1 =	simm.s32 $0x2B80  }
0x129: {  	[tilespmem:s28], [sflag:$0x1] =	stream.indirect.gather [spmem:s3], $0x8, s1, s19, $0xb8;
	[tilespmem:$0xA000] =	vst v63  }
0x12a: {  	_ =	swait.ge [sflag:s29], $0x400  }
0x12b: {  	[sflag:s29] =	ssyncset.done $0x0  }
0x12c: {  	[sflag:s29] =	ssyncadd.s32 $0xFFFFFC00  }
0x12d: {  	_ =	swait.ge [sflag:s29], $0x400  }
0x12e: {  	[sflag:s29] =	ssyncset.done $0x0  }
0x12f: {  	s17 =	simm.s32 $0x5400;
	[sflag:s29] =	ssyncadd.s32 $0xFFFFFC00  }
0x130: {  	[spmem:s2] =	stream.indirect.scatter.add.f32 [tilespmem:s20], [sflag:$0x2], $0x8, s17, s19, $0xb8;
	[tilespmem:$0xA000] =	vst v63  }
0x131: {  	s18 =	simm.s32 $0x5480  }
0x132: {  	[spmem:s2] =	stream.indirect.scatter.add.f32 [tilespmem:s21], [sflag:$0x2], $0x8, s18, s19, $0xb8;
	[tilespmem:$0xA000] =	vst v63  }
0x133: {  	_ =	swait.ge [sflag:s29], $0x400  }
0x134: {  	[sflag:s29] =	ssyncset.done $0x0  }
0x135: {  	[sflag:s29] =	ssyncadd.s32 $0xFFFFFC00  }
0x136: {  	_ =	swait.ge [sflag:s29], $0x400  }
0x137: {  	[sflag:s29] =	ssyncset.done $0x0  }
0x138: {  	s1 =	simm.s32 $0x5500;
	[sflag:s29] =	ssyncadd.s32 $0xFFFFFC00  }
0x139: {  	[spmem:s2] =	stream.indirect.scatter.add.f32 [tilespmem:s22], [sflag:$0x2], $0x8, s1, s19, $0xb8;
	[tilespmem:$0xA000] =	vst v63  }
0x13a: {  	s17 =	simm.s32 $0x5580  }
0x13b: {  	[spmem:s2] =	stream.indirect.scatter.add.f32 [tilespmem:s23], [sflag:$0x2], $0x8, s17, s19, $0xb8;
	[tilespmem:$0xA000] =	vst v63  }
0x13c: {  	_ =	swait.ge [sflag:s29], $0x400  }
0x13d: {  	[sflag:s29] =	ssyncset.done $0x0  }
0x13e: {  	[sflag:s29] =	ssyncadd.s32 $0xFFFFFC00  }
0x13f: {  	_ =	swait.ge [sflag:s29], $0x400  }
0x140: {  	[sflag:s29] =	ssyncset.done $0x0  }
0x141: {  	s18 =	simm.s32 $0x5600;
	[sflag:s29] =	ssyncadd.s32 $0xFFFFFC00  }
0x142: {  	[spmem:s2] =	stream.indirect.scatter.add.f32 [tilespmem:s24], [sflag:$0x2], $0x8, s18, s19, $0xb8;
	[tilespmem:$0xA000] =	vst v63  }
0x143: {  	s1 =	simm.s32 $0x5680  }
0x144: {  	[spmem:s2] =	stream.indirect.scatter.add.f32 [tilespmem:s25], [sflag:$0x2], $0x8, s1, s19, $0xb8;
	[tilespmem:$0xA000] =	vst v63  }
0x145: {  	_ =	swait.ge [sflag:s29], $0x400  }
0x146: {  	[sflag:s29] =	ssyncset.done $0x0  }
0x147: {  	[sflag:s29] =	ssyncadd.s32 $0xFFFFFC00  }
0x148: {  	_ =	swait.ge [sflag:s29], $0x400  }
0x149: {  	[sflag:s29] =	ssyncset.done $0x0  }
0x14a: {  	s17 =	simm.s32 $0x5700;
	[sflag:s29] =	ssyncadd.s32 $0xFFFFFC00  }
0x14b: {  	[spmem:s2] =	stream.indirect.scatter.add.f32 [tilespmem:s26], [sflag:$0x2], $0x8, s17, s19, $0xb8;
	[tilespmem:$0xA000] =	vst v63  }
0x14c: {  	s18 =	simm.s32 $0x5780  }
0x14d: {  	[spmem:s2] =	stream.indirect.scatter.add.f32 [tilespmem:s28], [sflag:$0x2], $0x8, s18, s19, $0xb8;
	[tilespmem:$0xA000] =	vst v63  }
0x14e: {  	_ =	swait.ge [sflag:s30], $0x400  }
0x14f: {  	[sflag:s30] =	ssyncset.done $0x0  }
0x150: {  	[sflag:s30] =	ssyncadd.s32 $0xFFFFFC00  }
0x151: {  	_ =	swait.ge [sflag:s30], $0x400  }
0x152: {  	[sflag:s30] =	ssyncset.done $0x0  }
0x153: {  	[sflag:s30] =	ssyncadd.s32 $0xFFFFFC00  }
0x154: {  	_ =	swait.ge [sflag:s30], $0x400  }
0x155: {  	[sflag:s30] =	ssyncset.done $0x0  }
0x156: {  	[sflag:s30] =	ssyncadd.s32 $0xFFFFFC00  }
0x157: {  	_ =	swait.ge [sflag:s30], $0x400  }
0x158: {  	[sflag:s30] =	ssyncset.done $0x0  }
0x159: {  	[sflag:s30] =	ssyncadd.s32 $0xFFFFFC00  }
0x15a: {  	_ =	swait.ge [sflag:s30], $0x400  }
0x15b: {  	[sflag:s30] =	ssyncset.done $0x0  }
0x15c: {  	[sflag:s30] =	ssyncadd.s32 $0xFFFFFC00  }
0x15d: {  	_ =	swait.ge [sflag:s30], $0x400  }
0x15e: {  	[sflag:s30] =	ssyncset.done $0x0  }
0x15f: {  	[sflag:s30] =	ssyncadd.s32 $0xFFFFFC00  }
0x160: {  	_ =	swait.ge [sflag:s30], $0x400  }
0x161: {  	[sflag:s30] =	ssyncset.done $0x0  }
0x162: {  	[sflag:s30] =	ssyncadd.s32 $0xFFFFFC00  }
0x163: {  	_ =	swait.ge [sflag:s30], $0x400  }
0x164: {  	s31 =	simm.s32 $0x400;
	s0 =	simm.s32 $0x2000;
	[sflag:s30] =	ssyncset.done $0x0  }
.LBB2_3:
0x165: {  	s18 =	sadd.s32 $0x2800, s31  }
0x166: {  	[sflag:s30] =	ssyncadd.s32 $0xFFFFFC00;
	s1 =	smov.u32 s0;
	s17 =	sadd.s32 $0x1000, s0  }
0x167: {  	[tilespmem:s20], [sflag:$0x1] =	stream.indirect.gather [spmem:s3], $0x8, s18, s19, $0xb8;
	[tilespmem:$0xA000] =	vst v63  }
0x168: {  	p1 =	seq.s32 s0, $0xA000;
	s0 =	sadd.s32 $0x2880, s31  }
0x169: {  	[tilespmem:s21], [sflag:$0x1] =	stream.indirect.gather [spmem:s3], $0x8, s0, s19, $0xb8;
	[tilespmem:$0xA000] =	vst v63  }
0x16a: {  	s0 =	sadd.s32 $0x2900, s31  }
0x16b: {  	[tilespmem:s22], [sflag:$0x1] =	stream.indirect.gather [spmem:s3], $0x8, s0, s19, $0xb8;
	[tilespmem:$0xA000] =	vst v63  }
0x16c: {  	s0 =	sadd.s32 $0x2980, s31  }
0x16d: {  	[tilespmem:s23], [sflag:$0x1] =	stream.indirect.gather [spmem:s3], $0x8, s0, s19, $0xb8;
	[tilespmem:$0xA000] =	vst v63  }
0x16e: {  	s0 =	sadd.s32 $0x2A00, s31  }
0x16f: {  	[tilespmem:s24], [sflag:$0x1] =	stream.indirect.gather [spmem:s3], $0x8, s0, s19, $0xb8;
	[tilespmem:$0xA000] =	vst v63  }
0x170: {  	s0 =	sadd.s32 $0x2A80, s31  }
0x171: {  	[tilespmem:s25], [sflag:$0x1] =	stream.indirect.gather [spmem:s3], $0x8, s0, s19, $0xb8;
	[tilespmem:$0xA000] =	vst v63  }
0x172: {  	s0 =	sadd.s32 $0x2B00, s31  }
0x173: {  	[tilespmem:s26], [sflag:$0x1] =	stream.indirect.gather [spmem:s3], $0x8, s0, s19, $0xb8;
	[tilespmem:$0xA000] =	vst v63  }
0x174: {  	s0 =	sadd.s32 $0x2B80, s31  }
0x175: {  	[tilespmem:s28], [sflag:$0x1] =	stream.indirect.gather [spmem:s3], $0x8, s0, s19, $0xb8;
	[tilespmem:$0xA000] =	vst v63  }
0x176: {  	_ =	swait.ge [sflag:s29], $0x400  }
0x177: {  	[sflag:s29] =	ssyncset.done $0x0  }
0x178: {  	[sflag:s29] =	ssyncadd.s32 $0xFFFFFC00  }
0x179: {  	_ =	swait.ge [sflag:s29], $0x400  }
0x17a: {  	[sflag:s29] =	ssyncset.done $0x0  }
0x17b: {  	s0 =	sadd.s32 $0x5400, s31;
	[sflag:s29] =	ssyncadd.s32 $0xFFFFFC00  }
0x17c: {  	[spmem:s2] =	stream.indirect.scatter.add.f32 [tilespmem:s20], [sflag:$0x2], $0x8, s0, s19, $0xb8;
	[tilespmem:$0xA000] =	vst v63  }
0x17d: {  	s0 =	sadd.s32 $0x5480, s31  }
0x17e: {  	[spmem:s2] =	stream.indirect.scatter.add.f32 [tilespmem:s21], [sflag:$0x2], $0x8, s0, s19, $0xb8;
	[tilespmem:$0xA000] =	vst v63  }
0x17f: {  	_ =	swait.ge [sflag:s29], $0x400  }
0x180: {  	[sflag:s29] =	ssyncset.done $0x0  }
0x181: {  	[sflag:s29] =	ssyncadd.s32 $0xFFFFFC00  }
0x182: {  	_ =	swait.ge [sflag:s29], $0x400  }
0x183: {  	[sflag:s29] =	ssyncset.done $0x0  }
0x184: {  	s0 =	sadd.s32 $0x5500, s31;
	[sflag:s29] =	ssyncadd.s32 $0xFFFFFC00  }
0x185: {  	[spmem:s2] =	stream.indirect.scatter.add.f32 [tilespmem:s22], [sflag:$0x2], $0x8, s0, s19, $0xb8;
	[tilespmem:$0xA000] =	vst v63  }
0x186: {  	s0 =	sadd.s32 $0x5580, s31  }
0x187: {  	[spmem:s2] =	stream.indirect.scatter.add.f32 [tilespmem:s23], [sflag:$0x2], $0x8, s0, s19, $0xb8;
	[tilespmem:$0xA000] =	vst v63  }
0x188: {  	_ =	swait.ge [sflag:s29], $0x400  }
0x189: {  	[sflag:s29] =	ssyncset.done $0x0  }
0x18a: {  	[sflag:s29] =	ssyncadd.s32 $0xFFFFFC00  }
0x18b: {  	_ =	swait.ge [sflag:s29], $0x400  }
0x18c: {  	[sflag:s29] =	ssyncset.done $0x0  }
0x18d: {  	s0 =	sadd.s32 $0x5600, s31;
	[sflag:s29] =	ssyncadd.s32 $0xFFFFFC00  }
0x18e: {  	[spmem:s2] =	stream.indirect.scatter.add.f32 [tilespmem:s24], [sflag:$0x2], $0x8, s0, s19, $0xb8;
	[tilespmem:$0xA000] =	vst v63  }
0x18f: {  	s0 =	sadd.s32 $0x5680, s31  }
0x190: {  	[spmem:s2] =	stream.indirect.scatter.add.f32 [tilespmem:s25], [sflag:$0x2], $0x8, s0, s19, $0xb8;
	[tilespmem:$0xA000] =	vst v63  }
0x191: {  	_ =	swait.ge [sflag:s29], $0x400  }
0x192: {  	[sflag:s29] =	ssyncset.done $0x0  }
0x193: {  	[sflag:s29] =	ssyncadd.s32 $0xFFFFFC00  }
0x194: {  	_ =	swait.ge [sflag:s29], $0x400  }
0x195: {  	[sflag:s29] =	ssyncset.done $0x0  }
0x196: {  	s0 =	sadd.s32 $0x5700, s31;
	[sflag:s29] =	ssyncadd.s32 $0xFFFFFC00  }
0x197: {  	[spmem:s2] =	stream.indirect.scatter.add.f32 [tilespmem:s26], [sflag:$0x2], $0x8, s0, s19, $0xb8;
	[tilespmem:$0xA000] =	vst v63  }
0x198: {  	s0 =	sadd.s32 $0x5780, s31  }
0x199: {  	[spmem:s2] =	stream.indirect.scatter.add.f32 [tilespmem:s28], [sflag:$0x2], $0x8, s0, s19, $0xb8;
	[tilespmem:$0xA000] =	vst v63  }
0x19a: {  	_ =	swait.ge [sflag:s30], $0x400  }
0x19b: {  	[sflag:s30] =	ssyncset.done $0x0  }
0x19c: {  	[sflag:s30] =	ssyncadd.s32 $0xFFFFFC00  }
0x19d: {  	_ =	swait.ge [sflag:s30], $0x400  }
0x19e: {  	[sflag:s30] =	ssyncset.done $0x0  }
0x19f: {  	[sflag:s30] =	ssyncadd.s32 $0xFFFFFC00  }
0x1a0: {  	_ =	swait.ge [sflag:s30], $0x400  }
0x1a1: {  	[sflag:s30] =	ssyncset.done $0x0  }
0x1a2: {  	[sflag:s30] =	ssyncadd.s32 $0xFFFFFC00  }
0x1a3: {  	_ =	swait.ge [sflag:s30], $0x400  }
0x1a4: {  	[sflag:s30] =	ssyncset.done $0x0  }
0x1a5: {  	[sflag:s30] =	ssyncadd.s32 $0xFFFFFC00  }
0x1a6: {  	_ =	swait.ge [sflag:s30], $0x400  }
0x1a7: {  	[sflag:s30] =	ssyncset.done $0x0  }
0x1a8: {  	[sflag:s30] =	ssyncadd.s32 $0xFFFFFC00  }
0x1a9: {  	_ =	swait.ge [sflag:s30], $0x400  }
0x1aa: {  	[sflag:s30] =	ssyncset.done $0x0  }
0x1ab: {  	[sflag:s30] =	ssyncadd.s32 $0xFFFFFC00  }
.Ltmp5:
0x1ac: {  	_ =	swait.ge [sflag:s30], $0x400;
	(pc) =	sbr.rel @!p1 .LBB2_3-.Ltmp5, $4  }
0x1ad: {  	[sflag:s30] =	ssyncset.done $0x0  }
0x1ae: {  	[sflag:s30] =	ssyncadd.s32 $0xFFFFFC00  }
0x1af: {  	_ =	swait.ge [sflag:s30], $0x400  }
0x1b0: {  	s31 =	sshra.s32 s1, $0x2;
	s0 =	smov.u32 s17;
	[sflag:s30] =	ssyncset.done $0x0  }
0x1b1: {  	s0 =	sadd.s32 $0x2800, s31;
	[sflag:s30] =	ssyncadd.s32 $0xFFFFFC00  }
0x1b2: {  	[tilespmem:s20], [sflag:$0x1] =	stream.indirect.gather [spmem:s3], $0x8, s0, s19, $0xb8;
	[tilespmem:$0xA000] =	vst v63  }
0x1b3: {  	s17 =	sadd.s32 $0x2880, s31  }
0x1b4: {  	[tilespmem:s21], [sflag:$0x1] =	stream.indirect.gather [spmem:s3], $0x8, s17, s19, $0xb8;
	[tilespmem:$0xA000] =	vst v63  }
0x1b5: {  	s18 =	sadd.s32 $0x2900, s31  }
0x1b6: {  	[tilespmem:s22], [sflag:$0x1] =	stream.indirect.gather [spmem:s3], $0x8, s18, s19, $0xb8;
	[tilespmem:$0xA000] =	vst v63  }
0x1b7: {  	s1 =	sadd.s32 $0x2980, s31  }
0x1b8: {  	[tilespmem:s23], [sflag:$0x1] =	stream.indirect.gather [spmem:s3], $0x8, s1, s19, $0xb8;
	[tilespmem:$0xA000] =	vst v63  }
0x1b9: {  	s17 =	sadd.s32 $0x2A00, s31  }
0x1ba: {  	[tilespmem:s24], [sflag:$0x1] =	stream.indirect.gather [spmem:s3], $0x8, s17, s19, $0xb8;
	[tilespmem:$0xA000] =	vst v63  }
0x1bb: {  	s18 =	sadd.s32 $0x2A80, s31  }
0x1bc: {  	[tilespmem:s25], [sflag:$0x1] =	stream.indirect.gather [spmem:s3], $0x8, s18, s19, $0xb8;
	[tilespmem:$0xA000] =	vst v63  }
0x1bd: {  	s1 =	sadd.s32 $0x2B00, s31  }
0x1be: {  	[tilespmem:s26], [sflag:$0x1] =	stream.indirect.gather [spmem:s3], $0x8, s1, s19, $0xb8;
	[tilespmem:$0xA000] =	vst v63  }
0x1bf: {  	s17 =	sadd.s32 $0x2B80, s31  }
0x1c0: {  	[tilespmem:s28], [sflag:$0x1] =	stream.indirect.gather [spmem:s3], $0x8, s17, s19, $0xb8;
	[tilespmem:$0xA000] =	vst v63  }
0x1c1: {  	_ =	swait.ge [sflag:s29], $0x400  }
0x1c2: {  	[sflag:s29] =	ssyncset.done $0x0  }
0x1c3: {  	[sflag:s29] =	ssyncadd.s32 $0xFFFFFC00  }
0x1c4: {  	_ =	swait.ge [sflag:s29], $0x400  }
0x1c5: {  	[sflag:s29] =	ssyncset.done $0x0  }
0x1c6: {  	s18 =	sadd.s32 $0x5400, s31;
	[sflag:s29] =	ssyncadd.s32 $0xFFFFFC00  }
0x1c7: {  	[spmem:s2] =	stream.indirect.scatter.add.f32 [tilespmem:s20], [sflag:$0x2], $0x8, s18, s19, $0xb8;
	[tilespmem:$0xA000] =	vst v63  }
0x1c8: {  	s1 =	sadd.s32 $0x5480, s31  }
0x1c9: {  	[spmem:s2] =	stream.indirect.scatter.add.f32 [tilespmem:s21], [sflag:$0x2], $0x8, s1, s19, $0xb8;
	[tilespmem:$0xA000] =	vst v63  }
0x1ca: {  	_ =	swait.ge [sflag:s29], $0x400  }
0x1cb: {  	[sflag:s29] =	ssyncset.done $0x0  }
0x1cc: {  	[sflag:s29] =	ssyncadd.s32 $0xFFFFFC00  }
0x1cd: {  	_ =	swait.ge [sflag:s29], $0x400  }
0x1ce: {  	[sflag:s29] =	ssyncset.done $0x0  }
0x1cf: {  	s17 =	sadd.s32 $0x5500, s31;
	[sflag:s29] =	ssyncadd.s32 $0xFFFFFC00  }
0x1d0: {  	[spmem:s2] =	stream.indirect.scatter.add.f32 [tilespmem:s22], [sflag:$0x2], $0x8, s17, s19, $0xb8;
	[tilespmem:$0xA000] =	vst v63  }
0x1d1: {  	s18 =	sadd.s32 $0x5580, s31  }
0x1d2: {  	[spmem:s2] =	stream.indirect.scatter.add.f32 [tilespmem:s23], [sflag:$0x2], $0x8, s18, s19, $0xb8;
	[tilespmem:$0xA000] =	vst v63  }
0x1d3: {  	_ =	swait.ge [sflag:s29], $0x400  }
0x1d4: {  	[sflag:s29] =	ssyncset.done $0x0  }
0x1d5: {  	[sflag:s29] =	ssyncadd.s32 $0xFFFFFC00  }
0x1d6: {  	_ =	swait.ge [sflag:s29], $0x400  }
0x1d7: {  	[sflag:s29] =	ssyncset.done $0x0  }
0x1d8: {  	s1 =	sadd.s32 $0x5600, s31;
	[sflag:s29] =	ssyncadd.s32 $0xFFFFFC00  }
0x1d9: {  	[spmem:s2] =	stream.indirect.scatter.add.f32 [tilespmem:s24], [sflag:$0x2], $0x8, s1, s19, $0xb8;
	[tilespmem:$0xA000] =	vst v63  }
0x1da: {  	s17 =	sadd.s32 $0x5680, s31  }
0x1db: {  	[spmem:s2] =	stream.indirect.scatter.add.f32 [tilespmem:s25], [sflag:$0x2], $0x8, s17, s19, $0xb8;
	[tilespmem:$0xA000] =	vst v63  }
0x1dc: {  	_ =	swait.ge [sflag:s29], $0x400  }
0x1dd: {  	[sflag:s29] =	ssyncset.done $0x0  }
0x1de: {  	[sflag:s29] =	ssyncadd.s32 $0xFFFFFC00  }
0x1df: {  	_ =	swait.ge [sflag:s29], $0x400  }
0x1e0: {  	[sflag:s29] =	ssyncset.done $0x0  }
0x1e1: {  	s18 =	sadd.s32 $0x5700, s31;
	[sflag:s29] =	ssyncadd.s32 $0xFFFFFC00  }
0x1e2: {  	[spmem:s2] =	stream.indirect.scatter.add.f32 [tilespmem:s26], [sflag:$0x2], $0x8, s18, s19, $0xb8;
	[tilespmem:$0xA000] =	vst v63  }
0x1e3: {  	s31 =	sadd.s32 $0x5780, s31  }
0x1e4: {  	[spmem:s2] =	stream.indirect.scatter.add.f32 [tilespmem:s28], [sflag:$0x2], $0x8, s31, s19, $0xb8;
	[tilespmem:$0xA000] =	vst v63  }
0x1e5: {  	_ =	swait.ge [sflag:s30], $0x400  }
0x1e6: {  	[sflag:s30] =	ssyncset.done $0x0  }
0x1e7: {  	[sflag:s30] =	ssyncadd.s32 $0xFFFFFC00  }
0x1e8: {  	_ =	swait.ge [sflag:s30], $0x400  }
0x1e9: {  	[sflag:s30] =	ssyncset.done $0x0  }
0x1ea: {  	[sflag:s30] =	ssyncadd.s32 $0xFFFFFC00  }
0x1eb: {  	_ =	swait.ge [sflag:s30], $0x400  }
0x1ec: {  	[sflag:s30] =	ssyncset.done $0x0  }
0x1ed: {  	[sflag:s30] =	ssyncadd.s32 $0xFFFFFC00  }
0x1ee: {  	_ =	swait.ge [sflag:s30], $0x400  }
0x1ef: {  	[sflag:s30] =	ssyncset.done $0x0  }
0x1f0: {  	[sflag:s30] =	ssyncadd.s32 $0xFFFFFC00  }
0x1f1: {  	_ =	swait.ge [sflag:s30], $0x400  }
0x1f2: {  	[sflag:s30] =	ssyncset.done $0x0  }
0x1f3: {  	[sflag:s30] =	ssyncadd.s32 $0xFFFFFC00  }
0x1f4: {  	_ =	swait.ge [sflag:s30], $0x400  }
0x1f5: {  	[sflag:s30] =	ssyncset.done $0x0  }
0x1f6: {  	[sflag:s30] =	ssyncadd.s32 $0xFFFFFC00  }
0x1f7: {  	_ =	swait.ge [sflag:s30], $0x400  }
.Ltmp6:
0x1f8: {  	[sflag:s30] =	ssyncset.done $0x0;
	(pc) =	sbr.rel .LBB2_8-.Ltmp6, $4  }
0x1f9: {  	[sflag:s30] =	ssyncadd.s32 $0xFFFFFC00  }
0x1fa: {  	_ =	swait.ge [sflag:s30], $0x400  }
0x1fb: {  	[sflag:s30] =	ssyncset.done $0x0  }
0x1fc: {  	[sflag:s30] =	ssyncadd.s32 $0xFFFFFC00  }
.LBB2_9:
0x1fd: {  	_ =	sfence.sel $0x180000  }
0x1fe: {  	[bflag:$0x0] =	sbarrier.arrive $0xFFFF  }
0x1ff: {  	_ =	strace $0x9000004D  }
0x200: {  	s0 =	stileid.u32;
	[bflag:$0x2] =	sbarrier.arrive $0xFFFF  }
0x201: {  	p0 =	sne.s32 s0, $0x0;
	s0 =	rddreg [dreg:$0x4]  }
0x202: {  	s0 =	sadd.s32 @!p0 $0x100000, s0  }
0x203: {  	[sflag:s0] =	ssyncadd.tile.s32 @!p0 $0x1;
	_ =	shalt  }
.Lfunc_end2:
_tile_overlayer_lowered:
.L_overlay_start_2:
0x204: {  	(tag) =	ssettag $0x2  }
0x205: {  	s0 =	rddreg [dreg:$0x0];
	s2 =	stileid.u32  }
0x206: {  	s1 =	rddreg [dreg:$0x1];
	p0 =	sne.s32 s2, $0x0  }
0x207: {  	s3 =	rddreg [dreg:$0x2];
	[bflag:$0x3] =	sbarrier.arrive $0xFFFF;
	s2 =	simm.s32 @!p0 $0x1C03  }
0x208: {  	[timem:s3], [sflag:s2] =	dma.local @!p0 [hbm:s0], s1  }
0x209: {  	s0 =	simm.s32 @!p0 $0x3  }
0x20a: {  	_ =	swait.ge @!p0 [sflag:s0], s1  }
0x20b: {  	s1 =	ssub.s32 @!p0 $0x0, s1;
	[sflag:s0] =	ssyncset.done @!p0 $0x0  }
0x20c: {  	[sflag:s0] =	ssyncadd.s32 @!p0 s1  }
0x20d: {  	[bflag:$0x3] =	sbarrier.arrive $0xFFFF  }
0x20e: {  	_ =	shalt  }

// kernel: kernel.20.cloned.1.call-start
scs
__scs_entry_jumppad:
0x0: {  	(pc) =	sbr.rel $0x88, $3  }
0x1: {  	(tag) =	ssettag $0x0;
	lr =	simm.s32 $0x1  }
0x2: {  	[smem:$0x3F97] =	sst lr;
	_ =	strace $0xD0000000  }
0x3: {  	_ = 	snop  }
0x4: {  	_ = 	snop  }
0x5: {  	_ = 	snop  }
0x6: {  	_ = 	snop  }
0x7: {  	_ = 	snop  }
__scs_overlays_trampoline_lowered:
0x8: {  	[smem:$0x3FA6] =	sst s0  }
0x9: {  	[smem:$0x3FA7] =	sst s1  }
0xa: {  	[smem:$0x3FA8] =	sst s2  }
0xb: {  	[smem:$0x3FA9] =	sst s3  }
0xc: {  	[smem:$0x3FAA] =	sst s4  }
0xd: {  	[smem:$0x3FAB] =	sst s5  }
0xe: {  	[smem:$0x3FAC] =	sst s6  }
0xf: {  	[smem:$0x3FAD] =	sst s7  }
0x10: {  	[smem:$0x3FAE] =	sst s8  }
0x11: {  	[smem:$0x3FAF] =	sst s9;
	s0 =	simm.s32 @!p0 $0x0  }
0x12: {  	s1 =	sld [smem:$0x3F95];
	s0 =	simm.s32 @p0 $0x1  }
0x13: {  	[smem:$0x3FB0] =	sst s0;
	s0 =	simm.s32 @!p1 $0x0  }
0x14: {  	s2 =	sld [smem:$0x3F94];
	s0 =	simm.s32 @p1 $0x1  }
0x15: {  	[smem:$0x3FB1] =	sst s0;
	s0 =	simm.s32 @!p2 $0x0  }
0x16: {  	s3 =	sld [smem:$0x3FDB];
	s0 =	simm.s32 @p2 $0x1  }
0x17: {  	s4 =	simm.s32 $0x1BF5;
	[smem:$0x3FB3] =	sst s0  }
0x18: {  	s0 =	sld [smem:$0x3F96];
	_ =	swait.ge [sflag:s4], $0x0  }
0x19: {  	s7 =	sld [smem:$0x3F97]  }
0x1a: {  	s8 =	sadd.s32 $0xFFFFE003, lr  }
0x1b: {  	s9 =	sadd.s32 $0xFFFFFEF7, lr;
	s5 =	simm.s32 $0xFFFFFFFF;
	p2 =	slt.u32 s8, $0xFFFFF086  }
0x1c: {  	p1 =	slt.u32 s9, $0xF7A;
	s5 =	simm.s32 @!p2 $0x0  }
0x1d: {  	s5 =	simm.s32 @p1 $0x1;
	p0 =	seq.s32 s7, s2  }
0x1e: {  	s7 =	smul.u32 @!p0 $0xF7A, s2;
	p2 =	seq.s32 @!p0 s5, $0x0  }
0x1f: {  	s9 =	smul.u32 $0xF7A, s1;
	s8 =	simm.s32 @!p0 $0x1BF5;
	p2 =	por !p2, p0  }
0x20: {  	[sflag:s8] =	ssyncset.s32 @!p0 $0xFFFFF086;
	s6 =	sadd.s32 @!p0 s3, s7;
	s7 =	simm.s32 @!p0 $0x108  }
0x21: {  	s3 =	sadd.s32 s3, s9;
	s6 =	sadd.s32 @!p0 $0x88, s6;
	s7 =	simm.s32 @p2 $0x1082  }
0x22: {  	[simem:s7], [sflag:s8] =	dma.local @!p0 [hbm:s6], $0xF7A  }
0x23: {  	s9 =	sor.u32 $0xD0000000, s2;
	s6 =	simm.s32 $0x108;
	_ =	swait.ge @!p0 [sflag:s8], $0x0  }
0x24: {  	s3 =	sadd.s32 $0x88, s3;
	s6 =	simm.s32 @!p1 $0x1082;
	[sflag:s4] =	ssyncset.s32 $0xFFFFF086  }
0x25: {  	[simem:s6], [sflag:s4] =	dma.local [hbm:s3], $0xF7A  }
0x26: {  	[smem:$0x3F97] =	sst s1;
	(tag) =	ssettag s2;
	_ =	strace s9  }
0x27: {  	s1 =	sld [smem:$0x3FA7]  }
0x28: {  	s2 =	sld [smem:$0x3FA8]  }
0x29: {  	s4 =	sld [smem:$0x3FAA]  }
0x2a: {  	p0 =	seq.s32 s5, $0x0;
	s5 =	sld [smem:$0x3FAB]  }
0x2b: {  	s6 =	sld [smem:$0x3FAC]  }
0x2c: {  	s7 =	sld [smem:$0x3FAD]  }
0x2d: {  	s3 =	simm.s32 $0x108;
	s8 =	sld [smem:$0x3FAE]  }
0x2e: {  	s3 =	simm.s32 @!p0 $0x1082;
	s9 =	sld [smem:$0x3FAF]  }
0x2f: {  	lr =	sadd.s32 s0, s3;
	s0 =	sld [smem:$0x3FA6]  }
0x30: {  	s3 =	sld [smem:$0x3FA9]  }
0x31: {  	[smem:$0x3FB2] =	sst s10  }
0x32: {  	s10 =	sld [smem:$0x3FB0];
	_ =	sdelay $0x3  }
0x33: {  	p0 =	seq.s32 s10, $0x1;
	s10 =	sld [smem:$0x3FB2];
	_ =	sdelay $0x3  }
0x34: {  	[smem:$0x3FB2] =	sst s10  }
0x35: {  	s10 =	sld [smem:$0x3FB1];
	_ =	sdelay $0x3  }
0x36: {  	p1 =	seq.s32 s10, $0x1;
	s10 =	sld [smem:$0x3FB2];
	_ =	sdelay $0x3  }
0x37: {  	[smem:$0x3FB2] =	sst s10  }
0x38: {  	s10 =	sld [smem:$0x3FB3]  }
0x39: {  	_ = 	snop;
	(pc) =	sbr.ind lr, $3  }
0x3a: {  	_ = 	snop  }
0x3b: {  	_ = 	snop  }
0x3c: {  	p2 =	seq.s32 s10, $0x1;
	s10 =	sld [smem:$0x3FB2]  }
0x3d: {  	_ =	shalt  }
0x3e: {  	_ =	shalt  }
0x3f: {  	_ =	shalt  }
0x40: {  	_ =	shalt  }
0x41: {  	_ =	shalt  }
0x42: {  	_ =	shalt  }
0x43: {  	_ =	shalt  }
0x44: {  	_ =	shalt  }
0x45: {  	_ =	shalt  }
0x46: {  	_ =	shalt  }
0x47: {  	_ =	shalt  }
0x48: {  	_ =	shalt  }
0x49: {  	_ =	shalt  }
0x4a: {  	_ =	shalt  }
0x4b: {  	_ =	shalt  }
0x4c: {  	_ =	shalt  }
0x4d: {  	_ =	shalt  }
0x4e: {  	_ =	shalt  }
0x4f: {  	_ =	shalt  }
0x50: {  	_ =	shalt  }
0x51: {  	_ =	shalt  }
0x52: {  	_ =	shalt  }
0x53: {  	_ =	shalt  }
0x54: {  	_ =	shalt  }
0x55: {  	_ =	shalt  }
0x56: {  	_ =	shalt  }
0x57: {  	_ =	shalt  }
0x58: {  	_ =	shalt  }
0x59: {  	_ =	shalt  }
0x5a: {  	_ =	shalt  }
0x5b: {  	_ =	shalt  }
0x5c: {  	_ =	shalt  }
0x5d: {  	_ =	shalt  }
0x5e: {  	_ =	shalt  }
0x5f: {  	_ =	shalt  }
0x60: {  	_ =	shalt  }
0x61: {  	_ =	shalt  }
0x62: {  	_ =	shalt  }
0x63: {  	_ =	shalt  }
0x64: {  	_ =	shalt  }
0x65: {  	_ =	shalt  }
0x66: {  	_ =	shalt  }
0x67: {  	_ =	shalt  }
0x68: {  	_ =	shalt  }
0x69: {  	_ =	shalt  }
0x6a: {  	_ =	shalt  }
0x6b: {  	_ =	shalt  }
0x6c: {  	_ =	shalt  }
0x6d: {  	_ =	shalt  }
0x6e: {  	_ =	shalt  }
0x6f: {  	_ =	shalt  }
0x70: {  	_ =	shalt  }
0x71: {  	_ =	shalt  }
0x72: {  	_ =	shalt  }
0x73: {  	_ =	shalt  }
0x74: {  	_ =	shalt  }
0x75: {  	_ =	shalt  }
0x76: {  	_ =	shalt  }
0x77: {  	_ =	shalt  }
0x78: {  	_ =	shalt  }
0x79: {  	_ =	shalt  }
0x7a: {  	_ =	shalt  }
0x7b: {  	_ =	shalt  }
0x7c: {  	_ =	shalt  }
0x7d: {  	_ =	shalt  }
0x7e: {  	_ =	shalt  }
0x7f: {  	_ =	shalt  }
0x80: {  	_ =	shalt  }
0x81: {  	_ =	shalt  }
0x82: {  	_ =	shalt  }
0x83: {  	_ =	shalt  }
0x84: {  	_ =	shalt  }
0x85: {  	_ =	shalt  }
0x86: {  	_ =	shalt  }
0x87: {  	_ =	shalt  }
.Lfunc_end0:
.L_simem_size_0:
called_computation.3_lowered:
.L_overlay_start_0:
0x88: {  	s2 =	sld [smem:$0x3FD9]  }
0x89: {  	s3 =	sld [smem:$0x3FFE];
	_ =	sdelay $0x1  }
0x8a: {  	s1 =	srdreg.scid  }
0x8b: {  	s0 =	sand.u32 $0x1, s1  }
0x8c: {  	s14 =	sshll.u32 s0, $0xA;
	s2 =	sadd.s32 s3, s2  }
0x8d: {  	s2 =	sadd.s32 s2, s14  }
0x8e: {  	[smem:$0x3FBE] =	sst s2  }
0x8f: {  	_ = 	snop  }
0x90: {  	s2 =	sld [smem:$0x3FD0];
	_ =	sdelay $0x2  }
0x91: {  	s15 =	simm.s32 $0xA;
	s4 =	simm.s32 $0x10  }
0x92: {  	[smem:s4], [sflag:s15] =	dma.local [hbm:s2], $0x1  }
0x93: {  	_ =	swait.eq [sflag:s15], $0x1  }
0x94: {  	[sflag:s15] =	ssyncset.done $0x0  }
0x95: {  	[sflag:s15] =	ssyncadd.s32 $0xFFFFFFFF  }
0x96: {  	s16 =	sld [smem:$0x10];
	(tm) =	ssettm $0x1  }
0x97: {  	s17 =	sld [smem:$0x3FFB];
	_ =	sdelay $0x3  }
0x98: {  	_ =	strace s17  }
0x99: {  	s3 =	sld [smem:$0x3FFC];
	_ =	sdelay $0x3  }
0x9a: {  	_ =	strace s3  }
0x9b: {  	s3 =	sld [smem:$0x3FFD];
	_ =	sdelay $0x3  }
0x9c: {  	_ =	strace s3  }
0x9d: {  	_ =	strace $0x8FFFFFFF  }
0x9e: {  	s18 =	sld [smem:$0x3FDB];
	_ =	sdelay $0x1  }
0x9f: {  	s19 =	simm.s32 $_scs_section_size  }
0xa0: {  	s5 =	simm.s32 $_size__tile_overlayer_lowered;
	s6 =	simm.s32 $_tile_overlayer_lowered  }
0xa1: {  	s22 =	simm.s32 $0x1BFF;
	s21 =	sshll.u32 s6, $0x1;
	s3 =	sadd.s32 s19, s18  }
0xa2: {  	s7 =	simm.s32 $0x0;
	s20 =	sshll.u32 s5, $0x1;
	s5 =	sadd.s32 s21, s3  }
0xa3: {  	[timem:s7], [sflag:s22] =	dma.local [hbm:s5], s20  }
0xa4: {  	_ =	swait.ge [sflag:s22], s20  }
0xa5: {  	s4 =	ssub.s32 $0x0, s20;
	[sflag:s22] =	ssyncset.done $0x0  }
0xa6: {  	[sflag:s22] =	ssyncadd.s32 s4;
	_ =	sdelay $0x1  }
0xa7: {  	s23 =	simm.s32 $0x1B8B  }
0xa8: {  	_ =	swait.ge [sflag:s23], $0x1  }
0xa9: {  	[sflag:s23] =	ssyncset.done $0x0  }
0xaa: {  	s25 =	simm.s32 $0x1B8E;
	s24 =	sld [smem:$0x3FFE];
	[sflag:s23] =	ssyncadd.s32 $0xFFFFFFFF  }
0xab: {  	s26 =	simm.s32 $execute0_lowered;
	[smem:$0x3FD2] =	sst s25  }
0xac: {  	s5 =	sshll.u32 s26, $0x1;
	_ =	strace $0x8000004F;
	[dreg:$0x1] =	wrdreg $0xFFFFFFFF  }
0xad: {  	s28 =	simm.s32 $_size_execute0_lowered;
	s3 =	sadd.s32 s3, s5;
	[dreg:$0x0] =	wrdreg $0x0  }
0xae: {  	s5 =	sshll.u32 s28, $0x1;
	[dreg:$0x2] =	wrdreg s3  }
0xaf: {  	[dreg:$0x3] =	wrdreg s5  }
0xb0: {  	[dreg:$0x4] =	wrdreg $0xC0  }
0xb1: {  	_ =	task [dreg:s7], $0x5FFFF  }
0xb2: {  	[dreg:$0x1] =	wrdreg $0xFFFFFFFF  }
0xb3: {  	[dreg:$0x0] =	wrdreg $0x60  }
0xb4: {  	[dreg:$0x2] =	wrdreg s24  }
0xb5: {  	[dreg:$0x3] =	wrdreg s16  }
0xb6: {  	[dreg:$0x4] =	wrdreg $0x0  }
0xb7: {  	[dreg:$0x5] =	wrdreg $0x14000  }
0xb8: {  	[dreg:$0x6] =	wrdreg $0x9  }
0xb9: {  	_ =	task.clear_ibuf [dreg:s7], $0x7FFFF;
	_ =	strace $0x9000004F  }
0xba: {  	s29 =	simm.s32 $0x9;
	_ =	strace $0x80000051  }
0xbb: {  	_ =	swait.ge [sflag:s29], $0x1  }
0xbc: {  	[sflag:s29] =	ssyncadd.s32 $0xFFFFFFFF  }
0xbd: {  	_ =	strace $0x90000051  }
0xbe: {  	_ =	sfence  }
0xbf: {  	s30 =	sld [smem:$0x0];
	_ =	sdelay $0x2  }
0xc0: {  	s31 =	sshll.u32 s1, $0xD;
	s1 =	sshrl.u32 s1, $0x2  }
0xc1: {  	s3 =	sand.u32 $0x4000, s31;
	s1 =	sadd.s32 s1, s30  }
0xc2: {  	s0 =	sor.u32 s3, s0;
	s1 =	sshll.u32 s1, $0x11  }
0xc3: {  	s0 =	sor.u32 s1, s0  }
0xc4: {  	s0 =	sadd.s32 $0x8F2B, s0  }
0xc5: {  	[sflag:s0] =	ssyncadd.remote.s32 $0x1  }
0xc6: {  	_ =	sfence.sel $0xFFFF  }
0xc7: {  	[dreg:$0x0] =	wrdreg $0xFFFFFFFF;
	(pc) =	sbr.abs _section_cstart, $3  }
0xc8: {  	[dreg:$0x1] =	wrdreg $0xFFFFFFFF  }
0xc9: {  	_ =	task.clear_ibuf [dreg:s7], $0x2FFFF;
	_ =	strace $0x9FFFFFFF  }
0xca: {  	(tm) =	ssettm $0x7FFFFFFF  }
0xcb: {  	_ =	shalt  }
tec
execute0_lowered:
.L_overlay_start_1:
0x0: {  	(tag) =	ssettag $0x1  }
0x1: {  	s0 =	rddreg [dreg:$0x0]  }
0x2: {  	s1 =	rddreg [dreg:$0x1]  }
0x3: {  	s2 =	rddreg [dreg:$0x2]  }
0x4: {  	s3 =	rddreg [dreg:$0x3]  }
0x5: {  	s16 =	stileid.u32;
	s5 =	srdreg.scid  }
0x6: {  	s4 =	simm.s32 $0x0;
	s19 =	simm.s32 $0x80;
	s20 =	simm.s32 $0x8000  }
0x7: {  	s21 =	simm.s32 $0x8400;
	s22 =	simm.s32 $0x8800;
	s28 =	simm.s32 $0x9C00  }
0x8: {  	s29 =	simm.s32 $0x1;
	s30 =	simm.s32 $0x2;
	s7 =	smul.u32 $0x1400, s16  }
0x9: {  	s8 =	sand.u32 $0x1, s5;
	[smem:$0x7FF] =	sst s4;
	s24 =	smul.u32 $0x2400, s16  }
0xa: {  	s11 =	sadd.s32 $0x12A00, s0;
	s13 =	sadd.s32 $0x3A00, s0;
	s25 =	smul.u32 $0x580, s16  }
0xb: {  	s23 =	sshll.u32 s16, $0x6;
	s5 =	smul.u32 $0x14000, s8;
	_ =	strace $0x80000050  }
0xc: {  	s10 =	ssub.s32 $0x2, s8;
	p0 =	seq.s32 s8, $0x1;
	s6 =	sshrl.u32 s7, $0x3  }
0xd: {  	s12 =	sshrl.u32 s10, $0x1;
	s15 =	sadd.s32 s7, s2;
	s26 =	sadd.s32 s7, s3  }
0xe: {  	s31 =	sshrl.u32 s24, $0x3;
	s8 =	sadd.s32 s11, s25;
	s24 =	simm.s32 $0x9000  }
0xf: {  	s9 =	sadd.s32 s6, s0;
	s5 =	sadd.s32 s7, s5;
	s14 =	ssub.s32 s10, s12  }
0x10: {  	s12 =	sadd.s32 $0x5800, s31;
	s16 =	sshrl.u32 s26, $0x3;
	s26 =	simm.s32 $0x9800  }
.Ltmp0:
0x11: {  	s5 =	sshrl.u32 s5, $0x3;
	s7 =	sadd.s32 $0xDA00, s9;
	(pc) =	sbr.rel .LBB2_1-.Ltmp0, $4  }
0x12: {  	s9 =	sadd.s32 s13, s25;
	s10 =	sadd.s32 s11, s12;
	s11 =	sadd.s32 s13, s12  }
0x13: {  	s13 =	smax.u32 s14, $0x1;
	s14 =	sshrl.u32 s15, $0x3;
	s15 =	simm.s32 $0x3  }
0x14: {  	s25 =	simm.s32 $0x9400;
	s0 =	sadd.s32 s5, s0;
	s5 =	sadd.s32 s1, s6  }
0x15: {  	s6 =	sor.u32 $0x1C03, s23;
	s23 =	simm.s32 $0x8C00;
	s12 =	sadd.s32 $0x1CA00, s0  }
.LBB2_7:
0x16: {  	s0 =	sadd.s32 $0x2800, s31;
	[sflag:s30] =	ssyncadd.s32 $0xFFFFFC00  }
0x17: {  	[tilespmem:s20], [sflag:$0x1] =	stream.indirect.gather [spmem:s3], $0x8, s0, s19, $0xb8;
	[tilespmem:$0xA000] =	vst v63  }
0x18: {  	s17 =	sadd.s32 $0x2880, s31  }
0x19: {  	[tilespmem:s21], [sflag:$0x1] =	stream.indirect.gather [spmem:s3], $0x8, s17, s19, $0xb8;
	[tilespmem:$0xA000] =	vst v63  }
0x1a: {  	s18 =	sadd.s32 $0x2900, s31  }
0x1b: {  	[tilespmem:s22], [sflag:$0x1] =	stream.indirect.gather [spmem:s3], $0x8, s18, s19, $0xb8;
	[tilespmem:$0xA000] =	vst v63  }
0x1c: {  	s1 =	sadd.s32 $0x2980, s31  }
0x1d: {  	[tilespmem:s23], [sflag:$0x1] =	stream.indirect.gather [spmem:s3], $0x8, s1, s19, $0xb8;
	[tilespmem:$0xA000] =	vst v63  }
0x1e: {  	s17 =	sadd.s32 $0x2A00, s31  }
0x1f: {  	[tilespmem:s24], [sflag:$0x1] =	stream.indirect.gather [spmem:s3], $0x8, s17, s19, $0xb8;
	[tilespmem:$0xA000] =	vst v63  }
0x20: {  	s18 =	sadd.s32 $0x2A80, s31  }
0x21: {  	[tilespmem:s25], [sflag:$0x1] =	stream.indirect.gather [spmem:s3], $0x8, s18, s19, $0xb8;
	[tilespmem:$0xA000] =	vst v63  }
0x22: {  	s1 =	sadd.s32 $0x2B00, s31  }
0x23: {  	[tilespmem:s26], [sflag:$0x1] =	stream.indirect.gather [spmem:s3], $0x8, s1, s19, $0xb8;
	[tilespmem:$0xA000] =	vst v63  }
0x24: {  	s17 =	sadd.s32 $0x2B80, s31  }
0x25: {  	[tilespmem:s28], [sflag:$0x1] =	stream.indirect.gather [spmem:s3], $0x8, s17, s19, $0xb8;
	[tilespmem:$0xA000] =	vst v63  }
0x26: {  	_ =	swait.ge [sflag:s29], $0x400  }
0x27: {  	[sflag:s29] =	ssyncset.done $0x0  }
0x28: {  	[sflag:s29] =	ssyncadd.s32 $0xFFFFFC00  }
0x29: {  	_ =	swait.ge [sflag:s29], $0x400  }
0x2a: {  	[sflag:s29] =	ssyncset.done $0x0  }
0x2b: {  	s18 =	sadd.s32 $0x5400, s31;
	[sflag:s29] =	ssyncadd.s32 $0xFFFFFC00  }
0x2c: {  	[spmem:s2] =	stream.indirect.scatter.add.f32 [tilespmem:s20], [sflag:$0x2], $0x8, s18, s19, $0xb8;
	[tilespmem:$0xA000] =	vst v63  }
0x2d: {  	s1 =	sadd.s32 $0x5480, s31  }
0x2e: {  	[spmem:s2] =	stream.indirect.scatter.add.f32 [tilespmem:s21], [sflag:$0x2], $0x8, s1, s19, $0xb8;
	[tilespmem:$0xA000] =	vst v63  }
0x2f: {  	_ =	swait.ge [sflag:s29], $0x400  }
0x30: {  	[sflag:s29] =	ssyncset.done $0x0  }
0x31: {  	[sflag:s29] =	ssyncadd.s32 $0xFFFFFC00  }
0x32: {  	_ =	swait.ge [sflag:s29], $0x400  }
0x33: {  	[sflag:s29] =	ssyncset.done $0x0  }
0x34: {  	s17 =	sadd.s32 $0x5500, s31;
	[sflag:s29] =	ssyncadd.s32 $0xFFFFFC00  }
0x35: {  	[spmem:s2] =	stream.indirect.scatter.add.f32 [tilespmem:s22], [sflag:$0x2], $0x8, s17, s19, $0xb8;
	[tilespmem:$0xA000] =	vst v63  }
0x36: {  	s18 =	sadd.s32 $0x5580, s31  }
0x37: {  	[spmem:s2] =	stream.indirect.scatter.add.f32 [tilespmem:s23], [sflag:$0x2], $0x8, s18, s19, $0xb8;
	[tilespmem:$0xA000] =	vst v63  }
0x38: {  	_ =	swait.ge [sflag:s29], $0x400  }
0x39: {  	[sflag:s29] =	ssyncset.done $0x0  }
0x3a: {  	[sflag:s29] =	ssyncadd.s32 $0xFFFFFC00  }
0x3b: {  	_ =	swait.ge [sflag:s29], $0x400  }
0x3c: {  	[sflag:s29] =	ssyncset.done $0x0  }
0x3d: {  	s1 =	sadd.s32 $0x5600, s31;
	[sflag:s29] =	ssyncadd.s32 $0xFFFFFC00  }
0x3e: {  	[spmem:s2] =	stream.indirect.scatter.add.f32 [tilespmem:s24], [sflag:$0x2], $0x8, s1, s19, $0xb8;
	[tilespmem:$0xA000] =	vst v63  }
0x3f: {  	s17 =	sadd.s32 $0x5680, s31  }
0x40: {  	[spmem:s2] =	stream.indirect.scatter.add.f32 [tilespmem:s25], [sflag:$0x2], $0x8, s17, s19, $0xb8;
	[tilespmem:$0xA000] =	vst v63  }
0x41: {  	_ =	swait.ge [sflag:s29], $0x400  }
0x42: {  	[sflag:s29] =	ssyncset.done $0x0  }
0x43: {  	[sflag:s29] =	ssyncadd.s32 $0xFFFFFC00  }
0x44: {  	_ =	swait.ge [sflag:s29], $0x400  }
0x45: {  	[sflag:s29] =	ssyncset.done $0x0  }
0x46: {  	s18 =	sadd.s32 $0x5700, s31;
	[sflag:s29] =	ssyncadd.s32 $0xFFFFFC00  }
0x47: {  	[spmem:s2] =	stream.indirect.scatter.add.f32 [tilespmem:s26], [sflag:$0x2], $0x8, s18, s19, $0xb8;
	[tilespmem:$0xA000] =	vst v63  }
0x48: {  	s31 =	sadd.s32 $0x5780, s31  }
0x49: {  	[spmem:s2] =	stream.indirect.scatter.add.f32 [tilespmem:s28], [sflag:$0x2], $0x8, s31, s19, $0xb8;
	[tilespmem:$0xA000] =	vst v63  }
0x4a: {  	_ =	swait.ge [sflag:s30], $0x400  }
0x4b: {  	[sflag:s30] =	ssyncset.done $0x0  }
0x4c: {  	[sflag:s30] =	ssyncadd.s32 $0xFFFFFC00  }
0x4d: {  	_ =	swait.ge [sflag:s30], $0x400  }
0x4e: {  	[sflag:s30] =	ssyncset.done $0x0  }
0x4f: {  	[sflag:s30] =	ssyncadd.s32 $0xFFFFFC00  }
0x50: {  	_ =	swait.ge [sflag:s30], $0x400  }
0x51: {  	[sflag:s30] =	ssyncset.done $0x0  }
0x52: {  	[sflag:s30] =	ssyncadd.s32 $0xFFFFFC00  }
0x53: {  	_ =	swait.ge [sflag:s30], $0x400  }
0x54: {  	[sflag:s30] =	ssyncset.done $0x0  }
0x55: {  	[sflag:s30] =	ssyncadd.s32 $0xFFFFFC00  }
0x56: {  	_ =	swait.ge [sflag:s30], $0x400  }
0x57: {  	[sflag:s30] =	ssyncset.done $0x0  }
0x58: {  	[sflag:s30] =	ssyncadd.s32 $0xFFFFFC00  }
0x59: {  	_ =	swait.ge [sflag:s30], $0x400  }
0x5a: {  	[sflag:s30] =	ssyncset.done $0x0  }
0x5b: {  	[sflag:s30] =	ssyncadd.s32 $0xFFFFFC00  }
0x5c: {  	_ =	swait.ge [sflag:s30], $0x400  }
0x5d: {  	[sflag:s30] =	ssyncset.done $0x0  }
0x5e: {  	[sflag:s30] =	ssyncadd.s32 $0xFFFFFC00  }
0x5f: {  	_ =	swait.ge [sflag:s30], $0x400  }
0x60: {  	[sflag:s30] =	ssyncset.done $0x0  }
0x61: {  	[sflag:s30] =	ssyncadd.s32 $0xFFFFFC00  }
.LBB2_8:
0x62: {  	s4 =	sadd.s32 $0x1, s4  }
0x63: {  	p1 =	sne.s32 s4, s13  }
.Ltmp1:
0x64: {  	[bflag:$0x0] =	sbarrier.arrive $0xFFFF;
	(pc) =	sbr.rel @!p1 .LBB2_9-.Ltmp1, $4  }
0x65: {  	[hbm:s12], [sflag:s6] =	dma.local [spmem:s14], $0x280  }
0x66: {  	_ =	swait.ge [sflag:s15], $0x280  }
0x67: {  	[sflag:s15] =	ssyncset.done $0x0  }
0x68: {  	[sflag:s15] =	ssyncadd.s32 $0xFFFFFD80  }
.LBB2_1:
0x69: {  	[spmem:s14], [sflag:s6] =	dma.local [hbm:s5], $0x280  }
0x6a: {  	_ =	swait.ge [sflag:s15], $0x280  }
0x6b: {  	[sflag:s15] =	ssyncset.done $0x0  }
.Ltmp2:
0x6c: {  	[sflag:s15] =	ssyncadd.s32 $0xFFFFFD80;
	(pc) =	sbr.rel @!p0 .LBB2_2-.Ltmp2, $4  }
0x6d: {  	[spmem:s16], [sflag:s6] =	dma.local [hbm:s7], $0x280  }
0x6e: {  	_ =	swait.ge [sflag:s15], $0x280  }
0x6f: {  	[sflag:s15] =	ssyncset.done $0x0  }
0x70: {  	s0 =	simm.s32 $0x0;
	s1 =	simm.s32 $0x2800;
	[sflag:s15] =	ssyncadd.s32 $0xFFFFFD80  }
0x71: {  	[tilespmem:s1], [sflag:$0x3] =	stream.linear.gather [hbm4b:s10+s0], $0x2400, $0x38;
	[tilespmem:$0xA000] =	vst v63  }
0x72: {  	_ =	swait.ge [sflag:s15], $0x2400  }
0x73: {  	[sflag:s15] =	ssyncset.done $0x0  }
0x74: {  	s17 =	simm.s32 $0x5400;
	[sflag:s15] =	ssyncadd.s32 $0xFFFFDC00  }
0x75: {  	[tilespmem:s17], [sflag:$0x3] =	stream.linear.gather [hbm4b:s11+s0], $0x2400, $0x38;
	[tilespmem:$0xA000] =	vst v63  }
0x76: {  	_ =	swait.ge [sflag:s15], $0x2400  }
0x77: {  	[sflag:s15] =	ssyncset.done $0x0  }
0x78: {  	[sflag:s15] =	ssyncadd.s32 $0xFFFFDC00  }
0x79: {  	s18 =	simm.s32 $0x2800;
	[bflag:$0x0] =	sbarrier.arrive $0xFFFF  }
0x7a: {  	[tilespmem:s20], [sflag:$0x1] =	stream.indirect.gather [spmem:s3], $0x8, s18, s19, $0xb8;
	[tilespmem:$0xA000] =	vst v63  }
0x7b: {  	s1 =	simm.s32 $0x2880  }
0x7c: {  	[tilespmem:s21], [sflag:$0x1] =	stream.indirect.gather [spmem:s3], $0x8, s1, s19, $0xb8;
	[tilespmem:$0xA000] =	vst v63  }
0x7d: {  	s17 =	simm.s32 $0x2900  }
0x7e: {  	[tilespmem:s22], [sflag:$0x1] =	stream.indirect.gather [spmem:s3], $0x8, s17, s19, $0xb8;
	[tilespmem:$0xA000] =	vst v63  }
0x7f: {  	s18 =	simm.s32 $0x2980  }
0x80: {  	[tilespmem:s23], [sflag:$0x1] =	stream.indirect.gather [spmem:s3], $0x8, s18, s19, $0xb8;
	[tilespmem:$0xA000] =	vst v63  }
0x81: {  	s1 =	simm.s32 $0x2A00  }
0x82: {  	[tilespmem:s24], [sflag:$0x1] =	stream.indirect.gather [spmem:s3], $0x8, s1, s19, $0xb8;
	[tilespmem:$0xA000] =	vst v63  }
0x83: {  	s17 =	simm.s32 $0x2A80  }
0x84: {  	[tilespmem:s25], [sflag:$0x1] =	stream.indirect.gather [spmem:s3], $0x8, s17, s19, $0xb8;
	[tilespmem:$0xA000] =	vst v63  }
0x85: {  	s18 =	simm.s32 $0x2B00  }
0x86: {  	[tilespmem:s26], [sflag:$0x1] =	stream.indirect.gather [spmem:s3], $0x8, s18, s19, $0xb8;
	[tilespmem:$0xA000] =	vst v63  }
0x87: {  	s1 =	simm.s32 $0x2B80  }
0x88: {  	[tilespmem:s28], [sflag:$0x1] =	stream.indirect.gather [spmem:s3], $0x8, s1, s19, $0xb8;
	[tilespmem:$0xA000] =	vst v63  }
0x89: {  	_ =	swait.ge [sflag:s29], $0x400  }
0x8a: {  	[sflag:s29] =	ssyncset.done $0x0  }
0x8b: {  	[sflag:s29] =	ssyncadd.s32 $0xFFFFFC00  }
0x8c: {  	_ =	swait.ge [sflag:s29], $0x400  }
0x8d: {  	[sflag:s29] =	ssyncset.done $0x0  }
0x8e: {  	s17 =	simm.s32 $0x5400;
	[sflag:s29] =	ssyncadd.s32 $0xFFFFFC00  }
0x8f: {  	[spmem:s2] =	stream.indirect.scatter.add.f32 [tilespmem:s20], [sflag:$0x2], $0x8, s17, s19, $0xb8;
	[tilespmem:$0xA000] =	vst v63  }
0x90: {  	s18 =	simm.s32 $0x5480  }
0x91: {  	[spmem:s2] =	stream.indirect.scatter.add.f32 [tilespmem:s21], [sflag:$0x2], $0x8, s18, s19, $0xb8;
	[tilespmem:$0xA000] =	vst v63  }
0x92: {  	_ =	swait.ge [sflag:s29], $0x400  }
0x93: {  	[sflag:s29] =	ssyncset.done $0x0  }
0x94: {  	[sflag:s29] =	ssyncadd.s32 $0xFFFFFC00  }
0x95: {  	_ =	swait.ge [sflag:s29], $0x400  }
0x96: {  	[sflag:s29] =	ssyncset.done $0x0  }
0x97: {  	s1 =	simm.s32 $0x5500;
	[sflag:s29] =	ssyncadd.s32 $0xFFFFFC00  }
0x98: {  	[spmem:s2] =	stream.indirect.scatter.add.f32 [tilespmem:s22], [sflag:$0x2], $0x8, s1, s19, $0xb8;
	[tilespmem:$0xA000] =	vst v63  }
0x99: {  	s17 =	simm.s32 $0x5580  }
0x9a: {  	[spmem:s2] =	stream.indirect.scatter.add.f32 [tilespmem:s23], [sflag:$0x2], $0x8, s17, s19, $0xb8;
	[tilespmem:$0xA000] =	vst v63  }
0x9b: {  	_ =	swait.ge [sflag:s29], $0x400  }
0x9c: {  	[sflag:s29] =	ssyncset.done $0x0  }
0x9d: {  	[sflag:s29] =	ssyncadd.s32 $0xFFFFFC00  }
0x9e: {  	_ =	swait.ge [sflag:s29], $0x400  }
0x9f: {  	[sflag:s29] =	ssyncset.done $0x0  }
0xa0: {  	s18 =	simm.s32 $0x5600;
	[sflag:s29] =	ssyncadd.s32 $0xFFFFFC00  }
0xa1: {  	[spmem:s2] =	stream.indirect.scatter.add.f32 [tilespmem:s24], [sflag:$0x2], $0x8, s18, s19, $0xb8;
	[tilespmem:$0xA000] =	vst v63  }
0xa2: {  	s1 =	simm.s32 $0x5680  }
0xa3: {  	[spmem:s2] =	stream.indirect.scatter.add.f32 [tilespmem:s25], [sflag:$0x2], $0x8, s1, s19, $0xb8;
	[tilespmem:$0xA000] =	vst v63  }
0xa4: {  	_ =	swait.ge [sflag:s29], $0x400  }
0xa5: {  	[sflag:s29] =	ssyncset.done $0x0  }
0xa6: {  	[sflag:s29] =	ssyncadd.s32 $0xFFFFFC00  }
0xa7: {  	_ =	swait.ge [sflag:s29], $0x400  }
0xa8: {  	[sflag:s29] =	ssyncset.done $0x0  }
0xa9: {  	s17 =	simm.s32 $0x5700;
	[sflag:s29] =	ssyncadd.s32 $0xFFFFFC00  }
0xaa: {  	[spmem:s2] =	stream.indirect.scatter.add.f32 [tilespmem:s26], [sflag:$0x2], $0x8, s17, s19, $0xb8;
	[tilespmem:$0xA000] =	vst v63  }
0xab: {  	s18 =	simm.s32 $0x5780  }
0xac: {  	[spmem:s2] =	stream.indirect.scatter.add.f32 [tilespmem:s28], [sflag:$0x2], $0x8, s18, s19, $0xb8;
	[tilespmem:$0xA000] =	vst v63  }
0xad: {  	_ =	swait.ge [sflag:s30], $0x400  }
0xae: {  	[sflag:s30] =	ssyncset.done $0x0  }
0xaf: {  	[sflag:s30] =	ssyncadd.s32 $0xFFFFFC00  }
0xb0: {  	_ =	swait.ge [sflag:s30], $0x400  }
0xb1: {  	[sflag:s30] =	ssyncset.done $0x0  }
0xb2: {  	[sflag:s30] =	ssyncadd.s32 $0xFFFFFC00  }
0xb3: {  	_ =	swait.ge [sflag:s30], $0x400  }
0xb4: {  	[sflag:s30] =	ssyncset.done $0x0  }
0xb5: {  	[sflag:s30] =	ssyncadd.s32 $0xFFFFFC00  }
0xb6: {  	_ =	swait.ge [sflag:s30], $0x400  }
0xb7: {  	[sflag:s30] =	ssyncset.done $0x0  }
0xb8: {  	[sflag:s30] =	ssyncadd.s32 $0xFFFFFC00  }
0xb9: {  	_ =	swait.ge [sflag:s30], $0x400  }
0xba: {  	[sflag:s30] =	ssyncset.done $0x0  }
0xbb: {  	[sflag:s30] =	ssyncadd.s32 $0xFFFFFC00  }
0xbc: {  	_ =	swait.ge [sflag:s30], $0x400  }
0xbd: {  	[sflag:s30] =	ssyncset.done $0x0  }
0xbe: {  	[sflag:s30] =	ssyncadd.s32 $0xFFFFFC00  }
0xbf: {  	_ =	swait.ge [sflag:s30], $0x400  }
0xc0: {  	[sflag:s30] =	ssyncset.done $0x0  }
0xc1: {  	[sflag:s30] =	ssyncadd.s32 $0xFFFFFC00  }
0xc2: {  	_ =	swait.ge [sflag:s30], $0x400  }
0xc3: {  	s31 =	simm.s32 $0x400;
	s17 =	simm.s32 $0x2000;
	[sflag:s30] =	ssyncset.done $0x0  }
.LBB2_6:
0xc4: {  	s18 =	sadd.s32 $0x2800, s31  }
0xc5: {  	[sflag:s30] =	ssyncadd.s32 $0xFFFFFC00;
	s1 =	smov.u32 s17;
	s0 =	sadd.s32 $0x1000, s17  }
0xc6: {  	[tilespmem:s20], [sflag:$0x1] =	stream.indirect.gather [spmem:s3], $0x8, s18, s19, $0xb8;
	[tilespmem:$0xA000] =	vst v63  }
0xc7: {  	p1 =	sne.s32 s17, $0x8000;
	s17 =	sadd.s32 $0x2880, s31  }
0xc8: {  	[tilespmem:s21], [sflag:$0x1] =	stream.indirect.gather [spmem:s3], $0x8, s17, s19, $0xb8;
	[tilespmem:$0xA000] =	vst v63  }
0xc9: {  	s17 =	sadd.s32 $0x2900, s31  }
0xca: {  	[tilespmem:s22], [sflag:$0x1] =	stream.indirect.gather [spmem:s3], $0x8, s17, s19, $0xb8;
	[tilespmem:$0xA000] =	vst v63  }
0xcb: {  	s17 =	sadd.s32 $0x2980, s31  }
0xcc: {  	[tilespmem:s23], [sflag:$0x1] =	stream.indirect.gather [spmem:s3], $0x8, s17, s19, $0xb8;
	[tilespmem:$0xA000] =	vst v63  }
0xcd: {  	s17 =	sadd.s32 $0x2A00, s31  }
0xce: {  	[tilespmem:s24], [sflag:$0x1] =	stream.indirect.gather [spmem:s3], $0x8, s17, s19, $0xb8;
	[tilespmem:$0xA000] =	vst v63  }
0xcf: {  	s17 =	sadd.s32 $0x2A80, s31  }
0xd0: {  	[tilespmem:s25], [sflag:$0x1] =	stream.indirect.gather [spmem:s3], $0x8, s17, s19, $0xb8;
	[tilespmem:$0xA000] =	vst v63  }
0xd1: {  	s17 =	sadd.s32 $0x2B00, s31  }
0xd2: {  	[tilespmem:s26], [sflag:$0x1] =	stream.indirect.gather [spmem:s3], $0x8, s17, s19, $0xb8;
	[tilespmem:$0xA000] =	vst v63  }
0xd3: {  	s17 =	sadd.s32 $0x2B80, s31  }
0xd4: {  	[tilespmem:s28], [sflag:$0x1] =	stream.indirect.gather [spmem:s3], $0x8, s17, s19, $0xb8;
	[tilespmem:$0xA000] =	vst v63  }
0xd5: {  	_ =	swait.ge [sflag:s29], $0x400  }
0xd6: {  	[sflag:s29] =	ssyncset.done $0x0  }
0xd7: {  	[sflag:s29] =	ssyncadd.s32 $0xFFFFFC00  }
0xd8: {  	_ =	swait.ge [sflag:s29], $0x400  }
0xd9: {  	[sflag:s29] =	ssyncset.done $0x0  }
0xda: {  	s17 =	sadd.s32 $0x5400, s31;
	[sflag:s29] =	ssyncadd.s32 $0xFFFFFC00  }
0xdb: {  	[spmem:s2] =	stream.indirect.scatter.add.f32 [tilespmem:s20], [sflag:$0x2], $0x8, s17, s19, $0xb8;
	[tilespmem:$0xA000] =	vst v63  }
0xdc: {  	s17 =	sadd.s32 $0x5480, s31  }
0xdd: {  	[spmem:s2] =	stream.indirect.scatter.add.f32 [tilespmem:s21], [sflag:$0x2], $0x8, s17, s19, $0xb8;
	[tilespmem:$0xA000] =	vst v63  }
0xde: {  	_ =	swait.ge [sflag:s29], $0x400  }
0xdf: {  	[sflag:s29] =	ssyncset.done $0x0  }
0xe0: {  	[sflag:s29] =	ssyncadd.s32 $0xFFFFFC00  }
0xe1: {  	_ =	swait.ge [sflag:s29], $0x400  }
0xe2: {  	[sflag:s29] =	ssyncset.done $0x0  }
0xe3: {  	s17 =	sadd.s32 $0x5500, s31;
	[sflag:s29] =	ssyncadd.s32 $0xFFFFFC00  }
0xe4: {  	[spmem:s2] =	stream.indirect.scatter.add.f32 [tilespmem:s22], [sflag:$0x2], $0x8, s17, s19, $0xb8;
	[tilespmem:$0xA000] =	vst v63  }
0xe5: {  	s17 =	sadd.s32 $0x5580, s31  }
0xe6: {  	[spmem:s2] =	stream.indirect.scatter.add.f32 [tilespmem:s23], [sflag:$0x2], $0x8, s17, s19, $0xb8;
	[tilespmem:$0xA000] =	vst v63  }
0xe7: {  	_ =	swait.ge [sflag:s29], $0x400  }
0xe8: {  	[sflag:s29] =	ssyncset.done $0x0  }
0xe9: {  	[sflag:s29] =	ssyncadd.s32 $0xFFFFFC00  }
0xea: {  	_ =	swait.ge [sflag:s29], $0x400  }
0xeb: {  	[sflag:s29] =	ssyncset.done $0x0  }
0xec: {  	s17 =	sadd.s32 $0x5600, s31;
	[sflag:s29] =	ssyncadd.s32 $0xFFFFFC00  }
0xed: {  	[spmem:s2] =	stream.indirect.scatter.add.f32 [tilespmem:s24], [sflag:$0x2], $0x8, s17, s19, $0xb8;
	[tilespmem:$0xA000] =	vst v63  }
0xee: {  	s17 =	sadd.s32 $0x5680, s31  }
0xef: {  	[spmem:s2] =	stream.indirect.scatter.add.f32 [tilespmem:s25], [sflag:$0x2], $0x8, s17, s19, $0xb8;
	[tilespmem:$0xA000] =	vst v63  }
0xf0: {  	_ =	swait.ge [sflag:s29], $0x400  }
0xf1: {  	[sflag:s29] =	ssyncset.done $0x0  }
0xf2: {  	[sflag:s29] =	ssyncadd.s32 $0xFFFFFC00  }
0xf3: {  	_ =	swait.ge [sflag:s29], $0x400  }
0xf4: {  	[sflag:s29] =	ssyncset.done $0x0  }
0xf5: {  	s17 =	sadd.s32 $0x5700, s31;
	[sflag:s29] =	ssyncadd.s32 $0xFFFFFC00  }
0xf6: {  	[spmem:s2] =	stream.indirect.scatter.add.f32 [tilespmem:s26], [sflag:$0x2], $0x8, s17, s19, $0xb8;
	[tilespmem:$0xA000] =	vst v63  }
0xf7: {  	s17 =	sadd.s32 $0x5780, s31  }
0xf8: {  	[spmem:s2] =	stream.indirect.scatter.add.f32 [tilespmem:s28], [sflag:$0x2], $0x8, s17, s19, $0xb8;
	[tilespmem:$0xA000] =	vst v63  }
0xf9: {  	_ =	swait.ge [sflag:s30], $0x400  }
0xfa: {  	[sflag:s30] =	ssyncset.done $0x0  }
0xfb: {  	[sflag:s30] =	ssyncadd.s32 $0xFFFFFC00  }
0xfc: {  	_ =	swait.ge [sflag:s30], $0x400  }
0xfd: {  	[sflag:s30] =	ssyncset.done $0x0  }
0xfe: {  	[sflag:s30] =	ssyncadd.s32 $0xFFFFFC00  }
0xff: {  	_ =	swait.ge [sflag:s30], $0x400  }
0x100: {  	[sflag:s30] =	ssyncset.done $0x0  }
0x101: {  	[sflag:s30] =	ssyncadd.s32 $0xFFFFFC00  }
0x102: {  	_ =	swait.ge [sflag:s30], $0x400  }
0x103: {  	[sflag:s30] =	ssyncset.done $0x0  }
0x104: {  	[sflag:s30] =	ssyncadd.s32 $0xFFFFFC00  }
0x105: {  	_ =	swait.ge [sflag:s30], $0x400  }
0x106: {  	[sflag:s30] =	ssyncset.done $0x0  }
0x107: {  	[sflag:s30] =	ssyncadd.s32 $0xFFFFFC00  }
0x108: {  	_ =	swait.ge [sflag:s30], $0x400  }
0x109: {  	[sflag:s30] =	ssyncset.done $0x0  }
0x10a: {  	[sflag:s30] =	ssyncadd.s32 $0xFFFFFC00  }
.Ltmp3:
0x10b: {  	_ =	swait.ge [sflag:s30], $0x400;
	(pc) =	sbr.rel @p1 .LBB2_6-.Ltmp3, $4  }
0x10c: {  	[sflag:s30] =	ssyncset.done $0x0  }
0x10d: {  	[sflag:s30] =	ssyncadd.s32 $0xFFFFFC00  }
0x10e: {  	_ =	swait.ge [sflag:s30], $0x400  }
0x10f: {  	s31 =	sshra.s32 s1, $0x2;
	s17 =	smov.u32 s0;
	[sflag:s30] =	ssyncset.done $0x0  }
.Ltmp4:
0x110: {  	_ = 	snop;
	(pc) =	sbr.rel .LBB2_7-.Ltmp4, $1  }
0x111: {  	_ =	sdelay $0x3  }
.LBB2_2:
0x112: {  	[tilespmem:s1], [sflag:$0x3] =	stream.linear.gather [hbm4b:s8+s0], $0x2C00, $0x38;
	[tilespmem:$0xA000] =	vst v63  }
0x113: {  	_ =	swait.ge [sflag:s15], $0x2C00  }
0x114: {  	[sflag:s15] =	ssyncset.done $0x0  }
0x115: {  	s17 =	simm.s32 $0x5400;
	[sflag:s15] =	ssyncadd.s32 $0xFFFFD400  }
0x116: {  	[tilespmem:s17], [sflag:$0x3] =	stream.linear.gather [hbm4b:s9+s0], $0x2C00, $0x38;
	[tilespmem:$0xA000] =	vst v63  }
0x117: {  	_ =	swait.ge [sflag:s15], $0x2C00  }
0x118: {  	[sflag:s15] =	ssyncset.done $0x0  }
0x119: {  	[sflag:s15] =	ssyncadd.s32 $0xFFFFD400  }
0x11a: {  	s18 =	simm.s32 $0x2800;
	[bflag:$0x0] =	sbarrier.arrive $0xFFFF  }
0x11b: {  	[tilespmem:s20], [sflag:$0x1] =	stream.indirect.gather [spmem:s3], $0x8, s18, s19, $0xb8;
	[tilespmem:$0xA000] =	vst v63  }
0x11c: {  	s1 =	simm.s32 $0x2880  }
0x11d: {  	[tilespmem:s21], [sflag:$0x1] =	stream.indirect.gather [spmem:s3], $0x8, s1, s19, $0xb8;
	[tilespmem:$0xA000] =	vst v63  }
0x11e: {  	s17 =	simm.s32 $0x2900  }
0x11f: {  	[tilespmem:s22], [sflag:$0x1] =	stream.indirect.gather [spmem:s3], $0x8, s17, s19, $0xb8;
	[tilespmem:$0xA000] =	vst v63  }
0x120: {  	s18 =	simm.s32 $0x2980  }
0x121: {  	[tilespmem:s23], [sflag:$0x1] =	stream.indirect.gather [spmem:s3], $0x8, s18, s19, $0xb8;
	[tilespmem:$0xA000] =	vst v63  }
0x122: {  	s1 =	simm.s32 $0x2A00  }
0x123: {  	[tilespmem:s24], [sflag:$0x1] =	stream.indirect.gather [spmem:s3], $0x8, s1, s19, $0xb8;
	[tilespmem:$0xA000] =	vst v63  }
0x124: {  	s17 =	simm.s32 $0x2A80  }
0x125: {  	[tilespmem:s25], [sflag:$0x1] =	stream.indirect.gather [spmem:s3], $0x8, s17, s19, $0xb8;
	[tilespmem:$0xA000] =	vst v63  }
0x126: {  	s18 =	simm.s32 $0x2B00  }
0x127: {  	[tilespmem:s26], [sflag:$0x1] =	stream.indirect.gather [spmem:s3], $0x8, s18, s19, $0xb8;
	[tilespmem:$0xA000] =	vst v63  }
0x128: {  	s1 =	simm.s32 $0x2B80  }
0x129: {  	[tilespmem:s28], [sflag:$0x1] =	stream.indirect.gather [spmem:s3], $0x8, s1, s19, $0xb8;
	[tilespmem:$0xA000] =	vst v63  }
0x12a: {  	_ =	swait.ge [sflag:s29], $0x400  }
0x12b: {  	[sflag:s29] =	ssyncset.done $0x0  }
0x12c: {  	[sflag:s29] =	ssyncadd.s32 $0xFFFFFC00  }
0x12d: {  	_ =	swait.ge [sflag:s29], $0x400  }
0x12e: {  	[sflag:s29] =	ssyncset.done $0x0  }
0x12f: {  	s17 =	simm.s32 $0x5400;
	[sflag:s29] =	ssyncadd.s32 $0xFFFFFC00  }
0x130: {  	[spmem:s2] =	stream.indirect.scatter.add.f32 [tilespmem:s20], [sflag:$0x2], $0x8, s17, s19, $0xb8;
	[tilespmem:$0xA000] =	vst v63  }
0x131: {  	s18 =	simm.s32 $0x5480  }
0x132: {  	[spmem:s2] =	stream.indirect.scatter.add.f32 [tilespmem:s21], [sflag:$0x2], $0x8, s18, s19, $0xb8;
	[tilespmem:$0xA000] =	vst v63  }
0x133: {  	_ =	swait.ge [sflag:s29], $0x400  }
0x134: {  	[sflag:s29] =	ssyncset.done $0x0  }
0x135: {  	[sflag:s29] =	ssyncadd.s32 $0xFFFFFC00  }
0x136: {  	_ =	swait.ge [sflag:s29], $0x400  }
0x137: {  	[sflag:s29] =	ssyncset.done $0x0  }
0x138: {  	s1 =	simm.s32 $0x5500;
	[sflag:s29] =	ssyncadd.s32 $0xFFFFFC00  }
0x139: {  	[spmem:s2] =	stream.indirect.scatter.add.f32 [tilespmem:s22], [sflag:$0x2], $0x8, s1, s19, $0xb8;
	[tilespmem:$0xA000] =	vst v63  }
0x13a: {  	s17 =	simm.s32 $0x5580  }
0x13b: {  	[spmem:s2] =	stream.indirect.scatter.add.f32 [tilespmem:s23], [sflag:$0x2], $0x8, s17, s19, $0xb8;
	[tilespmem:$0xA000] =	vst v63  }
0x13c: {  	_ =	swait.ge [sflag:s29], $0x400  }
0x13d: {  	[sflag:s29] =	ssyncset.done $0x0  }
0x13e: {  	[sflag:s29] =	ssyncadd.s32 $0xFFFFFC00  }
0x13f: {  	_ =	swait.ge [sflag:s29], $0x400  }
0x140: {  	[sflag:s29] =	ssyncset.done $0x0  }
0x141: {  	s18 =	simm.s32 $0x5600;
	[sflag:s29] =	ssyncadd.s32 $0xFFFFFC00  }
0x142: {  	[spmem:s2] =	stream.indirect.scatter.add.f32 [tilespmem:s24], [sflag:$0x2], $0x8, s18, s19, $0xb8;
	[tilespmem:$0xA000] =	vst v63  }
0x143: {  	s1 =	simm.s32 $0x5680  }
0x144: {  	[spmem:s2] =	stream.indirect.scatter.add.f32 [tilespmem:s25], [sflag:$0x2], $0x8, s1, s19, $0xb8;
	[tilespmem:$0xA000] =	vst v63  }
0x145: {  	_ =	swait.ge [sflag:s29], $0x400  }
0x146: {  	[sflag:s29] =	ssyncset.done $0x0  }
0x147: {  	[sflag:s29] =	ssyncadd.s32 $0xFFFFFC00  }
0x148: {  	_ =	swait.ge [sflag:s29], $0x400  }
0x149: {  	[sflag:s29] =	ssyncset.done $0x0  }
0x14a: {  	s17 =	simm.s32 $0x5700;
	[sflag:s29] =	ssyncadd.s32 $0xFFFFFC00  }
0x14b: {  	[spmem:s2] =	stream.indirect.scatter.add.f32 [tilespmem:s26], [sflag:$0x2], $0x8, s17, s19, $0xb8;
	[tilespmem:$0xA000] =	vst v63  }
0x14c: {  	s18 =	simm.s32 $0x5780  }
0x14d: {  	[spmem:s2] =	stream.indirect.scatter.add.f32 [tilespmem:s28], [sflag:$0x2], $0x8, s18, s19, $0xb8;
	[tilespmem:$0xA000] =	vst v63  }
0x14e: {  	_ =	swait.ge [sflag:s30], $0x400  }
0x14f: {  	[sflag:s30] =	ssyncset.done $0x0  }
0x150: {  	[sflag:s30] =	ssyncadd.s32 $0xFFFFFC00  }
0x151: {  	_ =	swait.ge [sflag:s30], $0x400  }
0x152: {  	[sflag:s30] =	ssyncset.done $0x0  }
0x153: {  	[sflag:s30] =	ssyncadd.s32 $0xFFFFFC00  }
0x154: {  	_ =	swait.ge [sflag:s30], $0x400  }
0x155: {  	[sflag:s30] =	ssyncset.done $0x0  }
0x156: {  	[sflag:s30] =	ssyncadd.s32 $0xFFFFFC00  }
0x157: {  	_ =	swait.ge [sflag:s30], $0x400  }
0x158: {  	[sflag:s30] =	ssyncset.done $0x0  }
0x159: {  	[sflag:s30] =	ssyncadd.s32 $0xFFFFFC00  }
0x15a: {  	_ =	swait.ge [sflag:s30], $0x400  }
0x15b: {  	[sflag:s30] =	ssyncset.done $0x0  }
0x15c: {  	[sflag:s30] =	ssyncadd.s32 $0xFFFFFC00  }
0x15d: {  	_ =	swait.ge [sflag:s30], $0x400  }
0x15e: {  	[sflag:s30] =	ssyncset.done $0x0  }
0x15f: {  	[sflag:s30] =	ssyncadd.s32 $0xFFFFFC00  }
0x160: {  	_ =	swait.ge [sflag:s30], $0x400  }
0x161: {  	[sflag:s30] =	ssyncset.done $0x0  }
0x162: {  	[sflag:s30] =	ssyncadd.s32 $0xFFFFFC00  }
0x163: {  	_ =	swait.ge [sflag:s30], $0x400  }
0x164: {  	s31 =	simm.s32 $0x400;
	s0 =	simm.s32 $0x2000;
	[sflag:s30] =	ssyncset.done $0x0  }
.LBB2_3:
0x165: {  	s18 =	sadd.s32 $0x2800, s31  }
0x166: {  	[sflag:s30] =	ssyncadd.s32 $0xFFFFFC00;
	s1 =	smov.u32 s0;
	s17 =	sadd.s32 $0x1000, s0  }
0x167: {  	[tilespmem:s20], [sflag:$0x1] =	stream.indirect.gather [spmem:s3], $0x8, s18, s19, $0xb8;
	[tilespmem:$0xA000] =	vst v63  }
0x168: {  	p1 =	seq.s32 s0, $0xA000;
	s0 =	sadd.s32 $0x2880, s31  }
0x169: {  	[tilespmem:s21], [sflag:$0x1] =	stream.indirect.gather [spmem:s3], $0x8, s0, s19, $0xb8;
	[tilespmem:$0xA000] =	vst v63  }
0x16a: {  	s0 =	sadd.s32 $0x2900, s31  }
0x16b: {  	[tilespmem:s22], [sflag:$0x1] =	stream.indirect.gather [spmem:s3], $0x8, s0, s19, $0xb8;
	[tilespmem:$0xA000] =	vst v63  }
0x16c: {  	s0 =	sadd.s32 $0x2980, s31  }
0x16d: {  	[tilespmem:s23], [sflag:$0x1] =	stream.indirect.gather [spmem:s3], $0x8, s0, s19, $0xb8;
	[tilespmem:$0xA000] =	vst v63  }
0x16e: {  	s0 =	sadd.s32 $0x2A00, s31  }
0x16f: {  	[tilespmem:s24], [sflag:$0x1] =	stream.indirect.gather [spmem:s3], $0x8, s0, s19, $0xb8;
	[tilespmem:$0xA000] =	vst v63  }
0x170: {  	s0 =	sadd.s32 $0x2A80, s31  }
0x171: {  	[tilespmem:s25], [sflag:$0x1] =	stream.indirect.gather [spmem:s3], $0x8, s0, s19, $0xb8;
	[tilespmem:$0xA000] =	vst v63  }
0x172: {  	s0 =	sadd.s32 $0x2B00, s31  }
0x173: {  	[tilespmem:s26], [sflag:$0x1] =	stream.indirect.gather [spmem:s3], $0x8, s0, s19, $0xb8;
	[tilespmem:$0xA000] =	vst v63  }
0x174: {  	s0 =	sadd.s32 $0x2B80, s31  }
0x175: {  	[tilespmem:s28], [sflag:$0x1] =	stream.indirect.gather [spmem:s3], $0x8, s0, s19, $0xb8;
	[tilespmem:$0xA000] =	vst v63  }
0x176: {  	_ =	swait.ge [sflag:s29], $0x400  }
0x177: {  	[sflag:s29] =	ssyncset.done $0x0  }
0x178: {  	[sflag:s29] =	ssyncadd.s32 $0xFFFFFC00  }
0x179: {  	_ =	swait.ge [sflag:s29], $0x400  }
0x17a: {  	[sflag:s29] =	ssyncset.done $0x0  }
0x17b: {  	s0 =	sadd.s32 $0x5400, s31;
	[sflag:s29] =	ssyncadd.s32 $0xFFFFFC00  }
0x17c: {  	[spmem:s2] =	stream.indirect.scatter.add.f32 [tilespmem:s20], [sflag:$0x2], $0x8, s0, s19, $0xb8;
	[tilespmem:$0xA000] =	vst v63  }
0x17d: {  	s0 =	sadd.s32 $0x5480, s31  }
0x17e: {  	[spmem:s2] =	stream.indirect.scatter.add.f32 [tilespmem:s21], [sflag:$0x2], $0x8, s0, s19, $0xb8;
	[tilespmem:$0xA000] =	vst v63  }
0x17f: {  	_ =	swait.ge [sflag:s29], $0x400  }
0x180: {  	[sflag:s29] =	ssyncset.done $0x0  }
0x181: {  	[sflag:s29] =	ssyncadd.s32 $0xFFFFFC00  }
0x182: {  	_ =	swait.ge [sflag:s29], $0x400  }
0x183: {  	[sflag:s29] =	ssyncset.done $0x0  }
0x184: {  	s0 =	sadd.s32 $0x5500, s31;
	[sflag:s29] =	ssyncadd.s32 $0xFFFFFC00  }
0x185: {  	[spmem:s2] =	stream.indirect.scatter.add.f32 [tilespmem:s22], [sflag:$0x2], $0x8, s0, s19, $0xb8;
	[tilespmem:$0xA000] =	vst v63  }
0x186: {  	s0 =	sadd.s32 $0x5580, s31  }
0x187: {  	[spmem:s2] =	stream.indirect.scatter.add.f32 [tilespmem:s23], [sflag:$0x2], $0x8, s0, s19, $0xb8;
	[tilespmem:$0xA000] =	vst v63  }
0x188: {  	_ =	swait.ge [sflag:s29], $0x400  }
0x189: {  	[sflag:s29] =	ssyncset.done $0x0  }
0x18a: {  	[sflag:s29] =	ssyncadd.s32 $0xFFFFFC00  }
0x18b: {  	_ =	swait.ge [sflag:s29], $0x400  }
0x18c: {  	[sflag:s29] =	ssyncset.done $0x0  }
0x18d: {  	s0 =	sadd.s32 $0x5600, s31;
	[sflag:s29] =	ssyncadd.s32 $0xFFFFFC00  }
0x18e: {  	[spmem:s2] =	stream.indirect.scatter.add.f32 [tilespmem:s24], [sflag:$0x2], $0x8, s0, s19, $0xb8;
	[tilespmem:$0xA000] =	vst v63  }
0x18f: {  	s0 =	sadd.s32 $0x5680, s31  }
0x190: {  	[spmem:s2] =	stream.indirect.scatter.add.f32 [tilespmem:s25], [sflag:$0x2], $0x8, s0, s19, $0xb8;
	[tilespmem:$0xA000] =	vst v63  }
0x191: {  	_ =	swait.ge [sflag:s29], $0x400  }
0x192: {  	[sflag:s29] =	ssyncset.done $0x0  }
0x193: {  	[sflag:s29] =	ssyncadd.s32 $0xFFFFFC00  }
0x194: {  	_ =	swait.ge [sflag:s29], $0x400  }
0x195: {  	[sflag:s29] =	ssyncset.done $0x0  }
0x196: {  	s0 =	sadd.s32 $0x5700, s31;
	[sflag:s29] =	ssyncadd.s32 $0xFFFFFC00  }
0x197: {  	[spmem:s2] =	stream.indirect.scatter.add.f32 [tilespmem:s26], [sflag:$0x2], $0x8, s0, s19, $0xb8;
	[tilespmem:$0xA000] =	vst v63  }
0x198: {  	s0 =	sadd.s32 $0x5780, s31  }
0x199: {  	[spmem:s2] =	stream.indirect.scatter.add.f32 [tilespmem:s28], [sflag:$0x2], $0x8, s0, s19, $0xb8;
	[tilespmem:$0xA000] =	vst v63  }
0x19a: {  	_ =	swait.ge [sflag:s30], $0x400  }
0x19b: {  	[sflag:s30] =	ssyncset.done $0x0  }
0x19c: {  	[sflag:s30] =	ssyncadd.s32 $0xFFFFFC00  }
0x19d: {  	_ =	swait.ge [sflag:s30], $0x400  }
0x19e: {  	[sflag:s30] =	ssyncset.done $0x0  }
0x19f: {  	[sflag:s30] =	ssyncadd.s32 $0xFFFFFC00  }
0x1a0: {  	_ =	swait.ge [sflag:s30], $0x400  }
0x1a1: {  	[sflag:s30] =	ssyncset.done $0x0  }
0x1a2: {  	[sflag:s30] =	ssyncadd.s32 $0xFFFFFC00  }
0x1a3: {  	_ =	swait.ge [sflag:s30], $0x400  }
0x1a4: {  	[sflag:s30] =	ssyncset.done $0x0  }
0x1a5: {  	[sflag:s30] =	ssyncadd.s32 $0xFFFFFC00  }
0x1a6: {  	_ =	swait.ge [sflag:s30], $0x400  }
0x1a7: {  	[sflag:s30] =	ssyncset.done $0x0  }
0x1a8: {  	[sflag:s30] =	ssyncadd.s32 $0xFFFFFC00  }
0x1a9: {  	_ =	swait.ge [sflag:s30], $0x400  }
0x1aa: {  	[sflag:s30] =	ssyncset.done $0x0  }
0x1ab: {  	[sflag:s30] =	ssyncadd.s32 $0xFFFFFC00  }
.Ltmp5:
0x1ac: {  	_ =	swait.ge [sflag:s30], $0x400;
	(pc) =	sbr.rel @!p1 .LBB2_3-.Ltmp5, $4  }
0x1ad: {  	[sflag:s30] =	ssyncset.done $0x0  }
0x1ae: {  	[sflag:s30] =	ssyncadd.s32 $0xFFFFFC00  }
0x1af: {  	_ =	swait.ge [sflag:s30], $0x400  }
0x1b0: {  	s31 =	sshra.s32 s1, $0x2;
	s0 =	smov.u32 s17;
	[sflag:s30] =	ssyncset.done $0x0  }
0x1b1: {  	s0 =	sadd.s32 $0x2800, s31;
	[sflag:s30] =	ssyncadd.s32 $0xFFFFFC00  }
0x1b2: {  	[tilespmem:s20], [sflag:$0x1] =	stream.indirect.gather [spmem:s3], $0x8, s0, s19, $0xb8;
	[tilespmem:$0xA000] =	vst v63  }
0x1b3: {  	s17 =	sadd.s32 $0x2880, s31  }
0x1b4: {  	[tilespmem:s21], [sflag:$0x1] =	stream.indirect.gather [spmem:s3], $0x8, s17, s19, $0xb8;
	[tilespmem:$0xA000] =	vst v63  }
0x1b5: {  	s18 =	sadd.s32 $0x2900, s31  }
0x1b6: {  	[tilespmem:s22], [sflag:$0x1] =	stream.indirect.gather [spmem:s3], $0x8, s18, s19, $0xb8;
	[tilespmem:$0xA000] =	vst v63  }
0x1b7: {  	s1 =	sadd.s32 $0x2980, s31  }
0x1b8: {  	[tilespmem:s23], [sflag:$0x1] =	stream.indirect.gather [spmem:s3], $0x8, s1, s19, $0xb8;
	[tilespmem:$0xA000] =	vst v63  }
0x1b9: {  	s17 =	sadd.s32 $0x2A00, s31  }
0x1ba: {  	[tilespmem:s24], [sflag:$0x1] =	stream.indirect.gather [spmem:s3], $0x8, s17, s19, $0xb8;
	[tilespmem:$0xA000] =	vst v63  }
0x1bb: {  	s18 =	sadd.s32 $0x2A80, s31  }
0x1bc: {  	[tilespmem:s25], [sflag:$0x1] =	stream.indirect.gather [spmem:s3], $0x8, s18, s19, $0xb8;
	[tilespmem:$0xA000] =	vst v63  }
0x1bd: {  	s1 =	sadd.s32 $0x2B00, s31  }
0x1be: {  	[tilespmem:s26], [sflag:$0x1] =	stream.indirect.gather [spmem:s3], $0x8, s1, s19, $0xb8;
	[tilespmem:$0xA000] =	vst v63  }
0x1bf: {  	s17 =	sadd.s32 $0x2B80, s31  }
0x1c0: {  	[tilespmem:s28], [sflag:$0x1] =	stream.indirect.gather [spmem:s3], $0x8, s17, s19, $0xb8;
	[tilespmem:$0xA000] =	vst v63  }
0x1c1: {  	_ =	swait.ge [sflag:s29], $0x400  }
0x1c2: {  	[sflag:s29] =	ssyncset.done $0x0  }
0x1c3: {  	[sflag:s29] =	ssyncadd.s32 $0xFFFFFC00  }
0x1c4: {  	_ =	swait.ge [sflag:s29], $0x400  }
0x1c5: {  	[sflag:s29] =	ssyncset.done $0x0  }
0x1c6: {  	s18 =	sadd.s32 $0x5400, s31;
	[sflag:s29] =	ssyncadd.s32 $0xFFFFFC00  }
0x1c7: {  	[spmem:s2] =	stream.indirect.scatter.add.f32 [tilespmem:s20], [sflag:$0x2], $0x8, s18, s19, $0xb8;
	[tilespmem:$0xA000] =	vst v63  }
0x1c8: {  	s1 =	sadd.s32 $0x5480, s31  }
0x1c9: {  	[spmem:s2] =	stream.indirect.scatter.add.f32 [tilespmem:s21], [sflag:$0x2], $0x8, s1, s19, $0xb8;
	[tilespmem:$0xA000] =	vst v63  }
0x1ca: {  	_ =	swait.ge [sflag:s29], $0x400  }
0x1cb: {  	[sflag:s29] =	ssyncset.done $0x0  }
0x1cc: {  	[sflag:s29] =	ssyncadd.s32 $0xFFFFFC00  }
0x1cd: {  	_ =	swait.ge [sflag:s29], $0x400  }
0x1ce: {  	[sflag:s29] =	ssyncset.done $0x0  }
0x1cf: {  	s17 =	sadd.s32 $0x5500, s31;
	[sflag:s29] =	ssyncadd.s32 $0xFFFFFC00  }
0x1d0: {  	[spmem:s2] =	stream.indirect.scatter.add.f32 [tilespmem:s22], [sflag:$0x2], $0x8, s17, s19, $0xb8;
	[tilespmem:$0xA000] =	vst v63  }
0x1d1: {  	s18 =	sadd.s32 $0x5580, s31  }
0x1d2: {  	[spmem:s2] =	stream.indirect.scatter.add.f32 [tilespmem:s23], [sflag:$0x2], $0x8, s18, s19, $0xb8;
	[tilespmem:$0xA000] =	vst v63  }
0x1d3: {  	_ =	swait.ge [sflag:s29], $0x400  }
0x1d4: {  	[sflag:s29] =	ssyncset.done $0x0  }
0x1d5: {  	[sflag:s29] =	ssyncadd.s32 $0xFFFFFC00  }
0x1d6: {  	_ =	swait.ge [sflag:s29], $0x400  }
0x1d7: {  	[sflag:s29] =	ssyncset.done $0x0  }
0x1d8: {  	s1 =	sadd.s32 $0x5600, s31;
	[sflag:s29] =	ssyncadd.s32 $0xFFFFFC00  }
0x1d9: {  	[spmem:s2] =	stream.indirect.scatter.add.f32 [tilespmem:s24], [sflag:$0x2], $0x8, s1, s19, $0xb8;
	[tilespmem:$0xA000] =	vst v63  }
0x1da: {  	s17 =	sadd.s32 $0x5680, s31  }
0x1db: {  	[spmem:s2] =	stream.indirect.scatter.add.f32 [tilespmem:s25], [sflag:$0x2], $0x8, s17, s19, $0xb8;
	[tilespmem:$0xA000] =	vst v63  }
0x1dc: {  	_ =	swait.ge [sflag:s29], $0x400  }
0x1dd: {  	[sflag:s29] =	ssyncset.done $0x0  }
0x1de: {  	[sflag:s29] =	ssyncadd.s32 $0xFFFFFC00  }
0x1df: {  	_ =	swait.ge [sflag:s29], $0x400  }
0x1e0: {  	[sflag:s29] =	ssyncset.done $0x0  }
0x1e1: {  	s18 =	sadd.s32 $0x5700, s31;
	[sflag:s29] =	ssyncadd.s32 $0xFFFFFC00  }
0x1e2: {  	[spmem:s2] =	stream.indirect.scatter.add.f32 [tilespmem:s26], [sflag:$0x2], $0x8, s18, s19, $0xb8;
	[tilespmem:$0xA000] =	vst v63  }
0x1e3: {  	s31 =	sadd.s32 $0x5780, s31  }
0x1e4: {  	[spmem:s2] =	stream.indirect.scatter.add.f32 [tilespmem:s28], [sflag:$0x2], $0x8, s31, s19, $0xb8;
	[tilespmem:$0xA000] =	vst v63  }
0x1e5: {  	_ =	swait.ge [sflag:s30], $0x400  }
0x1e6: {  	[sflag:s30] =	ssyncset.done $0x0  }
0x1e7: {  	[sflag:s30] =	ssyncadd.s32 $0xFFFFFC00  }
0x1e8: {  	_ =	swait.ge [sflag:s30], $0x400  }
0x1e9: {  	[sflag:s30] =	ssyncset.done $0x0  }
0x1ea: {  	[sflag:s30] =	ssyncadd.s32 $0xFFFFFC00  }
0x1eb: {  	_ =	swait.ge [sflag:s30], $0x400  }
0x1ec: {  	[sflag:s30] =	ssyncset.done $0x0  }
0x1ed: {  	[sflag:s30] =	ssyncadd.s32 $0xFFFFFC00  }
0x1ee: {  	_ =	swait.ge [sflag:s30], $0x400  }
0x1ef: {  	[sflag:s30] =	ssyncset.done $0x0  }
0x1f0: {  	[sflag:s30] =	ssyncadd.s32 $0xFFFFFC00  }
0x1f1: {  	_ =	swait.ge [sflag:s30], $0x400  }
0x1f2: {  	[sflag:s30] =	ssyncset.done $0x0  }
0x1f3: {  	[sflag:s30] =	ssyncadd.s32 $0xFFFFFC00  }
0x1f4: {  	_ =	swait.ge [sflag:s30], $0x400  }
0x1f5: {  	[sflag:s30] =	ssyncset.done $0x0  }
0x1f6: {  	[sflag:s30] =	ssyncadd.s32 $0xFFFFFC00  }
0x1f7: {  	_ =	swait.ge [sflag:s30], $0x400  }
.Ltmp6:
0x1f8: {  	[sflag:s30] =	ssyncset.done $0x0;
	(pc) =	sbr.rel .LBB2_8-.Ltmp6, $4  }
0x1f9: {  	[sflag:s30] =	ssyncadd.s32 $0xFFFFFC00  }
0x1fa: {  	_ =	swait.ge [sflag:s30], $0x400  }
0x1fb: {  	[sflag:s30] =	ssyncset.done $0x0  }
0x1fc: {  	[sflag:s30] =	ssyncadd.s32 $0xFFFFFC00  }
.LBB2_9:
0x1fd: {  	_ =	sfence.sel $0x180000  }
0x1fe: {  	[bflag:$0x0] =	sbarrier.arrive $0xFFFF  }
0x1ff: {  	_ =	strace $0x90000050  }
0x200: {  	s0 =	stileid.u32;
	[bflag:$0x2] =	sbarrier.arrive $0xFFFF  }
0x201: {  	p0 =	sne.s32 s0, $0x0;
	s0 =	rddreg [dreg:$0x4]  }
0x202: {  	s0 =	sadd.s32 @!p0 $0x100000, s0  }
0x203: {  	[sflag:s0] =	ssyncadd.tile.s32 @!p0 $0x1;
	_ =	shalt  }
.Lfunc_end2:
_tile_overlayer_lowered:
.L_overlay_start_2:
0x204: {  	(tag) =	ssettag $0x2  }
0x205: {  	s0 =	rddreg [dreg:$0x0];
	s2 =	stileid.u32  }
0x206: {  	s1 =	rddreg [dreg:$0x1];
	p0 =	sne.s32 s2, $0x0  }
0x207: {  	s3 =	rddreg [dreg:$0x2];
	[bflag:$0x3] =	sbarrier.arrive $0xFFFF;
	s2 =	simm.s32 @!p0 $0x1C03  }
0x208: {  	[timem:s3], [sflag:s2] =	dma.local @!p0 [hbm:s0], s1  }
0x209: {  	s0 =	simm.s32 @!p0 $0x3  }
0x20a: {  	_ =	swait.ge @!p0 [sflag:s0], s1  }
0x20b: {  	s1 =	ssub.s32 @!p0 $0x0, s1;
	[sflag:s0] =	ssyncset.done @!p0 $0x0  }
0x20c: {  	[sflag:s0] =	ssyncadd.s32 @!p0 s1  }
0x20d: {  	[bflag:$0x3] =	sbarrier.arrive $0xFFFF  }
0x20e: {  	_ =	shalt  }

</sc_bundles>
